<compile_context>
chip_gen: v7x
topology: tpu7x:2x2x1
jax: 0.10.2.dev20260603
libtpu: 0.0.44.dev20260713+nightly
codegen_flags: <defaults>
</compile_context>

<pallas_src>
import functools

import jax
import jax.numpy as jnp
from jax import lax
from jax.experimental import pallas as pl
from jax.experimental.pallas import tpu as pltpu
from jax.experimental.pallas import tpu_sc as plsc

N = 10000
D = 128
E = 320000

NC = 2
NS = 16
NW = NC * NS

EPT = E // NW
CH = 80
NIT = EPT // CH
NBUF = 3
NIB = 6
RPT = 624
TAIL = N - NS * RPT

_mesh = plsc.VectorSubcoreMesh(core_axis_name="c", subcore_axis_name="s")


@functools.partial(
    pl.kernel,
    mesh=_mesh,
    out_type=jax.ShapeDtypeStruct((NC, N, D), jnp.float32),
    scratch_types=(
        [pltpu.VMEM((CH,), jnp.int32) for _ in range(NIB)]
        + [pltpu.VMEM((CH,), jnp.int32) for _ in range(NIB)]
        + [pltpu.VMEM((CH, D), jnp.float32) for _ in range(NBUF)]
        + [pltpu.VMEM_SHARED((N, D), jnp.float32)]
        + [pltpu.SemaphoreType.DMA for _ in range(NIB + 2 * NBUF)]
    ),
)
def _edge_scatter(x_hbm, esrc_hbm, edst_hbm, out_hbm, *rest):
    sidxb = rest[0:NIB]
    didxb = rest[NIB:2 * NIB]
    bufs = rest[2 * NIB:2 * NIB + NBUF]
    acc = rest[2 * NIB + NBUF]
    semi = rest[2 * NIB + NBUF + 1:2 * NIB + NBUF + 1 + NIB]
    semg = rest[2 * NIB + NBUF + 1 + NIB:2 * NIB + NBUF + 1 + NIB + NBUF]
    sems = rest[2 * NIB + NBUF + 1 + NIB + NBUF:]
    r0 = bufs[0]
    c = lax.axis_index("c")
    s = lax.axis_index("s")
    w = c * NS + s
    ebase = w * EPT

    for j in range(NIB):
        pltpu.async_copy(esrc_hbm.at[pl.ds(ebase + j * CH, CH)], sidxb[j], semi[j])
        pltpu.async_copy(edst_hbm.at[pl.ds(ebase + j * CH, CH)], didxb[j], semi[j])

    @pl.loop(0, CH)
    def _(r):
        for j in range(D // 16):
            r0[r, pl.ds(j * 16, 16)] = jnp.zeros((16,), jnp.float32)

    for k in range(RPT // CH):
        pltpu.async_copy(r0, acc.at[pl.ds(s * RPT + k * CH, CH)], semi[0])
    pltpu.async_copy(r0.at[pl.ds(0, RPT % CH)],
                     acc.at[pl.ds(s * RPT + (RPT // CH) * CH, RPT % CH)], semi[0])

    @pl.when(s == 0)
    def _():
        pltpu.async_copy(r0.at[pl.ds(0, TAIL)], acc.at[pl.ds(NS * RPT, TAIL)], semi[0])

    for k in range(RPT // CH):
        pltpu.make_async_copy(r0, acc.at[pl.ds(s * RPT + k * CH, CH)], semi[0]).wait()
    pltpu.make_async_copy(r0.at[pl.ds(0, RPT % CH)],
                          acc.at[pl.ds(s * RPT + (RPT // CH) * CH, RPT % CH)],
                          semi[0]).wait()

    @pl.when(s == 0)
    def _():
        pltpu.make_async_copy(r0.at[pl.ds(0, TAIL)],
                              acc.at[pl.ds(NS * RPT, TAIL)], semi[0]).wait()

    for i0 in range(2):
        pltpu.make_async_copy(esrc_hbm.at[pl.ds(0, CH)], sidxb[i0], semi[i0]).wait()
        pltpu.make_async_copy(edst_hbm.at[pl.ds(0, CH)], didxb[i0], semi[i0]).wait()
        pltpu.async_copy(x_hbm.at[sidxb[i0]], bufs[i0], semg[i0])

    plsc.subcore_barrier()

    def start_idx(i, j):
        pltpu.async_copy(esrc_hbm.at[pl.ds(ebase + i * CH, CH)], sidxb[j], semi[j])
        pltpu.async_copy(edst_hbm.at[pl.ds(ebase + i * CH, CH)], didxb[j], semi[j])

    def wait_idx_start_gather(i, j, b):
        pltpu.make_async_copy(esrc_hbm.at[pl.ds(0, CH)], sidxb[j], semi[j]).wait()
        pltpu.make_async_copy(edst_hbm.at[pl.ds(0, CH)], didxb[j], semi[j]).wait()
        pltpu.async_copy(x_hbm.at[sidxb[j]], bufs[b], semg[b])

    def slot(i):
        b = i % NBUF
        j = i % NIB
        pltpu.make_async_copy(x_hbm.at[sidxb[j]], bufs[b], semg[b]).wait()
        pltpu.async_copy(bufs[b], acc.at[didxb[j]], sems[b], add=True)
        if i + 2 < NIT:
            b2 = (i + 2) % NBUF
            if i >= 1:
                pltpu.make_async_copy(bufs[b2], acc.at[didxb[(i + 2) % NIB]],
                                      sems[b2]).wait()
                if i + NIB - 1 < NIT:
                    start_idx(i + NIB - 1, (i - 1) % NIB)
            wait_idx_start_gather(i + 2, (i + 2) % NIB, b2)

    MAIN = (NIT // NIB) * NIB
    @pl.loop(0, MAIN, step=NIB)
    def _(g):
        for b6 in range(NIB):
            i = g + b6
            bb = b6 % NBUF
            pltpu.make_async_copy(x_hbm.at[sidxb[b6]], bufs[bb], semg[bb]).wait()
            pltpu.async_copy(bufs[bb], acc.at[didxb[b6]], sems[bb], add=True)

            @pl.when(i + 2 < NIT)
            def _():
                j2 = (b6 + 2) % NIB
                b2 = (b6 + 2) % NBUF
                jm = (b6 - 1) % NIB

                @pl.when(i >= 1)
                def _():
                    pltpu.make_async_copy(bufs[b2], acc.at[didxb[j2]],
                                          sems[b2]).wait()

                    @pl.when(i + NIB - 1 < NIT)
                    def _():
                        pltpu.async_copy(
                            esrc_hbm.at[pl.ds(ebase + (i + NIB - 1) * CH, CH)],
                            sidxb[jm], semi[jm])
                        pltpu.async_copy(
                            edst_hbm.at[pl.ds(ebase + (i + NIB - 1) * CH, CH)],
                            didxb[jm], semi[jm])

                pltpu.make_async_copy(esrc_hbm.at[pl.ds(0, CH)], sidxb[j2], semi[j2]).wait()
                pltpu.make_async_copy(edst_hbm.at[pl.ds(0, CH)], didxb[j2], semi[j2]).wait()
                pltpu.async_copy(x_hbm.at[sidxb[j2]], bufs[b2], semg[b2])

    for i in range(MAIN, NIT):
        slot(i)

    for cch in range(NIT - NBUF, NIT):
        pltpu.make_async_copy(bufs[cch % NBUF], acc.at[didxb[cch % NIB]],
                              sems[cch % NBUF]).wait()

    plsc.subcore_barrier()

    pltpu.sync_copy(acc.at[pl.ds(s * RPT, RPT)], out_hbm.at[c, pl.ds(s * RPT, RPT)])

    @pl.when(s == 0)
    def _():
        pltpu.sync_copy(acc.at[pl.ds(NS * RPT, TAIL)], out_hbm.at[c, pl.ds(NS * RPT, TAIL)])


_BLK = 1000


def _mm_relu_body(p_ref, w_ref, bias_ref, o_ref):
    sm = p_ref[0] + p_ref[1]
    o_ref[...] = jnp.maximum(
        jnp.dot(sm, w_ref[...], preferred_element_type=jnp.float32) + bias_ref[...],
        0.0,
    )


def _mm_relu(p, w, bias):
    grid = (N // _BLK,)
    return pl.pallas_call(
        _mm_relu_body,
        grid=grid,
        in_specs=[
            pl.BlockSpec((NC, _BLK, D), lambda i: (0, i, 0)),
            pl.BlockSpec((D, D), lambda i: (0, 0)),
            pl.BlockSpec((1, D), lambda i: (0, 0)),
        ],
        out_specs=pl.BlockSpec((_BLK, D), lambda i: (i, 0)),
        out_shape=jax.ShapeDtypeStruct((N, D), jnp.float32),
    )(p, w, bias)


def _mm_final_body(p_ref, w2_ref, b2_ref, w3_ref, b3_ref,
                   emb_ref, ge_ref, acc_ref):
    i = pl.program_id(0)
    sm = p_ref[0] + p_ref[1]
    emb_ref[...] = (
        jnp.dot(sm, w2_ref[...], preferred_element_type=jnp.float32) + b2_ref[...]
    )
    csum = jnp.sum(sm, axis=0, keepdims=True)

    @pl.when(i == 0)
    def _():
        acc_ref[...] = csum

    @pl.when(i > 0)
    def _():
        acc_ref[...] = acc_ref[...] + csum

    @pl.when(i == pl.num_programs(0) - 1)
    def _():
        ge_ref[...] = (
            jnp.dot(acc_ref[...], w3_ref[...], preferred_element_type=jnp.float32)
            + float(N) * b3_ref[...]
        )


def _mm_final(p, w2, b2, w3, b3):
    grid = (N // _BLK,)
    return pl.pallas_call(
        _mm_final_body,
        grid=grid,
        in_specs=[
            pl.BlockSpec((NC, _BLK, D), lambda i: (0, i, 0)),
            pl.BlockSpec((D, D), lambda i: (0, 0)),
            pl.BlockSpec((1, D), lambda i: (0, 0)),
            pl.BlockSpec((D, D), lambda i: (0, 0)),
            pl.BlockSpec((1, D), lambda i: (0, 0)),
        ],
        out_specs=[
            pl.BlockSpec((_BLK, D), lambda i: (i, 0)),
            pl.BlockSpec((1, D), lambda i: (0, 0)),
        ],
        out_shape=[
            jax.ShapeDtypeStruct((N, D), jnp.float32),
            jax.ShapeDtypeStruct((1, D), jnp.float32),
        ],
        scratch_shapes=[pltpu.VMEM((1, D), jnp.float32)],
    )(p, w2, b2, w3, b3)


def kernel(x, edge_index, W1, b1, W2, b2, W3, b3):
    esrc = edge_index[0]
    edst = edge_index[1]

    p1 = _edge_scatter(x, esrc, edst)
    h = _mm_relu(p1, W1, b1.reshape(1, D))
    p2 = _edge_scatter(h, esrc, edst)
    embed, graph_embed = _mm_final(
        p2, W2, b2.reshape(1, D), W3, b3.reshape(1, D)
    )
    return (embed, graph_embed)

# --- scband reference (transcript-rebuilt; emitter-appended) ---
"""Pipeline reference for scband-gcn-53730040873205 (READ-ONLY COPY).

The authoritative reference and input builder live on the scoring server;
editing this copy changes nothing except your own understanding.
"""

import jax, jax.numpy as jnp
import numpy as np

N = 10000
E = 320000
D_IN = 128
D_HID = 128
D_OUT = 128


def setup_inputs(seed: int = 0) -> dict:
    key = jax.random.key(seed)
    ks = jax.random.split(key, 8)
    x = jax.random.normal(ks[0], (N, D_IN), dtype=jnp.float32)
    edge_index = jax.random.randint(ks[1], (2, E), 0, N, dtype=jnp.int32)
    W1 = jax.random.normal(ks[2], (D_IN, D_HID), dtype=jnp.float32) / np.sqrt(D_IN)
    b1 = jnp.zeros((D_HID,), dtype=jnp.float32)
    W2 = jax.random.normal(ks[3], (D_HID, D_OUT), dtype=jnp.float32) / np.sqrt(D_HID)
    b2 = jnp.zeros((D_OUT,), dtype=jnp.float32)
    W3 = jax.random.normal(ks[4], (D_HID, D_OUT), dtype=jnp.float32) / np.sqrt(D_HID)
    b3 = jnp.zeros((D_OUT,), dtype=jnp.float32)
    return {"x": x, "edge_index": edge_index, "W1": W1, "b1": b1, "W2": W2, "b2": b2, "W3": W3, "b3": b3}


def _gcn_conv(x, edge_index, W, b):
    # GCNConv with normalize=False, no edge_weight: linear -> scatter-add over edges -> bias
    h = x @ W
    src = edge_index[0]
    dst = edge_index[1]
    msgs = jnp.take(h, src, axis=0)
    agg = jnp.zeros((x.shape[0], W.shape[1]), dtype=h.dtype).at[dst].add(msgs)
    return agg + b


def reference(x, edge_index, W1, b1, W2, b2, W3, b3):
    # dropout is identity in eval mode
    h = jax.nn.relu(_gcn_conv(x, edge_index, W1, b1))
    embed = _gcn_conv(h, edge_index, W2, b2)
    graph = _gcn_conv(h, edge_index, W3, b3)
    # global_add_pool with batch=None: sum over all nodes -> [1, out_channels]
    graph_embed = jnp.sum(graph, axis=0, keepdims=True)
    return (embed, graph_embed)

if __name__ == "__main__":
    import jax
    _d = setup_inputs()
    print(jax.jit(kernel)(*tuple(_d.values())))

</pallas_src>

<mosaic_0001>
#map = affine_map<(d0, d1) -> (0, 0)>
#map1 = affine_map<(d0, d1) -> (0)>
#map2 = affine_map<(d0, d1) -> (0, 0, 0)>
module attributes {stable_mosaic.version = 14 : i64} {
  func.func @_edge_scatter(%arg0: i32, %arg1: i32, %arg2: memref<10000x128xf32, #tpu.memory_space<hbm>>, %arg3: memref<320000xi32, #tpu.memory_space<hbm>>, %arg4: memref<320000xi32, #tpu.memory_space<hbm>>, %arg5: memref<2x10000x128xf32, #tpu.memory_space<hbm>>, %arg6: memref<80xi32, #tpu.memory_space<vmem>>, %arg7: memref<80xi32, #tpu.memory_space<vmem>>, %arg8: memref<80xi32, #tpu.memory_space<vmem>>, %arg9: memref<80xi32, #tpu.memory_space<vmem>>, %arg10: memref<80xi32, #tpu.memory_space<vmem>>, %arg11: memref<80xi32, #tpu.memory_space<vmem>>, %arg12: memref<80xi32, #tpu.memory_space<vmem>>, %arg13: memref<80xi32, #tpu.memory_space<vmem>>, %arg14: memref<80xi32, #tpu.memory_space<vmem>>, %arg15: memref<80xi32, #tpu.memory_space<vmem>>, %arg16: memref<80xi32, #tpu.memory_space<vmem>>, %arg17: memref<80xi32, #tpu.memory_space<vmem>>, %arg18: memref<80x128xf32, #tpu.memory_space<vmem>>, %arg19: memref<80x128xf32, #tpu.memory_space<vmem>>, %arg20: memref<80x128xf32, #tpu.memory_space<vmem>>, %arg21: memref<10000x128xf32, #tpu.memory_space<vmem_shared>>, %arg22: memref<!tpu.dma_semaphore, #tpu.memory_space<semaphore_mem>>, %arg23: memref<!tpu.dma_semaphore, #tpu.memory_space<semaphore_mem>>, %arg24: memref<!tpu.dma_semaphore, #tpu.memory_space<semaphore_mem>>, %arg25: memref<!tpu.dma_semaphore, #tpu.memory_space<semaphore_mem>>, %arg26: memref<!tpu.dma_semaphore, #tpu.memory_space<semaphore_mem>>, %arg27: memref<!tpu.dma_semaphore, #tpu.memory_space<semaphore_mem>>, %arg28: memref<!tpu.dma_semaphore, #tpu.memory_space<semaphore_mem>>, %arg29: memref<!tpu.dma_semaphore, #tpu.memory_space<semaphore_mem>>, %arg30: memref<!tpu.dma_semaphore, #tpu.memory_space<semaphore_mem>>, %arg31: memref<!tpu.dma_semaphore, #tpu.memory_space<semaphore_mem>>, %arg32: memref<!tpu.dma_semaphore, #tpu.memory_space<semaphore_mem>>, %arg33: memref<!tpu.dma_semaphore, #tpu.memory_space<semaphore_mem>>) attributes {dimension_semantics = [#tpu.dimension_semantics<core_parallel>, #tpu.dimension_semantics<subcore_parallel>], iteration_bounds = array<i64: 2, 16>, scalar_prefetch = 0 : i64, scratch_operands = 28 : i64, tpu.core_type = #tpu.core_type<sc_vector_subcore>, window_params = [{transform_indices = #map}, {transform_indices = #map1}, {transform_indices = #map1}, {transform_indices = #map2}]} {
    %mul3A = arith.constant 16 : i32
    %mul3A_0 = arith.muli %arg0, %mul3A : i32
    %add3A = arith.addi %mul3A_0, %arg1 : i32
    %mul3A_1 = arith.constant 10000 : i32
    %mul3A_2 = arith.muli %add3A, %mul3A_1 : i32
    %add3A_3 = arith.constant 0 : i32
    %add3A_4 = arith.addi %mul3A_2, %add3A_3 : i32
    %dma_start3A = tpu.memref_slice %arg3[%add3A_4] : memref<320000xi32, #tpu.memory_space<hbm>> -> memref<80xi32, #tpu.memory_space<hbm>>
    %dma_start3A_5 = tpu.memref_slice %arg3[%add3A_4] : memref<320000xi32, #tpu.memory_space<hbm>> -> memref<80xi32, #tpu.memory_space<hbm>>
    tpu.enqueue_dma source(%dma_start3A_5 : memref<80xi32, #tpu.memory_space<hbm>>) target(%arg6 : memref<80xi32, #tpu.memory_space<vmem>>) target_semaphore(%arg22 : memref<!tpu.dma_semaphore, #tpu.memory_space<semaphore_mem>>)
    %add3A_6 = arith.constant 0 : i32
    %add3A_7 = arith.addi %mul3A_2, %add3A_6 : i32
    %dma_start3A_8 = tpu.memref_slice %arg4[%add3A_7] : memref<320000xi32, #tpu.memory_space<hbm>> -> memref<80xi32, #tpu.memory_space<hbm>>
    %dma_start3A_9 = tpu.memref_slice %arg4[%add3A_7] : memref<320000xi32, #tpu.memory_space<hbm>> -> memref<80xi32, #tpu.memory_space<hbm>>
    tpu.enqueue_dma source(%dma_start3A_9 : memref<80xi32, #tpu.memory_space<hbm>>) target(%arg12 : memref<80xi32, #tpu.memory_space<vmem>>) target_semaphore(%arg22 : memref<!tpu.dma_semaphore, #tpu.memory_space<semaphore_mem>>)
    %add3A_10 = arith.constant 80 : i32
    %add3A_11 = arith.addi %mul3A_2, %add3A_10 : i32
    %dma_start3A_12 = tpu.memref_slice %arg3[%add3A_11] : memref<320000xi32, #tpu.memory_space<hbm>> -> memref<80xi32, #tpu.memory_space<hbm>>
    %dma_start3A_13 = tpu.memref_slice %arg3[%add3A_11] : memref<320000xi32, #tpu.memory_space<hbm>> -> memref<80xi32, #tpu.memory_space<hbm>>
    tpu.enqueue_dma source(%dma_start3A_13 : memref<80xi32, #tpu.memory_space<hbm>>) target(%arg7 : memref<80xi32, #tpu.memory_space<vmem>>) target_semaphore(%arg23 : memref<!tpu.dma_semaphore, #tpu.memory_space<semaphore_mem>>)
    %add3A_14 = arith.constant 80 : i32
    %add3A_15 = arith.addi %mul3A_2, %add3A_14 : i32
    %dma_start3A_16 = tpu.memref_slice %arg4[%add3A_15] : memref<320000xi32, #tpu.memory_space<hbm>> -> memref<80xi32, #tpu.memory_space<hbm>>
    %dma_start3A_17 = tpu.memref_slice %arg4[%add3A_15] : memref<320000xi32, #tpu.memory_space<hbm>> -> memref<80xi32, #tpu.memory_space<hbm>>
    tpu.enqueue_dma source(%dma_start3A_17 : memref<80xi32, #tpu.memory_space<hbm>>) target(%arg13 : memref<80xi32, #tpu.memory_space<vmem>>) target_semaphore(%arg23 : memref<!tpu.dma_semaphore, #tpu.memory_space<semaphore_mem>>)
    %add3A_18 = arith.constant 160 : i32
    %add3A_19 = arith.addi %mul3A_2, %add3A_18 : i32
    %dma_start3A_20 = tpu.memref_slice %arg3[%add3A_19] : memref<320000xi32, #tpu.memory_space<hbm>> -> memref<80xi32, #tpu.memory_space<hbm>>
    %dma_start3A_21 = tpu.memref_slice %arg3[%add3A_19] : memref<320000xi32, #tpu.memory_space<hbm>> -> memref<80xi32, #tpu.memory_space<hbm>>
    tpu.enqueue_dma source(%dma_start3A_21 : memref<80xi32, #tpu.memory_space<hbm>>) target(%arg8 : memref<80xi32, #tpu.memory_space<vmem>>) target_semaphore(%arg24 : memref<!tpu.dma_semaphore, #tpu.memory_space<semaphore_mem>>)
    %add3A_22 = arith.constant 160 : i32
    %add3A_23 = arith.addi %mul3A_2, %add3A_22 : i32
    %dma_start3A_24 = tpu.memref_slice %arg4[%add3A_23] : memref<320000xi32, #tpu.memory_space<hbm>> -> memref<80xi32, #tpu.memory_space<hbm>>
    %dma_start3A_25 = tpu.memref_slice %arg4[%add3A_23] : memref<320000xi32, #tpu.memory_space<hbm>> -> memref<80xi32, #tpu.memory_space<hbm>>
    tpu.enqueue_dma source(%dma_start3A_25 : memref<80xi32, #tpu.memory_space<hbm>>) target(%arg14 : memref<80xi32, #tpu.memory_space<vmem>>) target_semaphore(%arg24 : memref<!tpu.dma_semaphore, #tpu.memory_space<semaphore_mem>>)
    %add3A_26 = arith.constant 240 : i32
    %add3A_27 = arith.addi %mul3A_2, %add3A_26 : i32
    %dma_start3A_28 = tpu.memref_slice %arg3[%add3A_27] : memref<320000xi32, #tpu.memory_space<hbm>> -> memref<80xi32, #tpu.memory_space<hbm>>
    %dma_start3A_29 = tpu.memref_slice %arg3[%add3A_27] : memref<320000xi32, #tpu.memory_space<hbm>> -> memref<80xi32, #tpu.memory_space<hbm>>
    tpu.enqueue_dma source(%dma_start3A_29 : memref<80xi32, #tpu.memory_space<hbm>>) target(%arg9 : memref<80xi32, #tpu.memory_space<vmem>>) target_semaphore(%arg25 : memref<!tpu.dma_semaphore, #tpu.memory_space<semaphore_mem>>)
    %add3A_30 = arith.constant 240 : i32
    %add3A_31 = arith.addi %mul3A_2, %add3A_30 : i32
    %dma_start3A_32 = tpu.memref_slice %arg4[%add3A_31] : memref<320000xi32, #tpu.memory_space<hbm>> -> memref<80xi32, #tpu.memory_space<hbm>>
    %dma_start3A_33 = tpu.memref_slice %arg4[%add3A_31] : memref<320000xi32, #tpu.memory_space<hbm>> -> memref<80xi32, #tpu.memory_space<hbm>>
    tpu.enqueue_dma source(%dma_start3A_33 : memref<80xi32, #tpu.memory_space<hbm>>) target(%arg15 : memref<80xi32, #tpu.memory_space<vmem>>) target_semaphore(%arg25 : memref<!tpu.dma_semaphore, #tpu.memory_space<semaphore_mem>>)
    %add3A_34 = arith.constant 320 : i32
    %add3A_35 = arith.addi %mul3A_2, %add3A_34 : i32
    %dma_start3A_36 = tpu.memref_slice %arg3[%add3A_35] : memref<320000xi32, #tpu.memory_space<hbm>> -> memref<80xi32, #tpu.memory_space<hbm>>
    %dma_start3A_37 = tpu.memref_slice %arg3[%add3A_35] : memref<320000xi32, #tpu.memory_space<hbm>> -> memref<80xi32, #tpu.memory_space<hbm>>
    tpu.enqueue_dma source(%dma_start3A_37 : memref<80xi32, #tpu.memory_space<hbm>>) target(%arg10 : memref<80xi32, #tpu.memory_space<vmem>>) target_semaphore(%arg26 : memref<!tpu.dma_semaphore, #tpu.memory_space<semaphore_mem>>)
    %add3A_38 = arith.constant 320 : i32
    %add3A_39 = arith.addi %mul3A_2, %add3A_38 : i32
    %dma_start3A_40 = tpu.memref_slice %arg4[%add3A_39] : memref<320000xi32, #tpu.memory_space<hbm>> -> memref<80xi32, #tpu.memory_space<hbm>>
    %dma_start3A_41 = tpu.memref_slice %arg4[%add3A_39] : memref<320000xi32, #tpu.memory_space<hbm>> -> memref<80xi32, #tpu.memory_space<hbm>>
    tpu.enqueue_dma source(%dma_start3A_41 : memref<80xi32, #tpu.memory_space<hbm>>) target(%arg16 : memref<80xi32, #tpu.memory_space<vmem>>) target_semaphore(%arg26 : memref<!tpu.dma_semaphore, #tpu.memory_space<semaphore_mem>>)
    %add3A_42 = arith.constant 400 : i32
    %add3A_43 = arith.addi %mul3A_2, %add3A_42 : i32
    %dma_start3A_44 = tpu.memref_slice %arg3[%add3A_43] : memref<320000xi32, #tpu.memory_space<hbm>> -> memref<80xi32, #tpu.memory_space<hbm>>
    %dma_start3A_45 = tpu.memref_slice %arg3[%add3A_43] : memref<320000xi32, #tpu.memory_space<hbm>> -> memref<80xi32, #tpu.memory_space<hbm>>
    tpu.enqueue_dma source(%dma_start3A_45 : memref<80xi32, #tpu.memory_space<hbm>>) target(%arg11 : memref<80xi32, #tpu.memory_space<vmem>>) target_semaphore(%arg27 : memref<!tpu.dma_semaphore, #tpu.memory_space<semaphore_mem>>)
    %add3A_46 = arith.constant 400 : i32
    %add3A_47 = arith.addi %mul3A_2, %add3A_46 : i32
    %dma_start3A_48 = tpu.memref_slice %arg4[%add3A_47] : memref<320000xi32, #tpu.memory_space<hbm>> -> memref<80xi32, #tpu.memory_space<hbm>>
    %dma_start3A_49 = tpu.memref_slice %arg4[%add3A_47] : memref<320000xi32, #tpu.memory_space<hbm>> -> memref<80xi32, #tpu.memory_space<hbm>>
    tpu.enqueue_dma source(%dma_start3A_49 : memref<80xi32, #tpu.memory_space<hbm>>) target(%arg17 : memref<80xi32, #tpu.memory_space<vmem>>) target_semaphore(%arg27 : memref<!tpu.dma_semaphore, #tpu.memory_space<semaphore_mem>>)
    %scan3A = arith.constant 0 : i32
    %scan3A_50 = arith.constant 80 : i32
    %scan3A_51 = arith.addi %scan3A, %scan3A_50 : i32
    %scan3A_52 = arith.constant 1 : i32
    scf.for %scan3A_318 = %scan3A to %scan3A_51 step %scan3A_52  : i32 {
      %mul3A_319 = arith.constant 1 : i32
      %mul3A_320 = arith.muli %scan3A_318, %mul3A_319 : i32
      %add3A_321 = arith.constant 0 : i32
      %add3A_322 = arith.addi %add3A_321, %mul3A_320 : i32
      %broadcast_in_dim3A = arith.constant 0.000000e+00 : f32
      %broadcast_in_dim3A_323 = vector.broadcast %broadcast_in_dim3A : f32 to vector<16xf32>
      %swap3A = arith.index_cast %add3A_322 : i32 to index
      %swap3A_324 = arith.constant 0 : index
      %swap3A_325 = tpu.vector_load %arg18[%swap3A, %swap3A_324] {strides = array<i32>} : memref<80x128xf32, #tpu.memory_space<vmem>>, vector<1x16xf32>,
      %swap3A_326 = vector.shape_cast %swap3A_325 : vector<1x16xf32> to vector<16xf32>
      %swap3A_327 = vector.shape_cast %broadcast_in_dim3A_323 : vector<16xf32> to vector<1x16xf32>
      tpu.vector_store %arg18[%swap3A, %swap3A_324], %swap3A_327 {strides = array<i32>} : memref<80x128xf32, #tpu.memory_space<vmem>>, vector<1x16xf32>,
      %broadcast_in_dim3A_328 = arith.constant 0.000000e+00 : f32
      %broadcast_in_dim3A_329 = vector.broadcast %broadcast_in_dim3A_328 : f32 to vector<16xf32>
      %swap3A_330 = arith.index_cast %add3A_322 : i32 to index
      %swap3A_331 = arith.constant 16 : index
      %swap3A_332 = tpu.vector_load %arg18[%swap3A_330, %swap3A_331] {strides = array<i32>} : memref<80x128xf32, #tpu.memory_space<vmem>>, vector<1x16xf32>,
      %swap3A_333 = vector.shape_cast %swap3A_332 : vector<1x16xf32> to vector<16xf32>
      %swap3A_334 = vector.shape_cast %broadcast_in_dim3A_329 : vector<16xf32> to vector<1x16xf32>
      tpu.vector_store %arg18[%swap3A_330, %swap3A_331], %swap3A_334 {strides = array<i32>} : memref<80x128xf32, #tpu.memory_space<vmem>>, vector<1x16xf32>,
      %broadcast_in_dim3A_335 = arith.constant 0.000000e+00 : f32
      %broadcast_in_dim3A_336 = vector.broadcast %broadcast_in_dim3A_335 : f32 to vector<16xf32>
      %swap3A_337 = arith.index_cast %add3A_322 : i32 to index
      %swap3A_338 = arith.constant 32 : index
      %swap3A_339 = tpu.vector_load %arg18[%swap3A_337, %swap3A_338] {strides = array<i32>} : memref<80x128xf32, #tpu.memory_space<vmem>>, vector<1x16xf32>,
      %swap3A_340 = vector.shape_cast %swap3A_339 : vector<1x16xf32> to vector<16xf32>
      %swap3A_341 = vector.shape_cast %broadcast_in_dim3A_336 : vector<16xf32> to vector<1x16xf32>
      tpu.vector_store %arg18[%swap3A_337, %swap3A_338], %swap3A_341 {strides = array<i32>} : memref<80x128xf32, #tpu.memory_space<vmem>>, vector<1x16xf32>,
      %broadcast_in_dim3A_342 = arith.constant 0.000000e+00 : f32
      %broadcast_in_dim3A_343 = vector.broadcast %broadcast_in_dim3A_342 : f32 to vector<16xf32>
      %swap3A_344 = arith.index_cast %add3A_322 : i32 to index
      %swap3A_345 = arith.constant 48 : index
      %swap3A_346 = tpu.vector_load %arg18[%swap3A_344, %swap3A_345] {strides = array<i32>} : memref<80x128xf32, #tpu.memory_space<vmem>>, vector<1x16xf32>,
      %swap3A_347 = vector.shape_cast %swap3A_346 : vector<1x16xf32> to vector<16xf32>
      %swap3A_348 = vector.shape_cast %broadcast_in_dim3A_343 : vector<16xf32> to vector<1x16xf32>
      tpu.vector_store %arg18[%swap3A_344, %swap3A_345], %swap3A_348 {strides = array<i32>} : memref<80x128xf32, #tpu.memory_space<vmem>>, vector<1x16xf32>,
      %broadcast_in_dim3A_349 = arith.constant 0.000000e+00 : f32
      %broadcast_in_dim3A_350 = vector.broadcast %broadcast_in_dim3A_349 : f32 to vector<16xf32>
      %swap3A_351 = arith.index_cast %add3A_322 : i32 to index
      %swap3A_352 = arith.constant 64 : index
      %swap3A_353 = tpu.vector_load %arg18[%swap3A_351, %swap3A_352] {strides = array<i32>} : memref<80x128xf32, #tpu.memory_space<vmem>>, vector<1x16xf32>,
      %swap3A_354 = vector.shape_cast %swap3A_353 : vector<1x16xf32> to vector<16xf32>
      %swap3A_355 = vector.shape_cast %broadcast_in_dim3A_350 : vector<16xf32> to vector<1x16xf32>
      tpu.vector_store %arg18[%swap3A_351, %swap3A_352], %swap3A_355 {strides = array<i32>} : memref<80x128xf32, #tpu.memory_space<vmem>>, vector<1x16xf32>,
      %broadcast_in_dim3A_356 = arith.constant 0.000000e+00 : f32
      %broadcast_in_dim3A_357 = vector.broadcast %broadcast_in_dim3A_356 : f32 to vector<16xf32>
      %swap3A_358 = arith.index_cast %add3A_322 : i32 to index
      %swap3A_359 = arith.constant 80 : index
      %swap3A_360 = tpu.vector_load %arg18[%swap3A_358, %swap3A_359] {strides = array<i32>} : memref<80x128xf32, #tpu.memory_space<vmem>>, vector<1x16xf32>,
      %swap3A_361 = vector.shape_cast %swap3A_360 : vector<1x16xf32> to vector<16xf32>
      %swap3A_362 = vector.shape_cast %broadcast_in_dim3A_357 : vector<16xf32> to vector<1x16xf32>
      tpu.vector_store %arg18[%swap3A_358, %swap3A_359], %swap3A_362 {strides = array<i32>} : memref<80x128xf32, #tpu.memory_space<vmem>>, vector<1x16xf32>,
      %broadcast_in_dim3A_363 = arith.constant 0.000000e+00 : f32
      %broadcast_in_dim3A_364 = vector.broadcast %broadcast_in_dim3A_363 : f32 to vector<16xf32>
      %swap3A_365 = arith.index_cast %add3A_322 : i32 to index
      %swap3A_366 = arith.constant 96 : index
      %swap3A_367 = tpu.vector_load %arg18[%swap3A_365, %swap3A_366] {strides = array<i32>} : memref<80x128xf32, #tpu.memory_space<vmem>>, vector<1x16xf32>,
      %swap3A_368 = vector.shape_cast %swap3A_367 : vector<1x16xf32> to vector<16xf32>
      %swap3A_369 = vector.shape_cast %broadcast_in_dim3A_364 : vector<16xf32> to vector<1x16xf32>
      tpu.vector_store %arg18[%swap3A_365, %swap3A_366], %swap3A_369 {strides = array<i32>} : memref<80x128xf32, #tpu.memory_space<vmem>>, vector<1x16xf32>,
      %broadcast_in_dim3A_370 = arith.constant 0.000000e+00 : f32
      %broadcast_in_dim3A_371 = vector.broadcast %broadcast_in_dim3A_370 : f32 to vector<16xf32>
      %swap3A_372 = arith.index_cast %add3A_322 : i32 to index
      %swap3A_373 = arith.constant 112 : index
      %swap3A_374 = tpu.vector_load %arg18[%swap3A_372, %swap3A_373] {strides = array<i32>} : memref<80x128xf32, #tpu.memory_space<vmem>>, vector<1x16xf32>,
      %swap3A_375 = vector.shape_cast %swap3A_374 : vector<1x16xf32> to vector<16xf32>
      %swap3A_376 = vector.shape_cast %broadcast_in_dim3A_371 : vector<16xf32> to vector<1x16xf32>
      tpu.vector_store %arg18[%swap3A_372, %swap3A_373], %swap3A_376 {strides = array<i32>} : memref<80x128xf32, #tpu.memory_space<vmem>>, vector<1x16xf32>,
    }
    %scan3A_53 = arith.constant 80 : i32
    %mul3A_54 = arith.constant 624 : i32
    %mul3A_55 = arith.muli %arg1, %mul3A_54 : i32
    %add3A_56 = arith.constant 0 : i32
    %add3A_57 = arith.addi %mul3A_55, %add3A_56 : i32
    %dma_start3A_58 = arith.constant 0 : i32
    %dma_start3A_59 = tpu.memref_slice %arg21[%add3A_57, %dma_start3A_58] : memref<10000x128xf32, #tpu.memory_space<vmem_shared>> -> memref<80x128xf32, #tpu.memory_space<vmem_shared>>
    %dma_start3A_60 = arith.constant 0 : i32
    %dma_start3A_61 = tpu.memref_slice %arg21[%add3A_57, %dma_start3A_60] : memref<10000x128xf32, #tpu.memory_space<vmem_shared>> -> memref<80x128xf32, #tpu.memory_space<vmem_shared>>
    tpu.enqueue_dma source(%arg18 : memref<80x128xf32, #tpu.memory_space<vmem>>) target(%dma_start3A_61 : memref<80x128xf32, #tpu.memory_space<vmem_shared>>) target_semaphore(%arg22 : memref<!tpu.dma_semaphore, #tpu.memory_space<semaphore_mem>>)
    %mul3A_62 = arith.constant 624 : i32
    %mul3A_63 = arith.muli %arg1, %mul3A_62 : i32
    %add3A_64 = arith.constant 80 : i32
    %add3A_65 = arith.addi %mul3A_63, %add3A_64 : i32
    %dma_start3A_66 = arith.constant 0 : i32
    %dma_start3A_67 = tpu.memref_slice %arg21[%add3A_65, %dma_start3A_66] : memref<10000x128xf32, #tpu.memory_space<vmem_shared>> -> memref<80x128xf32, #tpu.memory_space<vmem_shared>>
    %dma_start3A_68 = arith.constant 0 : i32
    %dma_start3A_69 = tpu.memref_slice %arg21[%add3A_65, %dma_start3A_68] : memref<10000x128xf32, #tpu.memory_space<vmem_shared>> -> memref<80x128xf32, #tpu.memory_space<vmem_shared>>
    tpu.enqueue_dma source(%arg18 : memref<80x128xf32, #tpu.memory_space<vmem>>) target(%dma_start3A_69 : memref<80x128xf32, #tpu.memory_space<vmem_shared>>) target_semaphore(%arg22 : memref<!tpu.dma_semaphore, #tpu.memory_space<semaphore_mem>>)
    %mul3A_70 = arith.constant 624 : i32
    %mul3A_71 = arith.muli %arg1, %mul3A_70 : i32
    %add3A_72 = arith.constant 160 : i32
    %add3A_73 = arith.addi %mul3A_71, %add3A_72 : i32
    %dma_start3A_74 = arith.constant 0 : i32
    %dma_start3A_75 = tpu.memref_slice %arg21[%add3A_73, %dma_start3A_74] : memref<10000x128xf32, #tpu.memory_space<vmem_shared>> -> memref<80x128xf32, #tpu.memory_space<vmem_shared>>
    %dma_start3A_76 = arith.constant 0 : i32
    %dma_start3A_77 = tpu.memref_slice %arg21[%add3A_73, %dma_start3A_76] : memref<10000x128xf32, #tpu.memory_space<vmem_shared>> -> memref<80x128xf32, #tpu.memory_space<vmem_shared>>
    tpu.enqueue_dma source(%arg18 : memref<80x128xf32, #tpu.memory_space<vmem>>) target(%dma_start3A_77 : memref<80x128xf32, #tpu.memory_space<vmem_shared>>) target_semaphore(%arg22 : memref<!tpu.dma_semaphore, #tpu.memory_space<semaphore_mem>>)
    %mul3A_78 = arith.constant 624 : i32
    %mul3A_79 = arith.muli %arg1, %mul3A_78 : i32
    %add3A_80 = arith.constant 240 : i32
    %add3A_81 = arith.addi %mul3A_79, %add3A_80 : i32
    %dma_start3A_82 = arith.constant 0 : i32
    %dma_start3A_83 = tpu.memref_slice %arg21[%add3A_81, %dma_start3A_82] : memref<10000x128xf32, #tpu.memory_space<vmem_shared>> -> memref<80x128xf32, #tpu.memory_space<vmem_shared>>
    %dma_start3A_84 = arith.constant 0 : i32
    %dma_start3A_85 = tpu.memref_slice %arg21[%add3A_81, %dma_start3A_84] : memref<10000x128xf32, #tpu.memory_space<vmem_shared>> -> memref<80x128xf32, #tpu.memory_space<vmem_shared>>
    tpu.enqueue_dma source(%arg18 : memref<80x128xf32, #tpu.memory_space<vmem>>) target(%dma_start3A_85 : memref<80x128xf32, #tpu.memory_space<vmem_shared>>) target_semaphore(%arg22 : memref<!tpu.dma_semaphore, #tpu.memory_space<semaphore_mem>>)
    %mul3A_86 = arith.constant 624 : i32
    %mul3A_87 = arith.muli %arg1, %mul3A_86 : i32
    %add3A_88 = arith.constant 320 : i32
    %add3A_89 = arith.addi %mul3A_87, %add3A_88 : i32
    %dma_start3A_90 = arith.constant 0 : i32
    %dma_start3A_91 = tpu.memref_slice %arg21[%add3A_89, %dma_start3A_90] : memref<10000x128xf32, #tpu.memory_space<vmem_shared>> -> memref<80x128xf32, #tpu.memory_space<vmem_shared>>
    %dma_start3A_92 = arith.constant 0 : i32
    %dma_start3A_93 = tpu.memref_slice %arg21[%add3A_89, %dma_start3A_92] : memref<10000x128xf32, #tpu.memory_space<vmem_shared>> -> memref<80x128xf32, #tpu.memory_space<vmem_shared>>
    tpu.enqueue_dma source(%arg18 : memref<80x128xf32, #tpu.memory_space<vmem>>) target(%dma_start3A_93 : memref<80x128xf32, #tpu.memory_space<vmem_shared>>) target_semaphore(%arg22 : memref<!tpu.dma_semaphore, #tpu.memory_space<semaphore_mem>>)
    %mul3A_94 = arith.constant 624 : i32
    %mul3A_95 = arith.muli %arg1, %mul3A_94 : i32
    %add3A_96 = arith.constant 400 : i32
    %add3A_97 = arith.addi %mul3A_95, %add3A_96 : i32
    %dma_start3A_98 = arith.constant 0 : i32
    %dma_start3A_99 = tpu.memref_slice %arg21[%add3A_97, %dma_start3A_98] : memref<10000x128xf32, #tpu.memory_space<vmem_shared>> -> memref<80x128xf32, #tpu.memory_space<vmem_shared>>
    %dma_start3A_100 = arith.constant 0 : i32
    %dma_start3A_101 = tpu.memref_slice %arg21[%add3A_97, %dma_start3A_100] : memref<10000x128xf32, #tpu.memory_space<vmem_shared>> -> memref<80x128xf32, #tpu.memory_space<vmem_shared>>
    tpu.enqueue_dma source(%arg18 : memref<80x128xf32, #tpu.memory_space<vmem>>) target(%dma_start3A_101 : memref<80x128xf32, #tpu.memory_space<vmem_shared>>) target_semaphore(%arg22 : memref<!tpu.dma_semaphore, #tpu.memory_space<semaphore_mem>>)
    %mul3A_102 = arith.constant 624 : i32
    %mul3A_103 = arith.muli %arg1, %mul3A_102 : i32
    %add3A_104 = arith.constant 480 : i32
    %add3A_105 = arith.addi %mul3A_103, %add3A_104 : i32
    %dma_start3A_106 = arith.constant 0 : i32
    %dma_start3A_107 = tpu.memref_slice %arg21[%add3A_105, %dma_start3A_106] : memref<10000x128xf32, #tpu.memory_space<vmem_shared>> -> memref<80x128xf32, #tpu.memory_space<vmem_shared>>
    %dma_start3A_108 = arith.constant 0 : i32
    %dma_start3A_109 = tpu.memref_slice %arg21[%add3A_105, %dma_start3A_108] : memref<10000x128xf32, #tpu.memory_space<vmem_shared>> -> memref<80x128xf32, #tpu.memory_space<vmem_shared>>
    tpu.enqueue_dma source(%arg18 : memref<80x128xf32, #tpu.memory_space<vmem>>) target(%dma_start3A_109 : memref<80x128xf32, #tpu.memory_space<vmem_shared>>) target_semaphore(%arg22 : memref<!tpu.dma_semaphore, #tpu.memory_space<semaphore_mem>>)
    %mul3A_110 = arith.constant 624 : i32
    %mul3A_111 = arith.muli %arg1, %mul3A_110 : i32
    %add3A_112 = arith.constant 560 : i32
    %add3A_113 = arith.addi %mul3A_111, %add3A_112 : i32
    %dma_start3A_114 = arith.constant 0 : i32
    %dma_start3A_115 = arith.constant 0 : i32
    %dma_start3A_116 = tpu.memref_slice %arg18[%dma_start3A_114, %dma_start3A_115] : memref<80x128xf32, #tpu.memory_space<vmem>> -> memref<64x128xf32, #tpu.memory_space<vmem>>
    %dma_start3A_117 = arith.constant 0 : i32
    %dma_start3A_118 = tpu.memref_slice %arg21[%add3A_113, %dma_start3A_117] : memref<10000x128xf32, #tpu.memory_space<vmem_shared>> -> memref<64x128xf32, #tpu.memory_space<vmem_shared>>
    %dma_start3A_119 = arith.constant 0 : i32
    %dma_start3A_120 = tpu.memref_slice %arg21[%add3A_113, %dma_start3A_119] : memref<10000x128xf32, #tpu.memory_space<vmem_shared>> -> memref<64x128xf32, #tpu.memory_space<vmem_shared>>
    %dma_start3A_121 = arith.constant 0 : i32
    %dma_start3A_122 = arith.constant 0 : i32
    %dma_start3A_123 = tpu.memref_slice %arg18[%dma_start3A_121, %dma_start3A_122] : memref<80x128xf32, #tpu.memory_space<vmem>> -> memref<64x128xf32, #tpu.memory_space<vmem>>
    tpu.enqueue_dma source(%dma_start3A_123 : memref<64x128xf32, #tpu.memory_space<vmem>>) target(%dma_start3A_120 : memref<64x128xf32, #tpu.memory_space<vmem_shared>>) target_semaphore(%arg22 : memref<!tpu.dma_semaphore, #tpu.memory_space<semaphore_mem>>)
    %eq3A = arith.constant 0 : i32
    %eq3A_124 = arith.cmpi eq, %arg1, %eq3A : i32
    %convert_element_type3A = arith.extui %eq3A_124 : i1 to i32
    %cond3A = arith.constant 0 : i32
    %cond3A_125 = arith.cmpi ne, %convert_element_type3A, %cond3A : i32
    scf.if %cond3A_125 {
      %dma_start3A_318 = arith.constant 0 : i32
      %dma_start3A_319 = arith.constant 0 : i32
      %dma_start3A_320 = tpu.memref_slice %arg18[%dma_start3A_318, %dma_start3A_319] : memref<80x128xf32, #tpu.memory_space<vmem>> -> memref<16x128xf32, #tpu.memory_space<vmem>>
      %dma_start3A_321 = arith.constant 9984 : i32
      %dma_start3A_322 = arith.constant 0 : i32
      %dma_start3A_323 = tpu.memref_slice %arg21[%dma_start3A_321, %dma_start3A_322] : memref<10000x128xf32, #tpu.memory_space<vmem_shared>> -> memref<16x128xf32, #tpu.memory_space<vmem_shared>>
      %dma_start3A_324 = arith.constant 9984 : i32
      %dma_start3A_325 = arith.constant 0 : i32
      %dma_start3A_326 = tpu.memref_slice %arg21[%dma_start3A_324, %dma_start3A_325] : memref<10000x128xf32, #tpu.memory_space<vmem_shared>> -> memref<16x128xf32, #tpu.memory_space<vmem_shared>>
      %dma_start3A_327 = arith.constant 0 : i32
      %dma_start3A_328 = arith.constant 0 : i32
      %dma_start3A_329 = tpu.memref_slice %arg18[%dma_start3A_327, %dma_start3A_328] : memref<80x128xf32, #tpu.memory_space<vmem>> -> memref<16x128xf32, #tpu.memory_space<vmem>>
      tpu.enqueue_dma source(%dma_start3A_329 : memref<16x128xf32, #tpu.memory_space<vmem>>) target(%dma_start3A_326 : memref<16x128xf32, #tpu.memory_space<vmem_shared>>) target_semaphore(%arg22 : memref<!tpu.dma_semaphore, #tpu.memory_space<semaphore_mem>>)
    } else {
    }
    %mul3A_126 = arith.constant 624 : i32
    %mul3A_127 = arith.muli %arg1, %mul3A_126 : i32
    %add3A_128 = arith.constant 0 : i32
    %add3A_129 = arith.addi %mul3A_127, %add3A_128 : i32
    %dma_wait3A = arith.constant 0 : i32
    %dma_wait3A_130 = tpu.memref_slice %arg21[%add3A_129, %dma_wait3A] : memref<10000x128xf32, #tpu.memory_space<vmem_shared>> -> memref<80x128xf32, #tpu.memory_space<vmem_shared>>
    %dma_wait3A_131 = arith.constant 0 : i32
    %dma_wait3A_132 = tpu.memref_slice %arg21[%add3A_129, %dma_wait3A_131] : memref<10000x128xf32, #tpu.memory_space<vmem_shared>> -> memref<80x128xf32, #tpu.memory_space<vmem_shared>>
    tpu.wait_dma2 semaphore(%arg22 : memref<!tpu.dma_semaphore, #tpu.memory_space<semaphore_mem>>) src(%arg18 : memref<80x128xf32, #tpu.memory_space<vmem>>) dst(%dma_wait3A_132 : memref<80x128xf32, #tpu.memory_space<vmem_shared>>)
    %mul3A_133 = arith.constant 624 : i32
    %mul3A_134 = arith.muli %arg1, %mul3A_133 : i32
    %add3A_135 = arith.constant 80 : i32
    %add3A_136 = arith.addi %mul3A_134, %add3A_135 : i32
    %dma_wait3A_137 = arith.constant 0 : i32
    %dma_wait3A_138 = tpu.memref_slice %arg21[%add3A_136, %dma_wait3A_137] : memref<10000x128xf32, #tpu.memory_space<vmem_shared>> -> memref<80x128xf32, #tpu.memory_space<vmem_shared>>
    %dma_wait3A_139 = arith.constant 0 : i32
    %dma_wait3A_140 = tpu.memref_slice %arg21[%add3A_136, %dma_wait3A_139] : memref<10000x128xf32, #tpu.memory_space<vmem_shared>> -> memref<80x128xf32, #tpu.memory_space<vmem_shared>>
    tpu.wait_dma2 semaphore(%arg22 : memref<!tpu.dma_semaphore, #tpu.memory_space<semaphore_mem>>) src(%arg18 : memref<80x128xf32, #tpu.memory_space<vmem>>) dst(%dma_wait3A_140 : memref<80x128xf32, #tpu.memory_space<vmem_shared>>)
    %mul3A_141 = arith.constant 624 : i32
    %mul3A_142 = arith.muli %arg1, %mul3A_141 : i32
    %add3A_143 = arith.constant 160 : i32
    %add3A_144 = arith.addi %mul3A_142, %add3A_143 : i32
    %dma_wait3A_145 = arith.constant 0 : i32
    %dma_wait3A_146 = tpu.memref_slice %arg21[%add3A_144, %dma_wait3A_145] : memref<10000x128xf32, #tpu.memory_space<vmem_shared>> -> memref<80x128xf32, #tpu.memory_space<vmem_shared>>
    %dma_wait3A_147 = arith.constant 0 : i32
    %dma_wait3A_148 = tpu.memref_slice %arg21[%add3A_144, %dma_wait3A_147] : memref<10000x128xf32, #tpu.memory_space<vmem_shared>> -> memref<80x128xf32, #tpu.memory_space<vmem_shared>>
    tpu.wait_dma2 semaphore(%arg22 : memref<!tpu.dma_semaphore, #tpu.memory_space<semaphore_mem>>) src(%arg18 : memref<80x128xf32, #tpu.memory_space<vmem>>) dst(%dma_wait3A_148 : memref<80x128xf32, #tpu.memory_space<vmem_shared>>)
    %mul3A_149 = arith.constant 624 : i32
    %mul3A_150 = arith.muli %arg1, %mul3A_149 : i32
    %add3A_151 = arith.constant 240 : i32
    %add3A_152 = arith.addi %mul3A_150, %add3A_151 : i32
    %dma_wait3A_153 = arith.constant 0 : i32
    %dma_wait3A_154 = tpu.memref_slice %arg21[%add3A_152, %dma_wait3A_153] : memref<10000x128xf32, #tpu.memory_space<vmem_shared>> -> memref<80x128xf32, #tpu.memory_space<vmem_shared>>
    %dma_wait3A_155 = arith.constant 0 : i32
    %dma_wait3A_156 = tpu.memref_slice %arg21[%add3A_152, %dma_wait3A_155] : memref<10000x128xf32, #tpu.memory_space<vmem_shared>> -> memref<80x128xf32, #tpu.memory_space<vmem_shared>>
    tpu.wait_dma2 semaphore(%arg22 : memref<!tpu.dma_semaphore, #tpu.memory_space<semaphore_mem>>) src(%arg18 : memref<80x128xf32, #tpu.memory_space<vmem>>) dst(%dma_wait3A_156 : memref<80x128xf32, #tpu.memory_space<vmem_shared>>)
    %mul3A_157 = arith.constant 624 : i32
    %mul3A_158 = arith.muli %arg1, %mul3A_157 : i32
    %add3A_159 = arith.constant 320 : i32
    %add3A_160 = arith.addi %mul3A_158, %add3A_159 : i32
    %dma_wait3A_161 = arith.constant 0 : i32
    %dma_wait3A_162 = tpu.memref_slice %arg21[%add3A_160, %dma_wait3A_161] : memref<10000x128xf32, #tpu.memory_space<vmem_shared>> -> memref<80x128xf32, #tpu.memory_space<vmem_shared>>
    %dma_wait3A_163 = arith.constant 0 : i32
    %dma_wait3A_164 = tpu.memref_slice %arg21[%add3A_160, %dma_wait3A_163] : memref<10000x128xf32, #tpu.memory_space<vmem_shared>> -> memref<80x128xf32, #tpu.memory_space<vmem_shared>>
    tpu.wait_dma2 semaphore(%arg22 : memref<!tpu.dma_semaphore, #tpu.memory_space<semaphore_mem>>) src(%arg18 : memref<80x128xf32, #tpu.memory_space<vmem>>) dst(%dma_wait3A_164 : memref<80x128xf32, #tpu.memory_space<vmem_shared>>)
    %mul3A_165 = arith.constant 624 : i32
    %mul3A_166 = arith.muli %arg1, %mul3A_165 : i32
    %add3A_167 = arith.constant 400 : i32
    %add3A_168 = arith.addi %mul3A_166, %add3A_167 : i32
    %dma_wait3A_169 = arith.constant 0 : i32
    %dma_wait3A_170 = tpu.memref_slice %arg21[%add3A_168, %dma_wait3A_169] : memref<10000x128xf32, #tpu.memory_space<vmem_shared>> -> memref<80x128xf32, #tpu.memory_space<vmem_shared>>
    %dma_wait3A_171 = arith.constant 0 : i32
    %dma_wait3A_172 = tpu.memref_slice %arg21[%add3A_168, %dma_wait3A_171] : memref<10000x128xf32, #tpu.memory_space<vmem_shared>> -> memref<80x128xf32, #tpu.memory_space<vmem_shared>>
    tpu.wait_dma2 semaphore(%arg22 : memref<!tpu.dma_semaphore, #tpu.memory_space<semaphore_mem>>) src(%arg18 : memref<80x128xf32, #tpu.memory_space<vmem>>) dst(%dma_wait3A_172 : memref<80x128xf32, #tpu.memory_space<vmem_shared>>)
    %mul3A_173 = arith.constant 624 : i32
    %mul3A_174 = arith.muli %arg1, %mul3A_173 : i32
    %add3A_175 = arith.constant 480 : i32
    %add3A_176 = arith.addi %mul3A_174, %add3A_175 : i32
    %dma_wait3A_177 = arith.constant 0 : i32
    %dma_wait3A_178 = tpu.memref_slice %arg21[%add3A_176, %dma_wait3A_177] : memref<10000x128xf32, #tpu.memory_space<vmem_shared>> -> memref<80x128xf32, #tpu.memory_space<vmem_shared>>
    %dma_wait3A_179 = arith.constant 0 : i32
    %dma_wait3A_180 = tpu.memref_slice %arg21[%add3A_176, %dma_wait3A_179] : memref<10000x128xf32, #tpu.memory_space<vmem_shared>> -> memref<80x128xf32, #tpu.memory_space<vmem_shared>>
    tpu.wait_dma2 semaphore(%arg22 : memref<!tpu.dma_semaphore, #tpu.memory_space<semaphore_mem>>) src(%arg18 : memref<80x128xf32, #tpu.memory_space<vmem>>) dst(%dma_wait3A_180 : memref<80x128xf32, #tpu.memory_space<vmem_shared>>)
    %mul3A_181 = arith.constant 624 : i32
    %mul3A_182 = arith.muli %arg1, %mul3A_181 : i32
    %add3A_183 = arith.constant 560 : i32
    %add3A_184 = arith.addi %mul3A_182, %add3A_183 : i32
    %dma_wait3A_185 = arith.constant 0 : i32
    %dma_wait3A_186 = arith.constant 0 : i32
    %dma_wait3A_187 = tpu.memref_slice %arg18[%dma_wait3A_185, %dma_wait3A_186] : memref<80x128xf32, #tpu.memory_space<vmem>> -> memref<64x128xf32, #tpu.memory_space<vmem>>
    %dma_wait3A_188 = arith.constant 0 : i32
    %dma_wait3A_189 = tpu.memref_slice %arg21[%add3A_184, %dma_wait3A_188] : memref<10000x128xf32, #tpu.memory_space<vmem_shared>> -> memref<64x128xf32, #tpu.memory_space<vmem_shared>>
    %dma_wait3A_190 = arith.constant 0 : i32
    %dma_wait3A_191 = tpu.memref_slice %arg21[%add3A_184, %dma_wait3A_190] : memref<10000x128xf32, #tpu.memory_space<vmem_shared>> -> memref<64x128xf32, #tpu.memory_space<vmem_shared>>
    %dma_wait3A_192 = arith.constant 0 : i32
    %dma_wait3A_193 = arith.constant 0 : i32
    %dma_wait3A_194 = tpu.memref_slice %arg18[%dma_wait3A_192, %dma_wait3A_193] : memref<80x128xf32, #tpu.memory_space<vmem>> -> memref<64x128xf32, #tpu.memory_space<vmem>>
    tpu.wait_dma2 semaphore(%arg22 : memref<!tpu.dma_semaphore, #tpu.memory_space<semaphore_mem>>) src(%dma_wait3A_194 : memref<64x128xf32, #tpu.memory_space<vmem>>) dst(%dma_wait3A_191 : memref<64x128xf32, #tpu.memory_space<vmem_shared>>)
    %eq3A_195 = arith.constant 0 : i32
    %eq3A_196 = arith.cmpi eq, %arg1, %eq3A_195 : i32
    %convert_element_type3A_197 = arith.extui %eq3A_196 : i1 to i32
    %cond3A_198 = arith.constant 0 : i32
    %cond3A_199 = arith.cmpi ne, %convert_element_type3A_197, %cond3A_198 : i32
    scf.if %cond3A_199 {
      %dma_wait3A_318 = arith.constant 0 : i32
      %dma_wait3A_319 = arith.constant 0 : i32
      %dma_wait3A_320 = tpu.memref_slice %arg18[%dma_wait3A_318, %dma_wait3A_319] : memref<80x128xf32, #tpu.memory_space<vmem>> -> memref<16x128xf32, #tpu.memory_space<vmem>>
      %dma_wait3A_321 = arith.constant 9984 : i32
      %dma_wait3A_322 = arith.constant 0 : i32
      %dma_wait3A_323 = tpu.memref_slice %arg21[%dma_wait3A_321, %dma_wait3A_322] : memref<10000x128xf32, #tpu.memory_space<vmem_shared>> -> memref<16x128xf32, #tpu.memory_space<vmem_shared>>
      %dma_wait3A_324 = arith.constant 9984 : i32
      %dma_wait3A_325 = arith.constant 0 : i32
      %dma_wait3A_326 = tpu.memref_slice %arg21[%dma_wait3A_324, %dma_wait3A_325] : memref<10000x128xf32, #tpu.memory_space<vmem_shared>> -> memref<16x128xf32, #tpu.memory_space<vmem_shared>>
      %dma_wait3A_327 = arith.constant 0 : i32
      %dma_wait3A_328 = arith.constant 0 : i32
      %dma_wait3A_329 = tpu.memref_slice %arg18[%dma_wait3A_327, %dma_wait3A_328] : memref<80x128xf32, #tpu.memory_space<vmem>> -> memref<16x128xf32, #tpu.memory_space<vmem>>
      tpu.wait_dma2 semaphore(%arg22 : memref<!tpu.dma_semaphore, #tpu.memory_space<semaphore_mem>>) src(%dma_wait3A_329 : memref<16x128xf32, #tpu.memory_space<vmem>>) dst(%dma_wait3A_326 : memref<16x128xf32, #tpu.memory_space<vmem_shared>>)
    } else {
    }
    %dma_wait3A_200 = arith.constant 0 : i32
    %dma_wait3A_201 = tpu.memref_slice %arg3[%dma_wait3A_200] : memref<320000xi32, #tpu.memory_space<hbm>> -> memref<80xi32, #tpu.memory_space<hbm>>
    %dma_wait3A_202 = arith.constant 0 : i32
    %dma_wait3A_203 = tpu.memref_slice %arg3[%dma_wait3A_202] : memref<320000xi32, #tpu.memory_space<hbm>> -> memref<80xi32, #tpu.memory_space<hbm>>
    tpu.wait_dma2 semaphore(%arg22 : memref<!tpu.dma_semaphore, #tpu.memory_space<semaphore_mem>>) src(%dma_wait3A_203 : memref<80xi32, #tpu.memory_space<hbm>>) dst(%arg6 : memref<80xi32, #tpu.memory_space<vmem>>)
    %dma_wait3A_204 = arith.constant 0 : i32
    %dma_wait3A_205 = tpu.memref_slice %arg4[%dma_wait3A_204] : memref<320000xi32, #tpu.memory_space<hbm>> -> memref<80xi32, #tpu.memory_space<hbm>>
    %dma_wait3A_206 = arith.constant 0 : i32
    %dma_wait3A_207 = tpu.memref_slice %arg4[%dma_wait3A_206] : memref<320000xi32, #tpu.memory_space<hbm>> -> memref<80xi32, #tpu.memory_space<hbm>>
    tpu.wait_dma2 semaphore(%arg22 : memref<!tpu.dma_semaphore, #tpu.memory_space<semaphore_mem>>) src(%dma_wait3A_207 : memref<80xi32, #tpu.memory_space<hbm>>) dst(%arg12 : memref<80xi32, #tpu.memory_space<vmem>>)
    %dma_start3A_208 = arith.constant 0 : i32
    %dma_start3A_209 = arith.constant 0 : i32
    %dma_start3A_210 = tpu.memref_slice %arg2[%dma_start3A_208, %dma_start3A_209] : memref<10000x128xf32, #tpu.memory_space<hbm>> -> memref<10000x128xf32, #tpu.memory_space<hbm>>
    tpu.enqueue_indirect_dma source(%dma_start3A_210 : memref<10000x128xf32, #tpu.memory_space<hbm>>) target(%arg18 : memref<80x128xf32, #tpu.memory_space<vmem>>) offsets(%arg6 : memref<80xi32, #tpu.memory_space<vmem>>) semaphore(%arg28 : memref<!tpu.dma_semaphore, #tpu.memory_space<semaphore_mem>>)
    %dma_wait3A_211 = arith.constant 0 : i32
    %dma_wait3A_212 = tpu.memref_slice %arg3[%dma_wait3A_211] : memref<320000xi32, #tpu.memory_space<hbm>> -> memref<80xi32, #tpu.memory_space<hbm>>
    %dma_wait3A_213 = arith.constant 0 : i32
    %dma_wait3A_214 = tpu.memref_slice %arg3[%dma_wait3A_213] : memref<320000xi32, #tpu.memory_space<hbm>> -> memref<80xi32, #tpu.memory_space<hbm>>
    tpu.wait_dma2 semaphore(%arg23 : memref<!tpu.dma_semaphore, #tpu.memory_space<semaphore_mem>>) src(%dma_wait3A_214 : memref<80xi32, #tpu.memory_space<hbm>>) dst(%arg7 : memref<80xi32, #tpu.memory_space<vmem>>)
    %dma_wait3A_215 = arith.constant 0 : i32
    %dma_wait3A_216 = tpu.memref_slice %arg4[%dma_wait3A_215] : memref<320000xi32, #tpu.memory_space<hbm>> -> memref<80xi32, #tpu.memory_space<hbm>>
    %dma_wait3A_217 = arith.constant 0 : i32
    %dma_wait3A_218 = tpu.memref_slice %arg4[%dma_wait3A_217] : memref<320000xi32, #tpu.memory_space<hbm>> -> memref<80xi32, #tpu.memory_space<hbm>>
    tpu.wait_dma2 semaphore(%arg23 : memref<!tpu.dma_semaphore, #tpu.memory_space<semaphore_mem>>) src(%dma_wait3A_218 : memref<80xi32, #tpu.memory_space<hbm>>) dst(%arg13 : memref<80xi32, #tpu.memory_space<vmem>>)
    %dma_start3A_219 = arith.constant 0 : i32
    %dma_start3A_220 = arith.constant 0 : i32
    %dma_start3A_221 = tpu.memref_slice %arg2[%dma_start3A_219, %dma_start3A_220] : memref<10000x128xf32, #tpu.memory_space<hbm>> -> memref<10000x128xf32, #tpu.memory_space<hbm>>
    tpu.enqueue_indirect_dma source(%dma_start3A_221 : memref<10000x128xf32, #tpu.memory_space<hbm>>) target(%arg19 : memref<80x128xf32, #tpu.memory_space<vmem>>) offsets(%arg7 : memref<80xi32, #tpu.memory_space<vmem>>) semaphore(%arg29 : memref<!tpu.dma_semaphore, #tpu.memory_space<semaphore_mem>>)
    %barrier3A = arith.constant 0 : index
    tpu.barrier barrier_id(%barrier3A)
    %scan3A_222 = arith.constant 0 : i32
    %scan3A_223 = arith.constant 20 : i32
    %scan3A_224 = arith.addi %scan3A_222, %scan3A_223 : i32
    %scan3A_225 = arith.constant 1 : i32
    scf.for %scan3A_318 = %scan3A_222 to %scan3A_224 step %scan3A_225  : i32 {
      %mul3A_319 = arith.constant 6 : i32
      %mul3A_320 = arith.muli %scan3A_318, %mul3A_319 : i32
      %add3A_321 = arith.constant 0 : i32
      %add3A_322 = arith.addi %add3A_321, %mul3A_320 : i32
      %add3A_323 = arith.constant 0 : i32
      %add3A_324 = arith.addi %add3A_322, %add3A_323 : i32
      %dma_wait3A_325 = arith.constant 0 : i32
      %dma_wait3A_326 = arith.constant 0 : i32
      %dma_wait3A_327 = tpu.memref_slice %arg2[%dma_wait3A_325, %dma_wait3A_326] : memref<10000x128xf32, #tpu.memory_space<hbm>> -> memref<10000x128xf32, #tpu.memory_space<hbm>>
      tpu.wait_indirect_dma semaphore(%arg28 : memref<!tpu.dma_semaphore, #tpu.memory_space<semaphore_mem>>) src(%dma_wait3A_327 : memref<10000x128xf32, #tpu.memory_space<hbm>>) dst(%arg18 : memref<80x128xf32, #tpu.memory_space<vmem>>)
      %dma_start3A_328 = arith.constant 0 : i32
      %dma_start3A_329 = arith.constant 0 : i32
      %dma_start3A_330 = tpu.memref_slice %arg21[%dma_start3A_328, %dma_start3A_329] : memref<10000x128xf32, #tpu.memory_space<vmem_shared>> -> memref<10000x128xf32, #tpu.memory_space<vmem_shared>>
      tpu.enqueue_indirect_dma source(%arg18 : memref<80x128xf32, #tpu.memory_space<vmem>>) target(%dma_start3A_330 : memref<10000x128xf32, #tpu.memory_space<vmem_shared>>) offsets(%arg12 : memref<80xi32, #tpu.memory_space<vmem>>) semaphore(%arg31 : memref<!tpu.dma_semaphore, #tpu.memory_space<semaphore_mem>>) {add = true}
      %add3A_331 = arith.constant 2 : i32
      %add3A_332 = arith.addi %add3A_324, %add3A_331 : i32
      %lt3A = arith.constant 125 : i32
      %lt3A_333 = arith.cmpi slt, %add3A_332, %lt3A : i32
      %convert_element_type3A_334 = arith.extui %lt3A_333 : i1 to i32
      %cond3A_335 = arith.constant 0 : i32
      %cond3A_336 = arith.cmpi ne, %convert_element_type3A_334, %cond3A_335 : i32
      scf.if %cond3A_336 {
        %ge3A = arith.constant 1 : i32
        %ge3A_412 = arith.cmpi sge, %add3A_324, %ge3A : i32
        %convert_element_type3A_413 = arith.extui %ge3A_412 : i1 to i32
        %cond3A_414 = arith.constant 0 : i32
        %cond3A_415 = arith.cmpi ne, %convert_element_type3A_413, %cond3A_414 : i32
        scf.if %cond3A_415 {
          %dma_wait3A_427 = arith.constant 0 : i32
          %dma_wait3A_428 = arith.constant 0 : i32
          %dma_wait3A_429 = tpu.memref_slice %arg21[%dma_wait3A_427, %dma_wait3A_428] : memref<10000x128xf32, #tpu.memory_space<vmem_shared>> -> memref<10000x128xf32, #tpu.memory_space<vmem_shared>>
          tpu.wait_indirect_dma semaphore(%arg33 : memref<!tpu.dma_semaphore, #tpu.memory_space<semaphore_mem>>) src(%arg20 : memref<80x128xf32, #tpu.memory_space<vmem>>) dst(%dma_wait3A_429 : memref<10000x128xf32, #tpu.memory_space<vmem_shared>>)
          %add3A_430 = arith.constant 6 : i32
          %add3A_431 = arith.addi %add3A_324, %add3A_430 : i32
          %sub3A = arith.constant 1 : i32
          %sub3A_432 = arith.subi %add3A_431, %sub3A : i32
          %lt3A_433 = arith.constant 125 : i32
          %lt3A_434 = arith.cmpi slt, %sub3A_432, %lt3A_433 : i32
          %convert_element_type3A_435 = arith.extui %lt3A_434 : i1 to i32
          %cond3A_436 = arith.constant 0 : i32
          %cond3A_437 = arith.cmpi ne, %convert_element_type3A_435, %cond3A_436 : i32
          scf.if %cond3A_437 {
            %add3A_438 = arith.constant 6 : i32
            %add3A_439 = arith.addi %add3A_324, %add3A_438 : i32
            %sub3A_440 = arith.constant 1 : i32
            %sub3A_441 = arith.subi %add3A_439, %sub3A_440 : i32
            %mul3A_442 = arith.constant 80 : i32
            %mul3A_443 = arith.muli %sub3A_441, %mul3A_442 : i32
            %add3A_444 = arith.addi %mul3A_2, %mul3A_443 : i32
            %dma_start3A_445 = tpu.memref_slice %arg3[%add3A_444] : memref<320000xi32, #tpu.memory_space<hbm>> -> memref<80xi32, #tpu.memory_space<hbm>>
            %dma_start3A_446 = tpu.memref_slice %arg3[%add3A_444] : memref<320000xi32, #tpu.memory_space<hbm>> -> memref<80xi32, #tpu.memory_space<hbm>>
            tpu.enqueue_dma source(%dma_start3A_446 : memref<80xi32, #tpu.memory_space<hbm>>) target(%arg11 : memref<80xi32, #tpu.memory_space<vmem>>) target_semaphore(%arg27 : memref<!tpu.dma_semaphore, #tpu.memory_space<semaphore_mem>>)
            %add3A_447 = arith.constant 6 : i32
            %add3A_448 = arith.addi %add3A_324, %add3A_447 : i32
            %sub3A_449 = arith.constant 1 : i32
            %sub3A_450 = arith.subi %add3A_448, %sub3A_449 : i32
            %mul3A_451 = arith.constant 80 : i32
            %mul3A_452 = arith.muli %sub3A_450, %mul3A_451 : i32
            %add3A_453 = arith.addi %mul3A_2, %mul3A_452 : i32
            %dma_start3A_454 = tpu.memref_slice %arg4[%add3A_453] : memref<320000xi32, #tpu.memory_space<hbm>> -> memref<80xi32, #tpu.memory_space<hbm>>
            %dma_start3A_455 = tpu.memref_slice %arg4[%add3A_453] : memref<320000xi32, #tpu.memory_space<hbm>> -> memref<80xi32, #tpu.memory_space<hbm>>
            tpu.enqueue_dma source(%dma_start3A_455 : memref<80xi32, #tpu.memory_space<hbm>>) target(%arg17 : memref<80xi32, #tpu.memory_space<vmem>>) target_semaphore(%arg27 : memref<!tpu.dma_semaphore, #tpu.memory_space<semaphore_mem>>)
          } else {
          }
        } else {
        }
        %dma_wait3A_416 = arith.constant 0 : i32
        %dma_wait3A_417 = tpu.memref_slice %arg3[%dma_wait3A_416] : memref<320000xi32, #tpu.memory_space<hbm>> -> memref<80xi32, #tpu.memory_space<hbm>>
        %dma_wait3A_418 = arith.constant 0 : i32
        %dma_wait3A_419 = tpu.memref_slice %arg3[%dma_wait3A_418] : memref<320000xi32, #tpu.memory_space<hbm>> -> memref<80xi32, #tpu.memory_space<hbm>>
        tpu.wait_dma2 semaphore(%arg24 : memref<!tpu.dma_semaphore, #tpu.memory_space<semaphore_mem>>) src(%dma_wait3A_419 : memref<80xi32, #tpu.memory_space<hbm>>) dst(%arg8 : memref<80xi32, #tpu.memory_space<vmem>>)
        %dma_wait3A_420 = arith.constant 0 : i32
        %dma_wait3A_421 = tpu.memref_slice %arg4[%dma_wait3A_420] : memref<320000xi32, #tpu.memory_space<hbm>> -> memref<80xi32, #tpu.memory_space<hbm>>
        %dma_wait3A_422 = arith.constant 0 : i32
        %dma_wait3A_423 = tpu.memref_slice %arg4[%dma_wait3A_422] : memref<320000xi32, #tpu.memory_space<hbm>> -> memref<80xi32, #tpu.memory_space<hbm>>
        tpu.wait_dma2 semaphore(%arg24 : memref<!tpu.dma_semaphore, #tpu.memory_space<semaphore_mem>>) src(%dma_wait3A_423 : memref<80xi32, #tpu.memory_space<hbm>>) dst(%arg14 : memref<80xi32, #tpu.memory_space<vmem>>)
        %dma_start3A_424 = arith.constant 0 : i32
        %dma_start3A_425 = arith.constant 0 : i32
        %dma_start3A_426 = tpu.memref_slice %arg2[%dma_start3A_424, %dma_start3A_425] : memref<10000x128xf32, #tpu.memory_space<hbm>> -> memref<10000x128xf32, #tpu.memory_space<hbm>>
        tpu.enqueue_indirect_dma source(%dma_start3A_426 : memref<10000x128xf32, #tpu.memory_space<hbm>>) target(%arg20 : memref<80x128xf32, #tpu.memory_space<vmem>>) offsets(%arg8 : memref<80xi32, #tpu.memory_space<vmem>>) semaphore(%arg30 : memref<!tpu.dma_semaphore, #tpu.memory_space<semaphore_mem>>)
      } else {
      }
      %add3A_337 = arith.constant 1 : i32
      %add3A_338 = arith.addi %add3A_322, %add3A_337 : i32
      %dma_wait3A_339 = arith.constant 0 : i32
      %dma_wait3A_340 = arith.constant 0 : i32
      %dma_wait3A_341 = tpu.memref_slice %arg2[%dma_wait3A_339, %dma_wait3A_340] : memref<10000x128xf32, #tpu.memory_space<hbm>> -> memref<10000x128xf32, #tpu.memory_space<hbm>>
      tpu.wait_indirect_dma semaphore(%arg29 : memref<!tpu.dma_semaphore, #tpu.memory_space<semaphore_mem>>) src(%dma_wait3A_341 : memref<10000x128xf32, #tpu.memory_space<hbm>>) dst(%arg19 : memref<80x128xf32, #tpu.memory_space<vmem>>)
      %dma_start3A_342 = arith.constant 0 : i32
      %dma_start3A_343 = arith.constant 0 : i32
      %dma_start3A_344 = tpu.memref_slice %arg21[%dma_start3A_342, %dma_start3A_343] : memref<10000x128xf32, #tpu.memory_space<vmem_shared>> -> memref<10000x128xf32, #tpu.memory_space<vmem_shared>>
      tpu.enqueue_indirect_dma source(%arg19 : memref<80x128xf32, #tpu.memory_space<vmem>>) target(%dma_start3A_344 : memref<10000x128xf32, #tpu.memory_space<vmem_shared>>) offsets(%arg13 : memref<80xi32, #tpu.memory_space<vmem>>) semaphore(%arg32 : memref<!tpu.dma_semaphore, #tpu.memory_space<semaphore_mem>>) {add = true}
      %add3A_345 = arith.constant 2 : i32
      %add3A_346 = arith.addi %add3A_338, %add3A_345 : i32
      %lt3A_347 = arith.constant 125 : i32
      %lt3A_348 = arith.cmpi slt, %add3A_346, %lt3A_347 : i32
      %convert_element_type3A_349 = arith.extui %lt3A_348 : i1 to i32
      %cond3A_350 = arith.constant 0 : i32
      %cond3A_351 = arith.cmpi ne, %convert_element_type3A_349, %cond3A_350 : i32
      scf.if %cond3A_351 {
        %ge3A = arith.constant 1 : i32
        %ge3A_412 = arith.cmpi sge, %add3A_338, %ge3A : i32
        %convert_element_type3A_413 = arith.extui %ge3A_412 : i1 to i32
        %cond3A_414 = arith.constant 0 : i32
        %cond3A_415 = arith.cmpi ne, %convert_element_type3A_413, %cond3A_414 : i32
        scf.if %cond3A_415 {
          %dma_wait3A_427 = arith.constant 0 : i32
          %dma_wait3A_428 = arith.constant 0 : i32
          %dma_wait3A_429 = tpu.memref_slice %arg21[%dma_wait3A_427, %dma_wait3A_428] : memref<10000x128xf32, #tpu.memory_space<vmem_shared>> -> memref<10000x128xf32, #tpu.memory_space<vmem_shared>>
          tpu.wait_indirect_dma semaphore(%arg31 : memref<!tpu.dma_semaphore, #tpu.memory_space<semaphore_mem>>) src(%arg18 : memref<80x128xf32, #tpu.memory_space<vmem>>) dst(%dma_wait3A_429 : memref<10000x128xf32, #tpu.memory_space<vmem_shared>>)
          %add3A_430 = arith.constant 6 : i32
          %add3A_431 = arith.addi %add3A_338, %add3A_430 : i32
          %sub3A = arith.constant 1 : i32
          %sub3A_432 = arith.subi %add3A_431, %sub3A : i32
          %lt3A_433 = arith.constant 125 : i32
          %lt3A_434 = arith.cmpi slt, %sub3A_432, %lt3A_433 : i32
          %convert_element_type3A_435 = arith.extui %lt3A_434 : i1 to i32
          %cond3A_436 = arith.constant 0 : i32
          %cond3A_437 = arith.cmpi ne, %convert_element_type3A_435, %cond3A_436 : i32
          scf.if %cond3A_437 {
            %add3A_438 = arith.constant 6 : i32
            %add3A_439 = arith.addi %add3A_338, %add3A_438 : i32
            %sub3A_440 = arith.constant 1 : i32
            %sub3A_441 = arith.subi %add3A_439, %sub3A_440 : i32
            %mul3A_442 = arith.constant 80 : i32
            %mul3A_443 = arith.muli %sub3A_441, %mul3A_442 : i32
            %add3A_444 = arith.addi %mul3A_2, %mul3A_443 : i32
            %dma_start3A_445 = tpu.memref_slice %arg3[%add3A_444] : memref<320000xi32, #tpu.memory_space<hbm>> -> memref<80xi32, #tpu.memory_space<hbm>>
            %dma_start3A_446 = tpu.memref_slice %arg3[%add3A_444] : memref<320000xi32, #tpu.memory_space<hbm>> -> memref<80xi32, #tpu.memory_space<hbm>>
            tpu.enqueue_dma source(%dma_start3A_446 : memref<80xi32, #tpu.memory_space<hbm>>) target(%arg6 : memref<80xi32, #tpu.memory_space<vmem>>) target_semaphore(%arg22 : memref<!tpu.dma_semaphore, #tpu.memory_space<semaphore_mem>>)
            %add3A_447 = arith.constant 6 : i32
            %add3A_448 = arith.addi %add3A_338, %add3A_447 : i32
            %sub3A_449 = arith.constant 1 : i32
            %sub3A_450 = arith.subi %add3A_448, %sub3A_449 : i32
            %mul3A_451 = arith.constant 80 : i32
            %mul3A_452 = arith.muli %sub3A_450, %mul3A_451 : i32
            %add3A_453 = arith.addi %mul3A_2, %mul3A_452 : i32
            %dma_start3A_454 = tpu.memref_slice %arg4[%add3A_453] : memref<320000xi32, #tpu.memory_space<hbm>> -> memref<80xi32, #tpu.memory_space<hbm>>
            %dma_start3A_455 = tpu.memref_slice %arg4[%add3A_453] : memref<320000xi32, #tpu.memory_space<hbm>> -> memref<80xi32, #tpu.memory_space<hbm>>
            tpu.enqueue_dma source(%dma_start3A_455 : memref<80xi32, #tpu.memory_space<hbm>>) target(%arg12 : memref<80xi32, #tpu.memory_space<vmem>>) target_semaphore(%arg22 : memref<!tpu.dma_semaphore, #tpu.memory_space<semaphore_mem>>)
          } else {
          }
        } else {
        }
        %dma_wait3A_416 = arith.constant 0 : i32
        %dma_wait3A_417 = tpu.memref_slice %arg3[%dma_wait3A_416] : memref<320000xi32, #tpu.memory_space<hbm>> -> memref<80xi32, #tpu.memory_space<hbm>>
        %dma_wait3A_418 = arith.constant 0 : i32
        %dma_wait3A_419 = tpu.memref_slice %arg3[%dma_wait3A_418] : memref<320000xi32, #tpu.memory_space<hbm>> -> memref<80xi32, #tpu.memory_space<hbm>>
        tpu.wait_dma2 semaphore(%arg25 : memref<!tpu.dma_semaphore, #tpu.memory_space<semaphore_mem>>) src(%dma_wait3A_419 : memref<80xi32, #tpu.memory_space<hbm>>) dst(%arg9 : memref<80xi32, #tpu.memory_space<vmem>>)
        %dma_wait3A_420 = arith.constant 0 : i32
        %dma_wait3A_421 = tpu.memref_slice %arg4[%dma_wait3A_420] : memref<320000xi32, #tpu.memory_space<hbm>> -> memref<80xi32, #tpu.memory_space<hbm>>
        %dma_wait3A_422 = arith.constant 0 : i32
        %dma_wait3A_423 = tpu.memref_slice %arg4[%dma_wait3A_422] : memref<320000xi32, #tpu.memory_space<hbm>> -> memref<80xi32, #tpu.memory_space<hbm>>
        tpu.wait_dma2 semaphore(%arg25 : memref<!tpu.dma_semaphore, #tpu.memory_space<semaphore_mem>>) src(%dma_wait3A_423 : memref<80xi32, #tpu.memory_space<hbm>>) dst(%arg15 : memref<80xi32, #tpu.memory_space<vmem>>)
        %dma_start3A_424 = arith.constant 0 : i32
        %dma_start3A_425 = arith.constant 0 : i32
        %dma_start3A_426 = tpu.memref_slice %arg2[%dma_start3A_424, %dma_start3A_425] : memref<10000x128xf32, #tpu.memory_space<hbm>> -> memref<10000x128xf32, #tpu.memory_space<hbm>>
        tpu.enqueue_indirect_dma source(%dma_start3A_426 : memref<10000x128xf32, #tpu.memory_space<hbm>>) target(%arg18 : memref<80x128xf32, #tpu.memory_space<vmem>>) offsets(%arg9 : memref<80xi32, #tpu.memory_space<vmem>>) semaphore(%arg28 : memref<!tpu.dma_semaphore, #tpu.memory_space<semaphore_mem>>)
      } else {
      }
      %add3A_352 = arith.constant 2 : i32
      %add3A_353 = arith.addi %add3A_322, %add3A_352 : i32
      %dma_wait3A_354 = arith.constant 0 : i32
      %dma_wait3A_355 = arith.constant 0 : i32
      %dma_wait3A_356 = tpu.memref_slice %arg2[%dma_wait3A_354, %dma_wait3A_355] : memref<10000x128xf32, #tpu.memory_space<hbm>> -> memref<10000x128xf32, #tpu.memory_space<hbm>>
      tpu.wait_indirect_dma semaphore(%arg30 : memref<!tpu.dma_semaphore, #tpu.memory_space<semaphore_mem>>) src(%dma_wait3A_356 : memref<10000x128xf32, #tpu.memory_space<hbm>>) dst(%arg20 : memref<80x128xf32, #tpu.memory_space<vmem>>)
      %dma_start3A_357 = arith.constant 0 : i32
      %dma_start3A_358 = arith.constant 0 : i32
      %dma_start3A_359 = tpu.memref_slice %arg21[%dma_start3A_357, %dma_start3A_358] : memref<10000x128xf32, #tpu.memory_space<vmem_shared>> -> memref<10000x128xf32, #tpu.memory_space<vmem_shared>>
      tpu.enqueue_indirect_dma source(%arg20 : memref<80x128xf32, #tpu.memory_space<vmem>>) target(%dma_start3A_359 : memref<10000x128xf32, #tpu.memory_space<vmem_shared>>) offsets(%arg14 : memref<80xi32, #tpu.memory_space<vmem>>) semaphore(%arg33 : memref<!tpu.dma_semaphore, #tpu.memory_space<semaphore_mem>>) {add = true}
      %add3A_360 = arith.constant 2 : i32
      %add3A_361 = arith.addi %add3A_353, %add3A_360 : i32
      %lt3A_362 = arith.constant 125 : i32
      %lt3A_363 = arith.cmpi slt, %add3A_361, %lt3A_362 : i32
      %convert_element_type3A_364 = arith.extui %lt3A_363 : i1 to i32
      %cond3A_365 = arith.constant 0 : i32
      %cond3A_366 = arith.cmpi ne, %convert_element_type3A_364, %cond3A_365 : i32
      scf.if %cond3A_366 {
        %ge3A = arith.constant 1 : i32
        %ge3A_412 = arith.cmpi sge, %add3A_353, %ge3A : i32
        %convert_element_type3A_413 = arith.extui %ge3A_412 : i1 to i32
        %cond3A_414 = arith.constant 0 : i32
        %cond3A_415 = arith.cmpi ne, %convert_element_type3A_413, %cond3A_414 : i32
        scf.if %cond3A_415 {
          %dma_wait3A_427 = arith.constant 0 : i32
          %dma_wait3A_428 = arith.constant 0 : i32
          %dma_wait3A_429 = tpu.memref_slice %arg21[%dma_wait3A_427, %dma_wait3A_428] : memref<10000x128xf32, #tpu.memory_space<vmem_shared>> -> memref<10000x128xf32, #tpu.memory_space<vmem_shared>>
          tpu.wait_indirect_dma semaphore(%arg32 : memref<!tpu.dma_semaphore, #tpu.memory_space<semaphore_mem>>) src(%arg19 : memref<80x128xf32, #tpu.memory_space<vmem>>) dst(%dma_wait3A_429 : memref<10000x128xf32, #tpu.memory_space<vmem_shared>>)
          %add3A_430 = arith.constant 6 : i32
          %add3A_431 = arith.addi %add3A_353, %add3A_430 : i32
          %sub3A = arith.constant 1 : i32
          %sub3A_432 = arith.subi %add3A_431, %sub3A : i32
          %lt3A_433 = arith.constant 125 : i32
          %lt3A_434 = arith.cmpi slt, %sub3A_432, %lt3A_433 : i32
          %convert_element_type3A_435 = arith.extui %lt3A_434 : i1 to i32
          %cond3A_436 = arith.constant 0 : i32
          %cond3A_437 = arith.cmpi ne, %convert_element_type3A_435, %cond3A_436 : i32
          scf.if %cond3A_437 {
            %add3A_438 = arith.constant 6 : i32
            %add3A_439 = arith.addi %add3A_353, %add3A_438 : i32
            %sub3A_440 = arith.constant 1 : i32
            %sub3A_441 = arith.subi %add3A_439, %sub3A_440 : i32
            %mul3A_442 = arith.constant 80 : i32
            %mul3A_443 = arith.muli %sub3A_441, %mul3A_442 : i32
            %add3A_444 = arith.addi %mul3A_2, %mul3A_443 : i32
            %dma_start3A_445 = tpu.memref_slice %arg3[%add3A_444] : memref<320000xi32, #tpu.memory_space<hbm>> -> memref<80xi32, #tpu.memory_space<hbm>>
            %dma_start3A_446 = tpu.memref_slice %arg3[%add3A_444] : memref<320000xi32, #tpu.memory_space<hbm>> -> memref<80xi32, #tpu.memory_space<hbm>>
            tpu.enqueue_dma source(%dma_start3A_446 : memref<80xi32, #tpu.memory_space<hbm>>) target(%arg7 : memref<80xi32, #tpu.memory_space<vmem>>) target_semaphore(%arg23 : memref<!tpu.dma_semaphore, #tpu.memory_space<semaphore_mem>>)
            %add3A_447 = arith.constant 6 : i32
            %add3A_448 = arith.addi %add3A_353, %add3A_447 : i32
            %sub3A_449 = arith.constant 1 : i32
            %sub3A_450 = arith.subi %add3A_448, %sub3A_449 : i32
            %mul3A_451 = arith.constant 80 : i32
            %mul3A_452 = arith.muli %sub3A_450, %mul3A_451 : i32
            %add3A_453 = arith.addi %mul3A_2, %mul3A_452 : i32
            %dma_start3A_454 = tpu.memref_slice %arg4[%add3A_453] : memref<320000xi32, #tpu.memory_space<hbm>> -> memref<80xi32, #tpu.memory_space<hbm>>
            %dma_start3A_455 = tpu.memref_slice %arg4[%add3A_453] : memref<320000xi32, #tpu.memory_space<hbm>> -> memref<80xi32, #tpu.memory_space<hbm>>
            tpu.enqueue_dma source(%dma_start3A_455 : memref<80xi32, #tpu.memory_space<hbm>>) target(%arg13 : memref<80xi32, #tpu.memory_space<vmem>>) target_semaphore(%arg23 : memref<!tpu.dma_semaphore, #tpu.memory_space<semaphore_mem>>)
          } else {
          }
        } else {
        }
        %dma_wait3A_416 = arith.constant 0 : i32
        %dma_wait3A_417 = tpu.memref_slice %arg3[%dma_wait3A_416] : memref<320000xi32, #tpu.memory_space<hbm>> -> memref<80xi32, #tpu.memory_space<hbm>>
        %dma_wait3A_418 = arith.constant 0 : i32
        %dma_wait3A_419 = tpu.memref_slice %arg3[%dma_wait3A_418] : memref<320000xi32, #tpu.memory_space<hbm>> -> memref<80xi32, #tpu.memory_space<hbm>>
        tpu.wait_dma2 semaphore(%arg26 : memref<!tpu.dma_semaphore, #tpu.memory_space<semaphore_mem>>) src(%dma_wait3A_419 : memref<80xi32, #tpu.memory_space<hbm>>) dst(%arg10 : memref<80xi32, #tpu.memory_space<vmem>>)
        %dma_wait3A_420 = arith.constant 0 : i32
        %dma_wait3A_421 = tpu.memref_slice %arg4[%dma_wait3A_420] : memref<320000xi32, #tpu.memory_space<hbm>> -> memref<80xi32, #tpu.memory_space<hbm>>
        %dma_wait3A_422 = arith.constant 0 : i32
        %dma_wait3A_423 = tpu.memref_slice %arg4[%dma_wait3A_422] : memref<320000xi32, #tpu.memory_space<hbm>> -> memref<80xi32, #tpu.memory_space<hbm>>
        tpu.wait_dma2 semaphore(%arg26 : memref<!tpu.dma_semaphore, #tpu.memory_space<semaphore_mem>>) src(%dma_wait3A_423 : memref<80xi32, #tpu.memory_space<hbm>>) dst(%arg16 : memref<80xi32, #tpu.memory_space<vmem>>)
        %dma_start3A_424 = arith.constant 0 : i32
        %dma_start3A_425 = arith.constant 0 : i32
        %dma_start3A_426 = tpu.memref_slice %arg2[%dma_start3A_424, %dma_start3A_425] : memref<10000x128xf32, #tpu.memory_space<hbm>> -> memref<10000x128xf32, #tpu.memory_space<hbm>>
        tpu.enqueue_indirect_dma source(%dma_start3A_426 : memref<10000x128xf32, #tpu.memory_space<hbm>>) target(%arg19 : memref<80x128xf32, #tpu.memory_space<vmem>>) offsets(%arg10 : memref<80xi32, #tpu.memory_space<vmem>>) semaphore(%arg29 : memref<!tpu.dma_semaphore, #tpu.memory_space<semaphore_mem>>)
      } else {
      }
      %add3A_367 = arith.constant 3 : i32
      %add3A_368 = arith.addi %add3A_322, %add3A_367 : i32
      %dma_wait3A_369 = arith.constant 0 : i32
      %dma_wait3A_370 = arith.constant 0 : i32
      %dma_wait3A_371 = tpu.memref_slice %arg2[%dma_wait3A_369, %dma_wait3A_370] : memref<10000x128xf32, #tpu.memory_space<hbm>> -> memref<10000x128xf32, #tpu.memory_space<hbm>>
      tpu.wait_indirect_dma semaphore(%arg28 : memref<!tpu.dma_semaphore, #tpu.memory_space<semaphore_mem>>) src(%dma_wait3A_371 : memref<10000x128xf32, #tpu.memory_space<hbm>>) dst(%arg18 : memref<80x128xf32, #tpu.memory_space<vmem>>)
      %dma_start3A_372 = arith.constant 0 : i32
      %dma_start3A_373 = arith.constant 0 : i32
      %dma_start3A_374 = tpu.memref_slice %arg21[%dma_start3A_372, %dma_start3A_373] : memref<10000x128xf32, #tpu.memory_space<vmem_shared>> -> memref<10000x128xf32, #tpu.memory_space<vmem_shared>>
      tpu.enqueue_indirect_dma source(%arg18 : memref<80x128xf32, #tpu.memory_space<vmem>>) target(%dma_start3A_374 : memref<10000x128xf32, #tpu.memory_space<vmem_shared>>) offsets(%arg15 : memref<80xi32, #tpu.memory_space<vmem>>) semaphore(%arg31 : memref<!tpu.dma_semaphore, #tpu.memory_space<semaphore_mem>>) {add = true}
      %add3A_375 = arith.constant 2 : i32
      %add3A_376 = arith.addi %add3A_368, %add3A_375 : i32
      %lt3A_377 = arith.constant 125 : i32
      %lt3A_378 = arith.cmpi slt, %add3A_376, %lt3A_377 : i32
      %convert_element_type3A_379 = arith.extui %lt3A_378 : i1 to i32
      %cond3A_380 = arith.constant 0 : i32
      %cond3A_381 = arith.cmpi ne, %convert_element_type3A_379, %cond3A_380 : i32
      scf.if %cond3A_381 {
        %ge3A = arith.constant 1 : i32
        %ge3A_412 = arith.cmpi sge, %add3A_368, %ge3A : i32
        %convert_element_type3A_413 = arith.extui %ge3A_412 : i1 to i32
        %cond3A_414 = arith.constant 0 : i32
        %cond3A_415 = arith.cmpi ne, %convert_element_type3A_413, %cond3A_414 : i32
        scf.if %cond3A_415 {
          %dma_wait3A_427 = arith.constant 0 : i32
          %dma_wait3A_428 = arith.constant 0 : i32
          %dma_wait3A_429 = tpu.memref_slice %arg21[%dma_wait3A_427, %dma_wait3A_428] : memref<10000x128xf32, #tpu.memory_space<vmem_shared>> -> memref<10000x128xf32, #tpu.memory_space<vmem_shared>>
          tpu.wait_indirect_dma semaphore(%arg33 : memref<!tpu.dma_semaphore, #tpu.memory_space<semaphore_mem>>) src(%arg20 : memref<80x128xf32, #tpu.memory_space<vmem>>) dst(%dma_wait3A_429 : memref<10000x128xf32, #tpu.memory_space<vmem_shared>>)
          %add3A_430 = arith.constant 6 : i32
          %add3A_431 = arith.addi %add3A_368, %add3A_430 : i32
          %sub3A = arith.constant 1 : i32
          %sub3A_432 = arith.subi %add3A_431, %sub3A : i32
          %lt3A_433 = arith.constant 125 : i32
          %lt3A_434 = arith.cmpi slt, %sub3A_432, %lt3A_433 : i32
          %convert_element_type3A_435 = arith.extui %lt3A_434 : i1 to i32
          %cond3A_436 = arith.constant 0 : i32
          %cond3A_437 = arith.cmpi ne, %convert_element_type3A_435, %cond3A_436 : i32
          scf.if %cond3A_437 {
            %add3A_438 = arith.constant 6 : i32
            %add3A_439 = arith.addi %add3A_368, %add3A_438 : i32
            %sub3A_440 = arith.constant 1 : i32
            %sub3A_441 = arith.subi %add3A_439, %sub3A_440 : i32
            %mul3A_442 = arith.constant 80 : i32
            %mul3A_443 = arith.muli %sub3A_441, %mul3A_442 : i32
            %add3A_444 = arith.addi %mul3A_2, %mul3A_443 : i32
            %dma_start3A_445 = tpu.memref_slice %arg3[%add3A_444] : memref<320000xi32, #tpu.memory_space<hbm>> -> memref<80xi32, #tpu.memory_space<hbm>>
            %dma_start3A_446 = tpu.memref_slice %arg3[%add3A_444] : memref<320000xi32, #tpu.memory_space<hbm>> -> memref<80xi32, #tpu.memory_space<hbm>>
            tpu.enqueue_dma source(%dma_start3A_446 : memref<80xi32, #tpu.memory_space<hbm>>) target(%arg8 : memref<80xi32, #tpu.memory_space<vmem>>) target_semaphore(%arg24 : memref<!tpu.dma_semaphore, #tpu.memory_space<semaphore_mem>>)
            %add3A_447 = arith.constant 6 : i32
            %add3A_448 = arith.addi %add3A_368, %add3A_447 : i32
            %sub3A_449 = arith.constant 1 : i32
            %sub3A_450 = arith.subi %add3A_448, %sub3A_449 : i32
            %mul3A_451 = arith.constant 80 : i32
            %mul3A_452 = arith.muli %sub3A_450, %mul3A_451 : i32
            %add3A_453 = arith.addi %mul3A_2, %mul3A_452 : i32
            %dma_start3A_454 = tpu.memref_slice %arg4[%add3A_453] : memref<320000xi32, #tpu.memory_space<hbm>> -> memref<80xi32, #tpu.memory_space<hbm>>
            %dma_start3A_455 = tpu.memref_slice %arg4[%add3A_453] : memref<320000xi32, #tpu.memory_space<hbm>> -> memref<80xi32, #tpu.memory_space<hbm>>
            tpu.enqueue_dma source(%dma_start3A_455 : memref<80xi32, #tpu.memory_space<hbm>>) target(%arg14 : memref<80xi32, #tpu.memory_space<vmem>>) target_semaphore(%arg24 : memref<!tpu.dma_semaphore, #tpu.memory_space<semaphore_mem>>)
          } else {
          }
        } else {
        }
        %dma_wait3A_416 = arith.constant 0 : i32
        %dma_wait3A_417 = tpu.memref_slice %arg3[%dma_wait3A_416] : memref<320000xi32, #tpu.memory_space<hbm>> -> memref<80xi32, #tpu.memory_space<hbm>>
        %dma_wait3A_418 = arith.constant 0 : i32
        %dma_wait3A_419 = tpu.memref_slice %arg3[%dma_wait3A_418] : memref<320000xi32, #tpu.memory_space<hbm>> -> memref<80xi32, #tpu.memory_space<hbm>>
        tpu.wait_dma2 semaphore(%arg27 : memref<!tpu.dma_semaphore, #tpu.memory_space<semaphore_mem>>) src(%dma_wait3A_419 : memref<80xi32, #tpu.memory_space<hbm>>) dst(%arg11 : memref<80xi32, #tpu.memory_space<vmem>>)
        %dma_wait3A_420 = arith.constant 0 : i32
        %dma_wait3A_421 = tpu.memref_slice %arg4[%dma_wait3A_420] : memref<320000xi32, #tpu.memory_space<hbm>> -> memref<80xi32, #tpu.memory_space<hbm>>
        %dma_wait3A_422 = arith.constant 0 : i32
        %dma_wait3A_423 = tpu.memref_slice %arg4[%dma_wait3A_422] : memref<320000xi32, #tpu.memory_space<hbm>> -> memref<80xi32, #tpu.memory_space<hbm>>
        tpu.wait_dma2 semaphore(%arg27 : memref<!tpu.dma_semaphore, #tpu.memory_space<semaphore_mem>>) src(%dma_wait3A_423 : memref<80xi32, #tpu.memory_space<hbm>>) dst(%arg17 : memref<80xi32, #tpu.memory_space<vmem>>)
        %dma_start3A_424 = arith.constant 0 : i32
        %dma_start3A_425 = arith.constant 0 : i32
        %dma_start3A_426 = tpu.memref_slice %arg2[%dma_start3A_424, %dma_start3A_425] : memref<10000x128xf32, #tpu.memory_space<hbm>> -> memref<10000x128xf32, #tpu.memory_space<hbm>>
        tpu.enqueue_indirect_dma source(%dma_start3A_426 : memref<10000x128xf32, #tpu.memory_space<hbm>>) target(%arg20 : memref<80x128xf32, #tpu.memory_space<vmem>>) offsets(%arg11 : memref<80xi32, #tpu.memory_space<vmem>>) semaphore(%arg30 : memref<!tpu.dma_semaphore, #tpu.memory_space<semaphore_mem>>)
      } else {
      }
      %add3A_382 = arith.constant 4 : i32
      %add3A_383 = arith.addi %add3A_322, %add3A_382 : i32
      %dma_wait3A_384 = arith.constant 0 : i32
      %dma_wait3A_385 = arith.constant 0 : i32
      %dma_wait3A_386 = tpu.memref_slice %arg2[%dma_wait3A_384, %dma_wait3A_385] : memref<10000x128xf32, #tpu.memory_space<hbm>> -> memref<10000x128xf32, #tpu.memory_space<hbm>>
      tpu.wait_indirect_dma semaphore(%arg29 : memref<!tpu.dma_semaphore, #tpu.memory_space<semaphore_mem>>) src(%dma_wait3A_386 : memref<10000x128xf32, #tpu.memory_space<hbm>>) dst(%arg19 : memref<80x128xf32, #tpu.memory_space<vmem>>)
      %dma_start3A_387 = arith.constant 0 : i32
      %dma_start3A_388 = arith.constant 0 : i32
      %dma_start3A_389 = tpu.memref_slice %arg21[%dma_start3A_387, %dma_start3A_388] : memref<10000x128xf32, #tpu.memory_space<vmem_shared>> -> memref<10000x128xf32, #tpu.memory_space<vmem_shared>>
      tpu.enqueue_indirect_dma source(%arg19 : memref<80x128xf32, #tpu.memory_space<vmem>>) target(%dma_start3A_389 : memref<10000x128xf32, #tpu.memory_space<vmem_shared>>) offsets(%arg16 : memref<80xi32, #tpu.memory_space<vmem>>) semaphore(%arg32 : memref<!tpu.dma_semaphore, #tpu.memory_space<semaphore_mem>>) {add = true}
      %add3A_390 = arith.constant 2 : i32
      %add3A_391 = arith.addi %add3A_383, %add3A_390 : i32
      %lt3A_392 = arith.constant 125 : i32
      %lt3A_393 = arith.cmpi slt, %add3A_391, %lt3A_392 : i32
      %convert_element_type3A_394 = arith.extui %lt3A_393 : i1 to i32
      %cond3A_395 = arith.constant 0 : i32
      %cond3A_396 = arith.cmpi ne, %convert_element_type3A_394, %cond3A_395 : i32
      scf.if %cond3A_396 {
        %ge3A = arith.constant 1 : i32
        %ge3A_412 = arith.cmpi sge, %add3A_383, %ge3A : i32
        %convert_element_type3A_413 = arith.extui %ge3A_412 : i1 to i32
        %cond3A_414 = arith.constant 0 : i32
        %cond3A_415 = arith.cmpi ne, %convert_element_type3A_413, %cond3A_414 : i32
        scf.if %cond3A_415 {
          %dma_wait3A_427 = arith.constant 0 : i32
          %dma_wait3A_428 = arith.constant 0 : i32
          %dma_wait3A_429 = tpu.memref_slice %arg21[%dma_wait3A_427, %dma_wait3A_428] : memref<10000x128xf32, #tpu.memory_space<vmem_shared>> -> memref<10000x128xf32, #tpu.memory_space<vmem_shared>>
          tpu.wait_indirect_dma semaphore(%arg31 : memref<!tpu.dma_semaphore, #tpu.memory_space<semaphore_mem>>) src(%arg18 : memref<80x128xf32, #tpu.memory_space<vmem>>) dst(%dma_wait3A_429 : memref<10000x128xf32, #tpu.memory_space<vmem_shared>>)
          %add3A_430 = arith.constant 6 : i32
          %add3A_431 = arith.addi %add3A_383, %add3A_430 : i32
          %sub3A = arith.constant 1 : i32
          %sub3A_432 = arith.subi %add3A_431, %sub3A : i32
          %lt3A_433 = arith.constant 125 : i32
          %lt3A_434 = arith.cmpi slt, %sub3A_432, %lt3A_433 : i32
          %convert_element_type3A_435 = arith.extui %lt3A_434 : i1 to i32
          %cond3A_436 = arith.constant 0 : i32
          %cond3A_437 = arith.cmpi ne, %convert_element_type3A_435, %cond3A_436 : i32
          scf.if %cond3A_437 {
            %add3A_438 = arith.constant 6 : i32
            %add3A_439 = arith.addi %add3A_383, %add3A_438 : i32
            %sub3A_440 = arith.constant 1 : i32
            %sub3A_441 = arith.subi %add3A_439, %sub3A_440 : i32
            %mul3A_442 = arith.constant 80 : i32
            %mul3A_443 = arith.muli %sub3A_441, %mul3A_442 : i32
            %add3A_444 = arith.addi %mul3A_2, %mul3A_443 : i32
            %dma_start3A_445 = tpu.memref_slice %arg3[%add3A_444] : memref<320000xi32, #tpu.memory_space<hbm>> -> memref<80xi32, #tpu.memory_space<hbm>>
            %dma_start3A_446 = tpu.memref_slice %arg3[%add3A_444] : memref<320000xi32, #tpu.memory_space<hbm>> -> memref<80xi32, #tpu.memory_space<hbm>>
            tpu.enqueue_dma source(%dma_start3A_446 : memref<80xi32, #tpu.memory_space<hbm>>) target(%arg9 : memref<80xi32, #tpu.memory_space<vmem>>) target_semaphore(%arg25 : memref<!tpu.dma_semaphore, #tpu.memory_space<semaphore_mem>>)
            %add3A_447 = arith.constant 6 : i32
            %add3A_448 = arith.addi %add3A_383, %add3A_447 : i32
            %sub3A_449 = arith.constant 1 : i32
            %sub3A_450 = arith.subi %add3A_448, %sub3A_449 : i32
            %mul3A_451 = arith.constant 80 : i32
            %mul3A_452 = arith.muli %sub3A_450, %mul3A_451 : i32
            %add3A_453 = arith.addi %mul3A_2, %mul3A_452 : i32
            %dma_start3A_454 = tpu.memref_slice %arg4[%add3A_453] : memref<320000xi32, #tpu.memory_space<hbm>> -> memref<80xi32, #tpu.memory_space<hbm>>
            %dma_start3A_455 = tpu.memref_slice %arg4[%add3A_453] : memref<320000xi32, #tpu.memory_space<hbm>> -> memref<80xi32, #tpu.memory_space<hbm>>
            tpu.enqueue_dma source(%dma_start3A_455 : memref<80xi32, #tpu.memory_space<hbm>>) target(%arg15 : memref<80xi32, #tpu.memory_space<vmem>>) target_semaphore(%arg25 : memref<!tpu.dma_semaphore, #tpu.memory_space<semaphore_mem>>)
          } else {
          }
        } else {
        }
        %dma_wait3A_416 = arith.constant 0 : i32
        %dma_wait3A_417 = tpu.memref_slice %arg3[%dma_wait3A_416] : memref<320000xi32, #tpu.memory_space<hbm>> -> memref<80xi32, #tpu.memory_space<hbm>>
        %dma_wait3A_418 = arith.constant 0 : i32
        %dma_wait3A_419 = tpu.memref_slice %arg3[%dma_wait3A_418] : memref<320000xi32, #tpu.memory_space<hbm>> -> memref<80xi32, #tpu.memory_space<hbm>>
        tpu.wait_dma2 semaphore(%arg22 : memref<!tpu.dma_semaphore, #tpu.memory_space<semaphore_mem>>) src(%dma_wait3A_419 : memref<80xi32, #tpu.memory_space<hbm>>) dst(%arg6 : memref<80xi32, #tpu.memory_space<vmem>>)
        %dma_wait3A_420 = arith.constant 0 : i32
        %dma_wait3A_421 = tpu.memref_slice %arg4[%dma_wait3A_420] : memref<320000xi32, #tpu.memory_space<hbm>> -> memref<80xi32, #tpu.memory_space<hbm>>
        %dma_wait3A_422 = arith.constant 0 : i32
        %dma_wait3A_423 = tpu.memref_slice %arg4[%dma_wait3A_422] : memref<320000xi32, #tpu.memory_space<hbm>> -> memref<80xi32, #tpu.memory_space<hbm>>
        tpu.wait_dma2 semaphore(%arg22 : memref<!tpu.dma_semaphore, #tpu.memory_space<semaphore_mem>>) src(%dma_wait3A_423 : memref<80xi32, #tpu.memory_space<hbm>>) dst(%arg12 : memref<80xi32, #tpu.memory_space<vmem>>)
        %dma_start3A_424 = arith.constant 0 : i32
        %dma_start3A_425 = arith.constant 0 : i32
        %dma_start3A_426 = tpu.memref_slice %arg2[%dma_start3A_424, %dma_start3A_425] : memref<10000x128xf32, #tpu.memory_space<hbm>> -> memref<10000x128xf32, #tpu.memory_space<hbm>>
        tpu.enqueue_indirect_dma source(%dma_start3A_426 : memref<10000x128xf32, #tpu.memory_space<hbm>>) target(%arg18 : memref<80x128xf32, #tpu.memory_space<vmem>>) offsets(%arg6 : memref<80xi32, #tpu.memory_space<vmem>>) semaphore(%arg28 : memref<!tpu.dma_semaphore, #tpu.memory_space<semaphore_mem>>)
      } else {
      }
      %add3A_397 = arith.constant 5 : i32
      %add3A_398 = arith.addi %add3A_322, %add3A_397 : i32
      %dma_wait3A_399 = arith.constant 0 : i32
      %dma_wait3A_400 = arith.constant 0 : i32
      %dma_wait3A_401 = tpu.memref_slice %arg2[%dma_wait3A_399, %dma_wait3A_400] : memref<10000x128xf32, #tpu.memory_space<hbm>> -> memref<10000x128xf32, #tpu.memory_space<hbm>>
      tpu.wait_indirect_dma semaphore(%arg30 : memref<!tpu.dma_semaphore, #tpu.memory_space<semaphore_mem>>) src(%dma_wait3A_401 : memref<10000x128xf32, #tpu.memory_space<hbm>>) dst(%arg20 : memref<80x128xf32, #tpu.memory_space<vmem>>)
      %dma_start3A_402 = arith.constant 0 : i32
      %dma_start3A_403 = arith.constant 0 : i32
      %dma_start3A_404 = tpu.memref_slice %arg21[%dma_start3A_402, %dma_start3A_403] : memref<10000x128xf32, #tpu.memory_space<vmem_shared>> -> memref<10000x128xf32, #tpu.memory_space<vmem_shared>>
      tpu.enqueue_indirect_dma source(%arg20 : memref<80x128xf32, #tpu.memory_space<vmem>>) target(%dma_start3A_404 : memref<10000x128xf32, #tpu.memory_space<vmem_shared>>) offsets(%arg17 : memref<80xi32, #tpu.memory_space<vmem>>) semaphore(%arg33 : memref<!tpu.dma_semaphore, #tpu.memory_space<semaphore_mem>>) {add = true}
      %add3A_405 = arith.constant 2 : i32
      %add3A_406 = arith.addi %add3A_398, %add3A_405 : i32
      %lt3A_407 = arith.constant 125 : i32
      %lt3A_408 = arith.cmpi slt, %add3A_406, %lt3A_407 : i32
      %convert_element_type3A_409 = arith.extui %lt3A_408 : i1 to i32
      %cond3A_410 = arith.constant 0 : i32
      %cond3A_411 = arith.cmpi ne, %convert_element_type3A_409, %cond3A_410 : i32
      scf.if %cond3A_411 {
        %ge3A = arith.constant 1 : i32
        %ge3A_412 = arith.cmpi sge, %add3A_398, %ge3A : i32
        %convert_element_type3A_413 = arith.extui %ge3A_412 : i1 to i32
        %cond3A_414 = arith.constant 0 : i32
        %cond3A_415 = arith.cmpi ne, %convert_element_type3A_413, %cond3A_414 : i32
        scf.if %cond3A_415 {
          %dma_wait3A_427 = arith.constant 0 : i32
          %dma_wait3A_428 = arith.constant 0 : i32
          %dma_wait3A_429 = tpu.memref_slice %arg21[%dma_wait3A_427, %dma_wait3A_428] : memref<10000x128xf32, #tpu.memory_space<vmem_shared>> -> memref<10000x128xf32, #tpu.memory_space<vmem_shared>>
          tpu.wait_indirect_dma semaphore(%arg32 : memref<!tpu.dma_semaphore, #tpu.memory_space<semaphore_mem>>) src(%arg19 : memref<80x128xf32, #tpu.memory_space<vmem>>) dst(%dma_wait3A_429 : memref<10000x128xf32, #tpu.memory_space<vmem_shared>>)
          %add3A_430 = arith.constant 6 : i32
          %add3A_431 = arith.addi %add3A_398, %add3A_430 : i32
          %sub3A = arith.constant 1 : i32
          %sub3A_432 = arith.subi %add3A_431, %sub3A : i32
          %lt3A_433 = arith.constant 125 : i32
          %lt3A_434 = arith.cmpi slt, %sub3A_432, %lt3A_433 : i32
          %convert_element_type3A_435 = arith.extui %lt3A_434 : i1 to i32
          %cond3A_436 = arith.constant 0 : i32
          %cond3A_437 = arith.cmpi ne, %convert_element_type3A_435, %cond3A_436 : i32
          scf.if %cond3A_437 {
            %add3A_438 = arith.constant 6 : i32
            %add3A_439 = arith.addi %add3A_398, %add3A_438 : i32
            %sub3A_440 = arith.constant 1 : i32
            %sub3A_441 = arith.subi %add3A_439, %sub3A_440 : i32
            %mul3A_442 = arith.constant 80 : i32
            %mul3A_443 = arith.muli %sub3A_441, %mul3A_442 : i32
            %add3A_444 = arith.addi %mul3A_2, %mul3A_443 : i32
            %dma_start3A_445 = tpu.memref_slice %arg3[%add3A_444] : memref<320000xi32, #tpu.memory_space<hbm>> -> memref<80xi32, #tpu.memory_space<hbm>>
            %dma_start3A_446 = tpu.memref_slice %arg3[%add3A_444] : memref<320000xi32, #tpu.memory_space<hbm>> -> memref<80xi32, #tpu.memory_space<hbm>>
            tpu.enqueue_dma source(%dma_start3A_446 : memref<80xi32, #tpu.memory_space<hbm>>) target(%arg10 : memref<80xi32, #tpu.memory_space<vmem>>) target_semaphore(%arg26 : memref<!tpu.dma_semaphore, #tpu.memory_space<semaphore_mem>>)
            %add3A_447 = arith.constant 6 : i32
            %add3A_448 = arith.addi %add3A_398, %add3A_447 : i32
            %sub3A_449 = arith.constant 1 : i32
            %sub3A_450 = arith.subi %add3A_448, %sub3A_449 : i32
            %mul3A_451 = arith.constant 80 : i32
            %mul3A_452 = arith.muli %sub3A_450, %mul3A_451 : i32
            %add3A_453 = arith.addi %mul3A_2, %mul3A_452 : i32
            %dma_start3A_454 = tpu.memref_slice %arg4[%add3A_453] : memref<320000xi32, #tpu.memory_space<hbm>> -> memref<80xi32, #tpu.memory_space<hbm>>
            %dma_start3A_455 = tpu.memref_slice %arg4[%add3A_453] : memref<320000xi32, #tpu.memory_space<hbm>> -> memref<80xi32, #tpu.memory_space<hbm>>
            tpu.enqueue_dma source(%dma_start3A_455 : memref<80xi32, #tpu.memory_space<hbm>>) target(%arg16 : memref<80xi32, #tpu.memory_space<vmem>>) target_semaphore(%arg26 : memref<!tpu.dma_semaphore, #tpu.memory_space<semaphore_mem>>)
          } else {
          }
        } else {
        }
        %dma_wait3A_416 = arith.constant 0 : i32
        %dma_wait3A_417 = tpu.memref_slice %arg3[%dma_wait3A_416] : memref<320000xi32, #tpu.memory_space<hbm>> -> memref<80xi32, #tpu.memory_space<hbm>>
        %dma_wait3A_418 = arith.constant 0 : i32
        %dma_wait3A_419 = tpu.memref_slice %arg3[%dma_wait3A_418] : memref<320000xi32, #tpu.memory_space<hbm>> -> memref<80xi32, #tpu.memory_space<hbm>>
        tpu.wait_dma2 semaphore(%arg23 : memref<!tpu.dma_semaphore, #tpu.memory_space<semaphore_mem>>) src(%dma_wait3A_419 : memref<80xi32, #tpu.memory_space<hbm>>) dst(%arg7 : memref<80xi32, #tpu.memory_space<vmem>>)
        %dma_wait3A_420 = arith.constant 0 : i32
        %dma_wait3A_421 = tpu.memref_slice %arg4[%dma_wait3A_420] : memref<320000xi32, #tpu.memory_space<hbm>> -> memref<80xi32, #tpu.memory_space<hbm>>
        %dma_wait3A_422 = arith.constant 0 : i32
        %dma_wait3A_423 = tpu.memref_slice %arg4[%dma_wait3A_422] : memref<320000xi32, #tpu.memory_space<hbm>> -> memref<80xi32, #tpu.memory_space<hbm>>
        tpu.wait_dma2 semaphore(%arg23 : memref<!tpu.dma_semaphore, #tpu.memory_space<semaphore_mem>>) src(%dma_wait3A_423 : memref<80xi32, #tpu.memory_space<hbm>>) dst(%arg13 : memref<80xi32, #tpu.memory_space<vmem>>)
        %dma_start3A_424 = arith.constant 0 : i32
        %dma_start3A_425 = arith.constant 0 : i32
        %dma_start3A_426 = tpu.memref_slice %arg2[%dma_start3A_424, %dma_start3A_425] : memref<10000x128xf32, #tpu.memory_space<hbm>> -> memref<10000x128xf32, #tpu.memory_space<hbm>>
        tpu.enqueue_indirect_dma source(%dma_start3A_426 : memref<10000x128xf32, #tpu.memory_space<hbm>>) target(%arg19 : memref<80x128xf32, #tpu.memory_space<vmem>>) offsets(%arg7 : memref<80xi32, #tpu.memory_space<vmem>>) semaphore(%arg29 : memref<!tpu.dma_semaphore, #tpu.memory_space<semaphore_mem>>)
      } else {
      }
    }
    %scan3A_226 = arith.constant 20 : i32
    %dma_wait3A_227 = arith.constant 0 : i32
    %dma_wait3A_228 = arith.constant 0 : i32
    %dma_wait3A_229 = tpu.memref_slice %arg2[%dma_wait3A_227, %dma_wait3A_228] : memref<10000x128xf32, #tpu.memory_space<hbm>> -> memref<10000x128xf32, #tpu.memory_space<hbm>>
    tpu.wait_indirect_dma semaphore(%arg28 : memref<!tpu.dma_semaphore, #tpu.memory_space<semaphore_mem>>) src(%dma_wait3A_229 : memref<10000x128xf32, #tpu.memory_space<hbm>>) dst(%arg18 : memref<80x128xf32, #tpu.memory_space<vmem>>)
    %dma_start3A_230 = arith.constant 0 : i32
    %dma_start3A_231 = arith.constant 0 : i32
    %dma_start3A_232 = tpu.memref_slice %arg21[%dma_start3A_230, %dma_start3A_231] : memref<10000x128xf32, #tpu.memory_space<vmem_shared>> -> memref<10000x128xf32, #tpu.memory_space<vmem_shared>>
    tpu.enqueue_indirect_dma source(%arg18 : memref<80x128xf32, #tpu.memory_space<vmem>>) target(%dma_start3A_232 : memref<10000x128xf32, #tpu.memory_space<vmem_shared>>) offsets(%arg12 : memref<80xi32, #tpu.memory_space<vmem>>) semaphore(%arg31 : memref<!tpu.dma_semaphore, #tpu.memory_space<semaphore_mem>>) {add = true}
    %dma_wait3A_233 = arith.constant 0 : i32
    %dma_wait3A_234 = arith.constant 0 : i32
    %dma_wait3A_235 = tpu.memref_slice %arg21[%dma_wait3A_233, %dma_wait3A_234] : memref<10000x128xf32, #tpu.memory_space<vmem_shared>> -> memref<10000x128xf32, #tpu.memory_space<vmem_shared>>
    tpu.wait_indirect_dma semaphore(%arg33 : memref<!tpu.dma_semaphore, #tpu.memory_space<semaphore_mem>>) src(%arg20 : memref<80x128xf32, #tpu.memory_space<vmem>>) dst(%dma_wait3A_235 : memref<10000x128xf32, #tpu.memory_space<vmem_shared>>)
    %dma_wait3A_236 = arith.constant 0 : i32
    %dma_wait3A_237 = tpu.memref_slice %arg3[%dma_wait3A_236] : memref<320000xi32, #tpu.memory_space<hbm>> -> memref<80xi32, #tpu.memory_space<hbm>>
    %dma_wait3A_238 = arith.constant 0 : i32
    %dma_wait3A_239 = tpu.memref_slice %arg3[%dma_wait3A_238] : memref<320000xi32, #tpu.memory_space<hbm>> -> memref<80xi32, #tpu.memory_space<hbm>>
    tpu.wait_dma2 semaphore(%arg24 : memref<!tpu.dma_semaphore, #tpu.memory_space<semaphore_mem>>) src(%dma_wait3A_239 : memref<80xi32, #tpu.memory_space<hbm>>) dst(%arg8 : memref<80xi32, #tpu.memory_space<vmem>>)
    %dma_wait3A_240 = arith.constant 0 : i32
    %dma_wait3A_241 = tpu.memref_slice %arg4[%dma_wait3A_240] : memref<320000xi32, #tpu.memory_space<hbm>> -> memref<80xi32, #tpu.memory_space<hbm>>
    %dma_wait3A_242 = arith.constant 0 : i32
    %dma_wait3A_243 = tpu.memref_slice %arg4[%dma_wait3A_242] : memref<320000xi32, #tpu.memory_space<hbm>> -> memref<80xi32, #tpu.memory_space<hbm>>
    tpu.wait_dma2 semaphore(%arg24 : memref<!tpu.dma_semaphore, #tpu.memory_space<semaphore_mem>>) src(%dma_wait3A_243 : memref<80xi32, #tpu.memory_space<hbm>>) dst(%arg14 : memref<80xi32, #tpu.memory_space<vmem>>)
    %dma_start3A_244 = arith.constant 0 : i32
    %dma_start3A_245 = arith.constant 0 : i32
    %dma_start3A_246 = tpu.memref_slice %arg2[%dma_start3A_244, %dma_start3A_245] : memref<10000x128xf32, #tpu.memory_space<hbm>> -> memref<10000x128xf32, #tpu.memory_space<hbm>>
    tpu.enqueue_indirect_dma source(%dma_start3A_246 : memref<10000x128xf32, #tpu.memory_space<hbm>>) target(%arg20 : memref<80x128xf32, #tpu.memory_space<vmem>>) offsets(%arg8 : memref<80xi32, #tpu.memory_space<vmem>>) semaphore(%arg30 : memref<!tpu.dma_semaphore, #tpu.memory_space<semaphore_mem>>)
    %dma_wait3A_247 = arith.constant 0 : i32
    %dma_wait3A_248 = arith.constant 0 : i32
    %dma_wait3A_249 = tpu.memref_slice %arg2[%dma_wait3A_247, %dma_wait3A_248] : memref<10000x128xf32, #tpu.memory_space<hbm>> -> memref<10000x128xf32, #tpu.memory_space<hbm>>
    tpu.wait_indirect_dma semaphore(%arg29 : memref<!tpu.dma_semaphore, #tpu.memory_space<semaphore_mem>>) src(%dma_wait3A_249 : memref<10000x128xf32, #tpu.memory_space<hbm>>) dst(%arg19 : memref<80x128xf32, #tpu.memory_space<vmem>>)
    %dma_start3A_250 = arith.constant 0 : i32
    %dma_start3A_251 = arith.constant 0 : i32
    %dma_start3A_252 = tpu.memref_slice %arg21[%dma_start3A_250, %dma_start3A_251] : memref<10000x128xf32, #tpu.memory_space<vmem_shared>> -> memref<10000x128xf32, #tpu.memory_space<vmem_shared>>
    tpu.enqueue_indirect_dma source(%arg19 : memref<80x128xf32, #tpu.memory_space<vmem>>) target(%dma_start3A_252 : memref<10000x128xf32, #tpu.memory_space<vmem_shared>>) offsets(%arg13 : memref<80xi32, #tpu.memory_space<vmem>>) semaphore(%arg32 : memref<!tpu.dma_semaphore, #tpu.memory_space<semaphore_mem>>) {add = true}
    %dma_wait3A_253 = arith.constant 0 : i32
    %dma_wait3A_254 = arith.constant 0 : i32
    %dma_wait3A_255 = tpu.memref_slice %arg21[%dma_wait3A_253, %dma_wait3A_254] : memref<10000x128xf32, #tpu.memory_space<vmem_shared>> -> memref<10000x128xf32, #tpu.memory_space<vmem_shared>>
    tpu.wait_indirect_dma semaphore(%arg31 : memref<!tpu.dma_semaphore, #tpu.memory_space<semaphore_mem>>) src(%arg18 : memref<80x128xf32, #tpu.memory_space<vmem>>) dst(%dma_wait3A_255 : memref<10000x128xf32, #tpu.memory_space<vmem_shared>>)
    %dma_wait3A_256 = arith.constant 0 : i32
    %dma_wait3A_257 = tpu.memref_slice %arg3[%dma_wait3A_256] : memref<320000xi32, #tpu.memory_space<hbm>> -> memref<80xi32, #tpu.memory_space<hbm>>
    %dma_wait3A_258 = arith.constant 0 : i32
    %dma_wait3A_259 = tpu.memref_slice %arg3[%dma_wait3A_258] : memref<320000xi32, #tpu.memory_space<hbm>> -> memref<80xi32, #tpu.memory_space<hbm>>
    tpu.wait_dma2 semaphore(%arg25 : memref<!tpu.dma_semaphore, #tpu.memory_space<semaphore_mem>>) src(%dma_wait3A_259 : memref<80xi32, #tpu.memory_space<hbm>>) dst(%arg9 : memref<80xi32, #tpu.memory_space<vmem>>)
    %dma_wait3A_260 = arith.constant 0 : i32
    %dma_wait3A_261 = tpu.memref_slice %arg4[%dma_wait3A_260] : memref<320000xi32, #tpu.memory_space<hbm>> -> memref<80xi32, #tpu.memory_space<hbm>>
    %dma_wait3A_262 = arith.constant 0 : i32
    %dma_wait3A_263 = tpu.memref_slice %arg4[%dma_wait3A_262] : memref<320000xi32, #tpu.memory_space<hbm>> -> memref<80xi32, #tpu.memory_space<hbm>>
    tpu.wait_dma2 semaphore(%arg25 : memref<!tpu.dma_semaphore, #tpu.memory_space<semaphore_mem>>) src(%dma_wait3A_263 : memref<80xi32, #tpu.memory_space<hbm>>) dst(%arg15 : memref<80xi32, #tpu.memory_space<vmem>>)
    %dma_start3A_264 = arith.constant 0 : i32
    %dma_start3A_265 = arith.constant 0 : i32
    %dma_start3A_266 = tpu.memref_slice %arg2[%dma_start3A_264, %dma_start3A_265] : memref<10000x128xf32, #tpu.memory_space<hbm>> -> memref<10000x128xf32, #tpu.memory_space<hbm>>
    tpu.enqueue_indirect_dma source(%dma_start3A_266 : memref<10000x128xf32, #tpu.memory_space<hbm>>) target(%arg18 : memref<80x128xf32, #tpu.memory_space<vmem>>) offsets(%arg9 : memref<80xi32, #tpu.memory_space<vmem>>) semaphore(%arg28 : memref<!tpu.dma_semaphore, #tpu.memory_space<semaphore_mem>>)
    %dma_wait3A_267 = arith.constant 0 : i32
    %dma_wait3A_268 = arith.constant 0 : i32
    %dma_wait3A_269 = tpu.memref_slice %arg2[%dma_wait3A_267, %dma_wait3A_268] : memref<10000x128xf32, #tpu.memory_space<hbm>> -> memref<10000x128xf32, #tpu.memory_space<hbm>>
    tpu.wait_indirect_dma semaphore(%arg30 : memref<!tpu.dma_semaphore, #tpu.memory_space<semaphore_mem>>) src(%dma_wait3A_269 : memref<10000x128xf32, #tpu.memory_space<hbm>>) dst(%arg20 : memref<80x128xf32, #tpu.memory_space<vmem>>)
    %dma_start3A_270 = arith.constant 0 : i32
    %dma_start3A_271 = arith.constant 0 : i32
    %dma_start3A_272 = tpu.memref_slice %arg21[%dma_start3A_270, %dma_start3A_271] : memref<10000x128xf32, #tpu.memory_space<vmem_shared>> -> memref<10000x128xf32, #tpu.memory_space<vmem_shared>>
    tpu.enqueue_indirect_dma source(%arg20 : memref<80x128xf32, #tpu.memory_space<vmem>>) target(%dma_start3A_272 : memref<10000x128xf32, #tpu.memory_space<vmem_shared>>) offsets(%arg14 : memref<80xi32, #tpu.memory_space<vmem>>) semaphore(%arg33 : memref<!tpu.dma_semaphore, #tpu.memory_space<semaphore_mem>>) {add = true}
    %dma_wait3A_273 = arith.constant 0 : i32
    %dma_wait3A_274 = arith.constant 0 : i32
    %dma_wait3A_275 = tpu.memref_slice %arg21[%dma_wait3A_273, %dma_wait3A_274] : memref<10000x128xf32, #tpu.memory_space<vmem_shared>> -> memref<10000x128xf32, #tpu.memory_space<vmem_shared>>
    tpu.wait_indirect_dma semaphore(%arg32 : memref<!tpu.dma_semaphore, #tpu.memory_space<semaphore_mem>>) src(%arg19 : memref<80x128xf32, #tpu.memory_space<vmem>>) dst(%dma_wait3A_275 : memref<10000x128xf32, #tpu.memory_space<vmem_shared>>)
    %dma_wait3A_276 = arith.constant 0 : i32
    %dma_wait3A_277 = tpu.memref_slice %arg3[%dma_wait3A_276] : memref<320000xi32, #tpu.memory_space<hbm>> -> memref<80xi32, #tpu.memory_space<hbm>>
    %dma_wait3A_278 = arith.constant 0 : i32
    %dma_wait3A_279 = tpu.memref_slice %arg3[%dma_wait3A_278] : memref<320000xi32, #tpu.memory_space<hbm>> -> memref<80xi32, #tpu.memory_space<hbm>>
    tpu.wait_dma2 semaphore(%arg26 : memref<!tpu.dma_semaphore, #tpu.memory_space<semaphore_mem>>) src(%dma_wait3A_279 : memref<80xi32, #tpu.memory_space<hbm>>) dst(%arg10 : memref<80xi32, #tpu.memory_space<vmem>>)
    %dma_wait3A_280 = arith.constant 0 : i32
    %dma_wait3A_281 = tpu.memref_slice %arg4[%dma_wait3A_280] : memref<320000xi32, #tpu.memory_space<hbm>> -> memref<80xi32, #tpu.memory_space<hbm>>
    %dma_wait3A_282 = arith.constant 0 : i32
    %dma_wait3A_283 = tpu.memref_slice %arg4[%dma_wait3A_282] : memref<320000xi32, #tpu.memory_space<hbm>> -> memref<80xi32, #tpu.memory_space<hbm>>
    tpu.wait_dma2 semaphore(%arg26 : memref<!tpu.dma_semaphore, #tpu.memory_space<semaphore_mem>>) src(%dma_wait3A_283 : memref<80xi32, #tpu.memory_space<hbm>>) dst(%arg16 : memref<80xi32, #tpu.memory_space<vmem>>)
    %dma_start3A_284 = arith.constant 0 : i32
    %dma_start3A_285 = arith.constant 0 : i32
    %dma_start3A_286 = tpu.memref_slice %arg2[%dma_start3A_284, %dma_start3A_285] : memref<10000x128xf32, #tpu.memory_space<hbm>> -> memref<10000x128xf32, #tpu.memory_space<hbm>>
    tpu.enqueue_indirect_dma source(%dma_start3A_286 : memref<10000x128xf32, #tpu.memory_space<hbm>>) target(%arg19 : memref<80x128xf32, #tpu.memory_space<vmem>>) offsets(%arg10 : memref<80xi32, #tpu.memory_space<vmem>>) semaphore(%arg29 : memref<!tpu.dma_semaphore, #tpu.memory_space<semaphore_mem>>)
    %dma_wait3A_287 = arith.constant 0 : i32
    %dma_wait3A_288 = arith.constant 0 : i32
    %dma_wait3A_289 = tpu.memref_slice %arg2[%dma_wait3A_287, %dma_wait3A_288] : memref<10000x128xf32, #tpu.memory_space<hbm>> -> memref<10000x128xf32, #tpu.memory_space<hbm>>
    tpu.wait_indirect_dma semaphore(%arg28 : memref<!tpu.dma_semaphore, #tpu.memory_space<semaphore_mem>>) src(%dma_wait3A_289 : memref<10000x128xf32, #tpu.memory_space<hbm>>) dst(%arg18 : memref<80x128xf32, #tpu.memory_space<vmem>>)
    %dma_start3A_290 = arith.constant 0 : i32
    %dma_start3A_291 = arith.constant 0 : i32
    %dma_start3A_292 = tpu.memref_slice %arg21[%dma_start3A_290, %dma_start3A_291] : memref<10000x128xf32, #tpu.memory_space<vmem_shared>> -> memref<10000x128xf32, #tpu.memory_space<vmem_shared>>
    tpu.enqueue_indirect_dma source(%arg18 : memref<80x128xf32, #tpu.memory_space<vmem>>) target(%dma_start3A_292 : memref<10000x128xf32, #tpu.memory_space<vmem_shared>>) offsets(%arg15 : memref<80xi32, #tpu.memory_space<vmem>>) semaphore(%arg31 : memref<!tpu.dma_semaphore, #tpu.memory_space<semaphore_mem>>) {add = true}
    %dma_wait3A_293 = arith.constant 0 : i32
    %dma_wait3A_294 = arith.constant 0 : i32
    %dma_wait3A_295 = tpu.memref_slice %arg2[%dma_wait3A_293, %dma_wait3A_294] : memref<10000x128xf32, #tpu.memory_space<hbm>> -> memref<10000x128xf32, #tpu.memory_space<hbm>>
    tpu.wait_indirect_dma semaphore(%arg29 : memref<!tpu.dma_semaphore, #tpu.memory_space<semaphore_mem>>) src(%dma_wait3A_295 : memref<10000x128xf32, #tpu.memory_space<hbm>>) dst(%arg19 : memref<80x128xf32, #tpu.memory_space<vmem>>)
    %dma_start3A_296 = arith.constant 0 : i32
    %dma_start3A_297 = arith.constant 0 : i32
    %dma_start3A_298 = tpu.memref_slice %arg21[%dma_start3A_296, %dma_start3A_297] : memref<10000x128xf32, #tpu.memory_space<vmem_shared>> -> memref<10000x128xf32, #tpu.memory_space<vmem_shared>>
    tpu.enqueue_indirect_dma source(%arg19 : memref<80x128xf32, #tpu.memory_space<vmem>>) target(%dma_start3A_298 : memref<10000x128xf32, #tpu.memory_space<vmem_shared>>) offsets(%arg16 : memref<80xi32, #tpu.memory_space<vmem>>) semaphore(%arg32 : memref<!tpu.dma_semaphore, #tpu.memory_space<semaphore_mem>>) {add = true}
    %dma_wait3A_299 = arith.constant 0 : i32
    %dma_wait3A_300 = arith.constant 0 : i32
    %dma_wait3A_301 = tpu.memref_slice %arg21[%dma_wait3A_299, %dma_wait3A_300] : memref<10000x128xf32, #tpu.memory_space<vmem_shared>> -> memref<10000x128xf32, #tpu.memory_space<vmem_shared>>
    tpu.wait_indirect_dma semaphore(%arg33 : memref<!tpu.dma_semaphore, #tpu.memory_space<semaphore_mem>>) src(%arg20 : memref<80x128xf32, #tpu.memory_space<vmem>>) dst(%dma_wait3A_301 : memref<10000x128xf32, #tpu.memory_space<vmem_shared>>)
    %dma_wait3A_302 = arith.constant 0 : i32
    %dma_wait3A_303 = arith.constant 0 : i32
    %dma_wait3A_304 = tpu.memref_slice %arg21[%dma_wait3A_302, %dma_wait3A_303] : memref<10000x128xf32, #tpu.memory_space<vmem_shared>> -> memref<10000x128xf32, #tpu.memory_space<vmem_shared>>
    tpu.wait_indirect_dma semaphore(%arg31 : memref<!tpu.dma_semaphore, #tpu.memory_space<semaphore_mem>>) src(%arg18 : memref<80x128xf32, #tpu.memory_space<vmem>>) dst(%dma_wait3A_304 : memref<10000x128xf32, #tpu.memory_space<vmem_shared>>)
    %dma_wait3A_305 = arith.constant 0 : i32
    %dma_wait3A_306 = arith.constant 0 : i32
    %dma_wait3A_307 = tpu.memref_slice %arg21[%dma_wait3A_305, %dma_wait3A_306] : memref<10000x128xf32, #tpu.memory_space<vmem_shared>> -> memref<10000x128xf32, #tpu.memory_space<vmem_shared>>
    tpu.wait_indirect_dma semaphore(%arg32 : memref<!tpu.dma_semaphore, #tpu.memory_space<semaphore_mem>>) src(%arg19 : memref<80x128xf32, #tpu.memory_space<vmem>>) dst(%dma_wait3A_307 : memref<10000x128xf32, #tpu.memory_space<vmem_shared>>)
    %barrier3A_308 = arith.constant 0 : index
    tpu.barrier barrier_id(%barrier3A_308)
    %mul3A_309 = arith.constant 624 : i32
    %mul3A_310 = arith.muli %arg1, %mul3A_309 : i32
    %mul3A_311 = arith.constant 624 : i32
    %mul3A_312 = arith.muli %arg1, %mul3A_311 : i32
    "tpu.region"() ({
      %run_scoped3A = tpu.sem_alloc : memref<!tpu.dma_semaphore, #tpu.memory_space<semaphore_mem>>
      %dma_start3A_318 = arith.constant 0 : i32
      %dma_start3A_319 = tpu.memref_slice %arg5[%arg0, %mul3A_312, %dma_start3A_318] : memref<2x10000x128xf32, #tpu.memory_space<hbm>> -> memref<1x624x128xf32, #tpu.memory_space<hbm>>
      %dma_start3A_320 = tpu.memref_squeeze %dma_start3A_319 : memref<1x624x128xf32, #tpu.memory_space<hbm>> -> memref<624x128xf32, #tpu.memory_space<hbm>>
      %dma_start3A_321 = arith.constant 0 : i32
      %dma_start3A_322 = tpu.memref_slice %arg21[%mul3A_310, %dma_start3A_321] : memref<10000x128xf32, #tpu.memory_space<vmem_shared>> -> memref<624x128xf32, #tpu.memory_space<vmem_shared>>
      tpu.enqueue_dma source(%dma_start3A_322 : memref<624x128xf32, #tpu.memory_space<vmem_shared>>) target(%dma_start3A_320 : memref<624x128xf32, #tpu.memory_space<hbm>>) target_semaphore(%run_scoped3A : memref<!tpu.dma_semaphore, #tpu.memory_space<semaphore_mem>>)
      %dma_wait3A_323 = arith.constant 0 : i32
      %dma_wait3A_324 = tpu.memref_slice %arg5[%arg0, %mul3A_312, %dma_wait3A_323] : memref<2x10000x128xf32, #tpu.memory_space<hbm>> -> memref<1x624x128xf32, #tpu.memory_space<hbm>>
      %dma_wait3A_325 = tpu.memref_squeeze %dma_wait3A_324 : memref<1x624x128xf32, #tpu.memory_space<hbm>> -> memref<624x128xf32, #tpu.memory_space<hbm>>
      %dma_wait3A_326 = arith.constant 0 : i32
      %dma_wait3A_327 = tpu.memref_slice %arg21[%mul3A_310, %dma_wait3A_326] : memref<10000x128xf32, #tpu.memory_space<vmem_shared>> -> memref<624x128xf32, #tpu.memory_space<vmem_shared>>
      tpu.wait_dma2 semaphore(%run_scoped3A : memref<!tpu.dma_semaphore, #tpu.memory_space<semaphore_mem>>) src(%dma_wait3A_327 : memref<624x128xf32, #tpu.memory_space<vmem_shared>>) dst(%dma_wait3A_325 : memref<624x128xf32, #tpu.memory_space<hbm>>)
      tpu.yield
    }) : () -> ()
    %eq3A_313 = arith.constant 0 : i32
    %eq3A_314 = arith.cmpi eq, %arg1, %eq3A_313 : i32
    %convert_element_type3A_315 = arith.extui %eq3A_314 : i1 to i32
    %cond3A_316 = arith.constant 0 : i32
    %cond3A_317 = arith.cmpi ne, %convert_element_type3A_315, %cond3A_316 : i32
    scf.if %cond3A_317 {
      "tpu.region"() ({
        %run_scoped3A = tpu.sem_alloc : memref<!tpu.dma_semaphore, #tpu.memory_space<semaphore_mem>>
        %dma_start3A_318 = arith.constant 9984 : i32
        %dma_start3A_319 = arith.constant 0 : i32
        %dma_start3A_320 = tpu.memref_slice %arg5[%arg0, %dma_start3A_318, %dma_start3A_319] : memref<2x10000x128xf32, #tpu.memory_space<hbm>> -> memref<1x16x128xf32, #tpu.memory_space<hbm>>
        %dma_start3A_321 = tpu.memref_squeeze %dma_start3A_320 : memref<1x16x128xf32, #tpu.memory_space<hbm>> -> memref<16x128xf32, #tpu.memory_space<hbm>>
        %dma_start3A_322 = arith.constant 9984 : i32
        %dma_start3A_323 = arith.constant 0 : i32
        %dma_start3A_324 = tpu.memref_slice %arg21[%dma_start3A_322, %dma_start3A_323] : memref<10000x128xf32, #tpu.memory_space<vmem_shared>> -> memref<16x128xf32, #tpu.memory_space<vmem_shared>>
        tpu.enqueue_dma source(%dma_start3A_324 : memref<16x128xf32, #tpu.memory_space<vmem_shared>>) target(%dma_start3A_321 : memref<16x128xf32, #tpu.memory_space<hbm>>) target_semaphore(%run_scoped3A : memref<!tpu.dma_semaphore, #tpu.memory_space<semaphore_mem>>)
        %dma_wait3A_325 = arith.constant 9984 : i32
        %dma_wait3A_326 = arith.constant 0 : i32
        %dma_wait3A_327 = tpu.memref_slice %arg5[%arg0, %dma_wait3A_325, %dma_wait3A_326] : memref<2x10000x128xf32, #tpu.memory_space<hbm>> -> memref<1x16x128xf32, #tpu.memory_space<hbm>>
        %dma_wait3A_328 = tpu.memref_squeeze %dma_wait3A_327 : memref<1x16x128xf32, #tpu.memory_space<hbm>> -> memref<16x128xf32, #tpu.memory_space<hbm>>
        %dma_wait3A_329 = arith.constant 9984 : i32
        %dma_wait3A_330 = arith.constant 0 : i32
        %dma_wait3A_331 = tpu.memref_slice %arg21[%dma_wait3A_329, %dma_wait3A_330] : memref<10000x128xf32, #tpu.memory_space<vmem_shared>> -> memref<16x128xf32, #tpu.memory_space<vmem_shared>>
        tpu.wait_dma2 semaphore(%run_scoped3A : memref<!tpu.dma_semaphore, #tpu.memory_space<semaphore_mem>>) src(%dma_wait3A_331 : memref<16x128xf32, #tpu.memory_space<vmem_shared>>) dst(%dma_wait3A_328 : memref<16x128xf32, #tpu.memory_space<hbm>>)
        tpu.yield
      }) : () -> ()
    } else {
    }
    return
  }
}

#map = affine_map<(d0, d1) -> (0, 0)>
#map1 = affine_map<(d0, d1) -> (0)>
#map2 = affine_map<(d0, d1) -> (0, 0, 0)>
module attributes {stable_mosaic.version = 14 : i64} {
  func.func @_edge_scatter(%arg0: i32, %arg1: i32, %arg2: memref<10000x128xf32, #tpu.memory_space<hbm>>, %arg3: memref<320000xi32, #tpu.memory_space<hbm>>, %arg4: memref<320000xi32, #tpu.memory_space<hbm>>, %arg5: memref<2x10000x128xf32, #tpu.memory_space<hbm>>, %arg6: memref<80xi32, #tpu.memory_space<vmem>>, %arg7: memref<80xi32, #tpu.memory_space<vmem>>, %arg8: memref<80xi32, #tpu.memory_space<vmem>>, %arg9: memref<80xi32, #tpu.memory_space<vmem>>, %arg10: memref<80xi32, #tpu.memory_space<vmem>>, %arg11: memref<80xi32, #tpu.memory_space<vmem>>, %arg12: memref<80xi32, #tpu.memory_space<vmem>>, %arg13: memref<80xi32, #tpu.memory_space<vmem>>, %arg14: memref<80xi32, #tpu.memory_space<vmem>>, %arg15: memref<80xi32, #tpu.memory_space<vmem>>, %arg16: memref<80xi32, #tpu.memory_space<vmem>>, %arg17: memref<80xi32, #tpu.memory_space<vmem>>, %arg18: memref<80x128xf32, #tpu.memory_space<vmem>>, %arg19: memref<80x128xf32, #tpu.memory_space<vmem>>, %arg20: memref<80x128xf32, #tpu.memory_space<vmem>>, %arg21: memref<10000x128xf32, #tpu.memory_space<vmem_shared>>, %arg22: memref<!tpu.dma_semaphore, #tpu.memory_space<semaphore_mem>>, %arg23: memref<!tpu.dma_semaphore, #tpu.memory_space<semaphore_mem>>, %arg24: memref<!tpu.dma_semaphore, #tpu.memory_space<semaphore_mem>>, %arg25: memref<!tpu.dma_semaphore, #tpu.memory_space<semaphore_mem>>, %arg26: memref<!tpu.dma_semaphore, #tpu.memory_space<semaphore_mem>>, %arg27: memref<!tpu.dma_semaphore, #tpu.memory_space<semaphore_mem>>, %arg28: memref<!tpu.dma_semaphore, #tpu.memory_space<semaphore_mem>>, %arg29: memref<!tpu.dma_semaphore, #tpu.memory_space<semaphore_mem>>, %arg30: memref<!tpu.dma_semaphore, #tpu.memory_space<semaphore_mem>>, %arg31: memref<!tpu.dma_semaphore, #tpu.memory_space<semaphore_mem>>, %arg32: memref<!tpu.dma_semaphore, #tpu.memory_space<semaphore_mem>>, %arg33: memref<!tpu.dma_semaphore, #tpu.memory_space<semaphore_mem>>) attributes {dimension_semantics = [#tpu.dimension_semantics<core_parallel>, #tpu.dimension_semantics<subcore_parallel>], iteration_bounds = array<i64: 2, 16>, scalar_prefetch = 0 : i64, scratch_operands = 28 : i64, tpu.core_type = #tpu.core_type<sc_vector_subcore>, window_params = [{transform_indices = #map}, {transform_indices = #map1}, {transform_indices = #map1}, {transform_indices = #map2}]} {
    %mul3A = arith.constant 16 : i32
    %mul3A_0 = arith.muli %arg0, %mul3A : i32
    %add3A = arith.addi %mul3A_0, %arg1 : i32
    %mul3A_1 = arith.constant 10000 : i32
    %mul3A_2 = arith.muli %add3A, %mul3A_1 : i32
    %add3A_3 = arith.constant 0 : i32
    %add3A_4 = arith.addi %mul3A_2, %add3A_3 : i32
    %dma_start3A = tpu.memref_slice %arg3[%add3A_4] : memref<320000xi32, #tpu.memory_space<hbm>> -> memref<80xi32, #tpu.memory_space<hbm>>
    %dma_start3A_5 = tpu.memref_slice %arg3[%add3A_4] : memref<320000xi32, #tpu.memory_space<hbm>> -> memref<80xi32, #tpu.memory_space<hbm>>
    tpu.enqueue_dma source(%dma_start3A_5 : memref<80xi32, #tpu.memory_space<hbm>>) target(%arg6 : memref<80xi32, #tpu.memory_space<vmem>>) target_semaphore(%arg22 : memref<!tpu.dma_semaphore, #tpu.memory_space<semaphore_mem>>)
    %add3A_6 = arith.constant 0 : i32
    %add3A_7 = arith.addi %mul3A_2, %add3A_6 : i32
    %dma_start3A_8 = tpu.memref_slice %arg4[%add3A_7] : memref<320000xi32, #tpu.memory_space<hbm>> -> memref<80xi32, #tpu.memory_space<hbm>>
    %dma_start3A_9 = tpu.memref_slice %arg4[%add3A_7] : memref<320000xi32, #tpu.memory_space<hbm>> -> memref<80xi32, #tpu.memory_space<hbm>>
    tpu.enqueue_dma source(%dma_start3A_9 : memref<80xi32, #tpu.memory_space<hbm>>) target(%arg12 : memref<80xi32, #tpu.memory_space<vmem>>) target_semaphore(%arg22 : memref<!tpu.dma_semaphore, #tpu.memory_space<semaphore_mem>>)
    %add3A_10 = arith.constant 80 : i32
    %add3A_11 = arith.addi %mul3A_2, %add3A_10 : i32
    %dma_start3A_12 = tpu.memref_slice %arg3[%add3A_11] : memref<320000xi32, #tpu.memory_space<hbm>> -> memref<80xi32, #tpu.memory_space<hbm>>
    %dma_start3A_13 = tpu.memref_slice %arg3[%add3A_11] : memref<320000xi32, #tpu.memory_space<hbm>> -> memref<80xi32, #tpu.memory_space<hbm>>
    tpu.enqueue_dma source(%dma_start3A_13 : memref<80xi32, #tpu.memory_space<hbm>>) target(%arg7 : memref<80xi32, #tpu.memory_space<vmem>>) target_semaphore(%arg23 : memref<!tpu.dma_semaphore, #tpu.memory_space<semaphore_mem>>)
    %add3A_14 = arith.constant 80 : i32
    %add3A_15 = arith.addi %mul3A_2, %add3A_14 : i32
    %dma_start3A_16 = tpu.memref_slice %arg4[%add3A_15] : memref<320000xi32, #tpu.memory_space<hbm>> -> memref<80xi32, #tpu.memory_space<hbm>>
    %dma_start3A_17 = tpu.memref_slice %arg4[%add3A_15] : memref<320000xi32, #tpu.memory_space<hbm>> -> memref<80xi32, #tpu.memory_space<hbm>>
    tpu.enqueue_dma source(%dma_start3A_17 : memref<80xi32, #tpu.memory_space<hbm>>) target(%arg13 : memref<80xi32, #tpu.memory_space<vmem>>) target_semaphore(%arg23 : memref<!tpu.dma_semaphore, #tpu.memory_space<semaphore_mem>>)
    %add3A_18 = arith.constant 160 : i32
    %add3A_19 = arith.addi %mul3A_2, %add3A_18 : i32
    %dma_start3A_20 = tpu.memref_slice %arg3[%add3A_19] : memref<320000xi32, #tpu.memory_space<hbm>> -> memref<80xi32, #tpu.memory_space<hbm>>
    %dma_start3A_21 = tpu.memref_slice %arg3[%add3A_19] : memref<320000xi32, #tpu.memory_space<hbm>> -> memref<80xi32, #tpu.memory_space<hbm>>
    tpu.enqueue_dma source(%dma_start3A_21 : memref<80xi32, #tpu.memory_space<hbm>>) target(%arg8 : memref<80xi32, #tpu.memory_space<vmem>>) target_semaphore(%arg24 : memref<!tpu.dma_semaphore, #tpu.memory_space<semaphore_mem>>)
    %add3A_22 = arith.constant 160 : i32
    %add3A_23 = arith.addi %mul3A_2, %add3A_22 : i32
    %dma_start3A_24 = tpu.memref_slice %arg4[%add3A_23] : memref<320000xi32, #tpu.memory_space<hbm>> -> memref<80xi32, #tpu.memory_space<hbm>>
    %dma_start3A_25 = tpu.memref_slice %arg4[%add3A_23] : memref<320000xi32, #tpu.memory_space<hbm>> -> memref<80xi32, #tpu.memory_space<hbm>>
    tpu.enqueue_dma source(%dma_start3A_25 : memref<80xi32, #tpu.memory_space<hbm>>) target(%arg14 : memref<80xi32, #tpu.memory_space<vmem>>) target_semaphore(%arg24 : memref<!tpu.dma_semaphore, #tpu.memory_space<semaphore_mem>>)
    %add3A_26 = arith.constant 240 : i32
    %add3A_27 = arith.addi %mul3A_2, %add3A_26 : i32
    %dma_start3A_28 = tpu.memref_slice %arg3[%add3A_27] : memref<320000xi32, #tpu.memory_space<hbm>> -> memref<80xi32, #tpu.memory_space<hbm>>
    %dma_start3A_29 = tpu.memref_slice %arg3[%add3A_27] : memref<320000xi32, #tpu.memory_space<hbm>> -> memref<80xi32, #tpu.memory_space<hbm>>
    tpu.enqueue_dma source(%dma_start3A_29 : memref<80xi32, #tpu.memory_space<hbm>>) target(%arg9 : memref<80xi32, #tpu.memory_space<vmem>>) target_semaphore(%arg25 : memref<!tpu.dma_semaphore, #tpu.memory_space<semaphore_mem>>)
    %add3A_30 = arith.constant 240 : i32
    %add3A_31 = arith.addi %mul3A_2, %add3A_30 : i32
    %dma_start3A_32 = tpu.memref_slice %arg4[%add3A_31] : memref<320000xi32, #tpu.memory_space<hbm>> -> memref<80xi32, #tpu.memory_space<hbm>>
    %dma_start3A_33 = tpu.memref_slice %arg4[%add3A_31] : memref<320000xi32, #tpu.memory_space<hbm>> -> memref<80xi32, #tpu.memory_space<hbm>>
    tpu.enqueue_dma source(%dma_start3A_33 : memref<80xi32, #tpu.memory_space<hbm>>) target(%arg15 : memref<80xi32, #tpu.memory_space<vmem>>) target_semaphore(%arg25 : memref<!tpu.dma_semaphore, #tpu.memory_space<semaphore_mem>>)
    %add3A_34 = arith.constant 320 : i32
    %add3A_35 = arith.addi %mul3A_2, %add3A_34 : i32
    %dma_start3A_36 = tpu.memref_slice %arg3[%add3A_35] : memref<320000xi32, #tpu.memory_space<hbm>> -> memref<80xi32, #tpu.memory_space<hbm>>
    %dma_start3A_37 = tpu.memref_slice %arg3[%add3A_35] : memref<320000xi32, #tpu.memory_space<hbm>> -> memref<80xi32, #tpu.memory_space<hbm>>
    tpu.enqueue_dma source(%dma_start3A_37 : memref<80xi32, #tpu.memory_space<hbm>>) target(%arg10 : memref<80xi32, #tpu.memory_space<vmem>>) target_semaphore(%arg26 : memref<!tpu.dma_semaphore, #tpu.memory_space<semaphore_mem>>)
    %add3A_38 = arith.constant 320 : i32
    %add3A_39 = arith.addi %mul3A_2, %add3A_38 : i32
    %dma_start3A_40 = tpu.memref_slice %arg4[%add3A_39] : memref<320000xi32, #tpu.memory_space<hbm>> -> memref<80xi32, #tpu.memory_space<hbm>>
    %dma_start3A_41 = tpu.memref_slice %arg4[%add3A_39] : memref<320000xi32, #tpu.memory_space<hbm>> -> memref<80xi32, #tpu.memory_space<hbm>>
    tpu.enqueue_dma source(%dma_start3A_41 : memref<80xi32, #tpu.memory_space<hbm>>) target(%arg16 : memref<80xi32, #tpu.memory_space<vmem>>) target_semaphore(%arg26 : memref<!tpu.dma_semaphore, #tpu.memory_space<semaphore_mem>>)
    %add3A_42 = arith.constant 400 : i32
    %add3A_43 = arith.addi %mul3A_2, %add3A_42 : i32
    %dma_start3A_44 = tpu.memref_slice %arg3[%add3A_43] : memref<320000xi32, #tpu.memory_space<hbm>> -> memref<80xi32, #tpu.memory_space<hbm>>
    %dma_start3A_45 = tpu.memref_slice %arg3[%add3A_43] : memref<320000xi32, #tpu.memory_space<hbm>> -> memref<80xi32, #tpu.memory_space<hbm>>
    tpu.enqueue_dma source(%dma_start3A_45 : memref<80xi32, #tpu.memory_space<hbm>>) target(%arg11 : memref<80xi32, #tpu.memory_space<vmem>>) target_semaphore(%arg27 : memref<!tpu.dma_semaphore, #tpu.memory_space<semaphore_mem>>)
    %add3A_46 = arith.constant 400 : i32
    %add3A_47 = arith.addi %mul3A_2, %add3A_46 : i32
    %dma_start3A_48 = tpu.memref_slice %arg4[%add3A_47] : memref<320000xi32, #tpu.memory_space<hbm>> -> memref<80xi32, #tpu.memory_space<hbm>>
    %dma_start3A_49 = tpu.memref_slice %arg4[%add3A_47] : memref<320000xi32, #tpu.memory_space<hbm>> -> memref<80xi32, #tpu.memory_space<hbm>>
    tpu.enqueue_dma source(%dma_start3A_49 : memref<80xi32, #tpu.memory_space<hbm>>) target(%arg17 : memref<80xi32, #tpu.memory_space<vmem>>) target_semaphore(%arg27 : memref<!tpu.dma_semaphore, #tpu.memory_space<semaphore_mem>>)
    %scan3A = arith.constant 0 : i32
    %scan3A_50 = arith.constant 80 : i32
    %scan3A_51 = arith.addi %scan3A, %scan3A_50 : i32
    %scan3A_52 = arith.constant 1 : i32
    scf.for %scan3A_318 = %scan3A to %scan3A_51 step %scan3A_52  : i32 {
      %mul3A_319 = arith.constant 1 : i32
      %mul3A_320 = arith.muli %scan3A_318, %mul3A_319 : i32
      %add3A_321 = arith.constant 0 : i32
      %add3A_322 = arith.addi %add3A_321, %mul3A_320 : i32
      %broadcast_in_dim3A = arith.constant 0.000000e+00 : f32
      %broadcast_in_dim3A_323 = vector.broadcast %broadcast_in_dim3A : f32 to vector<16xf32>
      %swap3A = arith.index_cast %add3A_322 : i32 to index
      %swap3A_324 = arith.constant 0 : index
      %swap3A_325 = tpu.vector_load %arg18[%swap3A, %swap3A_324] {strides = array<i32>} : memref<80x128xf32, #tpu.memory_space<vmem>>, vector<1x16xf32>,
      %swap3A_326 = vector.shape_cast %swap3A_325 : vector<1x16xf32> to vector<16xf32>
      %swap3A_327 = vector.shape_cast %broadcast_in_dim3A_323 : vector<16xf32> to vector<1x16xf32>
      tpu.vector_store %arg18[%swap3A, %swap3A_324], %swap3A_327 {strides = array<i32>} : memref<80x128xf32, #tpu.memory_space<vmem>>, vector<1x16xf32>,
      %broadcast_in_dim3A_328 = arith.constant 0.000000e+00 : f32
      %broadcast_in_dim3A_329 = vector.broadcast %broadcast_in_dim3A_328 : f32 to vector<16xf32>
      %swap3A_330 = arith.index_cast %add3A_322 : i32 to index
      %swap3A_331 = arith.constant 16 : index
      %swap3A_332 = tpu.vector_load %arg18[%swap3A_330, %swap3A_331] {strides = array<i32>} : memref<80x128xf32, #tpu.memory_space<vmem>>, vector<1x16xf32>,
      %swap3A_333 = vector.shape_cast %swap3A_332 : vector<1x16xf32> to vector<16xf32>
      %swap3A_334 = vector.shape_cast %broadcast_in_dim3A_329 : vector<16xf32> to vector<1x16xf32>
      tpu.vector_store %arg18[%swap3A_330, %swap3A_331], %swap3A_334 {strides = array<i32>} : memref<80x128xf32, #tpu.memory_space<vmem>>, vector<1x16xf32>,
      %broadcast_in_dim3A_335 = arith.constant 0.000000e+00 : f32
      %broadcast_in_dim3A_336 = vector.broadcast %broadcast_in_dim3A_335 : f32 to vector<16xf32>
      %swap3A_337 = arith.index_cast %add3A_322 : i32 to index
      %swap3A_338 = arith.constant 32 : index
      %swap3A_339 = tpu.vector_load %arg18[%swap3A_337, %swap3A_338] {strides = array<i32>} : memref<80x128xf32, #tpu.memory_space<vmem>>, vector<1x16xf32>,
      %swap3A_340 = vector.shape_cast %swap3A_339 : vector<1x16xf32> to vector<16xf32>
      %swap3A_341 = vector.shape_cast %broadcast_in_dim3A_336 : vector<16xf32> to vector<1x16xf32>
      tpu.vector_store %arg18[%swap3A_337, %swap3A_338], %swap3A_341 {strides = array<i32>} : memref<80x128xf32, #tpu.memory_space<vmem>>, vector<1x16xf32>,
      %broadcast_in_dim3A_342 = arith.constant 0.000000e+00 : f32
      %broadcast_in_dim3A_343 = vector.broadcast %broadcast_in_dim3A_342 : f32 to vector<16xf32>
      %swap3A_344 = arith.index_cast %add3A_322 : i32 to index
      %swap3A_345 = arith.constant 48 : index
      %swap3A_346 = tpu.vector_load %arg18[%swap3A_344, %swap3A_345] {strides = array<i32>} : memref<80x128xf32, #tpu.memory_space<vmem>>, vector<1x16xf32>,
      %swap3A_347 = vector.shape_cast %swap3A_346 : vector<1x16xf32> to vector<16xf32>
      %swap3A_348 = vector.shape_cast %broadcast_in_dim3A_343 : vector<16xf32> to vector<1x16xf32>
      tpu.vector_store %arg18[%swap3A_344, %swap3A_345], %swap3A_348 {strides = array<i32>} : memref<80x128xf32, #tpu.memory_space<vmem>>, vector<1x16xf32>,
      %broadcast_in_dim3A_349 = arith.constant 0.000000e+00 : f32
      %broadcast_in_dim3A_350 = vector.broadcast %broadcast_in_dim3A_349 : f32 to vector<16xf32>
      %swap3A_351 = arith.index_cast %add3A_322 : i32 to index
      %swap3A_352 = arith.constant 64 : index
      %swap3A_353 = tpu.vector_load %arg18[%swap3A_351, %swap3A_352] {strides = array<i32>} : memref<80x128xf32, #tpu.memory_space<vmem>>, vector<1x16xf32>,
      %swap3A_354 = vector.shape_cast %swap3A_353 : vector<1x16xf32> to vector<16xf32>
      %swap3A_355 = vector.shape_cast %broadcast_in_dim3A_350 : vector<16xf32> to vector<1x16xf32>
      tpu.vector_store %arg18[%swap3A_351, %swap3A_352], %swap3A_355 {strides = array<i32>} : memref<80x128xf32, #tpu.memory_space<vmem>>, vector<1x16xf32>,
      %broadcast_in_dim3A_356 = arith.constant 0.000000e+00 : f32
      %broadcast_in_dim3A_357 = vector.broadcast %broadcast_in_dim3A_356 : f32 to vector<16xf32>
      %swap3A_358 = arith.index_cast %add3A_322 : i32 to index
      %swap3A_359 = arith.constant 80 : index
      %swap3A_360 = tpu.vector_load %arg18[%swap3A_358, %swap3A_359] {strides = array<i32>} : memref<80x128xf32, #tpu.memory_space<vmem>>, vector<1x16xf32>,
      %swap3A_361 = vector.shape_cast %swap3A_360 : vector<1x16xf32> to vector<16xf32>
      %swap3A_362 = vector.shape_cast %broadcast_in_dim3A_357 : vector<16xf32> to vector<1x16xf32>
      tpu.vector_store %arg18[%swap3A_358, %swap3A_359], %swap3A_362 {strides = array<i32>} : memref<80x128xf32, #tpu.memory_space<vmem>>, vector<1x16xf32>,
      %broadcast_in_dim3A_363 = arith.constant 0.000000e+00 : f32
      %broadcast_in_dim3A_364 = vector.broadcast %broadcast_in_dim3A_363 : f32 to vector<16xf32>
      %swap3A_365 = arith.index_cast %add3A_322 : i32 to index
      %swap3A_366 = arith.constant 96 : index
      %swap3A_367 = tpu.vector_load %arg18[%swap3A_365, %swap3A_366] {strides = array<i32>} : memref<80x128xf32, #tpu.memory_space<vmem>>, vector<1x16xf32>,
      %swap3A_368 = vector.shape_cast %swap3A_367 : vector<1x16xf32> to vector<16xf32>
      %swap3A_369 = vector.shape_cast %broadcast_in_dim3A_364 : vector<16xf32> to vector<1x16xf32>
      tpu.vector_store %arg18[%swap3A_365, %swap3A_366], %swap3A_369 {strides = array<i32>} : memref<80x128xf32, #tpu.memory_space<vmem>>, vector<1x16xf32>,
      %broadcast_in_dim3A_370 = arith.constant 0.000000e+00 : f32
      %broadcast_in_dim3A_371 = vector.broadcast %broadcast_in_dim3A_370 : f32 to vector<16xf32>
      %swap3A_372 = arith.index_cast %add3A_322 : i32 to index
      %swap3A_373 = arith.constant 112 : index
      %swap3A_374 = tpu.vector_load %arg18[%swap3A_372, %swap3A_373] {strides = array<i32>} : memref<80x128xf32, #tpu.memory_space<vmem>>, vector<1x16xf32>,
      %swap3A_375 = vector.shape_cast %swap3A_374 : vector<1x16xf32> to vector<16xf32>
      %swap3A_376 = vector.shape_cast %broadcast_in_dim3A_371 : vector<16xf32> to vector<1x16xf32>
      tpu.vector_store %arg18[%swap3A_372, %swap3A_373], %swap3A_376 {strides = array<i32>} : memref<80x128xf32, #tpu.memory_space<vmem>>, vector<1x16xf32>,
    }
    %scan3A_53 = arith.constant 80 : i32
    %mul3A_54 = arith.constant 624 : i32
    %mul3A_55 = arith.muli %arg1, %mul3A_54 : i32
    %add3A_56 = arith.constant 0 : i32
    %add3A_57 = arith.addi %mul3A_55, %add3A_56 : i32
    %dma_start3A_58 = arith.constant 0 : i32
    %dma_start3A_59 = tpu.memref_slice %arg21[%add3A_57, %dma_start3A_58] : memref<10000x128xf32, #tpu.memory_space<vmem_shared>> -> memref<80x128xf32, #tpu.memory_space<vmem_shared>>
    %dma_start3A_60 = arith.constant 0 : i32
    %dma_start3A_61 = tpu.memref_slice %arg21[%add3A_57, %dma_start3A_60] : memref<10000x128xf32, #tpu.memory_space<vmem_shared>> -> memref<80x128xf32, #tpu.memory_space<vmem_shared>>
    tpu.enqueue_dma source(%arg18 : memref<80x128xf32, #tpu.memory_space<vmem>>) target(%dma_start3A_61 : memref<80x128xf32, #tpu.memory_space<vmem_shared>>) target_semaphore(%arg22 : memref<!tpu.dma_semaphore, #tpu.memory_space<semaphore_mem>>)
    %mul3A_62 = arith.constant 624 : i32
    %mul3A_63 = arith.muli %arg1, %mul3A_62 : i32
    %add3A_64 = arith.constant 80 : i32
    %add3A_65 = arith.addi %mul3A_63, %add3A_64 : i32
    %dma_start3A_66 = arith.constant 0 : i32
    %dma_start3A_67 = tpu.memref_slice %arg21[%add3A_65, %dma_start3A_66] : memref<10000x128xf32, #tpu.memory_space<vmem_shared>> -> memref<80x128xf32, #tpu.memory_space<vmem_shared>>
    %dma_start3A_68 = arith.constant 0 : i32
    %dma_start3A_69 = tpu.memref_slice %arg21[%add3A_65, %dma_start3A_68] : memref<10000x128xf32, #tpu.memory_space<vmem_shared>> -> memref<80x128xf32, #tpu.memory_space<vmem_shared>>
    tpu.enqueue_dma source(%arg18 : memref<80x128xf32, #tpu.memory_space<vmem>>) target(%dma_start3A_69 : memref<80x128xf32, #tpu.memory_space<vmem_shared>>) target_semaphore(%arg22 : memref<!tpu.dma_semaphore, #tpu.memory_space<semaphore_mem>>)
    %mul3A_70 = arith.constant 624 : i32
    %mul3A_71 = arith.muli %arg1, %mul3A_70 : i32
    %add3A_72 = arith.constant 160 : i32
    %add3A_73 = arith.addi %mul3A_71, %add3A_72 : i32
    %dma_start3A_74 = arith.constant 0 : i32
    %dma_start3A_75 = tpu.memref_slice %arg21[%add3A_73, %dma_start3A_74] : memref<10000x128xf32, #tpu.memory_space<vmem_shared>> -> memref<80x128xf32, #tpu.memory_space<vmem_shared>>
    %dma_start3A_76 = arith.constant 0 : i32
    %dma_start3A_77 = tpu.memref_slice %arg21[%add3A_73, %dma_start3A_76] : memref<10000x128xf32, #tpu.memory_space<vmem_shared>> -> memref<80x128xf32, #tpu.memory_space<vmem_shared>>
    tpu.enqueue_dma source(%arg18 : memref<80x128xf32, #tpu.memory_space<vmem>>) target(%dma_start3A_77 : memref<80x128xf32, #tpu.memory_space<vmem_shared>>) target_semaphore(%arg22 : memref<!tpu.dma_semaphore, #tpu.memory_space<semaphore_mem>>)
    %mul3A_78 = arith.constant 624 : i32
    %mul3A_79 = arith.muli %arg1, %mul3A_78 : i32
    %add3A_80 = arith.constant 240 : i32
    %add3A_81 = arith.addi %mul3A_79, %add3A_80 : i32
    %dma_start3A_82 = arith.constant 0 : i32
    %dma_start3A_83 = tpu.memref_slice %arg21[%add3A_81, %dma_start3A_82] : memref<10000x128xf32, #tpu.memory_space<vmem_shared>> -> memref<80x128xf32, #tpu.memory_space<vmem_shared>>
    %dma_start3A_84 = arith.constant 0 : i32
    %dma_start3A_85 = tpu.memref_slice %arg21[%add3A_81, %dma_start3A_84] : memref<10000x128xf32, #tpu.memory_space<vmem_shared>> -> memref<80x128xf32, #tpu.memory_space<vmem_shared>>
    tpu.enqueue_dma source(%arg18 : memref<80x128xf32, #tpu.memory_space<vmem>>) target(%dma_start3A_85 : memref<80x128xf32, #tpu.memory_space<vmem_shared>>) target_semaphore(%arg22 : memref<!tpu.dma_semaphore, #tpu.memory_space<semaphore_mem>>)
    %mul3A_86 = arith.constant 624 : i32
    %mul3A_87 = arith.muli %arg1, %mul3A_86 : i32
    %add3A_88 = arith.constant 320 : i32
    %add3A_89 = arith.addi %mul3A_87, %add3A_88 : i32
    %dma_start3A_90 = arith.constant 0 : i32
    %dma_start3A_91 = tpu.memref_slice %arg21[%add3A_89, %dma_start3A_90] : memref<10000x128xf32, #tpu.memory_space<vmem_shared>> -> memref<80x128xf32, #tpu.memory_space<vmem_shared>>
    %dma_start3A_92 = arith.constant 0 : i32
    %dma_start3A_93 = tpu.memref_slice %arg21[%add3A_89, %dma_start3A_92] : memref<10000x128xf32, #tpu.memory_space<vmem_shared>> -> memref<80x128xf32, #tpu.memory_space<vmem_shared>>
    tpu.enqueue_dma source(%arg18 : memref<80x128xf32, #tpu.memory_space<vmem>>) target(%dma_start3A_93 : memref<80x128xf32, #tpu.memory_space<vmem_shared>>) target_semaphore(%arg22 : memref<!tpu.dma_semaphore, #tpu.memory_space<semaphore_mem>>)
    %mul3A_94 = arith.constant 624 : i32
    %mul3A_95 = arith.muli %arg1, %mul3A_94 : i32
    %add3A_96 = arith.constant 400 : i32
    %add3A_97 = arith.addi %mul3A_95, %add3A_96 : i32
    %dma_start3A_98 = arith.constant 0 : i32
    %dma_start3A_99 = tpu.memref_slice %arg21[%add3A_97, %dma_start3A_98] : memref<10000x128xf32, #tpu.memory_space<vmem_shared>> -> memref<80x128xf32, #tpu.memory_space<vmem_shared>>
    %dma_start3A_100 = arith.constant 0 : i32
    %dma_start3A_101 = tpu.memref_slice %arg21[%add3A_97, %dma_start3A_100] : memref<10000x128xf32, #tpu.memory_space<vmem_shared>> -> memref<80x128xf32, #tpu.memory_space<vmem_shared>>
    tpu.enqueue_dma source(%arg18 : memref<80x128xf32, #tpu.memory_space<vmem>>) target(%dma_start3A_101 : memref<80x128xf32, #tpu.memory_space<vmem_shared>>) target_semaphore(%arg22 : memref<!tpu.dma_semaphore, #tpu.memory_space<semaphore_mem>>)
    %mul3A_102 = arith.constant 624 : i32
    %mul3A_103 = arith.muli %arg1, %mul3A_102 : i32
    %add3A_104 = arith.constant 480 : i32
    %add3A_105 = arith.addi %mul3A_103, %add3A_104 : i32
    %dma_start3A_106 = arith.constant 0 : i32
    %dma_start3A_107 = tpu.memref_slice %arg21[%add3A_105, %dma_start3A_106] : memref<10000x128xf32, #tpu.memory_space<vmem_shared>> -> memref<80x128xf32, #tpu.memory_space<vmem_shared>>
    %dma_start3A_108 = arith.constant 0 : i32
    %dma_start3A_109 = tpu.memref_slice %arg21[%add3A_105, %dma_start3A_108] : memref<10000x128xf32, #tpu.memory_space<vmem_shared>> -> memref<80x128xf32, #tpu.memory_space<vmem_shared>>
    tpu.enqueue_dma source(%arg18 : memref<80x128xf32, #tpu.memory_space<vmem>>) target(%dma_start3A_109 : memref<80x128xf32, #tpu.memory_space<vmem_shared>>) target_semaphore(%arg22 : memref<!tpu.dma_semaphore, #tpu.memory_space<semaphore_mem>>)
    %mul3A_110 = arith.constant 624 : i32
    %mul3A_111 = arith.muli %arg1, %mul3A_110 : i32
    %add3A_112 = arith.constant 560 : i32
    %add3A_113 = arith.addi %mul3A_111, %add3A_112 : i32
    %dma_start3A_114 = arith.constant 0 : i32
    %dma_start3A_115 = arith.constant 0 : i32
    %dma_start3A_116 = tpu.memref_slice %arg18[%dma_start3A_114, %dma_start3A_115] : memref<80x128xf32, #tpu.memory_space<vmem>> -> memref<64x128xf32, #tpu.memory_space<vmem>>
    %dma_start3A_117 = arith.constant 0 : i32
    %dma_start3A_118 = tpu.memref_slice %arg21[%add3A_113, %dma_start3A_117] : memref<10000x128xf32, #tpu.memory_space<vmem_shared>> -> memref<64x128xf32, #tpu.memory_space<vmem_shared>>
    %dma_start3A_119 = arith.constant 0 : i32
    %dma_start3A_120 = tpu.memref_slice %arg21[%add3A_113, %dma_start3A_119] : memref<10000x128xf32, #tpu.memory_space<vmem_shared>> -> memref<64x128xf32, #tpu.memory_space<vmem_shared>>
    %dma_start3A_121 = arith.constant 0 : i32
    %dma_start3A_122 = arith.constant 0 : i32
    %dma_start3A_123 = tpu.memref_slice %arg18[%dma_start3A_121, %dma_start3A_122] : memref<80x128xf32, #tpu.memory_space<vmem>> -> memref<64x128xf32, #tpu.memory_space<vmem>>
    tpu.enqueue_dma source(%dma_start3A_123 : memref<64x128xf32, #tpu.memory_space<vmem>>) target(%dma_start3A_120 : memref<64x128xf32, #tpu.memory_space<vmem_shared>>) target_semaphore(%arg22 : memref<!tpu.dma_semaphore, #tpu.memory_space<semaphore_mem>>)
    %eq3A = arith.constant 0 : i32
    %eq3A_124 = arith.cmpi eq, %arg1, %eq3A : i32
    %convert_element_type3A = arith.extui %eq3A_124 : i1 to i32
    %cond3A = arith.constant 0 : i32
    %cond3A_125 = arith.cmpi ne, %convert_element_type3A, %cond3A : i32
    scf.if %cond3A_125 {
      %dma_start3A_318 = arith.constant 0 : i32
      %dma_start3A_319 = arith.constant 0 : i32
      %dma_start3A_320 = tpu.memref_slice %arg18[%dma_start3A_318, %dma_start3A_319] : memref<80x128xf32, #tpu.memory_space<vmem>> -> memref<16x128xf32, #tpu.memory_space<vmem>>
      %dma_start3A_321 = arith.constant 9984 : i32
      %dma_start3A_322 = arith.constant 0 : i32
      %dma_start3A_323 = tpu.memref_slice %arg21[%dma_start3A_321, %dma_start3A_322] : memref<10000x128xf32, #tpu.memory_space<vmem_shared>> -> memref<16x128xf32, #tpu.memory_space<vmem_shared>>
      %dma_start3A_324 = arith.constant 9984 : i32
      %dma_start3A_325 = arith.constant 0 : i32
      %dma_start3A_326 = tpu.memref_slice %arg21[%dma_start3A_324, %dma_start3A_325] : memref<10000x128xf32, #tpu.memory_space<vmem_shared>> -> memref<16x128xf32, #tpu.memory_space<vmem_shared>>
      %dma_start3A_327 = arith.constant 0 : i32
      %dma_start3A_328 = arith.constant 0 : i32
      %dma_start3A_329 = tpu.memref_slice %arg18[%dma_start3A_327, %dma_start3A_328] : memref<80x128xf32, #tpu.memory_space<vmem>> -> memref<16x128xf32, #tpu.memory_space<vmem>>
      tpu.enqueue_dma source(%dma_start3A_329 : memref<16x128xf32, #tpu.memory_space<vmem>>) target(%dma_start3A_326 : memref<16x128xf32, #tpu.memory_space<vmem_shared>>) target_semaphore(%arg22 : memref<!tpu.dma_semaphore, #tpu.memory_space<semaphore_mem>>)
    } else {
    }
    %mul3A_126 = arith.constant 624 : i32
    %mul3A_127 = arith.muli %arg1, %mul3A_126 : i32
    %add3A_128 = arith.constant 0 : i32
    %add3A_129 = arith.addi %mul3A_127, %add3A_128 : i32
    %dma_wait3A = arith.constant 0 : i32
    %dma_wait3A_130 = tpu.memref_slice %arg21[%add3A_129, %dma_wait3A] : memref<10000x128xf32, #tpu.memory_space<vmem_shared>> -> memref<80x128xf32, #tpu.memory_space<vmem_shared>>
    %dma_wait3A_131 = arith.constant 0 : i32
    %dma_wait3A_132 = tpu.memref_slice %arg21[%add3A_129, %dma_wait3A_131] : memref<10000x128xf32, #tpu.memory_space<vmem_shared>> -> memref<80x128xf32, #tpu.memory_space<vmem_shared>>
    tpu.wait_dma2 semaphore(%arg22 : memref<!tpu.dma_semaphore, #tpu.memory_space<semaphore_mem>>) src(%arg18 : memref<80x128xf32, #tpu.memory_space<vmem>>) dst(%dma_wait3A_132 : memref<80x128xf32, #tpu.memory_space<vmem_shared>>)
    %mul3A_133 = arith.constant 624 : i32
    %mul3A_134 = arith.muli %arg1, %mul3A_133 : i32
    %add3A_135 = arith.constant 80 : i32
    %add3A_136 = arith.addi %mul3A_134, %add3A_135 : i32
    %dma_wait3A_137 = arith.constant 0 : i32
    %dma_wait3A_138 = tpu.memref_slice %arg21[%add3A_136, %dma_wait3A_137] : memref<10000x128xf32, #tpu.memory_space<vmem_shared>> -> memref<80x128xf32, #tpu.memory_space<vmem_shared>>
    %dma_wait3A_139 = arith.constant 0 : i32
    %dma_wait3A_140 = tpu.memref_slice %arg21[%add3A_136, %dma_wait3A_139] : memref<10000x128xf32, #tpu.memory_space<vmem_shared>> -> memref<80x128xf32, #tpu.memory_space<vmem_shared>>
    tpu.wait_dma2 semaphore(%arg22 : memref<!tpu.dma_semaphore, #tpu.memory_space<semaphore_mem>>) src(%arg18 : memref<80x128xf32, #tpu.memory_space<vmem>>) dst(%dma_wait3A_140 : memref<80x128xf32, #tpu.memory_space<vmem_shared>>)
    %mul3A_141 = arith.constant 624 : i32
    %mul3A_142 = arith.muli %arg1, %mul3A_141 : i32
    %add3A_143 = arith.constant 160 : i32
    %add3A_144 = arith.addi %mul3A_142, %add3A_143 : i32
    %dma_wait3A_145 = arith.constant 0 : i32
    %dma_wait3A_146 = tpu.memref_slice %arg21[%add3A_144, %dma_wait3A_145] : memref<10000x128xf32, #tpu.memory_space<vmem_shared>> -> memref<80x128xf32, #tpu.memory_space<vmem_shared>>
    %dma_wait3A_147 = arith.constant 0 : i32
    %dma_wait3A_148 = tpu.memref_slice %arg21[%add3A_144, %dma_wait3A_147] : memref<10000x128xf32, #tpu.memory_space<vmem_shared>> -> memref<80x128xf32, #tpu.memory_space<vmem_shared>>
    tpu.wait_dma2 semaphore(%arg22 : memref<!tpu.dma_semaphore, #tpu.memory_space<semaphore_mem>>) src(%arg18 : memref<80x128xf32, #tpu.memory_space<vmem>>) dst(%dma_wait3A_148 : memref<80x128xf32, #tpu.memory_space<vmem_shared>>)
    %mul3A_149 = arith.constant 624 : i32
    %mul3A_150 = arith.muli %arg1, %mul3A_149 : i32
    %add3A_151 = arith.constant 240 : i32
    %add3A_152 = arith.addi %mul3A_150, %add3A_151 : i32
    %dma_wait3A_153 = arith.constant 0 : i32
    %dma_wait3A_154 = tpu.memref_slice %arg21[%add3A_152, %dma_wait3A_153] : memref<10000x128xf32, #tpu.memory_space<vmem_shared>> -> memref<80x128xf32, #tpu.memory_space<vmem_shared>>
    %dma_wait3A_155 = arith.constant 0 : i32
    %dma_wait3A_156 = tpu.memref_slice %arg21[%add3A_152, %dma_wait3A_155] : memref<10000x128xf32, #tpu.memory_space<vmem_shared>> -> memref<80x128xf32, #tpu.memory_space<vmem_shared>>
    tpu.wait_dma2 semaphore(%arg22 : memref<!tpu.dma_semaphore, #tpu.memory_space<semaphore_mem>>) src(%arg18 : memref<80x128xf32, #tpu.memory_space<vmem>>) dst(%dma_wait3A_156 : memref<80x128xf32, #tpu.memory_space<vmem_shared>>)
    %mul3A_157 = arith.constant 624 : i32
    %mul3A_158 = arith.muli %arg1, %mul3A_157 : i32
    %add3A_159 = arith.constant 320 : i32
    %add3A_160 = arith.addi %mul3A_158, %add3A_159 : i32
    %dma_wait3A_161 = arith.constant 0 : i32
    %dma_wait3A_162 = tpu.memref_slice %arg21[%add3A_160, %dma_wait3A_161] : memref<10000x128xf32, #tpu.memory_space<vmem_shared>> -> memref<80x128xf32, #tpu.memory_space<vmem_shared>>
    %dma_wait3A_163 = arith.constant 0 : i32
    %dma_wait3A_164 = tpu.memref_slice %arg21[%add3A_160, %dma_wait3A_163] : memref<10000x128xf32, #tpu.memory_space<vmem_shared>> -> memref<80x128xf32, #tpu.memory_space<vmem_shared>>
    tpu.wait_dma2 semaphore(%arg22 : memref<!tpu.dma_semaphore, #tpu.memory_space<semaphore_mem>>) src(%arg18 : memref<80x128xf32, #tpu.memory_space<vmem>>) dst(%dma_wait3A_164 : memref<80x128xf32, #tpu.memory_space<vmem_shared>>)
    %mul3A_165 = arith.constant 624 : i32
    %mul3A_166 = arith.muli %arg1, %mul3A_165 : i32
    %add3A_167 = arith.constant 400 : i32
    %add3A_168 = arith.addi %mul3A_166, %add3A_167 : i32
    %dma_wait3A_169 = arith.constant 0 : i32
    %dma_wait3A_170 = tpu.memref_slice %arg21[%add3A_168, %dma_wait3A_169] : memref<10000x128xf32, #tpu.memory_space<vmem_shared>> -> memref<80x128xf32, #tpu.memory_space<vmem_shared>>
    %dma_wait3A_171 = arith.constant 0 : i32
    %dma_wait3A_172 = tpu.memref_slice %arg21[%add3A_168, %dma_wait3A_171] : memref<10000x128xf32, #tpu.memory_space<vmem_shared>> -> memref<80x128xf32, #tpu.memory_space<vmem_shared>>
    tpu.wait_dma2 semaphore(%arg22 : memref<!tpu.dma_semaphore, #tpu.memory_space<semaphore_mem>>) src(%arg18 : memref<80x128xf32, #tpu.memory_space<vmem>>) dst(%dma_wait3A_172 : memref<80x128xf32, #tpu.memory_space<vmem_shared>>)
    %mul3A_173 = arith.constant 624 : i32
    %mul3A_174 = arith.muli %arg1, %mul3A_173 : i32
    %add3A_175 = arith.constant 480 : i32
    %add3A_176 = arith.addi %mul3A_174, %add3A_175 : i32
    %dma_wait3A_177 = arith.constant 0 : i32
    %dma_wait3A_178 = tpu.memref_slice %arg21[%add3A_176, %dma_wait3A_177] : memref<10000x128xf32, #tpu.memory_space<vmem_shared>> -> memref<80x128xf32, #tpu.memory_space<vmem_shared>>
    %dma_wait3A_179 = arith.constant 0 : i32
    %dma_wait3A_180 = tpu.memref_slice %arg21[%add3A_176, %dma_wait3A_179] : memref<10000x128xf32, #tpu.memory_space<vmem_shared>> -> memref<80x128xf32, #tpu.memory_space<vmem_shared>>
    tpu.wait_dma2 semaphore(%arg22 : memref<!tpu.dma_semaphore, #tpu.memory_space<semaphore_mem>>) src(%arg18 : memref<80x128xf32, #tpu.memory_space<vmem>>) dst(%dma_wait3A_180 : memref<80x128xf32, #tpu.memory_space<vmem_shared>>)
    %mul3A_181 = arith.constant 624 : i32
    %mul3A_182 = arith.muli %arg1, %mul3A_181 : i32
    %add3A_183 = arith.constant 560 : i32
    %add3A_184 = arith.addi %mul3A_182, %add3A_183 : i32
    %dma_wait3A_185 = arith.constant 0 : i32
    %dma_wait3A_186 = arith.constant 0 : i32
    %dma_wait3A_187 = tpu.memref_slice %arg18[%dma_wait3A_185, %dma_wait3A_186] : memref<80x128xf32, #tpu.memory_space<vmem>> -> memref<64x128xf32, #tpu.memory_space<vmem>>
    %dma_wait3A_188 = arith.constant 0 : i32
    %dma_wait3A_189 = tpu.memref_slice %arg21[%add3A_184, %dma_wait3A_188] : memref<10000x128xf32, #tpu.memory_space<vmem_shared>> -> memref<64x128xf32, #tpu.memory_space<vmem_shared>>
    %dma_wait3A_190 = arith.constant 0 : i32
    %dma_wait3A_191 = tpu.memref_slice %arg21[%add3A_184, %dma_wait3A_190] : memref<10000x128xf32, #tpu.memory_space<vmem_shared>> -> memref<64x128xf32, #tpu.memory_space<vmem_shared>>
    %dma_wait3A_192 = arith.constant 0 : i32
    %dma_wait3A_193 = arith.constant 0 : i32
    %dma_wait3A_194 = tpu.memref_slice %arg18[%dma_wait3A_192, %dma_wait3A_193] : memref<80x128xf32, #tpu.memory_space<vmem>> -> memref<64x128xf32, #tpu.memory_space<vmem>>
    tpu.wait_dma2 semaphore(%arg22 : memref<!tpu.dma_semaphore, #tpu.memory_space<semaphore_mem>>) src(%dma_wait3A_194 : memref<64x128xf32, #tpu.memory_space<vmem>>) dst(%dma_wait3A_191 : memref<64x128xf32, #tpu.memory_space<vmem_shared>>)
    %eq3A_195 = arith.constant 0 : i32
    %eq3A_196 = arith.cmpi eq, %arg1, %eq3A_195 : i32
    %convert_element_type3A_197 = arith.extui %eq3A_196 : i1 to i32
    %cond3A_198 = arith.constant 0 : i32
    %cond3A_199 = arith.cmpi ne, %convert_element_type3A_197, %cond3A_198 : i32
    scf.if %cond3A_199 {
      %dma_wait3A_318 = arith.constant 0 : i32
      %dma_wait3A_319 = arith.constant 0 : i32
      %dma_wait3A_320 = tpu.memref_slice %arg18[%dma_wait3A_318, %dma_wait3A_319] : memref<80x128xf32, #tpu.memory_space<vmem>> -> memref<16x128xf32, #tpu.memory_space<vmem>>
      %dma_wait3A_321 = arith.constant 9984 : i32
      %dma_wait3A_322 = arith.constant 0 : i32
      %dma_wait3A_323 = tpu.memref_slice %arg21[%dma_wait3A_321, %dma_wait3A_322] : memref<10000x128xf32, #tpu.memory_space<vmem_shared>> -> memref<16x128xf32, #tpu.memory_space<vmem_shared>>
      %dma_wait3A_324 = arith.constant 9984 : i32
      %dma_wait3A_325 = arith.constant 0 : i32
      %dma_wait3A_326 = tpu.memref_slice %arg21[%dma_wait3A_324, %dma_wait3A_325] : memref<10000x128xf32, #tpu.memory_space<vmem_shared>> -> memref<16x128xf32, #tpu.memory_space<vmem_shared>>
      %dma_wait3A_327 = arith.constant 0 : i32
      %dma_wait3A_328 = arith.constant 0 : i32
      %dma_wait3A_329 = tpu.memref_slice %arg18[%dma_wait3A_327, %dma_wait3A_328] : memref<80x128xf32, #tpu.memory_space<vmem>> -> memref<16x128xf32, #tpu.memory_space<vmem>>
      tpu.wait_dma2 semaphore(%arg22 : memref<!tpu.dma_semaphore, #tpu.memory_space<semaphore_mem>>) src(%dma_wait3A_329 : memref<16x128xf32, #tpu.memory_space<vmem>>) dst(%dma_wait3A_326 : memref<16x128xf32, #tpu.memory_space<vmem_shared>>)
    } else {
    }
    %dma_wait3A_200 = arith.constant 0 : i32
    %dma_wait3A_201 = tpu.memref_slice %arg3[%dma_wait3A_200] : memref<320000xi32, #tpu.memory_space<hbm>> -> memref<80xi32, #tpu.memory_space<hbm>>
    %dma_wait3A_202 = arith.constant 0 : i32
    %dma_wait3A_203 = tpu.memref_slice %arg3[%dma_wait3A_202] : memref<320000xi32, #tpu.memory_space<hbm>> -> memref<80xi32, #tpu.memory_space<hbm>>
    tpu.wait_dma2 semaphore(%arg22 : memref<!tpu.dma_semaphore, #tpu.memory_space<semaphore_mem>>) src(%dma_wait3A_203 : memref<80xi32, #tpu.memory_space<hbm>>) dst(%arg6 : memref<80xi32, #tpu.memory_space<vmem>>)
    %dma_wait3A_204 = arith.constant 0 : i32
    %dma_wait3A_205 = tpu.memref_slice %arg4[%dma_wait3A_204] : memref<320000xi32, #tpu.memory_space<hbm>> -> memref<80xi32, #tpu.memory_space<hbm>>
    %dma_wait3A_206 = arith.constant 0 : i32
    %dma_wait3A_207 = tpu.memref_slice %arg4[%dma_wait3A_206] : memref<320000xi32, #tpu.memory_space<hbm>> -> memref<80xi32, #tpu.memory_space<hbm>>
    tpu.wait_dma2 semaphore(%arg22 : memref<!tpu.dma_semaphore, #tpu.memory_space<semaphore_mem>>) src(%dma_wait3A_207 : memref<80xi32, #tpu.memory_space<hbm>>) dst(%arg12 : memref<80xi32, #tpu.memory_space<vmem>>)
    %dma_start3A_208 = arith.constant 0 : i32
    %dma_start3A_209 = arith.constant 0 : i32
    %dma_start3A_210 = tpu.memref_slice %arg2[%dma_start3A_208, %dma_start3A_209] : memref<10000x128xf32, #tpu.memory_space<hbm>> -> memref<10000x128xf32, #tpu.memory_space<hbm>>
    tpu.enqueue_indirect_dma source(%dma_start3A_210 : memref<10000x128xf32, #tpu.memory_space<hbm>>) target(%arg18 : memref<80x128xf32, #tpu.memory_space<vmem>>) offsets(%arg6 : memref<80xi32, #tpu.memory_space<vmem>>) semaphore(%arg28 : memref<!tpu.dma_semaphore, #tpu.memory_space<semaphore_mem>>)
    %dma_wait3A_211 = arith.constant 0 : i32
    %dma_wait3A_212 = tpu.memref_slice %arg3[%dma_wait3A_211] : memref<320000xi32, #tpu.memory_space<hbm>> -> memref<80xi32, #tpu.memory_space<hbm>>
    %dma_wait3A_213 = arith.constant 0 : i32
    %dma_wait3A_214 = tpu.memref_slice %arg3[%dma_wait3A_213] : memref<320000xi32, #tpu.memory_space<hbm>> -> memref<80xi32, #tpu.memory_space<hbm>>
    tpu.wait_dma2 semaphore(%arg23 : memref<!tpu.dma_semaphore, #tpu.memory_space<semaphore_mem>>) src(%dma_wait3A_214 : memref<80xi32, #tpu.memory_space<hbm>>) dst(%arg7 : memref<80xi32, #tpu.memory_space<vmem>>)
    %dma_wait3A_215 = arith.constant 0 : i32
    %dma_wait3A_216 = tpu.memref_slice %arg4[%dma_wait3A_215] : memref<320000xi32, #tpu.memory_space<hbm>> -> memref<80xi32, #tpu.memory_space<hbm>>
    %dma_wait3A_217 = arith.constant 0 : i32
    %dma_wait3A_218 = tpu.memref_slice %arg4[%dma_wait3A_217] : memref<320000xi32, #tpu.memory_space<hbm>> -> memref<80xi32, #tpu.memory_space<hbm>>
    tpu.wait_dma2 semaphore(%arg23 : memref<!tpu.dma_semaphore, #tpu.memory_space<semaphore_mem>>) src(%dma_wait3A_218 : memref<80xi32, #tpu.memory_space<hbm>>) dst(%arg13 : memref<80xi32, #tpu.memory_space<vmem>>)
    %dma_start3A_219 = arith.constant 0 : i32
    %dma_start3A_220 = arith.constant 0 : i32
    %dma_start3A_221 = tpu.memref_slice %arg2[%dma_start3A_219, %dma_start3A_220] : memref<10000x128xf32, #tpu.memory_space<hbm>> -> memref<10000x128xf32, #tpu.memory_space<hbm>>
    tpu.enqueue_indirect_dma source(%dma_start3A_221 : memref<10000x128xf32, #tpu.memory_space<hbm>>) target(%arg19 : memref<80x128xf32, #tpu.memory_space<vmem>>) offsets(%arg7 : memref<80xi32, #tpu.memory_space<vmem>>) semaphore(%arg29 : memref<!tpu.dma_semaphore, #tpu.memory_space<semaphore_mem>>)
    %barrier3A = arith.constant 0 : index
    tpu.barrier barrier_id(%barrier3A)
    %scan3A_222 = arith.constant 0 : i32
    %scan3A_223 = arith.constant 20 : i32
    %scan3A_224 = arith.addi %scan3A_222, %scan3A_223 : i32
    %scan3A_225 = arith.constant 1 : i32
    scf.for %scan3A_318 = %scan3A_222 to %scan3A_224 step %scan3A_225  : i32 {
      %mul3A_319 = arith.constant 6 : i32
      %mul3A_320 = arith.muli %scan3A_318, %mul3A_319 : i32
      %add3A_321 = arith.constant 0 : i32
      %add3A_322 = arith.addi %add3A_321, %mul3A_320 : i32
      %add3A_323 = arith.constant 0 : i32
      %add3A_324 = arith.addi %add3A_322, %add3A_323 : i32
      %dma_wait3A_325 = arith.constant 0 : i32
      %dma_wait3A_326 = arith.constant 0 : i32
      %dma_wait3A_327 = tpu.memref_slice %arg2[%dma_wait3A_325, %dma_wait3A_326] : memref<10000x128xf32, #tpu.memory_space<hbm>> -> memref<10000x128xf32, #tpu.memory_space<hbm>>
      tpu.wait_indirect_dma semaphore(%arg28 : memref<!tpu.dma_semaphore, #tpu.memory_space<semaphore_mem>>) src(%dma_wait3A_327 : memref<10000x128xf32, #tpu.memory_space<hbm>>) dst(%arg18 : memref<80x128xf32, #tpu.memory_space<vmem>>)
      %dma_start3A_328 = arith.constant 0 : i32
      %dma_start3A_329 = arith.constant 0 : i32
      %dma_start3A_330 = tpu.memref_slice %arg21[%dma_start3A_328, %dma_start3A_329] : memref<10000x128xf32, #tpu.memory_space<vmem_shared>> -> memref<10000x128xf32, #tpu.memory_space<vmem_shared>>
      tpu.enqueue_indirect_dma source(%arg18 : memref<80x128xf32, #tpu.memory_space<vmem>>) target(%dma_start3A_330 : memref<10000x128xf32, #tpu.memory_space<vmem_shared>>) offsets(%arg12 : memref<80xi32, #tpu.memory_space<vmem>>) semaphore(%arg31 : memref<!tpu.dma_semaphore, #tpu.memory_space<semaphore_mem>>) {add = true}
      %add3A_331 = arith.constant 2 : i32
      %add3A_332 = arith.addi %add3A_324, %add3A_331 : i32
      %lt3A = arith.constant 125 : i32
      %lt3A_333 = arith.cmpi slt, %add3A_332, %lt3A : i32
      %convert_element_type3A_334 = arith.extui %lt3A_333 : i1 to i32
      %cond3A_335 = arith.constant 0 : i32
      %cond3A_336 = arith.cmpi ne, %convert_element_type3A_334, %cond3A_335 : i32
      scf.if %cond3A_336 {
        %ge3A = arith.constant 1 : i32
        %ge3A_412 = arith.cmpi sge, %add3A_324, %ge3A : i32
        %convert_element_type3A_413 = arith.extui %ge3A_412 : i1 to i32
        %cond3A_414 = arith.constant 0 : i32
        %cond3A_415 = arith.cmpi ne, %convert_element_type3A_413, %cond3A_414 : i32
        scf.if %cond3A_415 {
          %dma_wait3A_427 = arith.constant 0 : i32
          %dma_wait3A_428 = arith.constant 0 : i32
          %dma_wait3A_429 = tpu.memref_slice %arg21[%dma_wait3A_427, %dma_wait3A_428] : memref<10000x128xf32, #tpu.memory_space<vmem_shared>> -> memref<10000x128xf32, #tpu.memory_space<vmem_shared>>
          tpu.wait_indirect_dma semaphore(%arg33 : memref<!tpu.dma_semaphore, #tpu.memory_space<semaphore_mem>>) src(%arg20 : memref<80x128xf32, #tpu.memory_space<vmem>>) dst(%dma_wait3A_429 : memref<10000x128xf32, #tpu.memory_space<vmem_shared>>)
          %add3A_430 = arith.constant 6 : i32
          %add3A_431 = arith.addi %add3A_324, %add3A_430 : i32
          %sub3A = arith.constant 1 : i32
          %sub3A_432 = arith.subi %add3A_431, %sub3A : i32
          %lt3A_433 = arith.constant 125 : i32
          %lt3A_434 = arith.cmpi slt, %sub3A_432, %lt3A_433 : i32
          %convert_element_type3A_435 = arith.extui %lt3A_434 : i1 to i32
          %cond3A_436 = arith.constant 0 : i32
          %cond3A_437 = arith.cmpi ne, %convert_element_type3A_435, %cond3A_436 : i32
          scf.if %cond3A_437 {
            %add3A_438 = arith.constant 6 : i32
            %add3A_439 = arith.addi %add3A_324, %add3A_438 : i32
            %sub3A_440 = arith.constant 1 : i32
            %sub3A_441 = arith.subi %add3A_439, %sub3A_440 : i32
            %mul3A_442 = arith.constant 80 : i32
            %mul3A_443 = arith.muli %sub3A_441, %mul3A_442 : i32
            %add3A_444 = arith.addi %mul3A_2, %mul3A_443 : i32
            %dma_start3A_445 = tpu.memref_slice %arg3[%add3A_444] : memref<320000xi32, #tpu.memory_space<hbm>> -> memref<80xi32, #tpu.memory_space<hbm>>
            %dma_start3A_446 = tpu.memref_slice %arg3[%add3A_444] : memref<320000xi32, #tpu.memory_space<hbm>> -> memref<80xi32, #tpu.memory_space<hbm>>
            tpu.enqueue_dma source(%dma_start3A_446 : memref<80xi32, #tpu.memory_space<hbm>>) target(%arg11 : memref<80xi32, #tpu.memory_space<vmem>>) target_semaphore(%arg27 : memref<!tpu.dma_semaphore, #tpu.memory_space<semaphore_mem>>)
            %add3A_447 = arith.constant 6 : i32
            %add3A_448 = arith.addi %add3A_324, %add3A_447 : i32
            %sub3A_449 = arith.constant 1 : i32
            %sub3A_450 = arith.subi %add3A_448, %sub3A_449 : i32
            %mul3A_451 = arith.constant 80 : i32
            %mul3A_452 = arith.muli %sub3A_450, %mul3A_451 : i32
            %add3A_453 = arith.addi %mul3A_2, %mul3A_452 : i32
            %dma_start3A_454 = tpu.memref_slice %arg4[%add3A_453] : memref<320000xi32, #tpu.memory_space<hbm>> -> memref<80xi32, #tpu.memory_space<hbm>>
            %dma_start3A_455 = tpu.memref_slice %arg4[%add3A_453] : memref<320000xi32, #tpu.memory_space<hbm>> -> memref<80xi32, #tpu.memory_space<hbm>>
            tpu.enqueue_dma source(%dma_start3A_455 : memref<80xi32, #tpu.memory_space<hbm>>) target(%arg17 : memref<80xi32, #tpu.memory_space<vmem>>) target_semaphore(%arg27 : memref<!tpu.dma_semaphore, #tpu.memory_space<semaphore_mem>>)
          } else {
          }
        } else {
        }
        %dma_wait3A_416 = arith.constant 0 : i32
        %dma_wait3A_417 = tpu.memref_slice %arg3[%dma_wait3A_416] : memref<320000xi32, #tpu.memory_space<hbm>> -> memref<80xi32, #tpu.memory_space<hbm>>
        %dma_wait3A_418 = arith.constant 0 : i32
        %dma_wait3A_419 = tpu.memref_slice %arg3[%dma_wait3A_418] : memref<320000xi32, #tpu.memory_space<hbm>> -> memref<80xi32, #tpu.memory_space<hbm>>
        tpu.wait_dma2 semaphore(%arg24 : memref<!tpu.dma_semaphore, #tpu.memory_space<semaphore_mem>>) src(%dma_wait3A_419 : memref<80xi32, #tpu.memory_space<hbm>>) dst(%arg8 : memref<80xi32, #tpu.memory_space<vmem>>)
        %dma_wait3A_420 = arith.constant 0 : i32
        %dma_wait3A_421 = tpu.memref_slice %arg4[%dma_wait3A_420] : memref<320000xi32, #tpu.memory_space<hbm>> -> memref<80xi32, #tpu.memory_space<hbm>>
        %dma_wait3A_422 = arith.constant 0 : i32
        %dma_wait3A_423 = tpu.memref_slice %arg4[%dma_wait3A_422] : memref<320000xi32, #tpu.memory_space<hbm>> -> memref<80xi32, #tpu.memory_space<hbm>>
        tpu.wait_dma2 semaphore(%arg24 : memref<!tpu.dma_semaphore, #tpu.memory_space<semaphore_mem>>) src(%dma_wait3A_423 : memref<80xi32, #tpu.memory_space<hbm>>) dst(%arg14 : memref<80xi32, #tpu.memory_space<vmem>>)
        %dma_start3A_424 = arith.constant 0 : i32
        %dma_start3A_425 = arith.constant 0 : i32
        %dma_start3A_426 = tpu.memref_slice %arg2[%dma_start3A_424, %dma_start3A_425] : memref<10000x128xf32, #tpu.memory_space<hbm>> -> memref<10000x128xf32, #tpu.memory_space<hbm>>
        tpu.enqueue_indirect_dma source(%dma_start3A_426 : memref<10000x128xf32, #tpu.memory_space<hbm>>) target(%arg20 : memref<80x128xf32, #tpu.memory_space<vmem>>) offsets(%arg8 : memref<80xi32, #tpu.memory_space<vmem>>) semaphore(%arg30 : memref<!tpu.dma_semaphore, #tpu.memory_space<semaphore_mem>>)
      } else {
      }
      %add3A_337 = arith.constant 1 : i32
      %add3A_338 = arith.addi %add3A_322, %add3A_337 : i32
      %dma_wait3A_339 = arith.constant 0 : i32
      %dma_wait3A_340 = arith.constant 0 : i32
      %dma_wait3A_341 = tpu.memref_slice %arg2[%dma_wait3A_339, %dma_wait3A_340] : memref<10000x128xf32, #tpu.memory_space<hbm>> -> memref<10000x128xf32, #tpu.memory_space<hbm>>
      tpu.wait_indirect_dma semaphore(%arg29 : memref<!tpu.dma_semaphore, #tpu.memory_space<semaphore_mem>>) src(%dma_wait3A_341 : memref<10000x128xf32, #tpu.memory_space<hbm>>) dst(%arg19 : memref<80x128xf32, #tpu.memory_space<vmem>>)
      %dma_start3A_342 = arith.constant 0 : i32
      %dma_start3A_343 = arith.constant 0 : i32
      %dma_start3A_344 = tpu.memref_slice %arg21[%dma_start3A_342, %dma_start3A_343] : memref<10000x128xf32, #tpu.memory_space<vmem_shared>> -> memref<10000x128xf32, #tpu.memory_space<vmem_shared>>
      tpu.enqueue_indirect_dma source(%arg19 : memref<80x128xf32, #tpu.memory_space<vmem>>) target(%dma_start3A_344 : memref<10000x128xf32, #tpu.memory_space<vmem_shared>>) offsets(%arg13 : memref<80xi32, #tpu.memory_space<vmem>>) semaphore(%arg32 : memref<!tpu.dma_semaphore, #tpu.memory_space<semaphore_mem>>) {add = true}
      %add3A_345 = arith.constant 2 : i32
      %add3A_346 = arith.addi %add3A_338, %add3A_345 : i32
      %lt3A_347 = arith.constant 125 : i32
      %lt3A_348 = arith.cmpi slt, %add3A_346, %lt3A_347 : i32
      %convert_element_type3A_349 = arith.extui %lt3A_348 : i1 to i32
      %cond3A_350 = arith.constant 0 : i32
      %cond3A_351 = arith.cmpi ne, %convert_element_type3A_349, %cond3A_350 : i32
      scf.if %cond3A_351 {
        %ge3A = arith.constant 1 : i32
        %ge3A_412 = arith.cmpi sge, %add3A_338, %ge3A : i32
        %convert_element_type3A_413 = arith.extui %ge3A_412 : i1 to i32
        %cond3A_414 = arith.constant 0 : i32
        %cond3A_415 = arith.cmpi ne, %convert_element_type3A_413, %cond3A_414 : i32
        scf.if %cond3A_415 {
          %dma_wait3A_427 = arith.constant 0 : i32
          %dma_wait3A_428 = arith.constant 0 : i32
          %dma_wait3A_429 = tpu.memref_slice %arg21[%dma_wait3A_427, %dma_wait3A_428] : memref<10000x128xf32, #tpu.memory_space<vmem_shared>> -> memref<10000x128xf32, #tpu.memory_space<vmem_shared>>
          tpu.wait_indirect_dma semaphore(%arg31 : memref<!tpu.dma_semaphore, #tpu.memory_space<semaphore_mem>>) src(%arg18 : memref<80x128xf32, #tpu.memory_space<vmem>>) dst(%dma_wait3A_429 : memref<10000x128xf32, #tpu.memory_space<vmem_shared>>)
          %add3A_430 = arith.constant 6 : i32
          %add3A_431 = arith.addi %add3A_338, %add3A_430 : i32
          %sub3A = arith.constant 1 : i32
          %sub3A_432 = arith.subi %add3A_431, %sub3A : i32
          %lt3A_433 = arith.constant 125 : i32
          %lt3A_434 = arith.cmpi slt, %sub3A_432, %lt3A_433 : i32
          %convert_element_type3A_435 = arith.extui %lt3A_434 : i1 to i32
          %cond3A_436 = arith.constant 0 : i32
          %cond3A_437 = arith.cmpi ne, %convert_element_type3A_435, %cond3A_436 : i32
          scf.if %cond3A_437 {
            %add3A_438 = arith.constant 6 : i32
            %add3A_439 = arith.addi %add3A_338, %add3A_438 : i32
            %sub3A_440 = arith.constant 1 : i32
            %sub3A_441 = arith.subi %add3A_439, %sub3A_440 : i32
            %mul3A_442 = arith.constant 80 : i32
            %mul3A_443 = arith.muli %sub3A_441, %mul3A_442 : i32
            %add3A_444 = arith.addi %mul3A_2, %mul3A_443 : i32
            %dma_start3A_445 = tpu.memref_slice %arg3[%add3A_444] : memref<320000xi32, #tpu.memory_space<hbm>> -> memref<80xi32, #tpu.memory_space<hbm>>
            %dma_start3A_446 = tpu.memref_slice %arg3[%add3A_444] : memref<320000xi32, #tpu.memory_space<hbm>> -> memref<80xi32, #tpu.memory_space<hbm>>
            tpu.enqueue_dma source(%dma_start3A_446 : memref<80xi32, #tpu.memory_space<hbm>>) target(%arg6 : memref<80xi32, #tpu.memory_space<vmem>>) target_semaphore(%arg22 : memref<!tpu.dma_semaphore, #tpu.memory_space<semaphore_mem>>)
            %add3A_447 = arith.constant 6 : i32
            %add3A_448 = arith.addi %add3A_338, %add3A_447 : i32
            %sub3A_449 = arith.constant 1 : i32
            %sub3A_450 = arith.subi %add3A_448, %sub3A_449 : i32
            %mul3A_451 = arith.constant 80 : i32
            %mul3A_452 = arith.muli %sub3A_450, %mul3A_451 : i32
            %add3A_453 = arith.addi %mul3A_2, %mul3A_452 : i32
            %dma_start3A_454 = tpu.memref_slice %arg4[%add3A_453] : memref<320000xi32, #tpu.memory_space<hbm>> -> memref<80xi32, #tpu.memory_space<hbm>>
            %dma_start3A_455 = tpu.memref_slice %arg4[%add3A_453] : memref<320000xi32, #tpu.memory_space<hbm>> -> memref<80xi32, #tpu.memory_space<hbm>>
            tpu.enqueue_dma source(%dma_start3A_455 : memref<80xi32, #tpu.memory_space<hbm>>) target(%arg12 : memref<80xi32, #tpu.memory_space<vmem>>) target_semaphore(%arg22 : memref<!tpu.dma_semaphore, #tpu.memory_space<semaphore_mem>>)
          } else {
          }
        } else {
        }
        %dma_wait3A_416 = arith.constant 0 : i32
        %dma_wait3A_417 = tpu.memref_slice %arg3[%dma_wait3A_416] : memref<320000xi32, #tpu.memory_space<hbm>> -> memref<80xi32, #tpu.memory_space<hbm>>
        %dma_wait3A_418 = arith.constant 0 : i32
        %dma_wait3A_419 = tpu.memref_slice %arg3[%dma_wait3A_418] : memref<320000xi32, #tpu.memory_space<hbm>> -> memref<80xi32, #tpu.memory_space<hbm>>
        tpu.wait_dma2 semaphore(%arg25 : memref<!tpu.dma_semaphore, #tpu.memory_space<semaphore_mem>>) src(%dma_wait3A_419 : memref<80xi32, #tpu.memory_space<hbm>>) dst(%arg9 : memref<80xi32, #tpu.memory_space<vmem>>)
        %dma_wait3A_420 = arith.constant 0 : i32
        %dma_wait3A_421 = tpu.memref_slice %arg4[%dma_wait3A_420] : memref<320000xi32, #tpu.memory_space<hbm>> -> memref<80xi32, #tpu.memory_space<hbm>>
        %dma_wait3A_422 = arith.constant 0 : i32
        %dma_wait3A_423 = tpu.memref_slice %arg4[%dma_wait3A_422] : memref<320000xi32, #tpu.memory_space<hbm>> -> memref<80xi32, #tpu.memory_space<hbm>>
        tpu.wait_dma2 semaphore(%arg25 : memref<!tpu.dma_semaphore, #tpu.memory_space<semaphore_mem>>) src(%dma_wait3A_423 : memref<80xi32, #tpu.memory_space<hbm>>) dst(%arg15 : memref<80xi32, #tpu.memory_space<vmem>>)
        %dma_start3A_424 = arith.constant 0 : i32
        %dma_start3A_425 = arith.constant 0 : i32
        %dma_start3A_426 = tpu.memref_slice %arg2[%dma_start3A_424, %dma_start3A_425] : memref<10000x128xf32, #tpu.memory_space<hbm>> -> memref<10000x128xf32, #tpu.memory_space<hbm>>
        tpu.enqueue_indirect_dma source(%dma_start3A_426 : memref<10000x128xf32, #tpu.memory_space<hbm>>) target(%arg18 : memref<80x128xf32, #tpu.memory_space<vmem>>) offsets(%arg9 : memref<80xi32, #tpu.memory_space<vmem>>) semaphore(%arg28 : memref<!tpu.dma_semaphore, #tpu.memory_space<semaphore_mem>>)
      } else {
      }
      %add3A_352 = arith.constant 2 : i32
      %add3A_353 = arith.addi %add3A_322, %add3A_352 : i32
      %dma_wait3A_354 = arith.constant 0 : i32
      %dma_wait3A_355 = arith.constant 0 : i32
      %dma_wait3A_356 = tpu.memref_slice %arg2[%dma_wait3A_354, %dma_wait3A_355] : memref<10000x128xf32, #tpu.memory_space<hbm>> -> memref<10000x128xf32, #tpu.memory_space<hbm>>
      tpu.wait_indirect_dma semaphore(%arg30 : memref<!tpu.dma_semaphore, #tpu.memory_space<semaphore_mem>>) src(%dma_wait3A_356 : memref<10000x128xf32, #tpu.memory_space<hbm>>) dst(%arg20 : memref<80x128xf32, #tpu.memory_space<vmem>>)
      %dma_start3A_357 = arith.constant 0 : i32
      %dma_start3A_358 = arith.constant 0 : i32
      %dma_start3A_359 = tpu.memref_slice %arg21[%dma_start3A_357, %dma_start3A_358] : memref<10000x128xf32, #tpu.memory_space<vmem_shared>> -> memref<10000x128xf32, #tpu.memory_space<vmem_shared>>
      tpu.enqueue_indirect_dma source(%arg20 : memref<80x128xf32, #tpu.memory_space<vmem>>) target(%dma_start3A_359 : memref<10000x128xf32, #tpu.memory_space<vmem_shared>>) offsets(%arg14 : memref<80xi32, #tpu.memory_space<vmem>>) semaphore(%arg33 : memref<!tpu.dma_semaphore, #tpu.memory_space<semaphore_mem>>) {add = true}
      %add3A_360 = arith.constant 2 : i32
      %add3A_361 = arith.addi %add3A_353, %add3A_360 : i32
      %lt3A_362 = arith.constant 125 : i32
      %lt3A_363 = arith.cmpi slt, %add3A_361, %lt3A_362 : i32
      %convert_element_type3A_364 = arith.extui %lt3A_363 : i1 to i32
      %cond3A_365 = arith.constant 0 : i32
      %cond3A_366 = arith.cmpi ne, %convert_element_type3A_364, %cond3A_365 : i32
      scf.if %cond3A_366 {
        %ge3A = arith.constant 1 : i32
        %ge3A_412 = arith.cmpi sge, %add3A_353, %ge3A : i32
        %convert_element_type3A_413 = arith.extui %ge3A_412 : i1 to i32
        %cond3A_414 = arith.constant 0 : i32
        %cond3A_415 = arith.cmpi ne, %convert_element_type3A_413, %cond3A_414 : i32
        scf.if %cond3A_415 {
          %dma_wait3A_427 = arith.constant 0 : i32
          %dma_wait3A_428 = arith.constant 0 : i32
          %dma_wait3A_429 = tpu.memref_slice %arg21[%dma_wait3A_427, %dma_wait3A_428] : memref<10000x128xf32, #tpu.memory_space<vmem_shared>> -> memref<10000x128xf32, #tpu.memory_space<vmem_shared>>
          tpu.wait_indirect_dma semaphore(%arg32 : memref<!tpu.dma_semaphore, #tpu.memory_space<semaphore_mem>>) src(%arg19 : memref<80x128xf32, #tpu.memory_space<vmem>>) dst(%dma_wait3A_429 : memref<10000x128xf32, #tpu.memory_space<vmem_shared>>)
          %add3A_430 = arith.constant 6 : i32
          %add3A_431 = arith.addi %add3A_353, %add3A_430 : i32
          %sub3A = arith.constant 1 : i32
          %sub3A_432 = arith.subi %add3A_431, %sub3A : i32
          %lt3A_433 = arith.constant 125 : i32
          %lt3A_434 = arith.cmpi slt, %sub3A_432, %lt3A_433 : i32
          %convert_element_type3A_435 = arith.extui %lt3A_434 : i1 to i32
          %cond3A_436 = arith.constant 0 : i32
          %cond3A_437 = arith.cmpi ne, %convert_element_type3A_435, %cond3A_436 : i32
          scf.if %cond3A_437 {
            %add3A_438 = arith.constant 6 : i32
            %add3A_439 = arith.addi %add3A_353, %add3A_438 : i32
            %sub3A_440 = arith.constant 1 : i32
            %sub3A_441 = arith.subi %add3A_439, %sub3A_440 : i32
            %mul3A_442 = arith.constant 80 : i32
            %mul3A_443 = arith.muli %sub3A_441, %mul3A_442 : i32
            %add3A_444 = arith.addi %mul3A_2, %mul3A_443 : i32
            %dma_start3A_445 = tpu.memref_slice %arg3[%add3A_444] : memref<320000xi32, #tpu.memory_space<hbm>> -> memref<80xi32, #tpu.memory_space<hbm>>
            %dma_start3A_446 = tpu.memref_slice %arg3[%add3A_444] : memref<320000xi32, #tpu.memory_space<hbm>> -> memref<80xi32, #tpu.memory_space<hbm>>
            tpu.enqueue_dma source(%dma_start3A_446 : memref<80xi32, #tpu.memory_space<hbm>>) target(%arg7 : memref<80xi32, #tpu.memory_space<vmem>>) target_semaphore(%arg23 : memref<!tpu.dma_semaphore, #tpu.memory_space<semaphore_mem>>)
            %add3A_447 = arith.constant 6 : i32
            %add3A_448 = arith.addi %add3A_353, %add3A_447 : i32
            %sub3A_449 = arith.constant 1 : i32
            %sub3A_450 = arith.subi %add3A_448, %sub3A_449 : i32
            %mul3A_451 = arith.constant 80 : i32
            %mul3A_452 = arith.muli %sub3A_450, %mul3A_451 : i32
            %add3A_453 = arith.addi %mul3A_2, %mul3A_452 : i32
            %dma_start3A_454 = tpu.memref_slice %arg4[%add3A_453] : memref<320000xi32, #tpu.memory_space<hbm>> -> memref<80xi32, #tpu.memory_space<hbm>>
            %dma_start3A_455 = tpu.memref_slice %arg4[%add3A_453] : memref<320000xi32, #tpu.memory_space<hbm>> -> memref<80xi32, #tpu.memory_space<hbm>>
            tpu.enqueue_dma source(%dma_start3A_455 : memref<80xi32, #tpu.memory_space<hbm>>) target(%arg13 : memref<80xi32, #tpu.memory_space<vmem>>) target_semaphore(%arg23 : memref<!tpu.dma_semaphore, #tpu.memory_space<semaphore_mem>>)
          } else {
          }
        } else {
        }
        %dma_wait3A_416 = arith.constant 0 : i32
        %dma_wait3A_417 = tpu.memref_slice %arg3[%dma_wait3A_416] : memref<320000xi32, #tpu.memory_space<hbm>> -> memref<80xi32, #tpu.memory_space<hbm>>
        %dma_wait3A_418 = arith.constant 0 : i32
        %dma_wait3A_419 = tpu.memref_slice %arg3[%dma_wait3A_418] : memref<320000xi32, #tpu.memory_space<hbm>> -> memref<80xi32, #tpu.memory_space<hbm>>
        tpu.wait_dma2 semaphore(%arg26 : memref<!tpu.dma_semaphore, #tpu.memory_space<semaphore_mem>>) src(%dma_wait3A_419 : memref<80xi32, #tpu.memory_space<hbm>>) dst(%arg10 : memref<80xi32, #tpu.memory_space<vmem>>)
        %dma_wait3A_420 = arith.constant 0 : i32
        %dma_wait3A_421 = tpu.memref_slice %arg4[%dma_wait3A_420] : memref<320000xi32, #tpu.memory_space<hbm>> -> memref<80xi32, #tpu.memory_space<hbm>>
        %dma_wait3A_422 = arith.constant 0 : i32
        %dma_wait3A_423 = tpu.memref_slice %arg4[%dma_wait3A_422] : memref<320000xi32, #tpu.memory_space<hbm>> -> memref<80xi32, #tpu.memory_space<hbm>>
        tpu.wait_dma2 semaphore(%arg26 : memref<!tpu.dma_semaphore, #tpu.memory_space<semaphore_mem>>) src(%dma_wait3A_423 : memref<80xi32, #tpu.memory_space<hbm>>) dst(%arg16 : memref<80xi32, #tpu.memory_space<vmem>>)
        %dma_start3A_424 = arith.constant 0 : i32
        %dma_start3A_425 = arith.constant 0 : i32
        %dma_start3A_426 = tpu.memref_slice %arg2[%dma_start3A_424, %dma_start3A_425] : memref<10000x128xf32, #tpu.memory_space<hbm>> -> memref<10000x128xf32, #tpu.memory_space<hbm>>
        tpu.enqueue_indirect_dma source(%dma_start3A_426 : memref<10000x128xf32, #tpu.memory_space<hbm>>) target(%arg19 : memref<80x128xf32, #tpu.memory_space<vmem>>) offsets(%arg10 : memref<80xi32, #tpu.memory_space<vmem>>) semaphore(%arg29 : memref<!tpu.dma_semaphore, #tpu.memory_space<semaphore_mem>>)
      } else {
      }
      %add3A_367 = arith.constant 3 : i32
      %add3A_368 = arith.addi %add3A_322, %add3A_367 : i32
      %dma_wait3A_369 = arith.constant 0 : i32
      %dma_wait3A_370 = arith.constant 0 : i32
      %dma_wait3A_371 = tpu.memref_slice %arg2[%dma_wait3A_369, %dma_wait3A_370] : memref<10000x128xf32, #tpu.memory_space<hbm>> -> memref<10000x128xf32, #tpu.memory_space<hbm>>
      tpu.wait_indirect_dma semaphore(%arg28 : memref<!tpu.dma_semaphore, #tpu.memory_space<semaphore_mem>>) src(%dma_wait3A_371 : memref<10000x128xf32, #tpu.memory_space<hbm>>) dst(%arg18 : memref<80x128xf32, #tpu.memory_space<vmem>>)
      %dma_start3A_372 = arith.constant 0 : i32
      %dma_start3A_373 = arith.constant 0 : i32
      %dma_start3A_374 = tpu.memref_slice %arg21[%dma_start3A_372, %dma_start3A_373] : memref<10000x128xf32, #tpu.memory_space<vmem_shared>> -> memref<10000x128xf32, #tpu.memory_space<vmem_shared>>
      tpu.enqueue_indirect_dma source(%arg18 : memref<80x128xf32, #tpu.memory_space<vmem>>) target(%dma_start3A_374 : memref<10000x128xf32, #tpu.memory_space<vmem_shared>>) offsets(%arg15 : memref<80xi32, #tpu.memory_space<vmem>>) semaphore(%arg31 : memref<!tpu.dma_semaphore, #tpu.memory_space<semaphore_mem>>) {add = true}
      %add3A_375 = arith.constant 2 : i32
      %add3A_376 = arith.addi %add3A_368, %add3A_375 : i32
      %lt3A_377 = arith.constant 125 : i32
      %lt3A_378 = arith.cmpi slt, %add3A_376, %lt3A_377 : i32
      %convert_element_type3A_379 = arith.extui %lt3A_378 : i1 to i32
      %cond3A_380 = arith.constant 0 : i32
      %cond3A_381 = arith.cmpi ne, %convert_element_type3A_379, %cond3A_380 : i32
      scf.if %cond3A_381 {
        %ge3A = arith.constant 1 : i32
        %ge3A_412 = arith.cmpi sge, %add3A_368, %ge3A : i32
        %convert_element_type3A_413 = arith.extui %ge3A_412 : i1 to i32
        %cond3A_414 = arith.constant 0 : i32
        %cond3A_415 = arith.cmpi ne, %convert_element_type3A_413, %cond3A_414 : i32
        scf.if %cond3A_415 {
          %dma_wait3A_427 = arith.constant 0 : i32
          %dma_wait3A_428 = arith.constant 0 : i32
          %dma_wait3A_429 = tpu.memref_slice %arg21[%dma_wait3A_427, %dma_wait3A_428] : memref<10000x128xf32, #tpu.memory_space<vmem_shared>> -> memref<10000x128xf32, #tpu.memory_space<vmem_shared>>
          tpu.wait_indirect_dma semaphore(%arg33 : memref<!tpu.dma_semaphore, #tpu.memory_space<semaphore_mem>>) src(%arg20 : memref<80x128xf32, #tpu.memory_space<vmem>>) dst(%dma_wait3A_429 : memref<10000x128xf32, #tpu.memory_space<vmem_shared>>)
          %add3A_430 = arith.constant 6 : i32
          %add3A_431 = arith.addi %add3A_368, %add3A_430 : i32
          %sub3A = arith.constant 1 : i32
          %sub3A_432 = arith.subi %add3A_431, %sub3A : i32
          %lt3A_433 = arith.constant 125 : i32
          %lt3A_434 = arith.cmpi slt, %sub3A_432, %lt3A_433 : i32
          %convert_element_type3A_435 = arith.extui %lt3A_434 : i1 to i32
          %cond3A_436 = arith.constant 0 : i32
          %cond3A_437 = arith.cmpi ne, %convert_element_type3A_435, %cond3A_436 : i32
          scf.if %cond3A_437 {
            %add3A_438 = arith.constant 6 : i32
            %add3A_439 = arith.addi %add3A_368, %add3A_438 : i32
            %sub3A_440 = arith.constant 1 : i32
            %sub3A_441 = arith.subi %add3A_439, %sub3A_440 : i32
            %mul3A_442 = arith.constant 80 : i32
            %mul3A_443 = arith.muli %sub3A_441, %mul3A_442 : i32
            %add3A_444 = arith.addi %mul3A_2, %mul3A_443 : i32
            %dma_start3A_445 = tpu.memref_slice %arg3[%add3A_444] : memref<320000xi32, #tpu.memory_space<hbm>> -> memref<80xi32, #tpu.memory_space<hbm>>
            %dma_start3A_446 = tpu.memref_slice %arg3[%add3A_444] : memref<320000xi32, #tpu.memory_space<hbm>> -> memref<80xi32, #tpu.memory_space<hbm>>
            tpu.enqueue_dma source(%dma_start3A_446 : memref<80xi32, #tpu.memory_space<hbm>>) target(%arg8 : memref<80xi32, #tpu.memory_space<vmem>>) target_semaphore(%arg24 : memref<!tpu.dma_semaphore, #tpu.memory_space<semaphore_mem>>)
            %add3A_447 = arith.constant 6 : i32
            %add3A_448 = arith.addi %add3A_368, %add3A_447 : i32
            %sub3A_449 = arith.constant 1 : i32
            %sub3A_450 = arith.subi %add3A_448, %sub3A_449 : i32
            %mul3A_451 = arith.constant 80 : i32
            %mul3A_452 = arith.muli %sub3A_450, %mul3A_451 : i32
            %add3A_453 = arith.addi %mul3A_2, %mul3A_452 : i32
            %dma_start3A_454 = tpu.memref_slice %arg4[%add3A_453] : memref<320000xi32, #tpu.memory_space<hbm>> -> memref<80xi32, #tpu.memory_space<hbm>>
            %dma_start3A_455 = tpu.memref_slice %arg4[%add3A_453] : memref<320000xi32, #tpu.memory_space<hbm>> -> memref<80xi32, #tpu.memory_space<hbm>>
            tpu.enqueue_dma source(%dma_start3A_455 : memref<80xi32, #tpu.memory_space<hbm>>) target(%arg14 : memref<80xi32, #tpu.memory_space<vmem>>) target_semaphore(%arg24 : memref<!tpu.dma_semaphore, #tpu.memory_space<semaphore_mem>>)
          } else {
          }
        } else {
        }
        %dma_wait3A_416 = arith.constant 0 : i32
        %dma_wait3A_417 = tpu.memref_slice %arg3[%dma_wait3A_416] : memref<320000xi32, #tpu.memory_space<hbm>> -> memref<80xi32, #tpu.memory_space<hbm>>
        %dma_wait3A_418 = arith.constant 0 : i32
        %dma_wait3A_419 = tpu.memref_slice %arg3[%dma_wait3A_418] : memref<320000xi32, #tpu.memory_space<hbm>> -> memref<80xi32, #tpu.memory_space<hbm>>
        tpu.wait_dma2 semaphore(%arg27 : memref<!tpu.dma_semaphore, #tpu.memory_space<semaphore_mem>>) src(%dma_wait3A_419 : memref<80xi32, #tpu.memory_space<hbm>>) dst(%arg11 : memref<80xi32, #tpu.memory_space<vmem>>)
        %dma_wait3A_420 = arith.constant 0 : i32
        %dma_wait3A_421 = tpu.memref_slice %arg4[%dma_wait3A_420] : memref<320000xi32, #tpu.memory_space<hbm>> -> memref<80xi32, #tpu.memory_space<hbm>>
        %dma_wait3A_422 = arith.constant 0 : i32
        %dma_wait3A_423 = tpu.memref_slice %arg4[%dma_wait3A_422] : memref<320000xi32, #tpu.memory_space<hbm>> -> memref<80xi32, #tpu.memory_space<hbm>>
        tpu.wait_dma2 semaphore(%arg27 : memref<!tpu.dma_semaphore, #tpu.memory_space<semaphore_mem>>) src(%dma_wait3A_423 : memref<80xi32, #tpu.memory_space<hbm>>) dst(%arg17 : memref<80xi32, #tpu.memory_space<vmem>>)
        %dma_start3A_424 = arith.constant 0 : i32
        %dma_start3A_425 = arith.constant 0 : i32
        %dma_start3A_426 = tpu.memref_slice %arg2[%dma_start3A_424, %dma_start3A_425] : memref<10000x128xf32, #tpu.memory_space<hbm>> -> memref<10000x128xf32, #tpu.memory_space<hbm>>
        tpu.enqueue_indirect_dma source(%dma_start3A_426 : memref<10000x128xf32, #tpu.memory_space<hbm>>) target(%arg20 : memref<80x128xf32, #tpu.memory_space<vmem>>) offsets(%arg11 : memref<80xi32, #tpu.memory_space<vmem>>) semaphore(%arg30 : memref<!tpu.dma_semaphore, #tpu.memory_space<semaphore_mem>>)
      } else {
      }
      %add3A_382 = arith.constant 4 : i32
      %add3A_383 = arith.addi %add3A_322, %add3A_382 : i32
      %dma_wait3A_384 = arith.constant 0 : i32
      %dma_wait3A_385 = arith.constant 0 : i32
      %dma_wait3A_386 = tpu.memref_slice %arg2[%dma_wait3A_384, %dma_wait3A_385] : memref<10000x128xf32, #tpu.memory_space<hbm>> -> memref<10000x128xf32, #tpu.memory_space<hbm>>
      tpu.wait_indirect_dma semaphore(%arg29 : memref<!tpu.dma_semaphore, #tpu.memory_space<semaphore_mem>>) src(%dma_wait3A_386 : memref<10000x128xf32, #tpu.memory_space<hbm>>) dst(%arg19 : memref<80x128xf32, #tpu.memory_space<vmem>>)
      %dma_start3A_387 = arith.constant 0 : i32
      %dma_start3A_388 = arith.constant 0 : i32
      %dma_start3A_389 = tpu.memref_slice %arg21[%dma_start3A_387, %dma_start3A_388] : memref<10000x128xf32, #tpu.memory_space<vmem_shared>> -> memref<10000x128xf32, #tpu.memory_space<vmem_shared>>
      tpu.enqueue_indirect_dma source(%arg19 : memref<80x128xf32, #tpu.memory_space<vmem>>) target(%dma_start3A_389 : memref<10000x128xf32, #tpu.memory_space<vmem_shared>>) offsets(%arg16 : memref<80xi32, #tpu.memory_space<vmem>>) semaphore(%arg32 : memref<!tpu.dma_semaphore, #tpu.memory_space<semaphore_mem>>) {add = true}
      %add3A_390 = arith.constant 2 : i32
      %add3A_391 = arith.addi %add3A_383, %add3A_390 : i32
      %lt3A_392 = arith.constant 125 : i32
      %lt3A_393 = arith.cmpi slt, %add3A_391, %lt3A_392 : i32
      %convert_element_type3A_394 = arith.extui %lt3A_393 : i1 to i32
      %cond3A_395 = arith.constant 0 : i32
      %cond3A_396 = arith.cmpi ne, %convert_element_type3A_394, %cond3A_395 : i32
      scf.if %cond3A_396 {
        %ge3A = arith.constant 1 : i32
        %ge3A_412 = arith.cmpi sge, %add3A_383, %ge3A : i32
        %convert_element_type3A_413 = arith.extui %ge3A_412 : i1 to i32
        %cond3A_414 = arith.constant 0 : i32
        %cond3A_415 = arith.cmpi ne, %convert_element_type3A_413, %cond3A_414 : i32
        scf.if %cond3A_415 {
          %dma_wait3A_427 = arith.constant 0 : i32
          %dma_wait3A_428 = arith.constant 0 : i32
          %dma_wait3A_429 = tpu.memref_slice %arg21[%dma_wait3A_427, %dma_wait3A_428] : memref<10000x128xf32, #tpu.memory_space<vmem_shared>> -> memref<10000x128xf32, #tpu.memory_space<vmem_shared>>
          tpu.wait_indirect_dma semaphore(%arg31 : memref<!tpu.dma_semaphore, #tpu.memory_space<semaphore_mem>>) src(%arg18 : memref<80x128xf32, #tpu.memory_space<vmem>>) dst(%dma_wait3A_429 : memref<10000x128xf32, #tpu.memory_space<vmem_shared>>)
          %add3A_430 = arith.constant 6 : i32
          %add3A_431 = arith.addi %add3A_383, %add3A_430 : i32
          %sub3A = arith.constant 1 : i32
          %sub3A_432 = arith.subi %add3A_431, %sub3A : i32
          %lt3A_433 = arith.constant 125 : i32
          %lt3A_434 = arith.cmpi slt, %sub3A_432, %lt3A_433 : i32
          %convert_element_type3A_435 = arith.extui %lt3A_434 : i1 to i32
          %cond3A_436 = arith.constant 0 : i32
          %cond3A_437 = arith.cmpi ne, %convert_element_type3A_435, %cond3A_436 : i32
          scf.if %cond3A_437 {
            %add3A_438 = arith.constant 6 : i32
            %add3A_439 = arith.addi %add3A_383, %add3A_438 : i32
            %sub3A_440 = arith.constant 1 : i32
            %sub3A_441 = arith.subi %add3A_439, %sub3A_440 : i32
            %mul3A_442 = arith.constant 80 : i32
            %mul3A_443 = arith.muli %sub3A_441, %mul3A_442 : i32
            %add3A_444 = arith.addi %mul3A_2, %mul3A_443 : i32
            %dma_start3A_445 = tpu.memref_slice %arg3[%add3A_444] : memref<320000xi32, #tpu.memory_space<hbm>> -> memref<80xi32, #tpu.memory_space<hbm>>
            %dma_start3A_446 = tpu.memref_slice %arg3[%add3A_444] : memref<320000xi32, #tpu.memory_space<hbm>> -> memref<80xi32, #tpu.memory_space<hbm>>
            tpu.enqueue_dma source(%dma_start3A_446 : memref<80xi32, #tpu.memory_space<hbm>>) target(%arg9 : memref<80xi32, #tpu.memory_space<vmem>>) target_semaphore(%arg25 : memref<!tpu.dma_semaphore, #tpu.memory_space<semaphore_mem>>)
            %add3A_447 = arith.constant 6 : i32
            %add3A_448 = arith.addi %add3A_383, %add3A_447 : i32
            %sub3A_449 = arith.constant 1 : i32
            %sub3A_450 = arith.subi %add3A_448, %sub3A_449 : i32
            %mul3A_451 = arith.constant 80 : i32
            %mul3A_452 = arith.muli %sub3A_450, %mul3A_451 : i32
            %add3A_453 = arith.addi %mul3A_2, %mul3A_452 : i32
            %dma_start3A_454 = tpu.memref_slice %arg4[%add3A_453] : memref<320000xi32, #tpu.memory_space<hbm>> -> memref<80xi32, #tpu.memory_space<hbm>>
            %dma_start3A_455 = tpu.memref_slice %arg4[%add3A_453] : memref<320000xi32, #tpu.memory_space<hbm>> -> memref<80xi32, #tpu.memory_space<hbm>>
            tpu.enqueue_dma source(%dma_start3A_455 : memref<80xi32, #tpu.memory_space<hbm>>) target(%arg15 : memref<80xi32, #tpu.memory_space<vmem>>) target_semaphore(%arg25 : memref<!tpu.dma_semaphore, #tpu.memory_space<semaphore_mem>>)
          } else {
          }
        } else {
        }
        %dma_wait3A_416 = arith.constant 0 : i32
        %dma_wait3A_417 = tpu.memref_slice %arg3[%dma_wait3A_416] : memref<320000xi32, #tpu.memory_space<hbm>> -> memref<80xi32, #tpu.memory_space<hbm>>
        %dma_wait3A_418 = arith.constant 0 : i32
        %dma_wait3A_419 = tpu.memref_slice %arg3[%dma_wait3A_418] : memref<320000xi32, #tpu.memory_space<hbm>> -> memref<80xi32, #tpu.memory_space<hbm>>
        tpu.wait_dma2 semaphore(%arg22 : memref<!tpu.dma_semaphore, #tpu.memory_space<semaphore_mem>>) src(%dma_wait3A_419 : memref<80xi32, #tpu.memory_space<hbm>>) dst(%arg6 : memref<80xi32, #tpu.memory_space<vmem>>)
        %dma_wait3A_420 = arith.constant 0 : i32
        %dma_wait3A_421 = tpu.memref_slice %arg4[%dma_wait3A_420] : memref<320000xi32, #tpu.memory_space<hbm>> -> memref<80xi32, #tpu.memory_space<hbm>>
        %dma_wait3A_422 = arith.constant 0 : i32
        %dma_wait3A_423 = tpu.memref_slice %arg4[%dma_wait3A_422] : memref<320000xi32, #tpu.memory_space<hbm>> -> memref<80xi32, #tpu.memory_space<hbm>>
        tpu.wait_dma2 semaphore(%arg22 : memref<!tpu.dma_semaphore, #tpu.memory_space<semaphore_mem>>) src(%dma_wait3A_423 : memref<80xi32, #tpu.memory_space<hbm>>) dst(%arg12 : memref<80xi32, #tpu.memory_space<vmem>>)
        %dma_start3A_424 = arith.constant 0 : i32
        %dma_start3A_425 = arith.constant 0 : i32
        %dma_start3A_426 = tpu.memref_slice %arg2[%dma_start3A_424, %dma_start3A_425] : memref<10000x128xf32, #tpu.memory_space<hbm>> -> memref<10000x128xf32, #tpu.memory_space<hbm>>
        tpu.enqueue_indirect_dma source(%dma_start3A_426 : memref<10000x128xf32, #tpu.memory_space<hbm>>) target(%arg18 : memref<80x128xf32, #tpu.memory_space<vmem>>) offsets(%arg6 : memref<80xi32, #tpu.memory_space<vmem>>) semaphore(%arg28 : memref<!tpu.dma_semaphore, #tpu.memory_space<semaphore_mem>>)
      } else {
      }
      %add3A_397 = arith.constant 5 : i32
      %add3A_398 = arith.addi %add3A_322, %add3A_397 : i32
      %dma_wait3A_399 = arith.constant 0 : i32
      %dma_wait3A_400 = arith.constant 0 : i32
      %dma_wait3A_401 = tpu.memref_slice %arg2[%dma_wait3A_399, %dma_wait3A_400] : memref<10000x128xf32, #tpu.memory_space<hbm>> -> memref<10000x128xf32, #tpu.memory_space<hbm>>
      tpu.wait_indirect_dma semaphore(%arg30 : memref<!tpu.dma_semaphore, #tpu.memory_space<semaphore_mem>>) src(%dma_wait3A_401 : memref<10000x128xf32, #tpu.memory_space<hbm>>) dst(%arg20 : memref<80x128xf32, #tpu.memory_space<vmem>>)
      %dma_start3A_402 = arith.constant 0 : i32
      %dma_start3A_403 = arith.constant 0 : i32
      %dma_start3A_404 = tpu.memref_slice %arg21[%dma_start3A_402, %dma_start3A_403] : memref<10000x128xf32, #tpu.memory_space<vmem_shared>> -> memref<10000x128xf32, #tpu.memory_space<vmem_shared>>
      tpu.enqueue_indirect_dma source(%arg20 : memref<80x128xf32, #tpu.memory_space<vmem>>) target(%dma_start3A_404 : memref<10000x128xf32, #tpu.memory_space<vmem_shared>>) offsets(%arg17 : memref<80xi32, #tpu.memory_space<vmem>>) semaphore(%arg33 : memref<!tpu.dma_semaphore, #tpu.memory_space<semaphore_mem>>) {add = true}
      %add3A_405 = arith.constant 2 : i32
      %add3A_406 = arith.addi %add3A_398, %add3A_405 : i32
      %lt3A_407 = arith.constant 125 : i32
      %lt3A_408 = arith.cmpi slt, %add3A_406, %lt3A_407 : i32
      %convert_element_type3A_409 = arith.extui %lt3A_408 : i1 to i32
      %cond3A_410 = arith.constant 0 : i32
      %cond3A_411 = arith.cmpi ne, %convert_element_type3A_409, %cond3A_410 : i32
      scf.if %cond3A_411 {
        %ge3A = arith.constant 1 : i32
        %ge3A_412 = arith.cmpi sge, %add3A_398, %ge3A : i32
        %convert_element_type3A_413 = arith.extui %ge3A_412 : i1 to i32
        %cond3A_414 = arith.constant 0 : i32
        %cond3A_415 = arith.cmpi ne, %convert_element_type3A_413, %cond3A_414 : i32
        scf.if %cond3A_415 {
          %dma_wait3A_427 = arith.constant 0 : i32
          %dma_wait3A_428 = arith.constant 0 : i32
          %dma_wait3A_429 = tpu.memref_slice %arg21[%dma_wait3A_427, %dma_wait3A_428] : memref<10000x128xf32, #tpu.memory_space<vmem_shared>> -> memref<10000x128xf32, #tpu.memory_space<vmem_shared>>
          tpu.wait_indirect_dma semaphore(%arg32 : memref<!tpu.dma_semaphore, #tpu.memory_space<semaphore_mem>>) src(%arg19 : memref<80x128xf32, #tpu.memory_space<vmem>>) dst(%dma_wait3A_429 : memref<10000x128xf32, #tpu.memory_space<vmem_shared>>)
          %add3A_430 = arith.constant 6 : i32
          %add3A_431 = arith.addi %add3A_398, %add3A_430 : i32
          %sub3A = arith.constant 1 : i32
          %sub3A_432 = arith.subi %add3A_431, %sub3A : i32
          %lt3A_433 = arith.constant 125 : i32
          %lt3A_434 = arith.cmpi slt, %sub3A_432, %lt3A_433 : i32
          %convert_element_type3A_435 = arith.extui %lt3A_434 : i1 to i32
          %cond3A_436 = arith.constant 0 : i32
          %cond3A_437 = arith.cmpi ne, %convert_element_type3A_435, %cond3A_436 : i32
          scf.if %cond3A_437 {
            %add3A_438 = arith.constant 6 : i32
            %add3A_439 = arith.addi %add3A_398, %add3A_438 : i32
            %sub3A_440 = arith.constant 1 : i32
            %sub3A_441 = arith.subi %add3A_439, %sub3A_440 : i32
            %mul3A_442 = arith.constant 80 : i32
            %mul3A_443 = arith.muli %sub3A_441, %mul3A_442 : i32
            %add3A_444 = arith.addi %mul3A_2, %mul3A_443 : i32
            %dma_start3A_445 = tpu.memref_slice %arg3[%add3A_444] : memref<320000xi32, #tpu.memory_space<hbm>> -> memref<80xi32, #tpu.memory_space<hbm>>
            %dma_start3A_446 = tpu.memref_slice %arg3[%add3A_444] : memref<320000xi32, #tpu.memory_space<hbm>> -> memref<80xi32, #tpu.memory_space<hbm>>
            tpu.enqueue_dma source(%dma_start3A_446 : memref<80xi32, #tpu.memory_space<hbm>>) target(%arg10 : memref<80xi32, #tpu.memory_space<vmem>>) target_semaphore(%arg26 : memref<!tpu.dma_semaphore, #tpu.memory_space<semaphore_mem>>)
            %add3A_447 = arith.constant 6 : i32
            %add3A_448 = arith.addi %add3A_398, %add3A_447 : i32
            %sub3A_449 = arith.constant 1 : i32
            %sub3A_450 = arith.subi %add3A_448, %sub3A_449 : i32
            %mul3A_451 = arith.constant 80 : i32
            %mul3A_452 = arith.muli %sub3A_450, %mul3A_451 : i32
            %add3A_453 = arith.addi %mul3A_2, %mul3A_452 : i32
            %dma_start3A_454 = tpu.memref_slice %arg4[%add3A_453] : memref<320000xi32, #tpu.memory_space<hbm>> -> memref<80xi32, #tpu.memory_space<hbm>>
            %dma_start3A_455 = tpu.memref_slice %arg4[%add3A_453] : memref<320000xi32, #tpu.memory_space<hbm>> -> memref<80xi32, #tpu.memory_space<hbm>>
            tpu.enqueue_dma source(%dma_start3A_455 : memref<80xi32, #tpu.memory_space<hbm>>) target(%arg16 : memref<80xi32, #tpu.memory_space<vmem>>) target_semaphore(%arg26 : memref<!tpu.dma_semaphore, #tpu.memory_space<semaphore_mem>>)
          } else {
          }
        } else {
        }
        %dma_wait3A_416 = arith.constant 0 : i32
        %dma_wait3A_417 = tpu.memref_slice %arg3[%dma_wait3A_416] : memref<320000xi32, #tpu.memory_space<hbm>> -> memref<80xi32, #tpu.memory_space<hbm>>
        %dma_wait3A_418 = arith.constant 0 : i32
        %dma_wait3A_419 = tpu.memref_slice %arg3[%dma_wait3A_418] : memref<320000xi32, #tpu.memory_space<hbm>> -> memref<80xi32, #tpu.memory_space<hbm>>
        tpu.wait_dma2 semaphore(%arg23 : memref<!tpu.dma_semaphore, #tpu.memory_space<semaphore_mem>>) src(%dma_wait3A_419 : memref<80xi32, #tpu.memory_space<hbm>>) dst(%arg7 : memref<80xi32, #tpu.memory_space<vmem>>)
        %dma_wait3A_420 = arith.constant 0 : i32
        %dma_wait3A_421 = tpu.memref_slice %arg4[%dma_wait3A_420] : memref<320000xi32, #tpu.memory_space<hbm>> -> memref<80xi32, #tpu.memory_space<hbm>>
        %dma_wait3A_422 = arith.constant 0 : i32
        %dma_wait3A_423 = tpu.memref_slice %arg4[%dma_wait3A_422] : memref<320000xi32, #tpu.memory_space<hbm>> -> memref<80xi32, #tpu.memory_space<hbm>>
        tpu.wait_dma2 semaphore(%arg23 : memref<!tpu.dma_semaphore, #tpu.memory_space<semaphore_mem>>) src(%dma_wait3A_423 : memref<80xi32, #tpu.memory_space<hbm>>) dst(%arg13 : memref<80xi32, #tpu.memory_space<vmem>>)
        %dma_start3A_424 = arith.constant 0 : i32
        %dma_start3A_425 = arith.constant 0 : i32
        %dma_start3A_426 = tpu.memref_slice %arg2[%dma_start3A_424, %dma_start3A_425] : memref<10000x128xf32, #tpu.memory_space<hbm>> -> memref<10000x128xf32, #tpu.memory_space<hbm>>
        tpu.enqueue_indirect_dma source(%dma_start3A_426 : memref<10000x128xf32, #tpu.memory_space<hbm>>) target(%arg19 : memref<80x128xf32, #tpu.memory_space<vmem>>) offsets(%arg7 : memref<80xi32, #tpu.memory_space<vmem>>) semaphore(%arg29 : memref<!tpu.dma_semaphore, #tpu.memory_space<semaphore_mem>>)
      } else {
      }
    }
    %scan3A_226 = arith.constant 20 : i32
    %dma_wait3A_227 = arith.constant 0 : i32
    %dma_wait3A_228 = arith.constant 0 : i32
    %dma_wait3A_229 = tpu.memref_slice %arg2[%dma_wait3A_227, %dma_wait3A_228] : memref<10000x128xf32, #tpu.memory_space<hbm>> -> memref<10000x128xf32, #tpu.memory_space<hbm>>
    tpu.wait_indirect_dma semaphore(%arg28 : memref<!tpu.dma_semaphore, #tpu.memory_space<semaphore_mem>>) src(%dma_wait3A_229 : memref<10000x128xf32, #tpu.memory_space<hbm>>) dst(%arg18 : memref<80x128xf32, #tpu.memory_space<vmem>>)
    %dma_start3A_230 = arith.constant 0 : i32
    %dma_start3A_231 = arith.constant 0 : i32
    %dma_start3A_232 = tpu.memref_slice %arg21[%dma_start3A_230, %dma_start3A_231] : memref<10000x128xf32, #tpu.memory_space<vmem_shared>> -> memref<10000x128xf32, #tpu.memory_space<vmem_shared>>
    tpu.enqueue_indirect_dma source(%arg18 : memref<80x128xf32, #tpu.memory_space<vmem>>) target(%dma_start3A_232 : memref<10000x128xf32, #tpu.memory_space<vmem_shared>>) offsets(%arg12 : memref<80xi32, #tpu.memory_space<vmem>>) semaphore(%arg31 : memref<!tpu.dma_semaphore, #tpu.memory_space<semaphore_mem>>) {add = true}
    %dma_wait3A_233 = arith.constant 0 : i32
    %dma_wait3A_234 = arith.constant 0 : i32
    %dma_wait3A_235 = tpu.memref_slice %arg21[%dma_wait3A_233, %dma_wait3A_234] : memref<10000x128xf32, #tpu.memory_space<vmem_shared>> -> memref<10000x128xf32, #tpu.memory_space<vmem_shared>>
    tpu.wait_indirect_dma semaphore(%arg33 : memref<!tpu.dma_semaphore, #tpu.memory_space<semaphore_mem>>) src(%arg20 : memref<80x128xf32, #tpu.memory_space<vmem>>) dst(%dma_wait3A_235 : memref<10000x128xf32, #tpu.memory_space<vmem_shared>>)
    %dma_wait3A_236 = arith.constant 0 : i32
    %dma_wait3A_237 = tpu.memref_slice %arg3[%dma_wait3A_236] : memref<320000xi32, #tpu.memory_space<hbm>> -> memref<80xi32, #tpu.memory_space<hbm>>
    %dma_wait3A_238 = arith.constant 0 : i32
    %dma_wait3A_239 = tpu.memref_slice %arg3[%dma_wait3A_238] : memref<320000xi32, #tpu.memory_space<hbm>> -> memref<80xi32, #tpu.memory_space<hbm>>
    tpu.wait_dma2 semaphore(%arg24 : memref<!tpu.dma_semaphore, #tpu.memory_space<semaphore_mem>>) src(%dma_wait3A_239 : memref<80xi32, #tpu.memory_space<hbm>>) dst(%arg8 : memref<80xi32, #tpu.memory_space<vmem>>)
    %dma_wait3A_240 = arith.constant 0 : i32
    %dma_wait3A_241 = tpu.memref_slice %arg4[%dma_wait3A_240] : memref<320000xi32, #tpu.memory_space<hbm>> -> memref<80xi32, #tpu.memory_space<hbm>>
    %dma_wait3A_242 = arith.constant 0 : i32
    %dma_wait3A_243 = tpu.memref_slice %arg4[%dma_wait3A_242] : memref<320000xi32, #tpu.memory_space<hbm>> -> memref<80xi32, #tpu.memory_space<hbm>>
    tpu.wait_dma2 semaphore(%arg24 : memref<!tpu.dma_semaphore, #tpu.memory_space<semaphore_mem>>) src(%dma_wait3A_243 : memref<80xi32, #tpu.memory_space<hbm>>) dst(%arg14 : memref<80xi32, #tpu.memory_space<vmem>>)
    %dma_start3A_244 = arith.constant 0 : i32
    %dma_start3A_245 = arith.constant 0 : i32
    %dma_start3A_246 = tpu.memref_slice %arg2[%dma_start3A_244, %dma_start3A_245] : memref<10000x128xf32, #tpu.memory_space<hbm>> -> memref<10000x128xf32, #tpu.memory_space<hbm>>
    tpu.enqueue_indirect_dma source(%dma_start3A_246 : memref<10000x128xf32, #tpu.memory_space<hbm>>) target(%arg20 : memref<80x128xf32, #tpu.memory_space<vmem>>) offsets(%arg8 : memref<80xi32, #tpu.memory_space<vmem>>) semaphore(%arg30 : memref<!tpu.dma_semaphore, #tpu.memory_space<semaphore_mem>>)
    %dma_wait3A_247 = arith.constant 0 : i32
    %dma_wait3A_248 = arith.constant 0 : i32
    %dma_wait3A_249 = tpu.memref_slice %arg2[%dma_wait3A_247, %dma_wait3A_248] : memref<10000x128xf32, #tpu.memory_space<hbm>> -> memref<10000x128xf32, #tpu.memory_space<hbm>>
    tpu.wait_indirect_dma semaphore(%arg29 : memref<!tpu.dma_semaphore, #tpu.memory_space<semaphore_mem>>) src(%dma_wait3A_249 : memref<10000x128xf32, #tpu.memory_space<hbm>>) dst(%arg19 : memref<80x128xf32, #tpu.memory_space<vmem>>)
    %dma_start3A_250 = arith.constant 0 : i32
    %dma_start3A_251 = arith.constant 0 : i32
    %dma_start3A_252 = tpu.memref_slice %arg21[%dma_start3A_250, %dma_start3A_251] : memref<10000x128xf32, #tpu.memory_space<vmem_shared>> -> memref<10000x128xf32, #tpu.memory_space<vmem_shared>>
    tpu.enqueue_indirect_dma source(%arg19 : memref<80x128xf32, #tpu.memory_space<vmem>>) target(%dma_start3A_252 : memref<10000x128xf32, #tpu.memory_space<vmem_shared>>) offsets(%arg13 : memref<80xi32, #tpu.memory_space<vmem>>) semaphore(%arg32 : memref<!tpu.dma_semaphore, #tpu.memory_space<semaphore_mem>>) {add = true}
    %dma_wait3A_253 = arith.constant 0 : i32
    %dma_wait3A_254 = arith.constant 0 : i32
    %dma_wait3A_255 = tpu.memref_slice %arg21[%dma_wait3A_253, %dma_wait3A_254] : memref<10000x128xf32, #tpu.memory_space<vmem_shared>> -> memref<10000x128xf32, #tpu.memory_space<vmem_shared>>
    tpu.wait_indirect_dma semaphore(%arg31 : memref<!tpu.dma_semaphore, #tpu.memory_space<semaphore_mem>>) src(%arg18 : memref<80x128xf32, #tpu.memory_space<vmem>>) dst(%dma_wait3A_255 : memref<10000x128xf32, #tpu.memory_space<vmem_shared>>)
    %dma_wait3A_256 = arith.constant 0 : i32
    %dma_wait3A_257 = tpu.memref_slice %arg3[%dma_wait3A_256] : memref<320000xi32, #tpu.memory_space<hbm>> -> memref<80xi32, #tpu.memory_space<hbm>>
    %dma_wait3A_258 = arith.constant 0 : i32
    %dma_wait3A_259 = tpu.memref_slice %arg3[%dma_wait3A_258] : memref<320000xi32, #tpu.memory_space<hbm>> -> memref<80xi32, #tpu.memory_space<hbm>>
    tpu.wait_dma2 semaphore(%arg25 : memref<!tpu.dma_semaphore, #tpu.memory_space<semaphore_mem>>) src(%dma_wait3A_259 : memref<80xi32, #tpu.memory_space<hbm>>) dst(%arg9 : memref<80xi32, #tpu.memory_space<vmem>>)
    %dma_wait3A_260 = arith.constant 0 : i32
    %dma_wait3A_261 = tpu.memref_slice %arg4[%dma_wait3A_260] : memref<320000xi32, #tpu.memory_space<hbm>> -> memref<80xi32, #tpu.memory_space<hbm>>
    %dma_wait3A_262 = arith.constant 0 : i32
    %dma_wait3A_263 = tpu.memref_slice %arg4[%dma_wait3A_262] : memref<320000xi32, #tpu.memory_space<hbm>> -> memref<80xi32, #tpu.memory_space<hbm>>
    tpu.wait_dma2 semaphore(%arg25 : memref<!tpu.dma_semaphore, #tpu.memory_space<semaphore_mem>>) src(%dma_wait3A_263 : memref<80xi32, #tpu.memory_space<hbm>>) dst(%arg15 : memref<80xi32, #tpu.memory_space<vmem>>)
    %dma_start3A_264 = arith.constant 0 : i32
    %dma_start3A_265 = arith.constant 0 : i32
    %dma_start3A_266 = tpu.memref_slice %arg2[%dma_start3A_264, %dma_start3A_265] : memref<10000x128xf32, #tpu.memory_space<hbm>> -> memref<10000x128xf32, #tpu.memory_space<hbm>>
    tpu.enqueue_indirect_dma source(%dma_start3A_266 : memref<10000x128xf32, #tpu.memory_space<hbm>>) target(%arg18 : memref<80x128xf32, #tpu.memory_space<vmem>>) offsets(%arg9 : memref<80xi32, #tpu.memory_space<vmem>>) semaphore(%arg28 : memref<!tpu.dma_semaphore, #tpu.memory_space<semaphore_mem>>)
    %dma_wait3A_267 = arith.constant 0 : i32
    %dma_wait3A_268 = arith.constant 0 : i32
    %dma_wait3A_269 = tpu.memref_slice %arg2[%dma_wait3A_267, %dma_wait3A_268] : memref<10000x128xf32, #tpu.memory_space<hbm>> -> memref<10000x128xf32, #tpu.memory_space<hbm>>
    tpu.wait_indirect_dma semaphore(%arg30 : memref<!tpu.dma_semaphore, #tpu.memory_space<semaphore_mem>>) src(%dma_wait3A_269 : memref<10000x128xf32, #tpu.memory_space<hbm>>) dst(%arg20 : memref<80x128xf32, #tpu.memory_space<vmem>>)
    %dma_start3A_270 = arith.constant 0 : i32
    %dma_start3A_271 = arith.constant 0 : i32
    %dma_start3A_272 = tpu.memref_slice %arg21[%dma_start3A_270, %dma_start3A_271] : memref<10000x128xf32, #tpu.memory_space<vmem_shared>> -> memref<10000x128xf32, #tpu.memory_space<vmem_shared>>
    tpu.enqueue_indirect_dma source(%arg20 : memref<80x128xf32, #tpu.memory_space<vmem>>) target(%dma_start3A_272 : memref<10000x128xf32, #tpu.memory_space<vmem_shared>>) offsets(%arg14 : memref<80xi32, #tpu.memory_space<vmem>>) semaphore(%arg33 : memref<!tpu.dma_semaphore, #tpu.memory_space<semaphore_mem>>) {add = true}
    %dma_wait3A_273 = arith.constant 0 : i32
    %dma_wait3A_274 = arith.constant 0 : i32
    %dma_wait3A_275 = tpu.memref_slice %arg21[%dma_wait3A_273, %dma_wait3A_274] : memref<10000x128xf32, #tpu.memory_space<vmem_shared>> -> memref<10000x128xf32, #tpu.memory_space<vmem_shared>>
    tpu.wait_indirect_dma semaphore(%arg32 : memref<!tpu.dma_semaphore, #tpu.memory_space<semaphore_mem>>) src(%arg19 : memref<80x128xf32, #tpu.memory_space<vmem>>) dst(%dma_wait3A_275 : memref<10000x128xf32, #tpu.memory_space<vmem_shared>>)
    %dma_wait3A_276 = arith.constant 0 : i32
    %dma_wait3A_277 = tpu.memref_slice %arg3[%dma_wait3A_276] : memref<320000xi32, #tpu.memory_space<hbm>> -> memref<80xi32, #tpu.memory_space<hbm>>
    %dma_wait3A_278 = arith.constant 0 : i32
    %dma_wait3A_279 = tpu.memref_slice %arg3[%dma_wait3A_278] : memref<320000xi32, #tpu.memory_space<hbm>> -> memref<80xi32, #tpu.memory_space<hbm>>
    tpu.wait_dma2 semaphore(%arg26 : memref<!tpu.dma_semaphore, #tpu.memory_space<semaphore_mem>>) src(%dma_wait3A_279 : memref<80xi32, #tpu.memory_space<hbm>>) dst(%arg10 : memref<80xi32, #tpu.memory_space<vmem>>)
    %dma_wait3A_280 = arith.constant 0 : i32
    %dma_wait3A_281 = tpu.memref_slice %arg4[%dma_wait3A_280] : memref<320000xi32, #tpu.memory_space<hbm>> -> memref<80xi32, #tpu.memory_space<hbm>>
    %dma_wait3A_282 = arith.constant 0 : i32
    %dma_wait3A_283 = tpu.memref_slice %arg4[%dma_wait3A_282] : memref<320000xi32, #tpu.memory_space<hbm>> -> memref<80xi32, #tpu.memory_space<hbm>>
    tpu.wait_dma2 semaphore(%arg26 : memref<!tpu.dma_semaphore, #tpu.memory_space<semaphore_mem>>) src(%dma_wait3A_283 : memref<80xi32, #tpu.memory_space<hbm>>) dst(%arg16 : memref<80xi32, #tpu.memory_space<vmem>>)
    %dma_start3A_284 = arith.constant 0 : i32
    %dma_start3A_285 = arith.constant 0 : i32
    %dma_start3A_286 = tpu.memref_slice %arg2[%dma_start3A_284, %dma_start3A_285] : memref<10000x128xf32, #tpu.memory_space<hbm>> -> memref<10000x128xf32, #tpu.memory_space<hbm>>
    tpu.enqueue_indirect_dma source(%dma_start3A_286 : memref<10000x128xf32, #tpu.memory_space<hbm>>) target(%arg19 : memref<80x128xf32, #tpu.memory_space<vmem>>) offsets(%arg10 : memref<80xi32, #tpu.memory_space<vmem>>) semaphore(%arg29 : memref<!tpu.dma_semaphore, #tpu.memory_space<semaphore_mem>>)
    %dma_wait3A_287 = arith.constant 0 : i32
    %dma_wait3A_288 = arith.constant 0 : i32
    %dma_wait3A_289 = tpu.memref_slice %arg2[%dma_wait3A_287, %dma_wait3A_288] : memref<10000x128xf32, #tpu.memory_space<hbm>> -> memref<10000x128xf32, #tpu.memory_space<hbm>>
    tpu.wait_indirect_dma semaphore(%arg28 : memref<!tpu.dma_semaphore, #tpu.memory_space<semaphore_mem>>) src(%dma_wait3A_289 : memref<10000x128xf32, #tpu.memory_space<hbm>>) dst(%arg18 : memref<80x128xf32, #tpu.memory_space<vmem>>)
    %dma_start3A_290 = arith.constant 0 : i32
    %dma_start3A_291 = arith.constant 0 : i32
    %dma_start3A_292 = tpu.memref_slice %arg21[%dma_start3A_290, %dma_start3A_291] : memref<10000x128xf32, #tpu.memory_space<vmem_shared>> -> memref<10000x128xf32, #tpu.memory_space<vmem_shared>>
    tpu.enqueue_indirect_dma source(%arg18 : memref<80x128xf32, #tpu.memory_space<vmem>>) target(%dma_start3A_292 : memref<10000x128xf32, #tpu.memory_space<vmem_shared>>) offsets(%arg15 : memref<80xi32, #tpu.memory_space<vmem>>) semaphore(%arg31 : memref<!tpu.dma_semaphore, #tpu.memory_space<semaphore_mem>>) {add = true}
    %dma_wait3A_293 = arith.constant 0 : i32
    %dma_wait3A_294 = arith.constant 0 : i32
    %dma_wait3A_295 = tpu.memref_slice %arg2[%dma_wait3A_293, %dma_wait3A_294] : memref<10000x128xf32, #tpu.memory_space<hbm>> -> memref<10000x128xf32, #tpu.memory_space<hbm>>
    tpu.wait_indirect_dma semaphore(%arg29 : memref<!tpu.dma_semaphore, #tpu.memory_space<semaphore_mem>>) src(%dma_wait3A_295 : memref<10000x128xf32, #tpu.memory_space<hbm>>) dst(%arg19 : memref<80x128xf32, #tpu.memory_space<vmem>>)
    %dma_start3A_296 = arith.constant 0 : i32
    %dma_start3A_297 = arith.constant 0 : i32
    %dma_start3A_298 = tpu.memref_slice %arg21[%dma_start3A_296, %dma_start3A_297] : memref<10000x128xf32, #tpu.memory_space<vmem_shared>> -> memref<10000x128xf32, #tpu.memory_space<vmem_shared>>
    tpu.enqueue_indirect_dma source(%arg19 : memref<80x128xf32, #tpu.memory_space<vmem>>) target(%dma_start3A_298 : memref<10000x128xf32, #tpu.memory_space<vmem_shared>>) offsets(%arg16 : memref<80xi32, #tpu.memory_space<vmem>>) semaphore(%arg32 : memref<!tpu.dma_semaphore, #tpu.memory_space<semaphore_mem>>) {add = true}
    %dma_wait3A_299 = arith.constant 0 : i32
    %dma_wait3A_300 = arith.constant 0 : i32
    %dma_wait3A_301 = tpu.memref_slice %arg21[%dma_wait3A_299, %dma_wait3A_300] : memref<10000x128xf32, #tpu.memory_space<vmem_shared>> -> memref<10000x128xf32, #tpu.memory_space<vmem_shared>>
    tpu.wait_indirect_dma semaphore(%arg33 : memref<!tpu.dma_semaphore, #tpu.memory_space<semaphore_mem>>) src(%arg20 : memref<80x128xf32, #tpu.memory_space<vmem>>) dst(%dma_wait3A_301 : memref<10000x128xf32, #tpu.memory_space<vmem_shared>>)
    %dma_wait3A_302 = arith.constant 0 : i32
    %dma_wait3A_303 = arith.constant 0 : i32
    %dma_wait3A_304 = tpu.memref_slice %arg21[%dma_wait3A_302, %dma_wait3A_303] : memref<10000x128xf32, #tpu.memory_space<vmem_shared>> -> memref<10000x128xf32, #tpu.memory_space<vmem_shared>>
    tpu.wait_indirect_dma semaphore(%arg31 : memref<!tpu.dma_semaphore, #tpu.memory_space<semaphore_mem>>) src(%arg18 : memref<80x128xf32, #tpu.memory_space<vmem>>) dst(%dma_wait3A_304 : memref<10000x128xf32, #tpu.memory_space<vmem_shared>>)
    %dma_wait3A_305 = arith.constant 0 : i32
    %dma_wait3A_306 = arith.constant 0 : i32
    %dma_wait3A_307 = tpu.memref_slice %arg21[%dma_wait3A_305, %dma_wait3A_306] : memref<10000x128xf32, #tpu.memory_space<vmem_shared>> -> memref<10000x128xf32, #tpu.memory_space<vmem_shared>>
    tpu.wait_indirect_dma semaphore(%arg32 : memref<!tpu.dma_semaphore, #tpu.memory_space<semaphore_mem>>) src(%arg19 : memref<80x128xf32, #tpu.memory_space<vmem>>) dst(%dma_wait3A_307 : memref<10000x128xf32, #tpu.memory_space<vmem_shared>>)
    %barrier3A_308 = arith.constant 0 : index
    tpu.barrier barrier_id(%barrier3A_308)
    %mul3A_309 = arith.constant 624 : i32
    %mul3A_310 = arith.muli %arg1, %mul3A_309 : i32
    %mul3A_311 = arith.constant 624 : i32
    %mul3A_312 = arith.muli %arg1, %mul3A_311 : i32
    "tpu.region"() ({
      %run_scoped3A = tpu.sem_alloc : memref<!tpu.dma_semaphore, #tpu.memory_space<semaphore_mem>>
      %dma_start3A_318 = arith.constant 0 : i32
      %dma_start3A_319 = tpu.memref_slice %arg5[%arg0, %mul3A_312, %dma_start3A_318] : memref<2x10000x128xf32, #tpu.memory_space<hbm>> -> memref<1x624x128xf32, #tpu.memory_space<hbm>>
      %dma_start3A_320 = tpu.memref_squeeze %dma_start3A_319 : memref<1x624x128xf32, #tpu.memory_space<hbm>> -> memref<624x128xf32, #tpu.memory_space<hbm>>
      %dma_start3A_321 = arith.constant 0 : i32
      %dma_start3A_322 = tpu.memref_slice %arg21[%mul3A_310, %dma_start3A_321] : memref<10000x128xf32, #tpu.memory_space<vmem_shared>> -> memref<624x128xf32, #tpu.memory_space<vmem_shared>>
      tpu.enqueue_dma source(%dma_start3A_322 : memref<624x128xf32, #tpu.memory_space<vmem_shared>>) target(%dma_start3A_320 : memref<624x128xf32, #tpu.memory_space<hbm>>) target_semaphore(%run_scoped3A : memref<!tpu.dma_semaphore, #tpu.memory_space<semaphore_mem>>)
      %dma_wait3A_323 = arith.constant 0 : i32
      %dma_wait3A_324 = tpu.memref_slice %arg5[%arg0, %mul3A_312, %dma_wait3A_323] : memref<2x10000x128xf32, #tpu.memory_space<hbm>> -> memref<1x624x128xf32, #tpu.memory_space<hbm>>
      %dma_wait3A_325 = tpu.memref_squeeze %dma_wait3A_324 : memref<1x624x128xf32, #tpu.memory_space<hbm>> -> memref<624x128xf32, #tpu.memory_space<hbm>>
      %dma_wait3A_326 = arith.constant 0 : i32
      %dma_wait3A_327 = tpu.memref_slice %arg21[%mul3A_310, %dma_wait3A_326] : memref<10000x128xf32, #tpu.memory_space<vmem_shared>> -> memref<624x128xf32, #tpu.memory_space<vmem_shared>>
      tpu.wait_dma2 semaphore(%run_scoped3A : memref<!tpu.dma_semaphore, #tpu.memory_space<semaphore_mem>>) src(%dma_wait3A_327 : memref<624x128xf32, #tpu.memory_space<vmem_shared>>) dst(%dma_wait3A_325 : memref<624x128xf32, #tpu.memory_space<hbm>>)
      tpu.yield
    }) : () -> ()
    %eq3A_313 = arith.constant 0 : i32
    %eq3A_314 = arith.cmpi eq, %arg1, %eq3A_313 : i32
    %convert_element_type3A_315 = arith.extui %eq3A_314 : i1 to i32
    %cond3A_316 = arith.constant 0 : i32
    %cond3A_317 = arith.cmpi ne, %convert_element_type3A_315, %cond3A_316 : i32
    scf.if %cond3A_317 {
      "tpu.region"() ({
        %run_scoped3A = tpu.sem_alloc : memref<!tpu.dma_semaphore, #tpu.memory_space<semaphore_mem>>
        %dma_start3A_318 = arith.constant 9984 : i32
        %dma_start3A_319 = arith.constant 0 : i32
        %dma_start3A_320 = tpu.memref_slice %arg5[%arg0, %dma_start3A_318, %dma_start3A_319] : memref<2x10000x128xf32, #tpu.memory_space<hbm>> -> memref<1x16x128xf32, #tpu.memory_space<hbm>>
        %dma_start3A_321 = tpu.memref_squeeze %dma_start3A_320 : memref<1x16x128xf32, #tpu.memory_space<hbm>> -> memref<16x128xf32, #tpu.memory_space<hbm>>
        %dma_start3A_322 = arith.constant 9984 : i32
        %dma_start3A_323 = arith.constant 0 : i32
        %dma_start3A_324 = tpu.memref_slice %arg21[%dma_start3A_322, %dma_start3A_323] : memref<10000x128xf32, #tpu.memory_space<vmem_shared>> -> memref<16x128xf32, #tpu.memory_space<vmem_shared>>
        tpu.enqueue_dma source(%dma_start3A_324 : memref<16x128xf32, #tpu.memory_space<vmem_shared>>) target(%dma_start3A_321 : memref<16x128xf32, #tpu.memory_space<hbm>>) target_semaphore(%run_scoped3A : memref<!tpu.dma_semaphore, #tpu.memory_space<semaphore_mem>>)
        %dma_wait3A_325 = arith.constant 9984 : i32
        %dma_wait3A_326 = arith.constant 0 : i32
        %dma_wait3A_327 = tpu.memref_slice %arg5[%arg0, %dma_wait3A_325, %dma_wait3A_326] : memref<2x10000x128xf32, #tpu.memory_space<hbm>> -> memref<1x16x128xf32, #tpu.memory_space<hbm>>
        %dma_wait3A_328 = tpu.memref_squeeze %dma_wait3A_327 : memref<1x16x128xf32, #tpu.memory_space<hbm>> -> memref<16x128xf32, #tpu.memory_space<hbm>>
        %dma_wait3A_329 = arith.constant 9984 : i32
        %dma_wait3A_330 = arith.constant 0 : i32
        %dma_wait3A_331 = tpu.memref_slice %arg21[%dma_wait3A_329, %dma_wait3A_330] : memref<10000x128xf32, #tpu.memory_space<vmem_shared>> -> memref<16x128xf32, #tpu.memory_space<vmem_shared>>
        tpu.wait_dma2 semaphore(%run_scoped3A : memref<!tpu.dma_semaphore, #tpu.memory_space<semaphore_mem>>) src(%dma_wait3A_331 : memref<16x128xf32, #tpu.memory_space<vmem_shared>>) dst(%dma_wait3A_328 : memref<16x128xf32, #tpu.memory_space<hbm>>)
        tpu.yield
      }) : () -> ()
    } else {
    }
    return
  }
}

module attributes {stable_mosaic.version = 14 : i64} {
  func.func @_mm_relu_body(%arg0: i32, %arg1: memref<2x1000x128xf32, #tpu.memory_space<vmem>>, %arg2: memref<128x128xf32, #tpu.memory_space<vmem>>, %arg3: memref<1x128xf32, #tpu.memory_space<vmem>>, %arg4: memref<1000x128xf32, #tpu.memory_space<vmem>>) attributes {dimension_semantics = [#tpu.dimension_semantics<arbitrary>], iteration_bounds = array<i64: 10>, scalar_prefetch = 0 : i64, scratch_operands = 0 : i64, tpu.core_type = #tpu.core_type<tc>, window_params = [{transform_indices = @transform_0, window_bounds = array<i64: 2, 1000, 128>}, {pipeline_mode = #tpu.pipeline_mode<synchronous>, transform_indices = @transform_1, window_bounds = array<i64: 128, 128>}, {pipeline_mode = #tpu.pipeline_mode<synchronous>, transform_indices = @transform_2, window_bounds = array<i64: 1, 128>}, {transform_indices = @transform_3, window_bounds = array<i64: 1000, 128>}]} {
    %get3A = arith.constant 0 : index
    %get3A_0 = arith.constant 0 : index
    %get3A_1 = arith.constant 0 : index
    %get3A_2 = vector.load %arg1[%get3A, %get3A_0, %get3A_1] : memref<2x1000x128xf32, #tpu.memory_space<vmem>>, vector<1x1000x128xf32>
    %get3A_3 = vector.shape_cast %get3A_2 : vector<1x1000x128xf32> to vector<1000x128xf32>
    %get3A_4 = arith.constant 1 : index
    %get3A_5 = arith.constant 0 : index
    %get3A_6 = arith.constant 0 : index
    %get3A_7 = vector.load %arg1[%get3A_4, %get3A_5, %get3A_6] : memref<2x1000x128xf32, #tpu.memory_space<vmem>>, vector<1x1000x128xf32>
    %get3A_8 = vector.shape_cast %get3A_7 : vector<1x1000x128xf32> to vector<1000x128xf32>
    %add3A = arith.addf %get3A_3, %get3A_8 : vector<1000x128xf32>
    %get3A_9 = arith.constant 0 : index
    %get3A_10 = arith.constant 0 : index
    %get3A_11 = vector.load %arg2[%get3A_9, %get3A_10] : memref<128x128xf32, #tpu.memory_space<vmem>>, vector<128x128xf32>
    %dot_general3A = arith.constant dense<0.000000e+00> : vector<1000x128xf32>
    %dot_general3A_12 = tpu.matmul %add3A, %get3A_11, %dot_general3A {dimension_numbers = #tpu.dot_dimension_numbers<[1], [0], [0], [1], [0, 0, 1, 1], [], []>, transpose_lhs_hint = false} : vector<1000x128xf32>, vector<128x128xf32>, vector<1000x128xf32> -> vector<1000x128xf32>
    %get3A_13 = arith.constant 0 : index
    %get3A_14 = arith.constant 0 : index
    %get3A_15 = vector.load %arg3[%get3A_13, %get3A_14] : memref<1x128xf32, #tpu.memory_space<vmem>>, vector<1x128xf32>
    %add3A_16 = vector.broadcast %get3A_15 : vector<1x128xf32> to vector<1000x128xf32>
    %add3A_17 = arith.addf %dot_general3A_12, %add3A_16 : vector<1000x128xf32>
    %max3A = arith.constant 0.000000e+00 : f32
    %max3A_18 = vector.broadcast %max3A : f32 to vector<1000x128xf32>
    %max3A_19 = arith.maximumf %add3A_17, %max3A_18 : vector<1000x128xf32>
    %swap3A = arith.constant 0 : index
    %swap3A_20 = arith.constant 0 : index
    %swap3A_21 = vector.load %arg4[%swap3A, %swap3A_20] : memref<1000x128xf32, #tpu.memory_space<vmem>>, vector<1000x128xf32>
    tpu.vector_store %arg4[%swap3A, %swap3A_20], %max3A_19 {strides = array<i32>} : memref<1000x128xf32, #tpu.memory_space<vmem>>, vector<1000x128xf32>,
    return
  }
  func.func @transform_0(%arg0: i32) -> (i32, i32, i32) {
    %c0_i32 = arith.constant 0 : i32
    %c0_i32_0 = arith.constant 0 : i32
    %c0_i32_1 = arith.constant 0 : i32
    return %c0_i32, %arg0, %c0_i32_0 : i32, i32, i32
  }
  func.func @transform_1(%arg0: i32) -> (i32, i32) {
    %c0_i32 = arith.constant 0 : i32
    %c0_i32_0 = arith.constant 0 : i32
    %c0_i32_1 = arith.constant 0 : i32
    return %c0_i32, %c0_i32_0 : i32, i32
  }
  func.func @transform_2(%arg0: i32) -> (i32, i32) {
    %c0_i32 = arith.constant 0 : i32
    %c0_i32_0 = arith.constant 0 : i32
    %c0_i32_1 = arith.constant 0 : i32
    return %c0_i32, %c0_i32_0 : i32, i32
  }
  func.func @transform_3(%arg0: i32) -> (i32, i32) {
    %c0_i32 = arith.constant 0 : i32
    %c0_i32_0 = arith.constant 0 : i32
    return %arg0, %c0_i32 : i32, i32
  }
}

module attributes {stable_mosaic.version = 14 : i64} {
  func.func @_mm_final_body(%arg0: i32, %arg1: memref<2x1000x128xf32, #tpu.memory_space<vmem>>, %arg2: memref<128x128xf32, #tpu.memory_space<vmem>>, %arg3: memref<1x128xf32, #tpu.memory_space<vmem>>, %arg4: memref<128x128xf32, #tpu.memory_space<vmem>>, %arg5: memref<1x128xf32, #tpu.memory_space<vmem>>, %arg6: memref<1000x128xf32, #tpu.memory_space<vmem>>, %arg7: memref<1x128xf32, #tpu.memory_space<vmem>>, %arg8: memref<1x128xf32, #tpu.memory_space<vmem>>) attributes {dimension_semantics = [#tpu.dimension_semantics<arbitrary>], iteration_bounds = array<i64: 10>, scalar_prefetch = 0 : i64, scratch_operands = 1 : i64, tpu.core_type = #tpu.core_type<tc>, window_params = [{transform_indices = @transform_0, window_bounds = array<i64: 2, 1000, 128>}, {pipeline_mode = #tpu.pipeline_mode<synchronous>, transform_indices = @transform_1, window_bounds = array<i64: 128, 128>}, {pipeline_mode = #tpu.pipeline_mode<synchronous>, transform_indices = @transform_2, window_bounds = array<i64: 1, 128>}, {pipeline_mode = #tpu.pipeline_mode<synchronous>, transform_indices = @transform_3, window_bounds = array<i64: 128, 128>}, {pipeline_mode = #tpu.pipeline_mode<synchronous>, transform_indices = @transform_4, window_bounds = array<i64: 1, 128>}, {transform_indices = @transform_5, window_bounds = array<i64: 1000, 128>}, {pipeline_mode = #tpu.pipeline_mode<synchronous>, transform_indices = @transform_6, window_bounds = array<i64: 1, 128>}]} {
    %get3A = arith.constant 0 : index
    %get3A_0 = arith.constant 0 : index
    %get3A_1 = arith.constant 0 : index
    %get3A_2 = vector.load %arg1[%get3A, %get3A_0, %get3A_1] : memref<2x1000x128xf32, #tpu.memory_space<vmem>>, vector<1x1000x128xf32>
    %get3A_3 = vector.shape_cast %get3A_2 : vector<1x1000x128xf32> to vector<1000x128xf32>
    %get3A_4 = arith.constant 1 : index
    %get3A_5 = arith.constant 0 : index
    %get3A_6 = arith.constant 0 : index
    %get3A_7 = vector.load %arg1[%get3A_4, %get3A_5, %get3A_6] : memref<2x1000x128xf32, #tpu.memory_space<vmem>>, vector<1x1000x128xf32>
    %get3A_8 = vector.shape_cast %get3A_7 : vector<1x1000x128xf32> to vector<1000x128xf32>
    %add3A = arith.addf %get3A_3, %get3A_8 : vector<1000x128xf32>
    %get3A_9 = arith.constant 0 : index
    %get3A_10 = arith.constant 0 : index
    %get3A_11 = vector.load %arg2[%get3A_9, %get3A_10] : memref<128x128xf32, #tpu.memory_space<vmem>>, vector<128x128xf32>
    %dot_general3A = arith.constant dense<0.000000e+00> : vector<1000x128xf32>
    %dot_general3A_12 = tpu.matmul %add3A, %get3A_11, %dot_general3A {dimension_numbers = #tpu.dot_dimension_numbers<[1], [0], [0], [1], [0, 0, 1, 1], [], []>, transpose_lhs_hint = false} : vector<1000x128xf32>, vector<128x128xf32>, vector<1000x128xf32> -> vector<1000x128xf32>
    %get3A_13 = arith.constant 0 : index
    %get3A_14 = arith.constant 0 : index
    %get3A_15 = vector.load %arg3[%get3A_13, %get3A_14] : memref<1x128xf32, #tpu.memory_space<vmem>>, vector<1x128xf32>
    %add3A_16 = vector.broadcast %get3A_15 : vector<1x128xf32> to vector<1000x128xf32>
    %add3A_17 = arith.addf %dot_general3A_12, %add3A_16 : vector<1000x128xf32>
    %swap3A = arith.constant 0 : index
    %swap3A_18 = arith.constant 0 : index
    %swap3A_19 = vector.load %arg6[%swap3A, %swap3A_18] : memref<1000x128xf32, #tpu.memory_space<vmem>>, vector<1000x128xf32>
    tpu.vector_store %arg6[%swap3A, %swap3A_18], %add3A_17 {strides = array<i32>} : memref<1000x128xf32, #tpu.memory_space<vmem>>, vector<1000x128xf32>,
    %reduce_sum3A = arith.constant dense<0.000000e+00> : vector<128xf32>
    %reduce_sum3A_20 = vector.multi_reduction <add>, %add3A, %reduce_sum3A [0] : vector<1000x128xf32> to vector<128xf32>
    %broadcast_in_dim3A = vector.shape_cast %reduce_sum3A_20 : vector<128xf32> to vector<1x128xf32>
    %eq3A = arith.constant 0 : i32
    %eq3A_21 = arith.cmpi eq, %arg0, %eq3A : i32
    %convert_element_type3A = arith.extui %eq3A_21 : i1 to i32
    %cond3A = arith.constant 0 : i32
    %cond3A_22 = arith.cmpi ne, %convert_element_type3A, %cond3A : i32
    scf.if %cond3A_22 {
      %swap3A_32 = arith.constant 0 : index
      %swap3A_33 = arith.constant 0 : index
      %swap3A_34 = vector.load %arg8[%swap3A_32, %swap3A_33] : memref<1x128xf32, #tpu.memory_space<vmem>>, vector<1x128xf32>
      tpu.vector_store %arg8[%swap3A_32, %swap3A_33], %broadcast_in_dim3A {strides = array<i32>} : memref<1x128xf32, #tpu.memory_space<vmem>>, vector<1x128xf32>,
    } else {
    }
    %gt3A = arith.constant 0 : i32
    %gt3A_23 = arith.cmpi sgt, %arg0, %gt3A : i32
    %convert_element_type3A_24 = arith.extui %gt3A_23 : i1 to i32
    %cond3A_25 = arith.constant 0 : i32
    %cond3A_26 = arith.cmpi ne, %convert_element_type3A_24, %cond3A_25 : i32
    scf.if %cond3A_26 {
      %get3A_32 = arith.constant 0 : index
      %get3A_33 = arith.constant 0 : index
      %get3A_34 = vector.load %arg8[%get3A_32, %get3A_33] : memref<1x128xf32, #tpu.memory_space<vmem>>, vector<1x128xf32>
      %add3A_35 = arith.addf %get3A_34, %broadcast_in_dim3A : vector<1x128xf32>
      %swap3A_36 = arith.constant 0 : index
      %swap3A_37 = arith.constant 0 : index
      %swap3A_38 = vector.load %arg8[%swap3A_36, %swap3A_37] : memref<1x128xf32, #tpu.memory_space<vmem>>, vector<1x128xf32>
      tpu.vector_store %arg8[%swap3A_36, %swap3A_37], %add3A_35 {strides = array<i32>} : memref<1x128xf32, #tpu.memory_space<vmem>>, vector<1x128xf32>,
    } else {
    }
    %eq3A_27 = arith.constant 9 : i32
    %eq3A_28 = arith.cmpi eq, %arg0, %eq3A_27 : i32
    %convert_element_type3A_29 = arith.extui %eq3A_28 : i1 to i32
    %cond3A_30 = arith.constant 0 : i32
    %cond3A_31 = arith.cmpi ne, %convert_element_type3A_29, %cond3A_30 : i32
    scf.if %cond3A_31 {
      %get3A_32 = arith.constant 0 : index
      %get3A_33 = arith.constant 0 : index
      %get3A_34 = vector.load %arg8[%get3A_32, %get3A_33] : memref<1x128xf32, #tpu.memory_space<vmem>>, vector<1x128xf32>
      %get3A_35 = arith.constant 0 : index
      %get3A_36 = arith.constant 0 : index
      %get3A_37 = vector.load %arg4[%get3A_35, %get3A_36] : memref<128x128xf32, #tpu.memory_space<vmem>>, vector<128x128xf32>
      %dot_general3A_38 = arith.constant dense<0.000000e+00> : vector<1x128xf32>
      %dot_general3A_39 = tpu.matmul %get3A_34, %get3A_37, %dot_general3A_38 {dimension_numbers = #tpu.dot_dimension_numbers<[1], [0], [0], [1], [0, 0, 1, 1], [], []>, transpose_lhs_hint = false} : vector<1x128xf32>, vector<128x128xf32>, vector<1x128xf32> -> vector<1x128xf32>
      %get3A_40 = arith.constant 0 : index
      %get3A_41 = arith.constant 0 : index
      %get3A_42 = vector.load %arg5[%get3A_40, %get3A_41] : memref<1x128xf32, #tpu.memory_space<vmem>>, vector<1x128xf32>
      %mul3A = arith.constant 1.000000e+04 : f32
      %mul3A_43 = vector.broadcast %mul3A : f32 to vector<1x128xf32>
      %mul3A_44 = arith.mulf %mul3A_43, %get3A_42 : vector<1x128xf32>
      %add3A_45 = arith.addf %dot_general3A_39, %mul3A_44 : vector<1x128xf32>
      %swap3A_46 = arith.constant 0 : index
      %swap3A_47 = arith.constant 0 : index
      %swap3A_48 = vector.load %arg7[%swap3A_46, %swap3A_47] : memref<1x128xf32, #tpu.memory_space<vmem>>, vector<1x128xf32>
      tpu.vector_store %arg7[%swap3A_46, %swap3A_47], %add3A_45 {strides = array<i32>} : memref<1x128xf32, #tpu.memory_space<vmem>>, vector<1x128xf32>,
    } else {
    }
    return
  }
  func.func @transform_0(%arg0: i32) -> (i32, i32, i32) {
    %c0_i32 = arith.constant 0 : i32
    %c0_i32_0 = arith.constant 0 : i32
    %c0_i32_1 = arith.constant 0 : i32
    return %c0_i32, %arg0, %c0_i32_0 : i32, i32, i32
  }
  func.func @transform_1(%arg0: i32) -> (i32, i32) {
    %c0_i32 = arith.constant 0 : i32
    %c0_i32_0 = arith.constant 0 : i32
    %c0_i32_1 = arith.constant 0 : i32
    return %c0_i32, %c0_i32_0 : i32, i32
  }
  func.func @transform_2(%arg0: i32) -> (i32, i32) {
    %c0_i32 = arith.constant 0 : i32
    %c0_i32_0 = arith.constant 0 : i32
    %c0_i32_1 = arith.constant 0 : i32
    return %c0_i32, %c0_i32_0 : i32, i32
  }
  func.func @transform_3(%arg0: i32) -> (i32, i32) {
    %c0_i32 = arith.constant 0 : i32
    %c0_i32_0 = arith.constant 0 : i32
    %c0_i32_1 = arith.constant 0 : i32
    return %c0_i32, %c0_i32_0 : i32, i32
  }
  func.func @transform_4(%arg0: i32) -> (i32, i32) {
    %c0_i32 = arith.constant 0 : i32
    %c0_i32_0 = arith.constant 0 : i32
    %c0_i32_1 = arith.constant 0 : i32
    return %c0_i32, %c0_i32_0 : i32, i32
  }
  func.func @transform_5(%arg0: i32) -> (i32, i32) {
    %c0_i32 = arith.constant 0 : i32
    %c0_i32_0 = arith.constant 0 : i32
    return %arg0, %c0_i32 : i32, i32
  }
  func.func @transform_6(%arg0: i32) -> (i32, i32) {
    %c0_i32 = arith.constant 0 : i32
    %c0_i32_0 = arith.constant 0 : i32
    %c0_i32_1 = arith.constant 0 : i32
    return %c0_i32, %c0_i32_0 : i32, i32
  }
}

</mosaic_0001>

<sc_bundles>
// kernel: kernel.6.cloned.1.call-start
scs
__scs_entry_jumppad:
0x0: {  	(pc) =	sbr.rel $0x88, $3  }
0x1: {  	(tag) =	ssettag $0x0;
	lr =	simm.s32 $0x1  }
0x2: {  	[smem:$0x3F99] =	sst lr;
	_ =	strace $0xD0000000  }
0x3: {  	_ = 	snop  }
0x4: {  	_ = 	snop  }
0x5: {  	_ = 	snop  }
0x6: {  	_ = 	snop  }
0x7: {  	_ = 	snop  }
__scs_overlays_trampoline_lowered:
0x8: {  	[smem:$0x3FA8] =	sst s0  }
0x9: {  	[smem:$0x3FA9] =	sst s1  }
0xa: {  	[smem:$0x3FAA] =	sst s2  }
0xb: {  	[smem:$0x3FAB] =	sst s3  }
0xc: {  	[smem:$0x3FAC] =	sst s4  }
0xd: {  	[smem:$0x3FAD] =	sst s5  }
0xe: {  	[smem:$0x3FAE] =	sst s6  }
0xf: {  	[smem:$0x3FAF] =	sst s7  }
0x10: {  	[smem:$0x3FB0] =	sst s8  }
0x11: {  	[smem:$0x3FB1] =	sst s9;
	s0 =	simm.s32 @!p0 $0x0  }
0x12: {  	s1 =	sld [smem:$0x3F97];
	s0 =	simm.s32 @p0 $0x1  }
0x13: {  	[smem:$0x3FB2] =	sst s0;
	s0 =	simm.s32 @!p1 $0x0  }
0x14: {  	s2 =	sld [smem:$0x3F96];
	s0 =	simm.s32 @p1 $0x1  }
0x15: {  	[smem:$0x3FB3] =	sst s0;
	s0 =	simm.s32 @!p2 $0x0  }
0x16: {  	s3 =	sld [smem:$0x3FDB];
	s0 =	simm.s32 @p2 $0x1  }
0x17: {  	s4 =	simm.s32 $0x1BF5;
	[smem:$0x3FB5] =	sst s0  }
0x18: {  	s0 =	sld [smem:$0x3F98];
	_ =	swait.ge [sflag:s4], $0x0  }
0x19: {  	s7 =	sld [smem:$0x3F99]  }
0x1a: {  	s8 =	sadd.s32 $0xFFFFE003, lr  }
0x1b: {  	s9 =	sadd.s32 $0xFFFFFEF7, lr;
	s5 =	simm.s32 $0xFFFFFFFF;
	p2 =	slt.u32 s8, $0xFFFFF086  }
0x1c: {  	p1 =	slt.u32 s9, $0xF7A;
	s5 =	simm.s32 @!p2 $0x0  }
0x1d: {  	s5 =	simm.s32 @p1 $0x1;
	p0 =	seq.s32 s7, s2  }
0x1e: {  	s7 =	smul.u32 @!p0 $0xF7A, s2;
	p2 =	seq.s32 @!p0 s5, $0x0  }
0x1f: {  	s9 =	smul.u32 $0xF7A, s1;
	s8 =	simm.s32 @!p0 $0x1BF5;
	p2 =	por !p2, p0  }
0x20: {  	[sflag:s8] =	ssyncset.s32 @!p0 $0xFFFFF086;
	s6 =	sadd.s32 @!p0 s3, s7;
	s7 =	simm.s32 @!p0 $0x108  }
0x21: {  	s3 =	sadd.s32 s3, s9;
	s6 =	sadd.s32 @!p0 $0x88, s6;
	s7 =	simm.s32 @p2 $0x1082  }
0x22: {  	[simem:s7], [sflag:s8] =	dma.local @!p0 [hbm:s6], $0xF7A  }
0x23: {  	s9 =	sor.u32 $0xD0000000, s2;
	s6 =	simm.s32 $0x108;
	_ =	swait.ge @!p0 [sflag:s8], $0x0  }
0x24: {  	s3 =	sadd.s32 $0x88, s3;
	s6 =	simm.s32 @!p1 $0x1082;
	[sflag:s4] =	ssyncset.s32 $0xFFFFF086  }
0x25: {  	[simem:s6], [sflag:s4] =	dma.local [hbm:s3], $0xF7A  }
0x26: {  	[smem:$0x3F99] =	sst s1;
	(tag) =	ssettag s2;
	_ =	strace s9  }
0x27: {  	s1 =	sld [smem:$0x3FA9]  }
0x28: {  	s2 =	sld [smem:$0x3FAA]  }
0x29: {  	s4 =	sld [smem:$0x3FAC]  }
0x2a: {  	p0 =	seq.s32 s5, $0x0;
	s5 =	sld [smem:$0x3FAD]  }
0x2b: {  	s6 =	sld [smem:$0x3FAE]  }
0x2c: {  	s7 =	sld [smem:$0x3FAF]  }
0x2d: {  	s3 =	simm.s32 $0x108;
	s8 =	sld [smem:$0x3FB0]  }
0x2e: {  	s3 =	simm.s32 @!p0 $0x1082;
	s9 =	sld [smem:$0x3FB1]  }
0x2f: {  	lr =	sadd.s32 s0, s3;
	s0 =	sld [smem:$0x3FA8]  }
0x30: {  	s3 =	sld [smem:$0x3FAB]  }
0x31: {  	[smem:$0x3FB4] =	sst s10  }
0x32: {  	s10 =	sld [smem:$0x3FB2];
	_ =	sdelay $0x3  }
0x33: {  	p0 =	seq.s32 s10, $0x1;
	s10 =	sld [smem:$0x3FB4];
	_ =	sdelay $0x3  }
0x34: {  	[smem:$0x3FB4] =	sst s10  }
0x35: {  	s10 =	sld [smem:$0x3FB3];
	_ =	sdelay $0x3  }
0x36: {  	p1 =	seq.s32 s10, $0x1;
	s10 =	sld [smem:$0x3FB4];
	_ =	sdelay $0x3  }
0x37: {  	[smem:$0x3FB4] =	sst s10  }
0x38: {  	s10 =	sld [smem:$0x3FB5]  }
0x39: {  	_ = 	snop;
	(pc) =	sbr.ind lr, $3  }
0x3a: {  	_ = 	snop  }
0x3b: {  	_ = 	snop  }
0x3c: {  	p2 =	seq.s32 s10, $0x1;
	s10 =	sld [smem:$0x3FB4]  }
0x3d: {  	_ =	shalt  }
0x3e: {  	_ =	shalt  }
0x3f: {  	_ =	shalt  }
0x40: {  	_ =	shalt  }
0x41: {  	_ =	shalt  }
0x42: {  	_ =	shalt  }
0x43: {  	_ =	shalt  }
0x44: {  	_ =	shalt  }
0x45: {  	_ =	shalt  }
0x46: {  	_ =	shalt  }
0x47: {  	_ =	shalt  }
0x48: {  	_ =	shalt  }
0x49: {  	_ =	shalt  }
0x4a: {  	_ =	shalt  }
0x4b: {  	_ =	shalt  }
0x4c: {  	_ =	shalt  }
0x4d: {  	_ =	shalt  }
0x4e: {  	_ =	shalt  }
0x4f: {  	_ =	shalt  }
0x50: {  	_ =	shalt  }
0x51: {  	_ =	shalt  }
0x52: {  	_ =	shalt  }
0x53: {  	_ =	shalt  }
0x54: {  	_ =	shalt  }
0x55: {  	_ =	shalt  }
0x56: {  	_ =	shalt  }
0x57: {  	_ =	shalt  }
0x58: {  	_ =	shalt  }
0x59: {  	_ =	shalt  }
0x5a: {  	_ =	shalt  }
0x5b: {  	_ =	shalt  }
0x5c: {  	_ =	shalt  }
0x5d: {  	_ =	shalt  }
0x5e: {  	_ =	shalt  }
0x5f: {  	_ =	shalt  }
0x60: {  	_ =	shalt  }
0x61: {  	_ =	shalt  }
0x62: {  	_ =	shalt  }
0x63: {  	_ =	shalt  }
0x64: {  	_ =	shalt  }
0x65: {  	_ =	shalt  }
0x66: {  	_ =	shalt  }
0x67: {  	_ =	shalt  }
0x68: {  	_ =	shalt  }
0x69: {  	_ =	shalt  }
0x6a: {  	_ =	shalt  }
0x6b: {  	_ =	shalt  }
0x6c: {  	_ =	shalt  }
0x6d: {  	_ =	shalt  }
0x6e: {  	_ =	shalt  }
0x6f: {  	_ =	shalt  }
0x70: {  	_ =	shalt  }
0x71: {  	_ =	shalt  }
0x72: {  	_ =	shalt  }
0x73: {  	_ =	shalt  }
0x74: {  	_ =	shalt  }
0x75: {  	_ =	shalt  }
0x76: {  	_ =	shalt  }
0x77: {  	_ =	shalt  }
0x78: {  	_ =	shalt  }
0x79: {  	_ =	shalt  }
0x7a: {  	_ =	shalt  }
0x7b: {  	_ =	shalt  }
0x7c: {  	_ =	shalt  }
0x7d: {  	_ =	shalt  }
0x7e: {  	_ =	shalt  }
0x7f: {  	_ =	shalt  }
0x80: {  	_ =	shalt  }
0x81: {  	_ =	shalt  }
0x82: {  	_ =	shalt  }
0x83: {  	_ =	shalt  }
0x84: {  	_ =	shalt  }
0x85: {  	_ =	shalt  }
0x86: {  	_ =	shalt  }
0x87: {  	_ =	shalt  }
.Lfunc_end0:
.L_simem_size_0:
called_computation_lowered:
.L_overlay_start_0:
0x88: {  	s2 =	sld [smem:$0x3FD9]  }
0x89: {  	s3 =	sld [smem:$0x3FFE];
	_ =	sdelay $0x1  }
0x8a: {  	s1 =	srdreg.scid  }
0x8b: {  	s0 =	sand.u32 $0x1, s1  }
0x8c: {  	s17 =	sshll.u32 s0, $0xA;
	s2 =	sadd.s32 s3, s2  }
0x8d: {  	s2 =	sadd.s32 s2, s17  }
0x8e: {  	[smem:$0x3FC0] =	sst s2  }
0x8f: {  	_ = 	snop  }
0x90: {  	s2 =	sld [smem:$0x3FC9];
	(tm) =	ssettm $0x1  }
0x91: {  	s18 =	sld [smem:$0x3FFB];
	_ =	sdelay $0x3  }
0x92: {  	_ =	strace s18  }
0x93: {  	s3 =	sld [smem:$0x3FFC];
	_ =	sdelay $0x3  }
0x94: {  	_ =	strace s3  }
0x95: {  	s3 =	sld [smem:$0x3FFD];
	_ =	sdelay $0x3  }
0x96: {  	_ =	strace s3  }
0x97: {  	_ =	strace $0x8FFFFFFF  }
0x98: {  	s19 =	sld [smem:$0x3FDB];
	_ =	sdelay $0x1  }
0x99: {  	s4 =	simm.s32 $_scs_section_size  }
0x9a: {  	s5 =	simm.s32 $_size__tile_overlayer_lowered;
	s6 =	simm.s32 $_tile_overlayer_lowered  }
0x9b: {  	s22 =	simm.s32 $0x1BFF;
	s21 =	sshll.u32 s6, $0x1;
	s3 =	sadd.s32 s4, s19  }
0x9c: {  	s7 =	simm.s32 $0x0;
	s20 =	sshll.u32 s5, $0x1;
	s5 =	sadd.s32 s21, s3  }
0x9d: {  	[timem:s7], [sflag:s22] =	dma.local [hbm:s5], s20  }
0x9e: {  	_ =	swait.ge [sflag:s22], s20  }
0x9f: {  	s4 =	ssub.s32 $0x0, s20;
	[sflag:s22] =	ssyncset.done $0x0  }
0xa0: {  	[sflag:s22] =	ssyncadd.s32 s4;
	_ =	sdelay $0x1  }
0xa1: {  	s23 =	simm.s32 $0x1B8B  }
0xa2: {  	_ =	swait.ge [sflag:s23], $0x1  }
0xa3: {  	[sflag:s23] =	ssyncset.done $0x0  }
0xa4: {  	s25 =	simm.s32 $0x1B8E;
	s24 =	sld [smem:$0x3FFE];
	[sflag:s23] =	ssyncadd.s32 $0xFFFFFFFF  }
0xa5: {  	s26 =	simm.s32 $execute0_lowered;
	[smem:$0x3FD2] =	sst s25  }
0xa6: {  	s5 =	sshll.u32 s26, $0x1;
	_ =	strace $0x80000046;
	[dreg:$0x1] =	wrdreg $0xFFFFFFFF  }
0xa7: {  	s28 =	simm.s32 $_size_execute0_lowered;
	s3 =	sadd.s32 s3, s5;
	[dreg:$0x0] =	wrdreg $0x0  }
0xa8: {  	s5 =	sshll.u32 s28, $0x1;
	[dreg:$0x2] =	wrdreg s3  }
0xa9: {  	[dreg:$0x3] =	wrdreg s5  }
0xaa: {  	[dreg:$0x4] =	wrdreg $0xC0  }
0xab: {  	_ =	task [dreg:s7], $0x5FFFF  }
0xac: {  	[dreg:$0x1] =	wrdreg $0xFFFFFFFF  }
0xad: {  	[dreg:$0x0] =	wrdreg $0x60  }
0xae: {  	[dreg:$0x2] =	wrdreg s2  }
0xaf: {  	[dreg:$0x3] =	wrdreg s24  }
0xb0: {  	[dreg:$0x4] =	wrdreg $0x7E000  }
0xb1: {  	[dreg:$0x5] =	wrdreg $0x9  }
0xb2: {  	_ =	task.clear_ibuf [dreg:s7], $0x6FFFF;
	_ =	strace $0x90000046  }
0xb3: {  	s29 =	simm.s32 $0x9;
	_ =	strace $0x80000048  }
0xb4: {  	_ =	swait.ge [sflag:s29], $0x1  }
0xb5: {  	[sflag:s29] =	ssyncadd.s32 $0xFFFFFFFF  }
0xb6: {  	_ =	strace $0x90000048  }
0xb7: {  	_ =	sfence  }
0xb8: {  	s30 =	sld [smem:$0x0];
	_ =	sdelay $0x2  }
0xb9: {  	s31 =	sshll.u32 s1, $0xD;
	s1 =	sshrl.u32 s1, $0x2  }
0xba: {  	s3 =	sand.u32 $0x4000, s31;
	s1 =	sadd.s32 s1, s30  }
0xbb: {  	s0 =	sor.u32 s3, s0;
	s1 =	sshll.u32 s1, $0x11  }
0xbc: {  	s0 =	sor.u32 s1, s0  }
0xbd: {  	s0 =	sadd.s32 $0x8F2B, s0  }
0xbe: {  	[sflag:s0] =	ssyncadd.remote.s32 $0x1  }
0xbf: {  	_ =	sfence.sel $0xFFFF  }
0xc0: {  	[dreg:$0x0] =	wrdreg $0xFFFFFFFF;
	(pc) =	sbr.abs _section_cstart, $3  }
0xc1: {  	[dreg:$0x1] =	wrdreg $0xFFFFFFFF  }
0xc2: {  	_ =	task.clear_ibuf [dreg:s7], $0x2FFFF;
	_ =	strace $0x9FFFFFFF  }
0xc3: {  	(tm) =	ssettm $0x7FFFFFFF  }
tec
execute0_lowered:
.L_overlay_start_1:
0x0: {  	(tag) =	ssettag $0x1  }
0x1: {  	s0 =	rddreg [dreg:$0x1];
	s3 =	srdreg.scid  }
0x2: {  	s22 =	rddreg [dreg:$0x2];
	s14 =	stileid.u32;
	s4 =	sand.u32 $0x1, s3  }
0x3: {  	s31 =	simm.s32 $0x400;
	s28 =	simm.s32 $0x8;
	s5 =	sshll.u32 s4, $0x4  }
0x4: {  	s30 =	simm.s32 $0x6;
	s24 =	smul.u32 $0x4E000, s14;
	s5 =	sor.u32 s14, s5  }
0x5: {  	s3 =	simm.s32 $0x0;
	s6 =	sadd.s32 $0xB000, s0;
	s8 =	smul.u32 $0x2710, s5  }
0x6: {  	s25 =	sadd.s32 $0x1200, s0;
	s0 =	sadd.s32 $0x14E00, s0;
	s2 =	smul.u32 $0x2710, s14  }
0x7: {  	p0 =	sne.s32 s14, $0x0;
	[smem:$0x7FF] =	sst s3;
	s23 =	sadd.s32 $0x1E0, s8  }
0x8: {  	_ =	strace $0x80000047;
	s26 =	sadd.s32 $0x230, s8;
	[dreg:$0x4] =	wrdreg s23  }
0x9: {  	s7 =	ssub.s32 $0x2, s4;
	s29 =	sadd.s32 $0x280, s8;
	[dreg:$0x5] =	wrdreg s26  }
0xa: {  	s12 =	smul.u32 $0x138800, s4;
	s1 =	sadd.s32 $0x2D0, s8;
	[dreg:$0x6] =	wrdreg s29  }
0xb: {  	s5 =	sshrl.u32 s8, $0x3;
	s8 =	sadd.s32 $0x320, s8;
	[dreg:$0x7] =	wrdreg s1  }
0xc: {  	s4 =	smul.u32 $0x27100, s4;
	s10 =	sadd.s32 s6, s5;
	[dreg:$0x8] =	wrdreg s8  }
0xd: {  	s9 =	sshrl.u32 s7, $0x1;
	s13 =	sadd.s32 s25, s5;
	[dreg:$0x9] =	wrdreg s10  }
0xe: {  	s15 =	sadd.s32 $0xA, s5;
	s29 =	simm.s32 $0x0;
	[dreg:$0xa] =	wrdreg s13  }
0xf: {  	s7 =	ssub.s32 s7, s9;
	s11 =	sadd.s32 s6, s15;
	[smem:$0x7FC] =	sst s29  }
0x10: {  	s16 =	sadd.s32 $0x14, s5;
	s10 =	sadd.s32 s25, s15;
	[dreg:$0xb] =	wrdreg s11  }
0x11: {  	s18 =	sadd.s32 $0x1E, s5;
	s17 =	sadd.s32 s6, s16;
	[dreg:$0xc] =	wrdreg s10  }
0x12: {  	s20 =	sadd.s32 $0x28, s5;
	s19 =	sadd.s32 s6, s18;
	[dreg:$0xd] =	wrdreg s17  }
0x13: {  	s9 =	sadd.s32 $0x32, s5;
	s21 =	sadd.s32 s6, s20;
	[dreg:$0xf] =	wrdreg s19  }
0x14: {  	s4 =	sadd.s32 s2, s4;
	s5 =	sadd.s32 s6, s9;
	[dreg:$0x11] =	wrdreg s21  }
0x15: {  	s4 =	sadd.s32 $0x190, s4;
	s9 =	sadd.s32 s25, s9;
	[dreg:$0x13] =	wrdreg s5  }
0x16: {  	s13 =	smul.u32 $0x13800, s14;
	s10 =	sadd.s32 s25, s16;
	[dreg:$0x14] =	wrdreg s9  }
0x17: {  	s14 =	simm.s32 $0x380;
	s17 =	smax.u32 s7, $0x1;
	[dreg:$0xe] =	wrdreg s10  }
0x18: {  	s16 =	sshrl.u32 s12, $0x3;
	s10 =	sadd.s32 s25, s18;
	[dreg:$0x19] =	wrdreg s17  }
0x19: {  	s18 =	sshrl.u32 s4, $0x3;
	[dreg:$0x10] =	wrdreg s10;
	s10 =	sadd.s32 s25, s20  }
0x1a: {  	s11 =	sadd.s32 s13, s12;
	s4 =	sadd.s32 s18, s25;
	[dreg:$0x12] =	wrdreg s10  }
0x1b: {  	s15 =	sshrl.u32 s11, $0x3;
	s11 =	sadd.s32 $0x138000, s22;
	[dreg:$0x1a] =	wrdreg s4  }
0x1c: {  	s8 =	sadd.s32 s0, s15;
	s0 =	sadd.s32 s0, s16;
	[smem:$0x7FD] =	sst s11  }
0x1d: {  	s10 =	sshrl.u32 s24, $0x2;
	[dreg:$0x17] =	wrdreg s8;
	s0 =	sadd.s32 $0x27000, s0  }
0x1e: {  	s5 =	simm.s32 $0x180;
	s10 =	sadd.s32 s10, s22;
	[dreg:$0x18] =	wrdreg s0  }
0x1f: {  	s9 =	simm.s32 $0x200;
	s13 =	sadd.s32 $0x2800, s10;
	[dreg:$0x15] =	wrdreg s10  }
0x20: {  	s12 =	simm.s32 $0x300;
	s0 =	sadd.s32 s18, s6;
	[dreg:$0x16] =	wrdreg s13  }
0x21: {  	s17 =	simm.s32 $0x580;
	s19 =	sadd.s32 $0x5000, s10;
	[dreg:$0x1b] =	wrdreg s0  }
0x22: {  	s15 =	simm.s32 $0x100;
	s20 =	sadd.s32 $0x7800, s10;
	[dreg:$0x1c] =	wrdreg s19  }
0x23: {  	s4 =	simm.s32 $0xB;
	s21 =	sadd.s32 $0xA000, s10;
	[dreg:$0x1d] =	wrdreg s20  }
0x24: {  	s16 =	simm.s32 $0x5;
	s23 =	sadd.s32 $0xC800, s10;
	[dreg:$0x1e] =	wrdreg s21  }
0x25: {  	s8 =	simm.s32 $0x480;
	s24 =	sadd.s32 $0xF000, s10;
	[dreg:$0x1f] =	wrdreg s23  }
0x26: {  	s26 =	sadd.s32 $0x11800, s10;
	s18 =	simm.s32 $0x600;
	[smem:$0x7FA] =	sst s24  }
0x27: {  	[smem:$0x7FB] =	sst s26;
	s13 =	simm.s32 $0x80;
	s19 =	simm.s32 $0x500  }
0x28: {  	s20 =	simm.s32 $0x1;
	s21 =	simm.s32 $0x50;
	s23 =	simm.s32 $0x2E00  }
0x29: {  	v0 =	vimm.f32 $0.0e+00;
	s26 =	simm.s32 $0x7;
	s0 =	simm.s32 $0xA;
	s24 =	simm.s32 $0x9  }
.LBB2_1:
0x2a: {  	s7 =	rddreg [dreg:$0x9]  }
0x2b: {  	[tilespmem:s3], [sflag:$0x1] =	stream.linear.gather [hbm4b:s7+s3], $0x50, $0x38;
	[tilespmem:$0x1B680] =	vst v63  }
0x2c: {  	s1 =	rddreg [dreg:$0xa]  }
0x2d: {  	[tilespmem:s12], [sflag:$0x1] =	stream.linear.gather [hbm4b:s1+s3], $0x50, $0x38;
	[tilespmem:$0x1B680] =	vst v63  }
0x2e: {  	s2 =	rddreg [dreg:$0xb]  }
0x2f: {  	[tilespmem:s13], [sflag:$0x2] =	stream.linear.gather [hbm4b:s2+s3], $0x50, $0x38;
	[tilespmem:$0x1B680] =	vst v63  }
0x30: {  	s29 =	rddreg [dreg:$0xc]  }
0x31: {  	[tilespmem:s14], [sflag:$0x2] =	stream.linear.gather [hbm4b:s29+s3], $0x50, $0x38;
	[tilespmem:$0x1B680] =	vst v63  }
0x32: {  	s1 =	rddreg [dreg:$0xd]  }
0x33: {  	[tilespmem:s15], [sflag:$0x3] =	stream.linear.gather [hbm4b:s1+s3], $0x50, $0x38;
	[tilespmem:$0x1B680] =	vst v63  }
0x34: {  	s2 =	rddreg [dreg:$0xe]  }
0x35: {  	[tilespmem:s31], [sflag:$0x3] =	stream.linear.gather [hbm4b:s2+s3], $0x50, $0x38;
	[tilespmem:$0x1B680] =	vst v63  }
0x36: {  	s29 =	rddreg [dreg:$0xf]  }
0x37: {  	[tilespmem:s5], [sflag:$0x4] =	stream.linear.gather [hbm4b:s29+s3], $0x50, $0x38;
	[tilespmem:$0x1B680] =	vst v63  }
0x38: {  	s1 =	rddreg [dreg:$0x10]  }
0x39: {  	[tilespmem:s8], [sflag:$0x4] =	stream.linear.gather [hbm4b:s1+s3], $0x50, $0x38;
	[tilespmem:$0x1B680] =	vst v63  }
0x3a: {  	s2 =	rddreg [dreg:$0x11]  }
0x3b: {  	[tilespmem:s9], [sflag:$0x5] =	stream.linear.gather [hbm4b:s2+s3], $0x50, $0x38;
	[tilespmem:$0x1B680] =	vst v63  }
0x3c: {  	s8 =	rddreg [dreg:$0x12]  }
0x3d: {  	[tilespmem:s19], [sflag:$0x5] =	stream.linear.gather [hbm4b:s8+s3], $0x50, $0x38;
	[tilespmem:$0x1B680] =	vst v63  }
0x3e: {  	s9 =	rddreg [dreg:$0x13];
	s19 =	simm.s32 $0x280  }
0x3f: {  	[tilespmem:s19], [sflag:$0x6] =	stream.linear.gather [hbm4b:s9+s3], $0x50, $0x38;
	[tilespmem:$0x1B680] =	vst v63  }
0x40: {  	s7 =	simm.s32 $0x0;
	s29 =	rddreg [dreg:$0x14];
	s8 =	simm.s32 $0x200  }
0x41: {  	[tilespmem:s17], [sflag:$0x6] =	stream.linear.gather [hbm4b:s29+s3], $0x50, $0x38;
	[tilespmem:$0x1B680] =	vst v63  }
.LBB2_2:
0x42: {  	p1 =	sne.s32 s8, $0x9E00;
	[tilespmem:s7+$0x670] =	vst v0  }
0x43: {  	[tilespmem:s7+$0x600] =	vst v0  }
0x44: {  	[tilespmem:s7+$0x610] =	vst v0  }
.Ltmp0:
0x45: {  	[tilespmem:s7+$0x620] =	vst v0;
	(pc) =	sbr.rel @p1 .LBB2_2-.Ltmp0, $4  }
0x46: {  	[tilespmem:s7+$0x630] =	vst v0  }
0x47: {  	[tilespmem:s7+$0x640] =	vst v0  }
0x48: {  	[tilespmem:s7+$0x650] =	vst v0  }
0x49: {  	[tilespmem:s7+$0x660] =	vst v0;
	s7 =	sshra.s32 s8, $0x2;
	s8 =	sadd.s32 $0x200, s8  }
0x4a: {  	[tilespmem:s7+$0x670] =	vst v0  }
0x4b: {  	[tilespmem:s7+$0x600] =	vst v0  }
0x4c: {  	[tilespmem:s7+$0x610] =	vst v0  }
0x4d: {  	[tilespmem:s7+$0x620] =	vst v0  }
0x4e: {  	[tilespmem:s7+$0x630] =	vst v0  }
0x4f: {  	[tilespmem:s7+$0x640] =	vst v0  }
0x50: {  	[tilespmem:s7+$0x650] =	vst v0  }
0x51: {  	[tilespmem:s7+$0x660] =	vst v0;
	s9 =	rddreg [dreg:$0x16]  }
0x52: {  	[spmem:s10] =	stream.linear.scatter [tilespmem:s18], [sflag:$0x1], $0x2800, $0x38;
	[tilespmem:$0x1B680] =	vst v63  }
0x53: {  	s17 =	rddreg [dreg:$0x1d]  }
0x54: {  	[spmem:s9] =	stream.linear.scatter [tilespmem:s18], [sflag:$0x1], $0x2800, $0x38;
	[tilespmem:$0x1B680] =	vst v63  }
0x55: {  	s10 =	rddreg [dreg:$0x1c]  }
0x56: {  	[spmem:s10] =	stream.linear.scatter [tilespmem:s18], [sflag:$0x1], $0x2800, $0x38;
	[tilespmem:$0x1B680] =	vst v63  }
0x57: {  	s29 =	rddreg [dreg:$0x1e]  }
0x58: {  	[spmem:s17] =	stream.linear.scatter [tilespmem:s18], [sflag:$0x1], $0x2800, $0x38;
	[tilespmem:$0x1B680] =	vst v63  }
0x59: {  	s1 =	rddreg [dreg:$0x1f]  }
0x5a: {  	[spmem:s29] =	stream.linear.scatter [tilespmem:s18], [sflag:$0x1], $0x2800, $0x38;
	[tilespmem:$0x1B680] =	vst v63  }
0x5b: {  	s2 =	sld [smem:$0x7FA]  }
0x5c: {  	[spmem:s1] =	stream.linear.scatter [tilespmem:s18], [sflag:$0x1], $0x2800, $0x38;
	[tilespmem:$0x1B680] =	vst v63  }
0x5d: {  	s8 =	sld [smem:$0x7FB]  }
0x5e: {  	[spmem:s2] =	stream.linear.scatter [tilespmem:s18], [sflag:$0x1], $0x2800, $0x38;
	[tilespmem:$0x1B680] =	vst v63  }
0x5f: {  	_ = 	snop  }
0x60: {  	[spmem:s8] =	stream.linear.scatter [tilespmem:s18], [sflag:$0x1], $0x2000, $0x38;
	[tilespmem:$0x1B680] =	vst v63  }
0x61: {  	s7 =	simm.s32 @!p0 $0x600  }
0x62: {  	[spmem:s11] =	stream.linear.scatter @!p0 [tilespmem:s7], [sflag:$0x1], $0x800, $0x38;
	[tilespmem:$0x1B680] =	vst v63  }
0x63: {  	_ =	swait.ge [sflag:s20], $0x2800  }
0x64: {  	[sflag:s20] =	ssyncset.done $0x0  }
0x65: {  	[sflag:s20] =	ssyncadd.s32 $0xFFFFD800  }
0x66: {  	_ =	swait.ge [sflag:s20], $0x2800  }
0x67: {  	[sflag:s20] =	ssyncset.done $0x0  }
0x68: {  	[sflag:s20] =	ssyncadd.s32 $0xFFFFD800  }
0x69: {  	_ =	swait.ge [sflag:s20], $0x2800  }
0x6a: {  	[sflag:s20] =	ssyncset.done $0x0  }
0x6b: {  	[sflag:s20] =	ssyncadd.s32 $0xFFFFD800  }
0x6c: {  	_ =	swait.ge [sflag:s20], $0x2800  }
0x6d: {  	[sflag:s20] =	ssyncset.done $0x0  }
0x6e: {  	[sflag:s20] =	ssyncadd.s32 $0xFFFFD800  }
0x6f: {  	_ =	swait.ge [sflag:s20], $0x2800  }
0x70: {  	[sflag:s20] =	ssyncset.done $0x0  }
0x71: {  	[sflag:s20] =	ssyncadd.s32 $0xFFFFD800  }
0x72: {  	_ =	swait.ge [sflag:s20], $0x2800  }
0x73: {  	[sflag:s20] =	ssyncset.done $0x0  }
0x74: {  	[sflag:s20] =	ssyncadd.s32 $0xFFFFD800  }
0x75: {  	_ =	swait.ge [sflag:s20], $0x2800  }
0x76: {  	[sflag:s20] =	ssyncset.done $0x0  }
0x77: {  	[sflag:s20] =	ssyncadd.s32 $0xFFFFD800  }
0x78: {  	_ =	swait.ge [sflag:s20], $0x2000  }
0x79: {  	[sflag:s20] =	ssyncset.done $0x0  }
0x7a: {  	s7 =	simm.s32 @!p0 $0x1;
	[sflag:s20] =	ssyncadd.s32 $0xFFFFE000  }
0x7b: {  	_ =	swait.ge @!p0 [sflag:s7], $0x800  }
0x7c: {  	[sflag:s7] =	ssyncset.done @!p0 $0x0  }
0x7d: {  	[sflag:s7] =	ssyncadd.s32 @!p0 $0xFFFFF800  }
0x7e: {  	_ =	swait.ge [sflag:s20], $0x50  }
0x7f: {  	[sflag:s20] =	ssyncset.done $0x0  }
0x80: {  	[sflag:s20] =	ssyncadd.s32 $0xFFFFFFB0  }
0x81: {  	_ =	swait.ge [sflag:s20], $0x50  }
0x82: {  	[sflag:s20] =	ssyncset.done $0x0  }
0x83: {  	[sflag:s20] =	ssyncadd.s32 $0xFFFFFFB0  }
0x84: {  	s2 =	simm.s32 $0x2;
	s7 =	simm.s32 $0x0;
	s1 =	rddreg [dreg:$0x0]  }
0x85: {  	[tilespmem:s18], [sflag:$0x7] =	stream.indirect.gather [hbm4b:s1+s21], $0x80, s7, s21, $0xb8;
	[tilespmem:$0x1B680] =	vst v63  }
0x86: {  	_ =	swait.ge [sflag:s2], $0x50  }
0x87: {  	[sflag:s2] =	ssyncset.done $0x0  }
0x88: {  	[sflag:s2] =	ssyncadd.s32 $0xFFFFFFB0  }
0x89: {  	_ =	swait.ge [sflag:s2], $0x50  }
0x8a: {  	[sflag:s2] =	ssyncset.done $0x0  }
0x8b: {  	[sflag:s2] =	ssyncadd.s32 $0xFFFFFFB0  }
0x8c: {  	[tilespmem:s23], [sflag:$0x8] =	stream.indirect.gather [hbm4b:s1+s21], $0x80, s13, s21, $0xb8;
	[tilespmem:$0x1B680] =	vst v63  }
0x8d: {  	[bflag:$0x0] =	sbarrier.arrive $0xFFFF  }
0x8e: {  	_ =	swait.ge [sflag:s26], $0x2800  }
0x8f: {  	p1 =	por $0x1, $0x1;
	[sflag:s26] =	ssyncset.done $0x0  }
0x90: {  	s8 =	simm.s32 @!p1 $0xC;
	[sflag:s26] =	ssyncadd.s32 $0xFFFFD800  }
0x91: {  	[spmem:s22] =	stream.indirect.scatter.add.f32 [tilespmem:s18], [sflag:$0xA], $0x80, s12, s21, $0xb8;
	[tilespmem:$0x1B680] =	vst v63  }
0x92: {  	_ =	swait.ge @!p1 [sflag:s8], $0x2800  }
0x93: {  	s9 =	simm.s32 @!p1 $0x0;
	[sflag:s8] =	ssyncset.done @!p1 $0x0  }
0x94: {  	s11 =	rddreg [dreg:$0x1b];
	[sflag:s8] =	ssyncadd.s32 @!p1 $0xFFFFD800;
	s8 =	simm.s32 @!p1 $0x280  }
0x95: {  	[tilespmem:s8], [sflag:$0x6] =	stream.linear.gather @!p1 [hbm4b:s11+s9], $0x50, $0x38;
	[tilespmem:$0x1B680] =	vst v63  }
0x96: {  	s10 =	rddreg [dreg:$0x1a];
	s8 =	simm.s32 @!p1 $0x580  }
0x97: {  	[tilespmem:s8], [sflag:$0x6] =	stream.linear.gather @!p1 [hbm4b:s10+s9], $0x50, $0x38;
	[tilespmem:$0x1B680] =	vst v63  }
0x98: {  	s9 =	simm.s32 $0x3  }
0x99: {  	_ =	swait.ge [sflag:s9], $0x50  }
0x9a: {  	[sflag:s9] =	ssyncset.done $0x0  }
0x9b: {  	[sflag:s9] =	ssyncadd.s32 $0xFFFFFFB0  }
0x9c: {  	_ =	swait.ge [sflag:s9], $0x50  }
0x9d: {  	[sflag:s9] =	ssyncset.done $0x0  }
0x9e: {  	s29 =	simm.s32 $0x5600;
	[sflag:s9] =	ssyncadd.s32 $0xFFFFFFB0  }
0x9f: {  	[tilespmem:s29], [sflag:$0x9] =	stream.indirect.gather [hbm4b:s1+s21], $0x80, s15, s21, $0xb8;
	[tilespmem:$0x1B680] =	vst v63  }
0xa0: {  	_ =	swait.ge [sflag:s28], $0x2800  }
0xa1: {  	[sflag:s28] =	ssyncset.done $0x0  }
0xa2: {  	[sflag:s28] =	ssyncadd.s32 $0xFFFFD800  }
0xa3: {  	[spmem:s22] =	stream.indirect.scatter.add.f32 [tilespmem:s23], [sflag:$0xB], $0x80, s14, s21, $0xb8;
	[tilespmem:$0x1B680] =	vst v63  }
0xa4: {  	_ =	swait.ge [sflag:s0], $0x2800  }
0xa5: {  	s7 =	simm.s32 @p1 $0x0;
	s17 =	rddreg [dreg:$0x4]  }
0xa6: {  	s8 =	sadd.s32 s7, s17  }
0xa7: {  	[sflag:s0] =	ssyncset.done $0x0;
	s8 =	sshrl.u32 s8, $0x3  }
0xa8: {  	[sflag:s0] =	ssyncadd.s32 $0xFFFFD800;
	s2 =	sadd.s32 s6, s8  }
0xa9: {  	[tilespmem:s3], [sflag:$0x1] =	stream.linear.gather [hbm4b:s2+s3], $0x50, $0x38;
	[tilespmem:$0x1B680] =	vst v63  }
0xaa: {  	s8 =	sadd.s32 s25, s8  }
0xab: {  	[tilespmem:s12], [sflag:$0x1] =	stream.linear.gather [hbm4b:s8+s3], $0x50, $0x38;
	[tilespmem:$0x1B680] =	vst v63  }
0xac: {  	s8 =	simm.s32 $0x4  }
0xad: {  	_ =	swait.ge [sflag:s8], $0x50  }
0xae: {  	[sflag:s8] =	ssyncset.done $0x0  }
0xaf: {  	[sflag:s8] =	ssyncadd.s32 $0xFFFFFFB0  }
0xb0: {  	_ =	swait.ge [sflag:s8], $0x50  }
0xb1: {  	[sflag:s8] =	ssyncset.done $0x0  }
0xb2: {  	[sflag:s8] =	ssyncadd.s32 $0xFFFFFFB0  }
0xb3: {  	[tilespmem:s18], [sflag:$0x7] =	stream.indirect.gather [hbm4b:s1+s21], $0x80, s5, s21, $0xb8;
	[tilespmem:$0x1B680] =	vst v63  }
0xb4: {  	_ =	swait.ge [sflag:s24], $0x2800  }
0xb5: {  	[sflag:s24] =	ssyncset.done $0x0  }
0xb6: {  	[sflag:s24] =	ssyncadd.s32 $0xFFFFD800  }
0xb7: {  	[spmem:s22] =	stream.indirect.scatter.add.f32 [tilespmem:s29], [sflag:$0xC], $0x80, s31, s21, $0xb8;
	[tilespmem:$0x1B680] =	vst v63  }
0xb8: {  	_ =	swait.ge [sflag:s4], $0x2800  }
0xb9: {  	s9 =	rddreg [dreg:$0x5]  }
0xba: {  	s8 =	sadd.s32 s7, s9  }
0xbb: {  	[sflag:s4] =	ssyncset.done $0x0;
	s8 =	sshrl.u32 s8, $0x3  }
0xbc: {  	[sflag:s4] =	ssyncadd.s32 $0xFFFFD800;
	s17 =	sadd.s32 s6, s8  }
0xbd: {  	[tilespmem:s13], [sflag:$0x2] =	stream.linear.gather [hbm4b:s17+s3], $0x50, $0x38;
	[tilespmem:$0x1B680] =	vst v63  }
0xbe: {  	s8 =	sadd.s32 s25, s8  }
0xbf: {  	[tilespmem:s14], [sflag:$0x2] =	stream.linear.gather [hbm4b:s8+s3], $0x50, $0x38;
	[tilespmem:$0x1B680] =	vst v63  }
0xc0: {  	_ =	swait.ge [sflag:s16], $0x50  }
0xc1: {  	[sflag:s16] =	ssyncset.done $0x0  }
0xc2: {  	[sflag:s16] =	ssyncadd.s32 $0xFFFFFFB0  }
0xc3: {  	_ =	swait.ge [sflag:s16], $0x50  }
0xc4: {  	[sflag:s16] =	ssyncset.done $0x0  }
0xc5: {  	s17 =	simm.s32 $0x200;
	[sflag:s16] =	ssyncadd.s32 $0xFFFFFFB0  }
0xc6: {  	[tilespmem:s23], [sflag:$0x8] =	stream.indirect.gather [hbm4b:s1+s21], $0x80, s17, s21, $0xb8;
	[tilespmem:$0x1B680] =	vst v63  }
0xc7: {  	_ =	swait.ge [sflag:s26], $0x2800  }
0xc8: {  	[sflag:s26] =	ssyncset.done $0x0  }
0xc9: {  	s2 =	simm.s32 $0xC;
	s13 =	simm.s32 $0x480;
	[sflag:s26] =	ssyncadd.s32 $0xFFFFD800  }
0xca: {  	[spmem:s22] =	stream.indirect.scatter.add.f32 [tilespmem:s18], [sflag:$0xA], $0x80, s13, s21, $0xb8;
	[tilespmem:$0x1B680] =	vst v63  }
0xcb: {  	_ =	swait.ge [sflag:s2], $0x2800  }
0xcc: {  	s9 =	rddreg [dreg:$0x6]  }
0xcd: {  	s8 =	sadd.s32 s7, s9  }
0xce: {  	[sflag:s2] =	ssyncset.done $0x0;
	s8 =	sshrl.u32 s8, $0x3  }
0xcf: {  	[sflag:s2] =	ssyncadd.s32 $0xFFFFD800;
	s26 =	sadd.s32 s6, s8  }
0xd0: {  	[tilespmem:s15], [sflag:$0x3] =	stream.linear.gather [hbm4b:s26+s3], $0x50, $0x38;
	[tilespmem:$0x1B680] =	vst v63  }
0xd1: {  	s8 =	sadd.s32 s25, s8  }
0xd2: {  	[tilespmem:s31], [sflag:$0x3] =	stream.linear.gather [hbm4b:s8+s3], $0x50, $0x38;
	[tilespmem:$0x1B680] =	vst v63  }
0xd3: {  	_ =	swait.ge [sflag:s30], $0x50  }
0xd4: {  	[sflag:s30] =	ssyncset.done $0x0  }
0xd5: {  	[sflag:s30] =	ssyncadd.s32 $0xFFFFFFB0  }
0xd6: {  	_ =	swait.ge [sflag:s30], $0x50  }
0xd7: {  	[sflag:s30] =	ssyncset.done $0x0  }
0xd8: {  	s14 =	smov.u32 s1;
	[sflag:s30] =	ssyncadd.s32 $0xFFFFFFB0  }
0xd9: {  	[tilespmem:s29], [sflag:$0x9] =	stream.indirect.gather [hbm4b:s14+s21], $0x80, s19, s21, $0xb8;
	[tilespmem:$0x1B680] =	vst v63  }
0xda: {  	_ =	swait.ge [sflag:s28], $0x2800  }
0xdb: {  	[sflag:s28] =	ssyncset.done $0x0  }
0xdc: {  	s29 =	simm.s32 $0x500;
	[sflag:s28] =	ssyncadd.s32 $0xFFFFD800  }
0xdd: {  	[spmem:s22] =	stream.indirect.scatter.add.f32 [tilespmem:s23], [sflag:$0xB], $0x80, s29, s21, $0xb8;
	[tilespmem:$0x1B680] =	vst v63  }
0xde: {  	_ =	swait.ge [sflag:s0], $0x2800  }
0xdf: {  	s1 =	rddreg [dreg:$0x7]  }
0xe0: {  	s8 =	sadd.s32 s7, s1  }
0xe1: {  	[sflag:s0] =	ssyncset.done $0x0;
	s8 =	sshrl.u32 s8, $0x3  }
0xe2: {  	[sflag:s0] =	ssyncadd.s32 $0xFFFFD800;
	s2 =	sadd.s32 s6, s8  }
0xe3: {  	[tilespmem:s5], [sflag:$0x4] =	stream.linear.gather [hbm4b:s2+s3], $0x50, $0x38;
	[tilespmem:$0x1B680] =	vst v63  }
0xe4: {  	s8 =	sadd.s32 s25, s8  }
0xe5: {  	[tilespmem:s13], [sflag:$0x4] =	stream.linear.gather [hbm4b:s8+s3], $0x50, $0x38;
	[tilespmem:$0x1B680] =	vst v63  }
0xe6: {  	_ =	swait.ge [sflag:s20], $0x50  }
0xe7: {  	[sflag:s20] =	ssyncset.done $0x0  }
0xe8: {  	[sflag:s20] =	ssyncadd.s32 $0xFFFFFFB0  }
0xe9: {  	_ =	swait.ge [sflag:s20], $0x50  }
0xea: {  	[sflag:s20] =	ssyncset.done $0x0  }
0xeb: {  	[sflag:s20] =	ssyncadd.s32 $0xFFFFFFB0  }
0xec: {  	[tilespmem:s18], [sflag:$0x7] =	stream.indirect.gather [hbm4b:s14+s21], $0x80, s3, s21, $0xb8;
	[tilespmem:$0x1B680] =	vst v63  }
0xed: {  	_ =	swait.ge [sflag:s24], $0x2800  }
0xee: {  	[sflag:s24] =	ssyncset.done $0x0  }
0xef: {  	s13 =	simm.s32 $0x5600;
	s20 =	simm.s32 $0x580;
	[sflag:s24] =	ssyncadd.s32 $0xFFFFD800  }
0xf0: {  	[spmem:s22] =	stream.indirect.scatter.add.f32 [tilespmem:s13], [sflag:$0xC], $0x80, s20, s21, $0xb8;
	[tilespmem:$0x1B680] =	vst v63  }
0xf1: {  	_ =	swait.ge [sflag:s4], $0x2800  }
0xf2: {  	s26 =	rddreg [dreg:$0x8]  }
0xf3: {  	s7 =	sadd.s32 s7, s26  }
0xf4: {  	[sflag:s4] =	ssyncset.done $0x0;
	s7 =	sshrl.u32 s7, $0x3  }
0xf5: {  	[sflag:s4] =	ssyncadd.s32 $0xFFFFD800;
	s29 =	sadd.s32 s6, s7  }
0xf6: {  	[tilespmem:s17], [sflag:$0x5] =	stream.linear.gather [hbm4b:s29+s3], $0x50, $0x38;
	[tilespmem:$0x1B680] =	vst v63  }
0xf7: {  	s15 =	simm.s32 $0x500;
	s19 =	simm.s32 $0x2;
	s7 =	sadd.s32 s25, s7  }
0xf8: {  	[tilespmem:s15], [sflag:$0x5] =	stream.linear.gather [hbm4b:s7+s3], $0x50, $0x38;
	[tilespmem:$0x1B680] =	vst v63  }
0xf9: {  	s31 =	simm.s32 $0x8;
	_ =	swait.ge [sflag:s19], $0x50  }
0xfa: {  	s30 =	simm.s32 $0x6;
	s28 =	simm.s32 $0x7;
	[sflag:s19] =	ssyncset.done $0x0  }
0xfb: {  	s0 =	simm.s32 $0xA;
	s8 =	smov.u32 s10;
	[sflag:s19] =	ssyncadd.s32 $0xFFFFFFB0  }
0xfc: {  	s4 =	simm.s32 $0xB;
	s26 =	simm.s32 $0x1;
	_ =	swait.ge [sflag:s19], $0x50  }
0xfd: {  	s17 =	simm.s32 $0x1E0;
	s7 =	sadd.s32 $0x3C, s11;
	[sflag:s19] =	ssyncset.done $0x0  }
.LBB2_4:
0xfe: {  	[sflag:s19] =	ssyncadd.s32 $0xFFFFFFB0;
	s2 =	simm.s32 $0x80  }
0xff: {  	[tilespmem:s23], [sflag:$0x8] =	stream.indirect.gather [hbm4b:s14+s21], $0x80, s2, s21, $0xb8;
	[tilespmem:$0x1B680] =	vst v63  }
0x100: {  	s9 =	smov.u32 s17;
	_ =	swait.ge [sflag:s28], $0x2800  }
0x101: {  	p2 =	seq.s32 s9, $0x0;
	[sflag:s28] =	ssyncset.done $0x0  }
0x102: {  	s10 =	simm.s32 @!p2 $0xC;
	[sflag:s28] =	ssyncadd.s32 $0xFFFFD800  }
0x103: {  	[spmem:s22] =	stream.indirect.scatter.add.f32 [tilespmem:s18], [sflag:$0xA], $0x80, s12, s21, $0xb8;
	[tilespmem:$0x1B680] =	vst v63  }
0x104: {  	_ =	swait.ge @!p2 [sflag:s10], $0x2800  }
0x105: {  	[sflag:s10] =	ssyncset.done @!p2 $0x0  }
0x106: {  	s11 =	simm.s32 @!p2 $0x0;
	s12 =	simm.s32 @!p2 $0x280;
	[sflag:s10] =	ssyncadd.s32 @!p2 $0xFFFFD800  }
0x107: {  	[tilespmem:s12], [sflag:$0x6] =	stream.linear.gather @!p2 [hbm4b:s7+s11], $0x50, $0x38;
	[tilespmem:$0x1B680] =	vst v63  }
0x108: {  	s8 =	sadd.s32 $0x3C, s8;
	s1 =	simm.s32 $0x3;
	s10 =	simm.s32 @!p2 $0x580  }
0x109: {  	[tilespmem:s10], [sflag:$0x6] =	stream.linear.gather @!p2 [hbm4b:s8+s11], $0x50, $0x38;
	[tilespmem:$0x1B680] =	vst v63  }
0x10a: {  	_ =	swait.ge [sflag:s1], $0x50  }
0x10b: {  	[sflag:s1] =	ssyncset.done $0x0  }
0x10c: {  	[sflag:s1] =	ssyncadd.s32 $0xFFFFFFB0  }
0x10d: {  	_ =	swait.ge [sflag:s1], $0x50  }
0x10e: {  	[sflag:s1] =	ssyncset.done $0x0  }
0x10f: {  	s29 =	simm.s32 $0x100;
	[sflag:s1] =	ssyncadd.s32 $0xFFFFFFB0  }
0x110: {  	[tilespmem:s13], [sflag:$0x9] =	stream.indirect.gather [hbm4b:s14+s21], $0x80, s29, s21, $0xb8;
	[tilespmem:$0x1B680] =	vst v63  }
0x111: {  	_ =	swait.ge [sflag:s31], $0x2800  }
0x112: {  	[sflag:s31] =	ssyncset.done $0x0  }
0x113: {  	s15 =	simm.s32 $0x380;
	[sflag:s31] =	ssyncadd.s32 $0xFFFFD800  }
0x114: {  	[spmem:s22] =	stream.indirect.scatter.add.f32 [tilespmem:s23], [sflag:$0xB], $0x80, s15, s21, $0xb8;
	[tilespmem:$0x1B680] =	vst v63  }
0x115: {  	_ =	swait.ge [sflag:s0], $0x2800  }
0x116: {  	s9 =	simm.s32 @p2 $0x0;
	s14 =	rddreg [dreg:$0x4]  }
0x117: {  	s10 =	sadd.s32 s9, s14  }
0x118: {  	[sflag:s0] =	ssyncset.done $0x0;
	s10 =	sshrl.u32 s10, $0x3  }
0x119: {  	[sflag:s0] =	ssyncadd.s32 $0xFFFFD800;
	s20 =	sadd.s32 s6, s10  }
0x11a: {  	[tilespmem:s3], [sflag:$0x1] =	stream.linear.gather [hbm4b:s20+s3], $0x50, $0x38;
	[tilespmem:$0x1B680] =	vst v63  }
0x11b: {  	s12 =	simm.s32 $0x300;
	s23 =	simm.s32 $0x4;
	s10 =	sadd.s32 s25, s10  }
0x11c: {  	[tilespmem:s12], [sflag:$0x1] =	stream.linear.gather [hbm4b:s10+s3], $0x50, $0x38;
	[tilespmem:$0x1B680] =	vst v63  }
0x11d: {  	_ =	swait.ge [sflag:s23], $0x50  }
0x11e: {  	[sflag:s23] =	ssyncset.done $0x0  }
0x11f: {  	[sflag:s23] =	ssyncadd.s32 $0xFFFFFFB0  }
0x120: {  	_ =	swait.ge [sflag:s23], $0x50  }
0x121: {  	[sflag:s23] =	ssyncset.done $0x0  }
0x122: {  	[sflag:s23] =	ssyncadd.s32 $0xFFFFFFB0  }
0x123: {  	s14 =	simm.s32 $0x180;
	s1 =	rddreg [dreg:$0x0]  }
0x124: {  	[tilespmem:s18], [sflag:$0x7] =	stream.indirect.gather [hbm4b:s1+s21], $0x80, s14, s21, $0xb8;
	[tilespmem:$0x1B680] =	vst v63  }
0x125: {  	_ =	swait.ge [sflag:s24], $0x2800  }
0x126: {  	[sflag:s24] =	ssyncset.done $0x0  }
0x127: {  	s5 =	simm.s32 $0x5600;
	s13 =	simm.s32 $0x400;
	[sflag:s24] =	ssyncadd.s32 $0xFFFFD800  }
0x128: {  	[spmem:s22] =	stream.indirect.scatter.add.f32 [tilespmem:s5], [sflag:$0xC], $0x80, s13, s21, $0xb8;
	[tilespmem:$0x1B680] =	vst v63  }
0x129: {  	_ =	swait.ge [sflag:s4], $0x2800  }
0x12a: {  	s11 =	rddreg [dreg:$0x5]  }
0x12b: {  	s10 =	sadd.s32 s9, s11  }
0x12c: {  	[sflag:s4] =	ssyncset.done $0x0;
	s10 =	sshrl.u32 s10, $0x3  }
0x12d: {  	[sflag:s4] =	ssyncadd.s32 $0xFFFFD800;
	s18 =	sadd.s32 s6, s10  }
0x12e: {  	[tilespmem:s2], [sflag:$0x2] =	stream.linear.gather [hbm4b:s18+s3], $0x50, $0x38;
	[tilespmem:$0x1B680] =	vst v63  }
0x12f: {  	s10 =	sadd.s32 s25, s10  }
0x130: {  	[tilespmem:s15], [sflag:$0x2] =	stream.linear.gather [hbm4b:s10+s3], $0x50, $0x38;
	[tilespmem:$0x1B680] =	vst v63  }
0x131: {  	_ =	swait.ge [sflag:s16], $0x50  }
0x132: {  	[sflag:s16] =	ssyncset.done $0x0  }
0x133: {  	[sflag:s16] =	ssyncadd.s32 $0xFFFFFFB0  }
0x134: {  	_ =	swait.ge [sflag:s16], $0x50  }
0x135: {  	[sflag:s16] =	ssyncset.done $0x0  }
0x136: {  	[sflag:s16] =	ssyncadd.s32 $0xFFFFFFB0  }
0x137: {  	s23 =	simm.s32 $0x200;
	s15 =	simm.s32 $0x2E00;
	s20 =	rddreg [dreg:$0x0]  }
0x138: {  	[tilespmem:s15], [sflag:$0x8] =	stream.indirect.gather [hbm4b:s20+s21], $0x80, s23, s21, $0xb8;
	[tilespmem:$0x1B680] =	vst v63  }
0x139: {  	_ =	swait.ge [sflag:s28], $0x2800  }
0x13a: {  	s1 =	simm.s32 $0x600;
	[sflag:s28] =	ssyncset.done $0x0  }
0x13b: {  	s11 =	simm.s32 $0xC;
	s18 =	simm.s32 $0x480;
	[sflag:s28] =	ssyncadd.s32 $0xFFFFD800  }
0x13c: {  	[spmem:s22] =	stream.indirect.scatter.add.f32 [tilespmem:s1], [sflag:$0xA], $0x80, s18, s21, $0xb8;
	[tilespmem:$0x1B680] =	vst v63  }
0x13d: {  	_ =	swait.ge [sflag:s11], $0x2800  }
0x13e: {  	s20 =	rddreg [dreg:$0x6]  }
0x13f: {  	s10 =	sadd.s32 s9, s20  }
0x140: {  	[sflag:s11] =	ssyncset.done $0x0;
	s10 =	sshrl.u32 s10, $0x3  }
0x141: {  	[sflag:s11] =	ssyncadd.s32 $0xFFFFD800;
	s1 =	sadd.s32 s6, s10  }
0x142: {  	[tilespmem:s29], [sflag:$0x3] =	stream.linear.gather [hbm4b:s1+s3], $0x50, $0x38;
	[tilespmem:$0x1B680] =	vst v63  }
0x143: {  	s10 =	sadd.s32 s25, s10  }
0x144: {  	[tilespmem:s13], [sflag:$0x3] =	stream.linear.gather [hbm4b:s10+s3], $0x50, $0x38;
	[tilespmem:$0x1B680] =	vst v63  }
0x145: {  	_ =	swait.ge [sflag:s30], $0x50  }
0x146: {  	[sflag:s30] =	ssyncset.done $0x0  }
0x147: {  	[sflag:s30] =	ssyncadd.s32 $0xFFFFFFB0  }
0x148: {  	_ =	swait.ge [sflag:s30], $0x50  }
0x149: {  	[sflag:s30] =	ssyncset.done $0x0  }
0x14a: {  	[sflag:s30] =	ssyncadd.s32 $0xFFFFFFB0  }
0x14b: {  	s11 =	simm.s32 $0x280;
	s13 =	simm.s32 $0x5600;
	s10 =	rddreg [dreg:$0x0]  }
0x14c: {  	[tilespmem:s13], [sflag:$0x9] =	stream.indirect.gather [hbm4b:s10+s21], $0x80, s11, s21, $0xb8;
	[tilespmem:$0x1B680] =	vst v63  }
0x14d: {  	_ =	swait.ge [sflag:s31], $0x2800  }
0x14e: {  	[sflag:s31] =	ssyncset.done $0x0  }
0x14f: {  	s19 =	simm.s32 $0x500;
	[sflag:s31] =	ssyncadd.s32 $0xFFFFD800  }
0x150: {  	[spmem:s22] =	stream.indirect.scatter.add.f32 [tilespmem:s15], [sflag:$0xB], $0x80, s19, s21, $0xb8;
	[tilespmem:$0x1B680] =	vst v63  }
0x151: {  	_ =	swait.ge [sflag:s0], $0x2800  }
0x152: {  	s11 =	rddreg [dreg:$0x7]  }
0x153: {  	s10 =	sadd.s32 s9, s11  }
0x154: {  	[sflag:s0] =	ssyncset.done $0x0;
	s10 =	sshrl.u32 s10, $0x3  }
0x155: {  	[sflag:s0] =	ssyncadd.s32 $0xFFFFD800;
	s15 =	sadd.s32 s6, s10  }
0x156: {  	[tilespmem:s14], [sflag:$0x4] =	stream.linear.gather [hbm4b:s15+s3], $0x50, $0x38;
	[tilespmem:$0x1B680] =	vst v63  }
0x157: {  	s10 =	sadd.s32 s25, s10  }
0x158: {  	[tilespmem:s18], [sflag:$0x4] =	stream.linear.gather [hbm4b:s10+s3], $0x50, $0x38;
	[tilespmem:$0x1B680] =	vst v63  }
0x159: {  	s14 =	rddreg [dreg:$0x0];
	_ =	swait.ge [sflag:s26], $0x50  }
0x15a: {  	[sflag:s26] =	ssyncset.done $0x0  }
0x15b: {  	[sflag:s26] =	ssyncadd.s32 $0xFFFFFFB0  }
0x15c: {  	_ =	swait.ge [sflag:s26], $0x50  }
0x15d: {  	[sflag:s26] =	ssyncset.done $0x0  }
0x15e: {  	s18 =	simm.s32 $0x600;
	[sflag:s26] =	ssyncadd.s32 $0xFFFFFFB0  }
0x15f: {  	[tilespmem:s18], [sflag:$0x7] =	stream.indirect.gather [hbm4b:s14+s21], $0x80, s3, s21, $0xb8;
	[tilespmem:$0x1B680] =	vst v63  }
0x160: {  	_ =	swait.ge [sflag:s24], $0x2800  }
0x161: {  	[sflag:s24] =	ssyncset.done $0x0  }
0x162: {  	s15 =	simm.s32 $0x580;
	[sflag:s24] =	ssyncadd.s32 $0xFFFFD800  }
0x163: {  	[spmem:s22] =	stream.indirect.scatter.add.f32 [tilespmem:s13], [sflag:$0xC], $0x80, s15, s21, $0xb8;
	[tilespmem:$0x1B680] =	vst v63  }
0x164: {  	_ =	swait.ge [sflag:s4], $0x2800  }
0x165: {  	s15 =	rddreg [dreg:$0x8]  }
0x166: {  	s9 =	sadd.s32 s9, s15  }
0x167: {  	[sflag:s4] =	ssyncset.done $0x0;
	s9 =	sshrl.u32 s9, $0x3  }
0x168: {  	[sflag:s4] =	ssyncadd.s32 $0xFFFFD800;
	s10 =	sadd.s32 s6, s9  }
0x169: {  	[tilespmem:s23], [sflag:$0x5] =	stream.linear.gather [hbm4b:s10+s3], $0x50, $0x38;
	[tilespmem:$0x1B680] =	vst v63  }
0x16a: {  	s17 =	sadd.s32 $0x1E0, s17;
	s9 =	sadd.s32 s25, s9  }
0x16b: {  	[tilespmem:s19], [sflag:$0x5] =	stream.linear.gather [hbm4b:s9+s3], $0x50, $0x38;
	[tilespmem:$0x1B680] =	vst v63  }
0x16c: {  	p1 =	sne.s32 s17, $0x2580;
	s7 =	sadd.s32 $0x3C, s7;
	s19 =	simm.s32 $0x2  }
.Ltmp1:
0x16d: {  	s5 =	simm.s32 $0x80;
	_ =	swait.ge [sflag:s19], $0x50;
	(pc) =	sbr.rel @p1 .LBB2_4-.Ltmp1, $4  }
0x16e: {  	s2 =	simm.s32 $0x380;
	s20 =	simm.s32 $0x100;
	[sflag:s19] =	ssyncset.done $0x0  }
0x16f: {  	s29 =	simm.s32 $0x400;
	s1 =	simm.s32 $0x180;
	[sflag:s19] =	ssyncadd.s32 $0xFFFFFFB0  }
0x170: {  	s11 =	simm.s32 $0x480;
	s15 =	simm.s32 $0x200;
	_ =	swait.ge [sflag:s19], $0x50  }
0x171: {  	s23 =	simm.s32 $0x2E00;
	s9 =	simm.s32 $0x500;
	[sflag:s19] =	ssyncset.done $0x0  }
0x172: {  	[sflag:s19] =	ssyncadd.s32 $0xFFFFFFB0  }
0x173: {  	[tilespmem:s23], [sflag:$0x8] =	stream.indirect.gather [hbm4b:s14+s21], $0x80, s5, s21, $0xb8;
	[tilespmem:$0x1B680] =	vst v63  }
0x174: {  	_ =	swait.ge [sflag:s28], $0x2800  }
0x175: {  	[sflag:s28] =	ssyncset.done $0x0  }
0x176: {  	s7 =	simm.s32 $0xC;
	[sflag:s28] =	ssyncadd.s32 $0xFFFFD800  }
0x177: {  	[spmem:s22] =	stream.indirect.scatter.add.f32 [tilespmem:s18], [sflag:$0xA], $0x80, s12, s21, $0xb8;
	[tilespmem:$0x1B680] =	vst v63  }
0x178: {  	_ =	swait.ge [sflag:s7], $0x2800  }
0x179: {  	[sflag:s7] =	ssyncset.done $0x0  }
0x17a: {  	s8 =	simm.s32 $0x3;
	[sflag:s7] =	ssyncadd.s32 $0xFFFFD800  }
0x17b: {  	_ =	swait.ge [sflag:s8], $0x50  }
0x17c: {  	[sflag:s8] =	ssyncset.done $0x0  }
0x17d: {  	[sflag:s8] =	ssyncadd.s32 $0xFFFFFFB0  }
0x17e: {  	_ =	swait.ge [sflag:s8], $0x50  }
0x17f: {  	[sflag:s8] =	ssyncset.done $0x0  }
0x180: {  	[sflag:s8] =	ssyncadd.s32 $0xFFFFFFB0  }
0x181: {  	[tilespmem:s13], [sflag:$0x9] =	stream.indirect.gather [hbm4b:s14+s21], $0x80, s20, s21, $0xb8;
	[tilespmem:$0x1B680] =	vst v63  }
0x182: {  	_ =	swait.ge [sflag:s31], $0x2800  }
0x183: {  	[sflag:s31] =	ssyncset.done $0x0  }
0x184: {  	[sflag:s31] =	ssyncadd.s32 $0xFFFFD800  }
0x185: {  	[spmem:s22] =	stream.indirect.scatter.add.f32 [tilespmem:s23], [sflag:$0xB], $0x80, s2, s21, $0xb8;
	[tilespmem:$0x1B680] =	vst v63  }
0x186: {  	_ =	swait.ge [sflag:s0], $0x2800  }
0x187: {  	[sflag:s0] =	ssyncset.done $0x0  }
0x188: {  	s10 =	simm.s32 $0x4;
	[sflag:s0] =	ssyncadd.s32 $0xFFFFD800  }
0x189: {  	_ =	swait.ge [sflag:s10], $0x50  }
0x18a: {  	[sflag:s10] =	ssyncset.done $0x0  }
0x18b: {  	[sflag:s10] =	ssyncadd.s32 $0xFFFFFFB0  }
0x18c: {  	_ =	swait.ge [sflag:s10], $0x50  }
0x18d: {  	[sflag:s10] =	ssyncset.done $0x0  }
0x18e: {  	[sflag:s10] =	ssyncadd.s32 $0xFFFFFFB0  }
0x18f: {  	[tilespmem:s18], [sflag:$0x7] =	stream.indirect.gather [hbm4b:s14+s21], $0x80, s1, s21, $0xb8;
	[tilespmem:$0x1B680] =	vst v63  }
0x190: {  	_ =	swait.ge [sflag:s24], $0x2800  }
0x191: {  	[sflag:s24] =	ssyncset.done $0x0  }
0x192: {  	[sflag:s24] =	ssyncadd.s32 $0xFFFFD800  }
0x193: {  	[spmem:s22] =	stream.indirect.scatter.add.f32 [tilespmem:s13], [sflag:$0xC], $0x80, s29, s21, $0xb8;
	[tilespmem:$0x1B680] =	vst v63  }
0x194: {  	_ =	swait.ge [sflag:s4], $0x2800  }
0x195: {  	[sflag:s4] =	ssyncset.done $0x0  }
0x196: {  	[sflag:s4] =	ssyncadd.s32 $0xFFFFD800  }
0x197: {  	_ =	swait.ge [sflag:s16], $0x50  }
0x198: {  	[sflag:s16] =	ssyncset.done $0x0  }
0x199: {  	[sflag:s16] =	ssyncadd.s32 $0xFFFFFFB0  }
0x19a: {  	_ =	swait.ge [sflag:s16], $0x50  }
0x19b: {  	[sflag:s16] =	ssyncset.done $0x0  }
0x19c: {  	[sflag:s16] =	ssyncadd.s32 $0xFFFFFFB0  }
0x19d: {  	[tilespmem:s23], [sflag:$0x8] =	stream.indirect.gather [hbm4b:s14+s21], $0x80, s15, s21, $0xb8;
	[tilespmem:$0x1B680] =	vst v63  }
0x19e: {  	_ =	swait.ge [sflag:s28], $0x2800  }
0x19f: {  	[sflag:s28] =	ssyncset.done $0x0  }
0x1a0: {  	[sflag:s28] =	ssyncadd.s32 $0xFFFFD800  }
0x1a1: {  	[spmem:s22] =	stream.indirect.scatter.add.f32 [tilespmem:s18], [sflag:$0xA], $0x80, s11, s21, $0xb8;
	[tilespmem:$0x1B680] =	vst v63  }
0x1a2: {  	_ =	swait.ge [sflag:s31], $0x2800  }
0x1a3: {  	[sflag:s31] =	ssyncset.done $0x0  }
0x1a4: {  	[sflag:s31] =	ssyncadd.s32 $0xFFFFD800  }
0x1a5: {  	[spmem:s22] =	stream.indirect.scatter.add.f32 [tilespmem:s23], [sflag:$0xB], $0x80, s9, s21, $0xb8;
	[tilespmem:$0x1B680] =	vst v63  }
0x1a6: {  	_ =	swait.ge [sflag:s7], $0x2800  }
0x1a7: {  	[sflag:s7] =	ssyncset.done $0x0  }
0x1a8: {  	[sflag:s7] =	ssyncadd.s32 $0xFFFFD800  }
0x1a9: {  	_ =	swait.ge [sflag:s0], $0x2800  }
0x1aa: {  	[sflag:s0] =	ssyncset.done $0x0  }
0x1ab: {  	[sflag:s0] =	ssyncadd.s32 $0xFFFFD800  }
0x1ac: {  	_ =	swait.ge [sflag:s4], $0x2800  }
0x1ad: {  	[sflag:s4] =	ssyncset.done $0x0  }
0x1ae: {  	[sflag:s4] =	ssyncadd.s32 $0xFFFFD800  }
0x1af: {  	s13 =	stileid.u32;
	[bflag:$0x0] =	sbarrier.arrive $0xFFFF  }
0x1b0: {  	s20 =	simm.s32 $0xD;
	s7 =	sshll.u32 s13, $0x6;
	s10 =	rddreg [dreg:$0x15]  }
0x1b1: {  	s7 =	sor.u32 $0x1C0D, s7;
	s15 =	rddreg [dreg:$0x17];
	s14 =	sshrl.u32 s10, $0x3  }
0x1b2: {  	[hbm:s15], [sflag:s7] =	dma.local [spmem:s14], $0x2700  }
0x1b3: {  	_ =	swait.ge [sflag:s20], $0x2700  }
0x1b4: {  	s11 =	sld [smem:$0x7FD];
	_ =	sdelay $0x1  }
0x1b5: {  	[sflag:s20] =	ssyncset.done $0x0  }
0x1b6: {  	s9 =	rddreg [dreg:$0x18];
	[sflag:s20] =	ssyncadd.s32 $0xFFFFD900;
	s8 =	sshrl.u32 @!p0 s11, $0x3  }
0x1b7: {  	[hbm:s9], [sflag:s7] =	dma.local @!p0 [spmem:s8], $0x100  }
0x1b8: {  	s7 =	simm.s32 @!p0 $0xD  }
0x1b9: {  	_ =	swait.ge @!p0 [sflag:s7], $0x100  }
0x1ba: {  	s26 =	sld [smem:$0x7FC];
	_ =	sdelay $0x1  }
0x1bb: {  	s17 =	simm.s32 $0x580  }
0x1bc: {  	s19 =	simm.s32 $0x500;
	s29 =	rddreg [dreg:$0x19];
	s9 =	sadd.s32 $0x1, s26  }
0x1bd: {  	s30 =	simm.s32 $0x6;
	s5 =	simm.s32 $0x180;
	p1 =	sne.s32 s9, s29  }
.Ltmp2:
0x1be: {  	s28 =	simm.s32 $0x8;
	s31 =	simm.s32 $0x400;
	(pc) =	sbr.rel @p1 .LBB2_1-.Ltmp2, $4  }
0x1bf: {  	s13 =	simm.s32 $0x80;
	s0 =	simm.s32 $0xA;
	s4 =	simm.s32 $0xB  }
0x1c0: {  	s14 =	simm.s32 $0x380;
	s15 =	simm.s32 $0x100;
	[sflag:s7] =	ssyncset.done @!p0 $0x0  }
0x1c1: {  	s20 =	simm.s32 $0x1;
	s8 =	simm.s32 $0x480;
	[sflag:s7] =	ssyncadd.s32 @!p0 $0xFFFFFF00  }
0x1c2: {  	s26 =	simm.s32 $0x7;
	[smem:$0x7FC] =	sst s9;
	s9 =	simm.s32 $0x200  }
0x1c3: {  	_ =	sfence.sel $0x180000  }
0x1c4: {  	[bflag:$0x0] =	sbarrier.arrive $0xFFFF  }
0x1c5: {  	_ =	strace $0x90000047  }
0x1c6: {  	[bflag:$0x2] =	sbarrier.arrive $0xFFFF  }
0x1c7: {  	s0 =	rddreg [dreg:$0x3]  }
0x1c8: {  	s0 =	sadd.s32 @!p0 $0x100000, s0  }
0x1c9: {  	[sflag:s0] =	ssyncadd.tile.s32 @!p0 $0x1;
	_ =	shalt  }
.Lfunc_end2:
_tile_overlayer_lowered:
.L_overlay_start_2:
0x1ca: {  	(tag) =	ssettag $0x2  }
0x1cb: {  	s0 =	rddreg [dreg:$0x0];
	s2 =	stileid.u32  }
0x1cc: {  	s1 =	rddreg [dreg:$0x1];
	p0 =	sne.s32 s2, $0x0  }
0x1cd: {  	s3 =	rddreg [dreg:$0x2];
	[bflag:$0x3] =	sbarrier.arrive $0xFFFF;
	s2 =	simm.s32 @!p0 $0x1C0D  }
0x1ce: {  	[timem:s3], [sflag:s2] =	dma.local @!p0 [hbm:s0], s1  }
0x1cf: {  	s0 =	simm.s32 @!p0 $0xD  }
0x1d0: {  	_ =	swait.ge @!p0 [sflag:s0], s1  }
0x1d1: {  	s1 =	ssub.s32 @!p0 $0x0, s1;
	[sflag:s0] =	ssyncset.done @!p0 $0x0  }
0x1d2: {  	[sflag:s0] =	ssyncadd.s32 @!p0 s1  }
0x1d3: {  	[bflag:$0x3] =	sbarrier.arrive $0xFFFF  }
0x1d4: {  	_ =	shalt  }

// kernel: kernel.9.cloned.1.call-start
scs
__scs_entry_jumppad:
0x0: {  	(pc) =	sbr.rel $0x88, $3  }
0x1: {  	(tag) =	ssettag $0x0;
	lr =	simm.s32 $0x1  }
0x2: {  	[smem:$0x3F99] =	sst lr;
	_ =	strace $0xD0000000  }
0x3: {  	_ = 	snop  }
0x4: {  	_ = 	snop  }
0x5: {  	_ = 	snop  }
0x6: {  	_ = 	snop  }
0x7: {  	_ = 	snop  }
__scs_overlays_trampoline_lowered:
0x8: {  	[smem:$0x3FA8] =	sst s0  }
0x9: {  	[smem:$0x3FA9] =	sst s1  }
0xa: {  	[smem:$0x3FAA] =	sst s2  }
0xb: {  	[smem:$0x3FAB] =	sst s3  }
0xc: {  	[smem:$0x3FAC] =	sst s4  }
0xd: {  	[smem:$0x3FAD] =	sst s5  }
0xe: {  	[smem:$0x3FAE] =	sst s6  }
0xf: {  	[smem:$0x3FAF] =	sst s7  }
0x10: {  	[smem:$0x3FB0] =	sst s8  }
0x11: {  	[smem:$0x3FB1] =	sst s9;
	s0 =	simm.s32 @!p0 $0x0  }
0x12: {  	s1 =	sld [smem:$0x3F97];
	s0 =	simm.s32 @p0 $0x1  }
0x13: {  	[smem:$0x3FB2] =	sst s0;
	s0 =	simm.s32 @!p1 $0x0  }
0x14: {  	s2 =	sld [smem:$0x3F96];
	s0 =	simm.s32 @p1 $0x1  }
0x15: {  	[smem:$0x3FB3] =	sst s0;
	s0 =	simm.s32 @!p2 $0x0  }
0x16: {  	s3 =	sld [smem:$0x3FDB];
	s0 =	simm.s32 @p2 $0x1  }
0x17: {  	s4 =	simm.s32 $0x1BF5;
	[smem:$0x3FB5] =	sst s0  }
0x18: {  	s0 =	sld [smem:$0x3F98];
	_ =	swait.ge [sflag:s4], $0x0  }
0x19: {  	s7 =	sld [smem:$0x3F99]  }
0x1a: {  	s8 =	sadd.s32 $0xFFFFE003, lr  }
0x1b: {  	s9 =	sadd.s32 $0xFFFFFEF7, lr;
	s5 =	simm.s32 $0xFFFFFFFF;
	p2 =	slt.u32 s8, $0xFFFFF086  }
0x1c: {  	p1 =	slt.u32 s9, $0xF7A;
	s5 =	simm.s32 @!p2 $0x0  }
0x1d: {  	s5 =	simm.s32 @p1 $0x1;
	p0 =	seq.s32 s7, s2  }
0x1e: {  	s7 =	smul.u32 @!p0 $0xF7A, s2;
	p2 =	seq.s32 @!p0 s5, $0x0  }
0x1f: {  	s9 =	smul.u32 $0xF7A, s1;
	s8 =	simm.s32 @!p0 $0x1BF5;
	p2 =	por !p2, p0  }
0x20: {  	[sflag:s8] =	ssyncset.s32 @!p0 $0xFFFFF086;
	s6 =	sadd.s32 @!p0 s3, s7;
	s7 =	simm.s32 @!p0 $0x108  }
0x21: {  	s3 =	sadd.s32 s3, s9;
	s6 =	sadd.s32 @!p0 $0x88, s6;
	s7 =	simm.s32 @p2 $0x1082  }
0x22: {  	[simem:s7], [sflag:s8] =	dma.local @!p0 [hbm:s6], $0xF7A  }
0x23: {  	s9 =	sor.u32 $0xD0000000, s2;
	s6 =	simm.s32 $0x108;
	_ =	swait.ge @!p0 [sflag:s8], $0x0  }
0x24: {  	s3 =	sadd.s32 $0x88, s3;
	s6 =	simm.s32 @!p1 $0x1082;
	[sflag:s4] =	ssyncset.s32 $0xFFFFF086  }
0x25: {  	[simem:s6], [sflag:s4] =	dma.local [hbm:s3], $0xF7A  }
0x26: {  	[smem:$0x3F99] =	sst s1;
	(tag) =	ssettag s2;
	_ =	strace s9  }
0x27: {  	s1 =	sld [smem:$0x3FA9]  }
0x28: {  	s2 =	sld [smem:$0x3FAA]  }
0x29: {  	s4 =	sld [smem:$0x3FAC]  }
0x2a: {  	p0 =	seq.s32 s5, $0x0;
	s5 =	sld [smem:$0x3FAD]  }
0x2b: {  	s6 =	sld [smem:$0x3FAE]  }
0x2c: {  	s7 =	sld [smem:$0x3FAF]  }
0x2d: {  	s3 =	simm.s32 $0x108;
	s8 =	sld [smem:$0x3FB0]  }
0x2e: {  	s3 =	simm.s32 @!p0 $0x1082;
	s9 =	sld [smem:$0x3FB1]  }
0x2f: {  	lr =	sadd.s32 s0, s3;
	s0 =	sld [smem:$0x3FA8]  }
0x30: {  	s3 =	sld [smem:$0x3FAB]  }
0x31: {  	[smem:$0x3FB4] =	sst s10  }
0x32: {  	s10 =	sld [smem:$0x3FB2];
	_ =	sdelay $0x3  }
0x33: {  	p0 =	seq.s32 s10, $0x1;
	s10 =	sld [smem:$0x3FB4];
	_ =	sdelay $0x3  }
0x34: {  	[smem:$0x3FB4] =	sst s10  }
0x35: {  	s10 =	sld [smem:$0x3FB3];
	_ =	sdelay $0x3  }
0x36: {  	p1 =	seq.s32 s10, $0x1;
	s10 =	sld [smem:$0x3FB4];
	_ =	sdelay $0x3  }
0x37: {  	[smem:$0x3FB4] =	sst s10  }
0x38: {  	s10 =	sld [smem:$0x3FB5]  }
0x39: {  	_ = 	snop;
	(pc) =	sbr.ind lr, $3  }
0x3a: {  	_ = 	snop  }
0x3b: {  	_ = 	snop  }
0x3c: {  	p2 =	seq.s32 s10, $0x1;
	s10 =	sld [smem:$0x3FB4]  }
0x3d: {  	_ =	shalt  }
0x3e: {  	_ =	shalt  }
0x3f: {  	_ =	shalt  }
0x40: {  	_ =	shalt  }
0x41: {  	_ =	shalt  }
0x42: {  	_ =	shalt  }
0x43: {  	_ =	shalt  }
0x44: {  	_ =	shalt  }
0x45: {  	_ =	shalt  }
0x46: {  	_ =	shalt  }
0x47: {  	_ =	shalt  }
0x48: {  	_ =	shalt  }
0x49: {  	_ =	shalt  }
0x4a: {  	_ =	shalt  }
0x4b: {  	_ =	shalt  }
0x4c: {  	_ =	shalt  }
0x4d: {  	_ =	shalt  }
0x4e: {  	_ =	shalt  }
0x4f: {  	_ =	shalt  }
0x50: {  	_ =	shalt  }
0x51: {  	_ =	shalt  }
0x52: {  	_ =	shalt  }
0x53: {  	_ =	shalt  }
0x54: {  	_ =	shalt  }
0x55: {  	_ =	shalt  }
0x56: {  	_ =	shalt  }
0x57: {  	_ =	shalt  }
0x58: {  	_ =	shalt  }
0x59: {  	_ =	shalt  }
0x5a: {  	_ =	shalt  }
0x5b: {  	_ =	shalt  }
0x5c: {  	_ =	shalt  }
0x5d: {  	_ =	shalt  }
0x5e: {  	_ =	shalt  }
0x5f: {  	_ =	shalt  }
0x60: {  	_ =	shalt  }
0x61: {  	_ =	shalt  }
0x62: {  	_ =	shalt  }
0x63: {  	_ =	shalt  }
0x64: {  	_ =	shalt  }
0x65: {  	_ =	shalt  }
0x66: {  	_ =	shalt  }
0x67: {  	_ =	shalt  }
0x68: {  	_ =	shalt  }
0x69: {  	_ =	shalt  }
0x6a: {  	_ =	shalt  }
0x6b: {  	_ =	shalt  }
0x6c: {  	_ =	shalt  }
0x6d: {  	_ =	shalt  }
0x6e: {  	_ =	shalt  }
0x6f: {  	_ =	shalt  }
0x70: {  	_ =	shalt  }
0x71: {  	_ =	shalt  }
0x72: {  	_ =	shalt  }
0x73: {  	_ =	shalt  }
0x74: {  	_ =	shalt  }
0x75: {  	_ =	shalt  }
0x76: {  	_ =	shalt  }
0x77: {  	_ =	shalt  }
0x78: {  	_ =	shalt  }
0x79: {  	_ =	shalt  }
0x7a: {  	_ =	shalt  }
0x7b: {  	_ =	shalt  }
0x7c: {  	_ =	shalt  }
0x7d: {  	_ =	shalt  }
0x7e: {  	_ =	shalt  }
0x7f: {  	_ =	shalt  }
0x80: {  	_ =	shalt  }
0x81: {  	_ =	shalt  }
0x82: {  	_ =	shalt  }
0x83: {  	_ =	shalt  }
0x84: {  	_ =	shalt  }
0x85: {  	_ =	shalt  }
0x86: {  	_ =	shalt  }
0x87: {  	_ =	shalt  }
.Lfunc_end0:
.L_simem_size_0:
called_computation.1_lowered:
.L_overlay_start_0:
0x88: {  	s2 =	sld [smem:$0x3FD9]  }
0x89: {  	s3 =	sld [smem:$0x3FFE];
	_ =	sdelay $0x1  }
0x8a: {  	s1 =	srdreg.scid  }
0x8b: {  	s0 =	sand.u32 $0x1, s1  }
0x8c: {  	s14 =	sshll.u32 s0, $0xA;
	s2 =	sadd.s32 s3, s2  }
0x8d: {  	s2 =	sadd.s32 s2, s14  }
0x8e: {  	[smem:$0x3FC0] =	sst s2  }
0x8f: {  	_ = 	snop  }
0x90: {  	s2 =	sld [smem:$0x3FD0];
	_ =	sdelay $0x2  }
0x91: {  	s15 =	simm.s32 $0xA;
	s4 =	simm.s32 $0x10  }
0x92: {  	[smem:s4], [sflag:s15] =	dma.local [hbm:s2], $0x1  }
0x93: {  	_ =	swait.eq [sflag:s15], $0x1  }
0x94: {  	[sflag:s15] =	ssyncset.done $0x0  }
0x95: {  	[sflag:s15] =	ssyncadd.s32 $0xFFFFFFFF  }
0x96: {  	s16 =	sld [smem:$0x10];
	(tm) =	ssettm $0x1  }
0x97: {  	s17 =	sld [smem:$0x3FFB];
	_ =	sdelay $0x3  }
0x98: {  	_ =	strace s17  }
0x99: {  	s3 =	sld [smem:$0x3FFC];
	_ =	sdelay $0x3  }
0x9a: {  	_ =	strace s3  }
0x9b: {  	s3 =	sld [smem:$0x3FFD];
	_ =	sdelay $0x3  }
0x9c: {  	_ =	strace s3  }
0x9d: {  	_ =	strace $0x8FFFFFFF  }
0x9e: {  	s18 =	sld [smem:$0x3FDB];
	_ =	sdelay $0x1  }
0x9f: {  	s19 =	simm.s32 $_scs_section_size  }
0xa0: {  	s5 =	simm.s32 $_size__tile_overlayer_lowered;
	s6 =	simm.s32 $_tile_overlayer_lowered  }
0xa1: {  	s22 =	simm.s32 $0x1BFF;
	s21 =	sshll.u32 s6, $0x1;
	s3 =	sadd.s32 s19, s18  }
0xa2: {  	s7 =	simm.s32 $0x0;
	s20 =	sshll.u32 s5, $0x1;
	s5 =	sadd.s32 s21, s3  }
0xa3: {  	[timem:s7], [sflag:s22] =	dma.local [hbm:s5], s20  }
0xa4: {  	_ =	swait.ge [sflag:s22], s20  }
0xa5: {  	s4 =	ssub.s32 $0x0, s20;
	[sflag:s22] =	ssyncset.done $0x0  }
0xa6: {  	[sflag:s22] =	ssyncadd.s32 s4;
	_ =	sdelay $0x1  }
0xa7: {  	s23 =	simm.s32 $0x1B8B  }
0xa8: {  	_ =	swait.ge [sflag:s23], $0x1  }
0xa9: {  	[sflag:s23] =	ssyncset.done $0x0  }
0xaa: {  	s25 =	simm.s32 $0x1B8E;
	s24 =	sld [smem:$0x3FFE];
	[sflag:s23] =	ssyncadd.s32 $0xFFFFFFFF  }
0xab: {  	s26 =	simm.s32 $execute0_lowered;
	[smem:$0x3FD2] =	sst s25  }
0xac: {  	s5 =	sshll.u32 s26, $0x1;
	_ =	strace $0x80000049;
	[dreg:$0x1] =	wrdreg $0xFFFFFFFF  }
0xad: {  	s28 =	simm.s32 $_size_execute0_lowered;
	s3 =	sadd.s32 s3, s5;
	[dreg:$0x0] =	wrdreg $0x0  }
0xae: {  	s5 =	sshll.u32 s28, $0x1;
	[dreg:$0x2] =	wrdreg s3  }
0xaf: {  	[dreg:$0x3] =	wrdreg s5  }
0xb0: {  	[dreg:$0x4] =	wrdreg $0xC0  }
0xb1: {  	_ =	task [dreg:s7], $0x5FFFF  }
0xb2: {  	[dreg:$0x1] =	wrdreg $0xFFFFFFFF  }
0xb3: {  	[dreg:$0x0] =	wrdreg $0x60  }
0xb4: {  	[dreg:$0x2] =	wrdreg s16  }
0xb5: {  	[dreg:$0x3] =	wrdreg s24  }
0xb6: {  	[dreg:$0x4] =	wrdreg $0x7E000  }
0xb7: {  	[dreg:$0x5] =	wrdreg $0x9  }
0xb8: {  	_ =	task.clear_ibuf [dreg:s7], $0x6FFFF;
	_ =	strace $0x90000049  }
0xb9: {  	s29 =	simm.s32 $0x9;
	_ =	strace $0x8000004B  }
0xba: {  	_ =	swait.ge [sflag:s29], $0x1  }
0xbb: {  	[sflag:s29] =	ssyncadd.s32 $0xFFFFFFFF  }
0xbc: {  	_ =	strace $0x9000004B  }
0xbd: {  	_ =	sfence  }
0xbe: {  	s30 =	sld [smem:$0x0];
	_ =	sdelay $0x2  }
0xbf: {  	s31 =	sshll.u32 s1, $0xD;
	s1 =	sshrl.u32 s1, $0x2  }
0xc0: {  	s3 =	sand.u32 $0x4000, s31;
	s1 =	sadd.s32 s1, s30  }
0xc1: {  	s0 =	sor.u32 s3, s0;
	s1 =	sshll.u32 s1, $0x11  }
0xc2: {  	s0 =	sor.u32 s1, s0  }
0xc3: {  	s0 =	sadd.s32 $0x8F2B, s0  }
0xc4: {  	[sflag:s0] =	ssyncadd.remote.s32 $0x1  }
0xc5: {  	_ =	sfence.sel $0xFFFF  }
0xc6: {  	[dreg:$0x0] =	wrdreg $0xFFFFFFFF;
	(pc) =	sbr.abs _section_cstart, $3  }
0xc7: {  	[dreg:$0x1] =	wrdreg $0xFFFFFFFF  }
0xc8: {  	_ =	task.clear_ibuf [dreg:s7], $0x2FFFF;
	_ =	strace $0x9FFFFFFF  }
0xc9: {  	(tm) =	ssettm $0x7FFFFFFF  }
tec
execute0_lowered:
.L_overlay_start_1:
0x0: {  	(tag) =	ssettag $0x1  }
0x1: {  	s0 =	rddreg [dreg:$0x1];
	s3 =	srdreg.scid  }
0x2: {  	s22 =	rddreg [dreg:$0x2];
	s14 =	stileid.u32;
	s4 =	sand.u32 $0x1, s3  }
0x3: {  	s31 =	simm.s32 $0x400;
	s28 =	simm.s32 $0x8;
	s5 =	sshll.u32 s4, $0x4  }
0x4: {  	s30 =	simm.s32 $0x6;
	s24 =	smul.u32 $0x4E000, s14;
	s5 =	sor.u32 s14, s5  }
0x5: {  	s3 =	simm.s32 $0x0;
	s6 =	sadd.s32 $0xB000, s0;
	s8 =	smul.u32 $0x2710, s5  }
0x6: {  	s25 =	sadd.s32 $0x1200, s0;
	s0 =	sadd.s32 $0x14E00, s0;
	s2 =	smul.u32 $0x2710, s14  }
0x7: {  	p0 =	sne.s32 s14, $0x0;
	[smem:$0x7FF] =	sst s3;
	s23 =	sadd.s32 $0x1E0, s8  }
0x8: {  	_ =	strace $0x8000004A;
	s26 =	sadd.s32 $0x230, s8;
	[dreg:$0x4] =	wrdreg s23  }
0x9: {  	s7 =	ssub.s32 $0x2, s4;
	s29 =	sadd.s32 $0x280, s8;
	[dreg:$0x5] =	wrdreg s26  }
0xa: {  	s12 =	smul.u32 $0x138800, s4;
	s1 =	sadd.s32 $0x2D0, s8;
	[dreg:$0x6] =	wrdreg s29  }
0xb: {  	s5 =	sshrl.u32 s8, $0x3;
	s8 =	sadd.s32 $0x320, s8;
	[dreg:$0x7] =	wrdreg s1  }
0xc: {  	s4 =	smul.u32 $0x27100, s4;
	s10 =	sadd.s32 s6, s5;
	[dreg:$0x8] =	wrdreg s8  }
0xd: {  	s9 =	sshrl.u32 s7, $0x1;
	s13 =	sadd.s32 s25, s5;
	[dreg:$0x9] =	wrdreg s10  }
0xe: {  	s15 =	sadd.s32 $0xA, s5;
	s29 =	simm.s32 $0x0;
	[dreg:$0xa] =	wrdreg s13  }
0xf: {  	s7 =	ssub.s32 s7, s9;
	s11 =	sadd.s32 s6, s15;
	[smem:$0x7FC] =	sst s29  }
0x10: {  	s16 =	sadd.s32 $0x14, s5;
	s10 =	sadd.s32 s25, s15;
	[dreg:$0xb] =	wrdreg s11  }
0x11: {  	s18 =	sadd.s32 $0x1E, s5;
	s17 =	sadd.s32 s6, s16;
	[dreg:$0xc] =	wrdreg s10  }
0x12: {  	s20 =	sadd.s32 $0x28, s5;
	s19 =	sadd.s32 s6, s18;
	[dreg:$0xd] =	wrdreg s17  }
0x13: {  	s9 =	sadd.s32 $0x32, s5;
	s21 =	sadd.s32 s6, s20;
	[dreg:$0xf] =	wrdreg s19  }
0x14: {  	s4 =	sadd.s32 s2, s4;
	s5 =	sadd.s32 s6, s9;
	[dreg:$0x11] =	wrdreg s21  }
0x15: {  	s4 =	sadd.s32 $0x190, s4;
	s9 =	sadd.s32 s25, s9;
	[dreg:$0x13] =	wrdreg s5  }
0x16: {  	s13 =	smul.u32 $0x13800, s14;
	s10 =	sadd.s32 s25, s16;
	[dreg:$0x14] =	wrdreg s9  }
0x17: {  	s14 =	simm.s32 $0x380;
	s17 =	smax.u32 s7, $0x1;
	[dreg:$0xe] =	wrdreg s10  }
0x18: {  	s16 =	sshrl.u32 s12, $0x3;
	s10 =	sadd.s32 s25, s18;
	[dreg:$0x19] =	wrdreg s17  }
0x19: {  	s18 =	sshrl.u32 s4, $0x3;
	[dreg:$0x10] =	wrdreg s10;
	s10 =	sadd.s32 s25, s20  }
0x1a: {  	s11 =	sadd.s32 s13, s12;
	s4 =	sadd.s32 s18, s25;
	[dreg:$0x12] =	wrdreg s10  }
0x1b: {  	s15 =	sshrl.u32 s11, $0x3;
	s11 =	sadd.s32 $0x138000, s22;
	[dreg:$0x1a] =	wrdreg s4  }
0x1c: {  	s8 =	sadd.s32 s0, s15;
	s0 =	sadd.s32 s0, s16;
	[smem:$0x7FD] =	sst s11  }
0x1d: {  	s10 =	sshrl.u32 s24, $0x2;
	[dreg:$0x17] =	wrdreg s8;
	s0 =	sadd.s32 $0x27000, s0  }
0x1e: {  	s5 =	simm.s32 $0x180;
	s10 =	sadd.s32 s10, s22;
	[dreg:$0x18] =	wrdreg s0  }
0x1f: {  	s9 =	simm.s32 $0x200;
	s13 =	sadd.s32 $0x2800, s10;
	[dreg:$0x15] =	wrdreg s10  }
0x20: {  	s12 =	simm.s32 $0x300;
	s0 =	sadd.s32 s18, s6;
	[dreg:$0x16] =	wrdreg s13  }
0x21: {  	s17 =	simm.s32 $0x580;
	s19 =	sadd.s32 $0x5000, s10;
	[dreg:$0x1b] =	wrdreg s0  }
0x22: {  	s15 =	simm.s32 $0x100;
	s20 =	sadd.s32 $0x7800, s10;
	[dreg:$0x1c] =	wrdreg s19  }
0x23: {  	s4 =	simm.s32 $0xB;
	s21 =	sadd.s32 $0xA000, s10;
	[dreg:$0x1d] =	wrdreg s20  }
0x24: {  	s16 =	simm.s32 $0x5;
	s23 =	sadd.s32 $0xC800, s10;
	[dreg:$0x1e] =	wrdreg s21  }
0x25: {  	s8 =	simm.s32 $0x480;
	s24 =	sadd.s32 $0xF000, s10;
	[dreg:$0x1f] =	wrdreg s23  }
0x26: {  	s26 =	sadd.s32 $0x11800, s10;
	s18 =	simm.s32 $0x600;
	[smem:$0x7FA] =	sst s24  }
0x27: {  	[smem:$0x7FB] =	sst s26;
	s13 =	simm.s32 $0x80;
	s19 =	simm.s32 $0x500  }
0x28: {  	s20 =	simm.s32 $0x1;
	s21 =	simm.s32 $0x50;
	s23 =	simm.s32 $0x2E00  }
0x29: {  	v0 =	vimm.f32 $0.0e+00;
	s26 =	simm.s32 $0x7;
	s0 =	simm.s32 $0xA;
	s24 =	simm.s32 $0x9  }
.LBB2_1:
0x2a: {  	s7 =	rddreg [dreg:$0x9]  }
0x2b: {  	[tilespmem:s3], [sflag:$0x1] =	stream.linear.gather [hbm4b:s7+s3], $0x50, $0x38;
	[tilespmem:$0x1B680] =	vst v63  }
0x2c: {  	s1 =	rddreg [dreg:$0xa]  }
0x2d: {  	[tilespmem:s12], [sflag:$0x1] =	stream.linear.gather [hbm4b:s1+s3], $0x50, $0x38;
	[tilespmem:$0x1B680] =	vst v63  }
0x2e: {  	s2 =	rddreg [dreg:$0xb]  }
0x2f: {  	[tilespmem:s13], [sflag:$0x2] =	stream.linear.gather [hbm4b:s2+s3], $0x50, $0x38;
	[tilespmem:$0x1B680] =	vst v63  }
0x30: {  	s29 =	rddreg [dreg:$0xc]  }
0x31: {  	[tilespmem:s14], [sflag:$0x2] =	stream.linear.gather [hbm4b:s29+s3], $0x50, $0x38;
	[tilespmem:$0x1B680] =	vst v63  }
0x32: {  	s1 =	rddreg [dreg:$0xd]  }
0x33: {  	[tilespmem:s15], [sflag:$0x3] =	stream.linear.gather [hbm4b:s1+s3], $0x50, $0x38;
	[tilespmem:$0x1B680] =	vst v63  }
0x34: {  	s2 =	rddreg [dreg:$0xe]  }
0x35: {  	[tilespmem:s31], [sflag:$0x3] =	stream.linear.gather [hbm4b:s2+s3], $0x50, $0x38;
	[tilespmem:$0x1B680] =	vst v63  }
0x36: {  	s29 =	rddreg [dreg:$0xf]  }
0x37: {  	[tilespmem:s5], [sflag:$0x4] =	stream.linear.gather [hbm4b:s29+s3], $0x50, $0x38;
	[tilespmem:$0x1B680] =	vst v63  }
0x38: {  	s1 =	rddreg [dreg:$0x10]  }
0x39: {  	[tilespmem:s8], [sflag:$0x4] =	stream.linear.gather [hbm4b:s1+s3], $0x50, $0x38;
	[tilespmem:$0x1B680] =	vst v63  }
0x3a: {  	s2 =	rddreg [dreg:$0x11]  }
0x3b: {  	[tilespmem:s9], [sflag:$0x5] =	stream.linear.gather [hbm4b:s2+s3], $0x50, $0x38;
	[tilespmem:$0x1B680] =	vst v63  }
0x3c: {  	s8 =	rddreg [dreg:$0x12]  }
0x3d: {  	[tilespmem:s19], [sflag:$0x5] =	stream.linear.gather [hbm4b:s8+s3], $0x50, $0x38;
	[tilespmem:$0x1B680] =	vst v63  }
0x3e: {  	s9 =	rddreg [dreg:$0x13];
	s19 =	simm.s32 $0x280  }
0x3f: {  	[tilespmem:s19], [sflag:$0x6] =	stream.linear.gather [hbm4b:s9+s3], $0x50, $0x38;
	[tilespmem:$0x1B680] =	vst v63  }
0x40: {  	s7 =	simm.s32 $0x0;
	s29 =	rddreg [dreg:$0x14];
	s8 =	simm.s32 $0x200  }
0x41: {  	[tilespmem:s17], [sflag:$0x6] =	stream.linear.gather [hbm4b:s29+s3], $0x50, $0x38;
	[tilespmem:$0x1B680] =	vst v63  }
.LBB2_2:
0x42: {  	p1 =	sne.s32 s8, $0x9E00;
	[tilespmem:s7+$0x670] =	vst v0  }
0x43: {  	[tilespmem:s7+$0x600] =	vst v0  }
0x44: {  	[tilespmem:s7+$0x610] =	vst v0  }
.Ltmp0:
0x45: {  	[tilespmem:s7+$0x620] =	vst v0;
	(pc) =	sbr.rel @p1 .LBB2_2-.Ltmp0, $4  }
0x46: {  	[tilespmem:s7+$0x630] =	vst v0  }
0x47: {  	[tilespmem:s7+$0x640] =	vst v0  }
0x48: {  	[tilespmem:s7+$0x650] =	vst v0  }
0x49: {  	[tilespmem:s7+$0x660] =	vst v0;
	s7 =	sshra.s32 s8, $0x2;
	s8 =	sadd.s32 $0x200, s8  }
0x4a: {  	[tilespmem:s7+$0x670] =	vst v0  }
0x4b: {  	[tilespmem:s7+$0x600] =	vst v0  }
0x4c: {  	[tilespmem:s7+$0x610] =	vst v0  }
0x4d: {  	[tilespmem:s7+$0x620] =	vst v0  }
0x4e: {  	[tilespmem:s7+$0x630] =	vst v0  }
0x4f: {  	[tilespmem:s7+$0x640] =	vst v0  }
0x50: {  	[tilespmem:s7+$0x650] =	vst v0  }
0x51: {  	[tilespmem:s7+$0x660] =	vst v0;
	s9 =	rddreg [dreg:$0x16]  }
0x52: {  	[spmem:s10] =	stream.linear.scatter [tilespmem:s18], [sflag:$0x1], $0x2800, $0x38;
	[tilespmem:$0x1B680] =	vst v63  }
0x53: {  	s17 =	rddreg [dreg:$0x1d]  }
0x54: {  	[spmem:s9] =	stream.linear.scatter [tilespmem:s18], [sflag:$0x1], $0x2800, $0x38;
	[tilespmem:$0x1B680] =	vst v63  }
0x55: {  	s10 =	rddreg [dreg:$0x1c]  }
0x56: {  	[spmem:s10] =	stream.linear.scatter [tilespmem:s18], [sflag:$0x1], $0x2800, $0x38;
	[tilespmem:$0x1B680] =	vst v63  }
0x57: {  	s29 =	rddreg [dreg:$0x1e]  }
0x58: {  	[spmem:s17] =	stream.linear.scatter [tilespmem:s18], [sflag:$0x1], $0x2800, $0x38;
	[tilespmem:$0x1B680] =	vst v63  }
0x59: {  	s1 =	rddreg [dreg:$0x1f]  }
0x5a: {  	[spmem:s29] =	stream.linear.scatter [tilespmem:s18], [sflag:$0x1], $0x2800, $0x38;
	[tilespmem:$0x1B680] =	vst v63  }
0x5b: {  	s2 =	sld [smem:$0x7FA]  }
0x5c: {  	[spmem:s1] =	stream.linear.scatter [tilespmem:s18], [sflag:$0x1], $0x2800, $0x38;
	[tilespmem:$0x1B680] =	vst v63  }
0x5d: {  	s8 =	sld [smem:$0x7FB]  }
0x5e: {  	[spmem:s2] =	stream.linear.scatter [tilespmem:s18], [sflag:$0x1], $0x2800, $0x38;
	[tilespmem:$0x1B680] =	vst v63  }
0x5f: {  	_ = 	snop  }
0x60: {  	[spmem:s8] =	stream.linear.scatter [tilespmem:s18], [sflag:$0x1], $0x2000, $0x38;
	[tilespmem:$0x1B680] =	vst v63  }
0x61: {  	s7 =	simm.s32 @!p0 $0x600  }
0x62: {  	[spmem:s11] =	stream.linear.scatter @!p0 [tilespmem:s7], [sflag:$0x1], $0x800, $0x38;
	[tilespmem:$0x1B680] =	vst v63  }
0x63: {  	_ =	swait.ge [sflag:s20], $0x2800  }
0x64: {  	[sflag:s20] =	ssyncset.done $0x0  }
0x65: {  	[sflag:s20] =	ssyncadd.s32 $0xFFFFD800  }
0x66: {  	_ =	swait.ge [sflag:s20], $0x2800  }
0x67: {  	[sflag:s20] =	ssyncset.done $0x0  }
0x68: {  	[sflag:s20] =	ssyncadd.s32 $0xFFFFD800  }
0x69: {  	_ =	swait.ge [sflag:s20], $0x2800  }
0x6a: {  	[sflag:s20] =	ssyncset.done $0x0  }
0x6b: {  	[sflag:s20] =	ssyncadd.s32 $0xFFFFD800  }
0x6c: {  	_ =	swait.ge [sflag:s20], $0x2800  }
0x6d: {  	[sflag:s20] =	ssyncset.done $0x0  }
0x6e: {  	[sflag:s20] =	ssyncadd.s32 $0xFFFFD800  }
0x6f: {  	_ =	swait.ge [sflag:s20], $0x2800  }
0x70: {  	[sflag:s20] =	ssyncset.done $0x0  }
0x71: {  	[sflag:s20] =	ssyncadd.s32 $0xFFFFD800  }
0x72: {  	_ =	swait.ge [sflag:s20], $0x2800  }
0x73: {  	[sflag:s20] =	ssyncset.done $0x0  }
0x74: {  	[sflag:s20] =	ssyncadd.s32 $0xFFFFD800  }
0x75: {  	_ =	swait.ge [sflag:s20], $0x2800  }
0x76: {  	[sflag:s20] =	ssyncset.done $0x0  }
0x77: {  	[sflag:s20] =	ssyncadd.s32 $0xFFFFD800  }
0x78: {  	_ =	swait.ge [sflag:s20], $0x2000  }
0x79: {  	[sflag:s20] =	ssyncset.done $0x0  }
0x7a: {  	s7 =	simm.s32 @!p0 $0x1;
	[sflag:s20] =	ssyncadd.s32 $0xFFFFE000  }
0x7b: {  	_ =	swait.ge @!p0 [sflag:s7], $0x800  }
0x7c: {  	[sflag:s7] =	ssyncset.done @!p0 $0x0  }
0x7d: {  	[sflag:s7] =	ssyncadd.s32 @!p0 $0xFFFFF800  }
0x7e: {  	_ =	swait.ge [sflag:s20], $0x50  }
0x7f: {  	[sflag:s20] =	ssyncset.done $0x0  }
0x80: {  	[sflag:s20] =	ssyncadd.s32 $0xFFFFFFB0  }
0x81: {  	_ =	swait.ge [sflag:s20], $0x50  }
0x82: {  	[sflag:s20] =	ssyncset.done $0x0  }
0x83: {  	[sflag:s20] =	ssyncadd.s32 $0xFFFFFFB0  }
0x84: {  	s2 =	simm.s32 $0x2;
	s7 =	simm.s32 $0x0;
	s1 =	rddreg [dreg:$0x0]  }
0x85: {  	[tilespmem:s18], [sflag:$0x7] =	stream.indirect.gather [hbm4b:s1+s21], $0x80, s7, s21, $0xb8;
	[tilespmem:$0x1B680] =	vst v63  }
0x86: {  	_ =	swait.ge [sflag:s2], $0x50  }
0x87: {  	[sflag:s2] =	ssyncset.done $0x0  }
0x88: {  	[sflag:s2] =	ssyncadd.s32 $0xFFFFFFB0  }
0x89: {  	_ =	swait.ge [sflag:s2], $0x50  }
0x8a: {  	[sflag:s2] =	ssyncset.done $0x0  }
0x8b: {  	[sflag:s2] =	ssyncadd.s32 $0xFFFFFFB0  }
0x8c: {  	[tilespmem:s23], [sflag:$0x8] =	stream.indirect.gather [hbm4b:s1+s21], $0x80, s13, s21, $0xb8;
	[tilespmem:$0x1B680] =	vst v63  }
0x8d: {  	[bflag:$0x0] =	sbarrier.arrive $0xFFFF  }
0x8e: {  	_ =	swait.ge [sflag:s26], $0x2800  }
0x8f: {  	p1 =	por $0x1, $0x1;
	[sflag:s26] =	ssyncset.done $0x0  }
0x90: {  	s8 =	simm.s32 @!p1 $0xC;
	[sflag:s26] =	ssyncadd.s32 $0xFFFFD800  }
0x91: {  	[spmem:s22] =	stream.indirect.scatter.add.f32 [tilespmem:s18], [sflag:$0xA], $0x80, s12, s21, $0xb8;
	[tilespmem:$0x1B680] =	vst v63  }
0x92: {  	_ =	swait.ge @!p1 [sflag:s8], $0x2800  }
0x93: {  	s9 =	simm.s32 @!p1 $0x0;
	[sflag:s8] =	ssyncset.done @!p1 $0x0  }
0x94: {  	s11 =	rddreg [dreg:$0x1b];
	[sflag:s8] =	ssyncadd.s32 @!p1 $0xFFFFD800;
	s8 =	simm.s32 @!p1 $0x280  }
0x95: {  	[tilespmem:s8], [sflag:$0x6] =	stream.linear.gather @!p1 [hbm4b:s11+s9], $0x50, $0x38;
	[tilespmem:$0x1B680] =	vst v63  }
0x96: {  	s10 =	rddreg [dreg:$0x1a];
	s8 =	simm.s32 @!p1 $0x580  }
0x97: {  	[tilespmem:s8], [sflag:$0x6] =	stream.linear.gather @!p1 [hbm4b:s10+s9], $0x50, $0x38;
	[tilespmem:$0x1B680] =	vst v63  }
0x98: {  	s9 =	simm.s32 $0x3  }
0x99: {  	_ =	swait.ge [sflag:s9], $0x50  }
0x9a: {  	[sflag:s9] =	ssyncset.done $0x0  }
0x9b: {  	[sflag:s9] =	ssyncadd.s32 $0xFFFFFFB0  }
0x9c: {  	_ =	swait.ge [sflag:s9], $0x50  }
0x9d: {  	[sflag:s9] =	ssyncset.done $0x0  }
0x9e: {  	s29 =	simm.s32 $0x5600;
	[sflag:s9] =	ssyncadd.s32 $0xFFFFFFB0  }
0x9f: {  	[tilespmem:s29], [sflag:$0x9] =	stream.indirect.gather [hbm4b:s1+s21], $0x80, s15, s21, $0xb8;
	[tilespmem:$0x1B680] =	vst v63  }
0xa0: {  	_ =	swait.ge [sflag:s28], $0x2800  }
0xa1: {  	[sflag:s28] =	ssyncset.done $0x0  }
0xa2: {  	[sflag:s28] =	ssyncadd.s32 $0xFFFFD800  }
0xa3: {  	[spmem:s22] =	stream.indirect.scatter.add.f32 [tilespmem:s23], [sflag:$0xB], $0x80, s14, s21, $0xb8;
	[tilespmem:$0x1B680] =	vst v63  }
0xa4: {  	_ =	swait.ge [sflag:s0], $0x2800  }
0xa5: {  	s7 =	simm.s32 @p1 $0x0;
	s17 =	rddreg [dreg:$0x4]  }
0xa6: {  	s8 =	sadd.s32 s7, s17  }
0xa7: {  	[sflag:s0] =	ssyncset.done $0x0;
	s8 =	sshrl.u32 s8, $0x3  }
0xa8: {  	[sflag:s0] =	ssyncadd.s32 $0xFFFFD800;
	s2 =	sadd.s32 s6, s8  }
0xa9: {  	[tilespmem:s3], [sflag:$0x1] =	stream.linear.gather [hbm4b:s2+s3], $0x50, $0x38;
	[tilespmem:$0x1B680] =	vst v63  }
0xaa: {  	s8 =	sadd.s32 s25, s8  }
0xab: {  	[tilespmem:s12], [sflag:$0x1] =	stream.linear.gather [hbm4b:s8+s3], $0x50, $0x38;
	[tilespmem:$0x1B680] =	vst v63  }
0xac: {  	s8 =	simm.s32 $0x4  }
0xad: {  	_ =	swait.ge [sflag:s8], $0x50  }
0xae: {  	[sflag:s8] =	ssyncset.done $0x0  }
0xaf: {  	[sflag:s8] =	ssyncadd.s32 $0xFFFFFFB0  }
0xb0: {  	_ =	swait.ge [sflag:s8], $0x50  }
0xb1: {  	[sflag:s8] =	ssyncset.done $0x0  }
0xb2: {  	[sflag:s8] =	ssyncadd.s32 $0xFFFFFFB0  }
0xb3: {  	[tilespmem:s18], [sflag:$0x7] =	stream.indirect.gather [hbm4b:s1+s21], $0x80, s5, s21, $0xb8;
	[tilespmem:$0x1B680] =	vst v63  }
0xb4: {  	_ =	swait.ge [sflag:s24], $0x2800  }
0xb5: {  	[sflag:s24] =	ssyncset.done $0x0  }
0xb6: {  	[sflag:s24] =	ssyncadd.s32 $0xFFFFD800  }
0xb7: {  	[spmem:s22] =	stream.indirect.scatter.add.f32 [tilespmem:s29], [sflag:$0xC], $0x80, s31, s21, $0xb8;
	[tilespmem:$0x1B680] =	vst v63  }
0xb8: {  	_ =	swait.ge [sflag:s4], $0x2800  }
0xb9: {  	s9 =	rddreg [dreg:$0x5]  }
0xba: {  	s8 =	sadd.s32 s7, s9  }
0xbb: {  	[sflag:s4] =	ssyncset.done $0x0;
	s8 =	sshrl.u32 s8, $0x3  }
0xbc: {  	[sflag:s4] =	ssyncadd.s32 $0xFFFFD800;
	s17 =	sadd.s32 s6, s8  }
0xbd: {  	[tilespmem:s13], [sflag:$0x2] =	stream.linear.gather [hbm4b:s17+s3], $0x50, $0x38;
	[tilespmem:$0x1B680] =	vst v63  }
0xbe: {  	s8 =	sadd.s32 s25, s8  }
0xbf: {  	[tilespmem:s14], [sflag:$0x2] =	stream.linear.gather [hbm4b:s8+s3], $0x50, $0x38;
	[tilespmem:$0x1B680] =	vst v63  }
0xc0: {  	_ =	swait.ge [sflag:s16], $0x50  }
0xc1: {  	[sflag:s16] =	ssyncset.done $0x0  }
0xc2: {  	[sflag:s16] =	ssyncadd.s32 $0xFFFFFFB0  }
0xc3: {  	_ =	swait.ge [sflag:s16], $0x50  }
0xc4: {  	[sflag:s16] =	ssyncset.done $0x0  }
0xc5: {  	s17 =	simm.s32 $0x200;
	[sflag:s16] =	ssyncadd.s32 $0xFFFFFFB0  }
0xc6: {  	[tilespmem:s23], [sflag:$0x8] =	stream.indirect.gather [hbm4b:s1+s21], $0x80, s17, s21, $0xb8;
	[tilespmem:$0x1B680] =	vst v63  }
0xc7: {  	_ =	swait.ge [sflag:s26], $0x2800  }
0xc8: {  	[sflag:s26] =	ssyncset.done $0x0  }
0xc9: {  	s2 =	simm.s32 $0xC;
	s13 =	simm.s32 $0x480;
	[sflag:s26] =	ssyncadd.s32 $0xFFFFD800  }
0xca: {  	[spmem:s22] =	stream.indirect.scatter.add.f32 [tilespmem:s18], [sflag:$0xA], $0x80, s13, s21, $0xb8;
	[tilespmem:$0x1B680] =	vst v63  }
0xcb: {  	_ =	swait.ge [sflag:s2], $0x2800  }
0xcc: {  	s9 =	rddreg [dreg:$0x6]  }
0xcd: {  	s8 =	sadd.s32 s7, s9  }
0xce: {  	[sflag:s2] =	ssyncset.done $0x0;
	s8 =	sshrl.u32 s8, $0x3  }
0xcf: {  	[sflag:s2] =	ssyncadd.s32 $0xFFFFD800;
	s26 =	sadd.s32 s6, s8  }
0xd0: {  	[tilespmem:s15], [sflag:$0x3] =	stream.linear.gather [hbm4b:s26+s3], $0x50, $0x38;
	[tilespmem:$0x1B680] =	vst v63  }
0xd1: {  	s8 =	sadd.s32 s25, s8  }
0xd2: {  	[tilespmem:s31], [sflag:$0x3] =	stream.linear.gather [hbm4b:s8+s3], $0x50, $0x38;
	[tilespmem:$0x1B680] =	vst v63  }
0xd3: {  	_ =	swait.ge [sflag:s30], $0x50  }
0xd4: {  	[sflag:s30] =	ssyncset.done $0x0  }
0xd5: {  	[sflag:s30] =	ssyncadd.s32 $0xFFFFFFB0  }
0xd6: {  	_ =	swait.ge [sflag:s30], $0x50  }
0xd7: {  	[sflag:s30] =	ssyncset.done $0x0  }
0xd8: {  	s14 =	smov.u32 s1;
	[sflag:s30] =	ssyncadd.s32 $0xFFFFFFB0  }
0xd9: {  	[tilespmem:s29], [sflag:$0x9] =	stream.indirect.gather [hbm4b:s14+s21], $0x80, s19, s21, $0xb8;
	[tilespmem:$0x1B680] =	vst v63  }
0xda: {  	_ =	swait.ge [sflag:s28], $0x2800  }
0xdb: {  	[sflag:s28] =	ssyncset.done $0x0  }
0xdc: {  	s29 =	simm.s32 $0x500;
	[sflag:s28] =	ssyncadd.s32 $0xFFFFD800  }
0xdd: {  	[spmem:s22] =	stream.indirect.scatter.add.f32 [tilespmem:s23], [sflag:$0xB], $0x80, s29, s21, $0xb8;
	[tilespmem:$0x1B680] =	vst v63  }
0xde: {  	_ =	swait.ge [sflag:s0], $0x2800  }
0xdf: {  	s1 =	rddreg [dreg:$0x7]  }
0xe0: {  	s8 =	sadd.s32 s7, s1  }
0xe1: {  	[sflag:s0] =	ssyncset.done $0x0;
	s8 =	sshrl.u32 s8, $0x3  }
0xe2: {  	[sflag:s0] =	ssyncadd.s32 $0xFFFFD800;
	s2 =	sadd.s32 s6, s8  }
0xe3: {  	[tilespmem:s5], [sflag:$0x4] =	stream.linear.gather [hbm4b:s2+s3], $0x50, $0x38;
	[tilespmem:$0x1B680] =	vst v63  }
0xe4: {  	s8 =	sadd.s32 s25, s8  }
0xe5: {  	[tilespmem:s13], [sflag:$0x4] =	stream.linear.gather [hbm4b:s8+s3], $0x50, $0x38;
	[tilespmem:$0x1B680] =	vst v63  }
0xe6: {  	_ =	swait.ge [sflag:s20], $0x50  }
0xe7: {  	[sflag:s20] =	ssyncset.done $0x0  }
0xe8: {  	[sflag:s20] =	ssyncadd.s32 $0xFFFFFFB0  }
0xe9: {  	_ =	swait.ge [sflag:s20], $0x50  }
0xea: {  	[sflag:s20] =	ssyncset.done $0x0  }
0xeb: {  	[sflag:s20] =	ssyncadd.s32 $0xFFFFFFB0  }
0xec: {  	[tilespmem:s18], [sflag:$0x7] =	stream.indirect.gather [hbm4b:s14+s21], $0x80, s3, s21, $0xb8;
	[tilespmem:$0x1B680] =	vst v63  }
0xed: {  	_ =	swait.ge [sflag:s24], $0x2800  }
0xee: {  	[sflag:s24] =	ssyncset.done $0x0  }
0xef: {  	s13 =	simm.s32 $0x5600;
	s20 =	simm.s32 $0x580;
	[sflag:s24] =	ssyncadd.s32 $0xFFFFD800  }
0xf0: {  	[spmem:s22] =	stream.indirect.scatter.add.f32 [tilespmem:s13], [sflag:$0xC], $0x80, s20, s21, $0xb8;
	[tilespmem:$0x1B680] =	vst v63  }
0xf1: {  	_ =	swait.ge [sflag:s4], $0x2800  }
0xf2: {  	s26 =	rddreg [dreg:$0x8]  }
0xf3: {  	s7 =	sadd.s32 s7, s26  }
0xf4: {  	[sflag:s4] =	ssyncset.done $0x0;
	s7 =	sshrl.u32 s7, $0x3  }
0xf5: {  	[sflag:s4] =	ssyncadd.s32 $0xFFFFD800;
	s29 =	sadd.s32 s6, s7  }
0xf6: {  	[tilespmem:s17], [sflag:$0x5] =	stream.linear.gather [hbm4b:s29+s3], $0x50, $0x38;
	[tilespmem:$0x1B680] =	vst v63  }
0xf7: {  	s15 =	simm.s32 $0x500;
	s19 =	simm.s32 $0x2;
	s7 =	sadd.s32 s25, s7  }
0xf8: {  	[tilespmem:s15], [sflag:$0x5] =	stream.linear.gather [hbm4b:s7+s3], $0x50, $0x38;
	[tilespmem:$0x1B680] =	vst v63  }
0xf9: {  	s31 =	simm.s32 $0x8;
	_ =	swait.ge [sflag:s19], $0x50  }
0xfa: {  	s30 =	simm.s32 $0x6;
	s28 =	simm.s32 $0x7;
	[sflag:s19] =	ssyncset.done $0x0  }
0xfb: {  	s0 =	simm.s32 $0xA;
	s8 =	smov.u32 s10;
	[sflag:s19] =	ssyncadd.s32 $0xFFFFFFB0  }
0xfc: {  	s4 =	simm.s32 $0xB;
	s26 =	simm.s32 $0x1;
	_ =	swait.ge [sflag:s19], $0x50  }
0xfd: {  	s17 =	simm.s32 $0x1E0;
	s7 =	sadd.s32 $0x3C, s11;
	[sflag:s19] =	ssyncset.done $0x0  }
.LBB2_4:
0xfe: {  	[sflag:s19] =	ssyncadd.s32 $0xFFFFFFB0;
	s2 =	simm.s32 $0x80  }
0xff: {  	[tilespmem:s23], [sflag:$0x8] =	stream.indirect.gather [hbm4b:s14+s21], $0x80, s2, s21, $0xb8;
	[tilespmem:$0x1B680] =	vst v63  }
0x100: {  	s9 =	smov.u32 s17;
	_ =	swait.ge [sflag:s28], $0x2800  }
0x101: {  	p2 =	seq.s32 s9, $0x0;
	[sflag:s28] =	ssyncset.done $0x0  }
0x102: {  	s10 =	simm.s32 @!p2 $0xC;
	[sflag:s28] =	ssyncadd.s32 $0xFFFFD800  }
0x103: {  	[spmem:s22] =	stream.indirect.scatter.add.f32 [tilespmem:s18], [sflag:$0xA], $0x80, s12, s21, $0xb8;
	[tilespmem:$0x1B680] =	vst v63  }
0x104: {  	_ =	swait.ge @!p2 [sflag:s10], $0x2800  }
0x105: {  	[sflag:s10] =	ssyncset.done @!p2 $0x0  }
0x106: {  	s11 =	simm.s32 @!p2 $0x0;
	s12 =	simm.s32 @!p2 $0x280;
	[sflag:s10] =	ssyncadd.s32 @!p2 $0xFFFFD800  }
0x107: {  	[tilespmem:s12], [sflag:$0x6] =	stream.linear.gather @!p2 [hbm4b:s7+s11], $0x50, $0x38;
	[tilespmem:$0x1B680] =	vst v63  }
0x108: {  	s8 =	sadd.s32 $0x3C, s8;
	s1 =	simm.s32 $0x3;
	s10 =	simm.s32 @!p2 $0x580  }
0x109: {  	[tilespmem:s10], [sflag:$0x6] =	stream.linear.gather @!p2 [hbm4b:s8+s11], $0x50, $0x38;
	[tilespmem:$0x1B680] =	vst v63  }
0x10a: {  	_ =	swait.ge [sflag:s1], $0x50  }
0x10b: {  	[sflag:s1] =	ssyncset.done $0x0  }
0x10c: {  	[sflag:s1] =	ssyncadd.s32 $0xFFFFFFB0  }
0x10d: {  	_ =	swait.ge [sflag:s1], $0x50  }
0x10e: {  	[sflag:s1] =	ssyncset.done $0x0  }
0x10f: {  	s29 =	simm.s32 $0x100;
	[sflag:s1] =	ssyncadd.s32 $0xFFFFFFB0  }
0x110: {  	[tilespmem:s13], [sflag:$0x9] =	stream.indirect.gather [hbm4b:s14+s21], $0x80, s29, s21, $0xb8;
	[tilespmem:$0x1B680] =	vst v63  }
0x111: {  	_ =	swait.ge [sflag:s31], $0x2800  }
0x112: {  	[sflag:s31] =	ssyncset.done $0x0  }
0x113: {  	s15 =	simm.s32 $0x380;
	[sflag:s31] =	ssyncadd.s32 $0xFFFFD800  }
0x114: {  	[spmem:s22] =	stream.indirect.scatter.add.f32 [tilespmem:s23], [sflag:$0xB], $0x80, s15, s21, $0xb8;
	[tilespmem:$0x1B680] =	vst v63  }
0x115: {  	_ =	swait.ge [sflag:s0], $0x2800  }
0x116: {  	s9 =	simm.s32 @p2 $0x0;
	s14 =	rddreg [dreg:$0x4]  }
0x117: {  	s10 =	sadd.s32 s9, s14  }
0x118: {  	[sflag:s0] =	ssyncset.done $0x0;
	s10 =	sshrl.u32 s10, $0x3  }
0x119: {  	[sflag:s0] =	ssyncadd.s32 $0xFFFFD800;
	s20 =	sadd.s32 s6, s10  }
0x11a: {  	[tilespmem:s3], [sflag:$0x1] =	stream.linear.gather [hbm4b:s20+s3], $0x50, $0x38;
	[tilespmem:$0x1B680] =	vst v63  }
0x11b: {  	s12 =	simm.s32 $0x300;
	s23 =	simm.s32 $0x4;
	s10 =	sadd.s32 s25, s10  }
0x11c: {  	[tilespmem:s12], [sflag:$0x1] =	stream.linear.gather [hbm4b:s10+s3], $0x50, $0x38;
	[tilespmem:$0x1B680] =	vst v63  }
0x11d: {  	_ =	swait.ge [sflag:s23], $0x50  }
0x11e: {  	[sflag:s23] =	ssyncset.done $0x0  }
0x11f: {  	[sflag:s23] =	ssyncadd.s32 $0xFFFFFFB0  }
0x120: {  	_ =	swait.ge [sflag:s23], $0x50  }
0x121: {  	[sflag:s23] =	ssyncset.done $0x0  }
0x122: {  	[sflag:s23] =	ssyncadd.s32 $0xFFFFFFB0  }
0x123: {  	s14 =	simm.s32 $0x180;
	s1 =	rddreg [dreg:$0x0]  }
0x124: {  	[tilespmem:s18], [sflag:$0x7] =	stream.indirect.gather [hbm4b:s1+s21], $0x80, s14, s21, $0xb8;
	[tilespmem:$0x1B680] =	vst v63  }
0x125: {  	_ =	swait.ge [sflag:s24], $0x2800  }
0x126: {  	[sflag:s24] =	ssyncset.done $0x0  }
0x127: {  	s5 =	simm.s32 $0x5600;
	s13 =	simm.s32 $0x400;
	[sflag:s24] =	ssyncadd.s32 $0xFFFFD800  }
0x128: {  	[spmem:s22] =	stream.indirect.scatter.add.f32 [tilespmem:s5], [sflag:$0xC], $0x80, s13, s21, $0xb8;
	[tilespmem:$0x1B680] =	vst v63  }
0x129: {  	_ =	swait.ge [sflag:s4], $0x2800  }
0x12a: {  	s11 =	rddreg [dreg:$0x5]  }
0x12b: {  	s10 =	sadd.s32 s9, s11  }
0x12c: {  	[sflag:s4] =	ssyncset.done $0x0;
	s10 =	sshrl.u32 s10, $0x3  }
0x12d: {  	[sflag:s4] =	ssyncadd.s32 $0xFFFFD800;
	s18 =	sadd.s32 s6, s10  }
0x12e: {  	[tilespmem:s2], [sflag:$0x2] =	stream.linear.gather [hbm4b:s18+s3], $0x50, $0x38;
	[tilespmem:$0x1B680] =	vst v63  }
0x12f: {  	s10 =	sadd.s32 s25, s10  }
0x130: {  	[tilespmem:s15], [sflag:$0x2] =	stream.linear.gather [hbm4b:s10+s3], $0x50, $0x38;
	[tilespmem:$0x1B680] =	vst v63  }
0x131: {  	_ =	swait.ge [sflag:s16], $0x50  }
0x132: {  	[sflag:s16] =	ssyncset.done $0x0  }
0x133: {  	[sflag:s16] =	ssyncadd.s32 $0xFFFFFFB0  }
0x134: {  	_ =	swait.ge [sflag:s16], $0x50  }
0x135: {  	[sflag:s16] =	ssyncset.done $0x0  }
0x136: {  	[sflag:s16] =	ssyncadd.s32 $0xFFFFFFB0  }
0x137: {  	s23 =	simm.s32 $0x200;
	s15 =	simm.s32 $0x2E00;
	s20 =	rddreg [dreg:$0x0]  }
0x138: {  	[tilespmem:s15], [sflag:$0x8] =	stream.indirect.gather [hbm4b:s20+s21], $0x80, s23, s21, $0xb8;
	[tilespmem:$0x1B680] =	vst v63  }
0x139: {  	_ =	swait.ge [sflag:s28], $0x2800  }
0x13a: {  	s1 =	simm.s32 $0x600;
	[sflag:s28] =	ssyncset.done $0x0  }
0x13b: {  	s11 =	simm.s32 $0xC;
	s18 =	simm.s32 $0x480;
	[sflag:s28] =	ssyncadd.s32 $0xFFFFD800  }
0x13c: {  	[spmem:s22] =	stream.indirect.scatter.add.f32 [tilespmem:s1], [sflag:$0xA], $0x80, s18, s21, $0xb8;
	[tilespmem:$0x1B680] =	vst v63  }
0x13d: {  	_ =	swait.ge [sflag:s11], $0x2800  }
0x13e: {  	s20 =	rddreg [dreg:$0x6]  }
0x13f: {  	s10 =	sadd.s32 s9, s20  }
0x140: {  	[sflag:s11] =	ssyncset.done $0x0;
	s10 =	sshrl.u32 s10, $0x3  }
0x141: {  	[sflag:s11] =	ssyncadd.s32 $0xFFFFD800;
	s1 =	sadd.s32 s6, s10  }
0x142: {  	[tilespmem:s29], [sflag:$0x3] =	stream.linear.gather [hbm4b:s1+s3], $0x50, $0x38;
	[tilespmem:$0x1B680] =	vst v63  }
0x143: {  	s10 =	sadd.s32 s25, s10  }
0x144: {  	[tilespmem:s13], [sflag:$0x3] =	stream.linear.gather [hbm4b:s10+s3], $0x50, $0x38;
	[tilespmem:$0x1B680] =	vst v63  }
0x145: {  	_ =	swait.ge [sflag:s30], $0x50  }
0x146: {  	[sflag:s30] =	ssyncset.done $0x0  }
0x147: {  	[sflag:s30] =	ssyncadd.s32 $0xFFFFFFB0  }
0x148: {  	_ =	swait.ge [sflag:s30], $0x50  }
0x149: {  	[sflag:s30] =	ssyncset.done $0x0  }
0x14a: {  	[sflag:s30] =	ssyncadd.s32 $0xFFFFFFB0  }
0x14b: {  	s11 =	simm.s32 $0x280;
	s13 =	simm.s32 $0x5600;
	s10 =	rddreg [dreg:$0x0]  }
0x14c: {  	[tilespmem:s13], [sflag:$0x9] =	stream.indirect.gather [hbm4b:s10+s21], $0x80, s11, s21, $0xb8;
	[tilespmem:$0x1B680] =	vst v63  }
0x14d: {  	_ =	swait.ge [sflag:s31], $0x2800  }
0x14e: {  	[sflag:s31] =	ssyncset.done $0x0  }
0x14f: {  	s19 =	simm.s32 $0x500;
	[sflag:s31] =	ssyncadd.s32 $0xFFFFD800  }
0x150: {  	[spmem:s22] =	stream.indirect.scatter.add.f32 [tilespmem:s15], [sflag:$0xB], $0x80, s19, s21, $0xb8;
	[tilespmem:$0x1B680] =	vst v63  }
0x151: {  	_ =	swait.ge [sflag:s0], $0x2800  }
0x152: {  	s11 =	rddreg [dreg:$0x7]  }
0x153: {  	s10 =	sadd.s32 s9, s11  }
0x154: {  	[sflag:s0] =	ssyncset.done $0x0;
	s10 =	sshrl.u32 s10, $0x3  }
0x155: {  	[sflag:s0] =	ssyncadd.s32 $0xFFFFD800;
	s15 =	sadd.s32 s6, s10  }
0x156: {  	[tilespmem:s14], [sflag:$0x4] =	stream.linear.gather [hbm4b:s15+s3], $0x50, $0x38;
	[tilespmem:$0x1B680] =	vst v63  }
0x157: {  	s10 =	sadd.s32 s25, s10  }
0x158: {  	[tilespmem:s18], [sflag:$0x4] =	stream.linear.gather [hbm4b:s10+s3], $0x50, $0x38;
	[tilespmem:$0x1B680] =	vst v63  }
0x159: {  	s14 =	rddreg [dreg:$0x0];
	_ =	swait.ge [sflag:s26], $0x50  }
0x15a: {  	[sflag:s26] =	ssyncset.done $0x0  }
0x15b: {  	[sflag:s26] =	ssyncadd.s32 $0xFFFFFFB0  }
0x15c: {  	_ =	swait.ge [sflag:s26], $0x50  }
0x15d: {  	[sflag:s26] =	ssyncset.done $0x0  }
0x15e: {  	s18 =	simm.s32 $0x600;
	[sflag:s26] =	ssyncadd.s32 $0xFFFFFFB0  }
0x15f: {  	[tilespmem:s18], [sflag:$0x7] =	stream.indirect.gather [hbm4b:s14+s21], $0x80, s3, s21, $0xb8;
	[tilespmem:$0x1B680] =	vst v63  }
0x160: {  	_ =	swait.ge [sflag:s24], $0x2800  }
0x161: {  	[sflag:s24] =	ssyncset.done $0x0  }
0x162: {  	s15 =	simm.s32 $0x580;
	[sflag:s24] =	ssyncadd.s32 $0xFFFFD800  }
0x163: {  	[spmem:s22] =	stream.indirect.scatter.add.f32 [tilespmem:s13], [sflag:$0xC], $0x80, s15, s21, $0xb8;
	[tilespmem:$0x1B680] =	vst v63  }
0x164: {  	_ =	swait.ge [sflag:s4], $0x2800  }
0x165: {  	s15 =	rddreg [dreg:$0x8]  }
0x166: {  	s9 =	sadd.s32 s9, s15  }
0x167: {  	[sflag:s4] =	ssyncset.done $0x0;
	s9 =	sshrl.u32 s9, $0x3  }
0x168: {  	[sflag:s4] =	ssyncadd.s32 $0xFFFFD800;
	s10 =	sadd.s32 s6, s9  }
0x169: {  	[tilespmem:s23], [sflag:$0x5] =	stream.linear.gather [hbm4b:s10+s3], $0x50, $0x38;
	[tilespmem:$0x1B680] =	vst v63  }
0x16a: {  	s17 =	sadd.s32 $0x1E0, s17;
	s9 =	sadd.s32 s25, s9  }
0x16b: {  	[tilespmem:s19], [sflag:$0x5] =	stream.linear.gather [hbm4b:s9+s3], $0x50, $0x38;
	[tilespmem:$0x1B680] =	vst v63  }
0x16c: {  	p1 =	sne.s32 s17, $0x2580;
	s7 =	sadd.s32 $0x3C, s7;
	s19 =	simm.s32 $0x2  }
.Ltmp1:
0x16d: {  	s5 =	simm.s32 $0x80;
	_ =	swait.ge [sflag:s19], $0x50;
	(pc) =	sbr.rel @p1 .LBB2_4-.Ltmp1, $4  }
0x16e: {  	s2 =	simm.s32 $0x380;
	s20 =	simm.s32 $0x100;
	[sflag:s19] =	ssyncset.done $0x0  }
0x16f: {  	s29 =	simm.s32 $0x400;
	s1 =	simm.s32 $0x180;
	[sflag:s19] =	ssyncadd.s32 $0xFFFFFFB0  }
0x170: {  	s11 =	simm.s32 $0x480;
	s15 =	simm.s32 $0x200;
	_ =	swait.ge [sflag:s19], $0x50  }
0x171: {  	s23 =	simm.s32 $0x2E00;
	s9 =	simm.s32 $0x500;
	[sflag:s19] =	ssyncset.done $0x0  }
0x172: {  	[sflag:s19] =	ssyncadd.s32 $0xFFFFFFB0  }
0x173: {  	[tilespmem:s23], [sflag:$0x8] =	stream.indirect.gather [hbm4b:s14+s21], $0x80, s5, s21, $0xb8;
	[tilespmem:$0x1B680] =	vst v63  }
0x174: {  	_ =	swait.ge [sflag:s28], $0x2800  }
0x175: {  	[sflag:s28] =	ssyncset.done $0x0  }
0x176: {  	s7 =	simm.s32 $0xC;
	[sflag:s28] =	ssyncadd.s32 $0xFFFFD800  }
0x177: {  	[spmem:s22] =	stream.indirect.scatter.add.f32 [tilespmem:s18], [sflag:$0xA], $0x80, s12, s21, $0xb8;
	[tilespmem:$0x1B680] =	vst v63  }
0x178: {  	_ =	swait.ge [sflag:s7], $0x2800  }
0x179: {  	[sflag:s7] =	ssyncset.done $0x0  }
0x17a: {  	s8 =	simm.s32 $0x3;
	[sflag:s7] =	ssyncadd.s32 $0xFFFFD800  }
0x17b: {  	_ =	swait.ge [sflag:s8], $0x50  }
0x17c: {  	[sflag:s8] =	ssyncset.done $0x0  }
0x17d: {  	[sflag:s8] =	ssyncadd.s32 $0xFFFFFFB0  }
0x17e: {  	_ =	swait.ge [sflag:s8], $0x50  }
0x17f: {  	[sflag:s8] =	ssyncset.done $0x0  }
0x180: {  	[sflag:s8] =	ssyncadd.s32 $0xFFFFFFB0  }
0x181: {  	[tilespmem:s13], [sflag:$0x9] =	stream.indirect.gather [hbm4b:s14+s21], $0x80, s20, s21, $0xb8;
	[tilespmem:$0x1B680] =	vst v63  }
0x182: {  	_ =	swait.ge [sflag:s31], $0x2800  }
0x183: {  	[sflag:s31] =	ssyncset.done $0x0  }
0x184: {  	[sflag:s31] =	ssyncadd.s32 $0xFFFFD800  }
0x185: {  	[spmem:s22] =	stream.indirect.scatter.add.f32 [tilespmem:s23], [sflag:$0xB], $0x80, s2, s21, $0xb8;
	[tilespmem:$0x1B680] =	vst v63  }
0x186: {  	_ =	swait.ge [sflag:s0], $0x2800  }
0x187: {  	[sflag:s0] =	ssyncset.done $0x0  }
0x188: {  	s10 =	simm.s32 $0x4;
	[sflag:s0] =	ssyncadd.s32 $0xFFFFD800  }
0x189: {  	_ =	swait.ge [sflag:s10], $0x50  }
0x18a: {  	[sflag:s10] =	ssyncset.done $0x0  }
0x18b: {  	[sflag:s10] =	ssyncadd.s32 $0xFFFFFFB0  }
0x18c: {  	_ =	swait.ge [sflag:s10], $0x50  }
0x18d: {  	[sflag:s10] =	ssyncset.done $0x0  }
0x18e: {  	[sflag:s10] =	ssyncadd.s32 $0xFFFFFFB0  }
0x18f: {  	[tilespmem:s18], [sflag:$0x7] =	stream.indirect.gather [hbm4b:s14+s21], $0x80, s1, s21, $0xb8;
	[tilespmem:$0x1B680] =	vst v63  }
0x190: {  	_ =	swait.ge [sflag:s24], $0x2800  }
0x191: {  	[sflag:s24] =	ssyncset.done $0x0  }
0x192: {  	[sflag:s24] =	ssyncadd.s32 $0xFFFFD800  }
0x193: {  	[spmem:s22] =	stream.indirect.scatter.add.f32 [tilespmem:s13], [sflag:$0xC], $0x80, s29, s21, $0xb8;
	[tilespmem:$0x1B680] =	vst v63  }
0x194: {  	_ =	swait.ge [sflag:s4], $0x2800  }
0x195: {  	[sflag:s4] =	ssyncset.done $0x0  }
0x196: {  	[sflag:s4] =	ssyncadd.s32 $0xFFFFD800  }
0x197: {  	_ =	swait.ge [sflag:s16], $0x50  }
0x198: {  	[sflag:s16] =	ssyncset.done $0x0  }
0x199: {  	[sflag:s16] =	ssyncadd.s32 $0xFFFFFFB0  }
0x19a: {  	_ =	swait.ge [sflag:s16], $0x50  }
0x19b: {  	[sflag:s16] =	ssyncset.done $0x0  }
0x19c: {  	[sflag:s16] =	ssyncadd.s32 $0xFFFFFFB0  }
0x19d: {  	[tilespmem:s23], [sflag:$0x8] =	stream.indirect.gather [hbm4b:s14+s21], $0x80, s15, s21, $0xb8;
	[tilespmem:$0x1B680] =	vst v63  }
0x19e: {  	_ =	swait.ge [sflag:s28], $0x2800  }
0x19f: {  	[sflag:s28] =	ssyncset.done $0x0  }
0x1a0: {  	[sflag:s28] =	ssyncadd.s32 $0xFFFFD800  }
0x1a1: {  	[spmem:s22] =	stream.indirect.scatter.add.f32 [tilespmem:s18], [sflag:$0xA], $0x80, s11, s21, $0xb8;
	[tilespmem:$0x1B680] =	vst v63  }
0x1a2: {  	_ =	swait.ge [sflag:s31], $0x2800  }
0x1a3: {  	[sflag:s31] =	ssyncset.done $0x0  }
0x1a4: {  	[sflag:s31] =	ssyncadd.s32 $0xFFFFD800  }
0x1a5: {  	[spmem:s22] =	stream.indirect.scatter.add.f32 [tilespmem:s23], [sflag:$0xB], $0x80, s9, s21, $0xb8;
	[tilespmem:$0x1B680] =	vst v63  }
0x1a6: {  	_ =	swait.ge [sflag:s7], $0x2800  }
0x1a7: {  	[sflag:s7] =	ssyncset.done $0x0  }
0x1a8: {  	[sflag:s7] =	ssyncadd.s32 $0xFFFFD800  }
0x1a9: {  	_ =	swait.ge [sflag:s0], $0x2800  }
0x1aa: {  	[sflag:s0] =	ssyncset.done $0x0  }
0x1ab: {  	[sflag:s0] =	ssyncadd.s32 $0xFFFFD800  }
0x1ac: {  	_ =	swait.ge [sflag:s4], $0x2800  }
0x1ad: {  	[sflag:s4] =	ssyncset.done $0x0  }
0x1ae: {  	[sflag:s4] =	ssyncadd.s32 $0xFFFFD800  }
0x1af: {  	s13 =	stileid.u32;
	[bflag:$0x0] =	sbarrier.arrive $0xFFFF  }
0x1b0: {  	s20 =	simm.s32 $0xD;
	s7 =	sshll.u32 s13, $0x6;
	s10 =	rddreg [dreg:$0x15]  }
0x1b1: {  	s7 =	sor.u32 $0x1C0D, s7;
	s15 =	rddreg [dreg:$0x17];
	s14 =	sshrl.u32 s10, $0x3  }
0x1b2: {  	[hbm:s15], [sflag:s7] =	dma.local [spmem:s14], $0x2700  }
0x1b3: {  	_ =	swait.ge [sflag:s20], $0x2700  }
0x1b4: {  	s11 =	sld [smem:$0x7FD];
	_ =	sdelay $0x1  }
0x1b5: {  	[sflag:s20] =	ssyncset.done $0x0  }
0x1b6: {  	s9 =	rddreg [dreg:$0x18];
	[sflag:s20] =	ssyncadd.s32 $0xFFFFD900;
	s8 =	sshrl.u32 @!p0 s11, $0x3  }
0x1b7: {  	[hbm:s9], [sflag:s7] =	dma.local @!p0 [spmem:s8], $0x100  }
0x1b8: {  	s7 =	simm.s32 @!p0 $0xD  }
0x1b9: {  	_ =	swait.ge @!p0 [sflag:s7], $0x100  }
0x1ba: {  	s26 =	sld [smem:$0x7FC];
	_ =	sdelay $0x1  }
0x1bb: {  	s17 =	simm.s32 $0x580  }
0x1bc: {  	s19 =	simm.s32 $0x500;
	s29 =	rddreg [dreg:$0x19];
	s9 =	sadd.s32 $0x1, s26  }
0x1bd: {  	s30 =	simm.s32 $0x6;
	s5 =	simm.s32 $0x180;
	p1 =	sne.s32 s9, s29  }
.Ltmp2:
0x1be: {  	s28 =	simm.s32 $0x8;
	s31 =	simm.s32 $0x400;
	(pc) =	sbr.rel @p1 .LBB2_1-.Ltmp2, $4  }
0x1bf: {  	s13 =	simm.s32 $0x80;
	s0 =	simm.s32 $0xA;
	s4 =	simm.s32 $0xB  }
0x1c0: {  	s14 =	simm.s32 $0x380;
	s15 =	simm.s32 $0x100;
	[sflag:s7] =	ssyncset.done @!p0 $0x0  }
0x1c1: {  	s20 =	simm.s32 $0x1;
	s8 =	simm.s32 $0x480;
	[sflag:s7] =	ssyncadd.s32 @!p0 $0xFFFFFF00  }
0x1c2: {  	s26 =	simm.s32 $0x7;
	[smem:$0x7FC] =	sst s9;
	s9 =	simm.s32 $0x200  }
0x1c3: {  	_ =	sfence.sel $0x180000  }
0x1c4: {  	[bflag:$0x0] =	sbarrier.arrive $0xFFFF  }
0x1c5: {  	_ =	strace $0x9000004A  }
0x1c6: {  	[bflag:$0x2] =	sbarrier.arrive $0xFFFF  }
0x1c7: {  	s0 =	rddreg [dreg:$0x3]  }
0x1c8: {  	s0 =	sadd.s32 @!p0 $0x100000, s0  }
0x1c9: {  	[sflag:s0] =	ssyncadd.tile.s32 @!p0 $0x1;
	_ =	shalt  }
.Lfunc_end2:
_tile_overlayer_lowered:
.L_overlay_start_2:
0x1ca: {  	(tag) =	ssettag $0x2  }
0x1cb: {  	s0 =	rddreg [dreg:$0x0];
	s2 =	stileid.u32  }
0x1cc: {  	s1 =	rddreg [dreg:$0x1];
	p0 =	sne.s32 s2, $0x0  }
0x1cd: {  	s3 =	rddreg [dreg:$0x2];
	[bflag:$0x3] =	sbarrier.arrive $0xFFFF;
	s2 =	simm.s32 @!p0 $0x1C0D  }
0x1ce: {  	[timem:s3], [sflag:s2] =	dma.local @!p0 [hbm:s0], s1  }
0x1cf: {  	s0 =	simm.s32 @!p0 $0xD  }
0x1d0: {  	_ =	swait.ge @!p0 [sflag:s0], s1  }
0x1d1: {  	s1 =	ssub.s32 @!p0 $0x0, s1;
	[sflag:s0] =	ssyncset.done @!p0 $0x0  }
0x1d2: {  	[sflag:s0] =	ssyncadd.s32 @!p0 s1  }
0x1d3: {  	[bflag:$0x3] =	sbarrier.arrive $0xFFFF  }
0x1d4: {  	_ =	shalt  }

</sc_bundles>
